<compile_context>
chip_gen: v7x
topology: tpu7x:2x2x1
jax: 0.10.2.dev20260603
libtpu: 0.0.44.dev20260713+nightly
codegen_flags: <defaults>
</compile_context>

<pallas_src>
import numpy as np
import jax
import jax.numpy as jnp
from jax import lax
from jax.experimental import pallas as pl
from jax.experimental.pallas import tpu as pltpu

_T = 500

_ROT_A = (13, 15, 26, 6)
_ROT_B = (17, 29, 16, 24)
_M32 = 0xFFFFFFFF


def _tf_py(k1, k2, x0, x1):
    ks = (k1, k2, k1 ^ k2 ^ 0x1BD11BDA)

    def rot(x, r):
        return ((x << r) | (x >> (32 - r))) & _M32

    def rnds(x0, x1, rots):
        for r in rots:
            x0 = (x0 + x1) & _M32
            x1 = x0 ^ rot(x1, r)
        return x0, x1

    x0 = (x0 + ks[0]) & _M32
    x1 = (x1 + ks[1]) & _M32
    x0, x1 = rnds(x0, x1, _ROT_A)
    x0 = (x0 + ks[1]) & _M32
    x1 = (x1 + ks[2] + 1) & _M32
    x0, x1 = rnds(x0, x1, _ROT_B)
    x0 = (x0 + ks[2]) & _M32
    x1 = (x1 + ks[0] + 2) & _M32
    x0, x1 = rnds(x0, x1, _ROT_A)
    x0 = (x0 + ks[0]) & _M32
    x1 = (x1 + ks[1] + 3) & _M32
    x0, x1 = rnds(x0, x1, _ROT_B)
    x0 = (x0 + ks[1]) & _M32
    x1 = (x1 + ks[2] + 4) & _M32
    x0, x1 = rnds(x0, x1, _ROT_A)
    x0 = (x0 + ks[2]) & _M32
    x1 = (x1 + ks[0] + 5) & _M32
    return x0, x1


_KG = _tf_py(0, 42, 0, 0)
_KU = _tf_py(0, 42, 0, 1)



def _rotl(x, r):
    return lax.shift_left(x, np.uint32(r)) | lax.shift_right_logical(
        x, np.uint32(32 - r))


def _tf(k1, k2, x0, x1):
    k1 = np.uint32(k1)
    k2 = np.uint32(k2)
    ks2 = np.uint32(k1 ^ k2 ^ np.uint32(0x1BD11BDA))

    def rnds(x0, x1, rots):
        for r in rots:
            x0 = x0 + x1
            x1 = x0 ^ _rotl(x1, r)
        return x0, x1

    x0 = x0 + k1
    x1 = x1 + k2
    x0, x1 = rnds(x0, x1, _ROT_A)
    x0 = x0 + k2
    x1 = x1 + np.uint32(ks2 + np.uint32(1))
    x0, x1 = rnds(x0, x1, _ROT_B)
    x0 = x0 + ks2
    x1 = x1 + np.uint32(k1 + np.uint32(2))
    x0, x1 = rnds(x0, x1, _ROT_A)
    x0 = x0 + k1
    x1 = x1 + np.uint32(k2 + np.uint32(3))
    x0, x1 = rnds(x0, x1, _ROT_B)
    x0 = x0 + k2
    x1 = x1 + np.uint32(ks2 + np.uint32(4))
    x0, x1 = rnds(x0, x1, _ROT_A)
    x0 = x0 + ks2
    x1 = x1 + np.uint32(k1 + np.uint32(5))
    return x0, x1


def _tf_var(k1, k2, x0, x1):
    ks2 = k1 ^ k2 ^ np.uint32(0x1BD11BDA)

    def rnds(x0, x1, rots):
        for r in rots:
            x0 = x0 + x1
            x1 = x0 ^ _rotl(x1, r)
        return x0, x1

    x0 = x0 + k1
    x1 = x1 + k2
    x0, x1 = rnds(x0, x1, _ROT_A)
    x0 = x0 + k2
    x1 = x1 + ks2 + np.uint32(1)
    x0, x1 = rnds(x0, x1, _ROT_B)
    x0 = x0 + ks2
    x1 = x1 + k1 + np.uint32(2)
    x0, x1 = rnds(x0, x1, _ROT_A)
    x0 = x0 + k1
    x1 = x1 + k2 + np.uint32(3)
    x0, x1 = rnds(x0, x1, _ROT_B)
    x0 = x0 + k2
    x1 = x1 + ks2 + np.uint32(4)
    x0, x1 = rnds(x0, x1, _ROT_A)
    x0 = x0 + ks2
    x1 = x1 + k1 + np.uint32(5)
    return x0, x1


def _tf_const(k1, k2, c):
    z = jnp.zeros_like(k1)
    return _tf_var(k1, k2, z, z + np.uint32(c))


def _bits_to_unit(bits):
    fb = lax.shift_right_logical(bits, np.uint32(9)) | np.uint32(0x3F800000)
    return lax.bitcast_convert_type(fb, jnp.float32) - np.float32(1.0)


_NLO = np.nextafter(np.float32(-1.0), np.float32(0.0), dtype=np.float32)
_NSPAN = np.float32(np.float32(1.0) - _NLO)
_SQRT2 = np.array(np.sqrt(2), np.float32)
_THIRD = np.float32(1.0 / 3.0)
_SQUEEZE = np.float32(0.0331)


def _gamma_tile(alpha, flat_idx):
    one = np.float32(1.0)

    ka, kb = _tf(_KG[0], _KG[1], jnp.zeros_like(flat_idx), flat_idx)

    boost_mask = alpha >= one
    alpha_orig = alpha
    alphap = jnp.where(boost_mask, alpha, alpha + one)
    d = alphap - _THIRD
    c = _THIRD * lax.rsqrt(d)

    sk_a, sk_b = _tf_const(ka, kb, 1)
    ka, kb = _tf_const(ka, kb, 0)

    X = jnp.zeros_like(alpha)
    V = jnp.ones_like(alpha)
    acc = jnp.zeros(alpha.shape, dtype=jnp.int32)

    def outer_cond(st):
        return jnp.any(st[0] == 0)

    def outer_body(st):
        acc, ka, kb, X, V = st
        accept = acc != 0
        nka, nkb = _tf_const(ka, kb, 0)
        xka, xkb = _tf_const(ka, kb, 1)
        uka, ukb = _tf_const(ka, kb, 2)

        def inner_cond(ist):
            return jnp.any(~accept & (ist[1] <= np.float32(0.0)))

        def inner_body(ist):
            x, v, a, b = ist
            act = ~accept & (v <= np.float32(0.0))
            na, nb = _tf_const(a, b, 0)
            sa, sb = _tf_const(a, b, 1)
            b1, b2 = _tf_const(sa, sb, 0)
            f = _bits_to_unit(b1 ^ b2)
            un = jnp.maximum(_NLO, f * _NSPAN + _NLO)
            xn = _SQRT2 * lax.erf_inv(un)
            vn = one + xn * c
            return (jnp.where(act, xn, x), jnp.where(act, vn, v),
                    jnp.where(act, na, a), jnp.where(act, nb, b))

        x, v, _, _ = lax.while_loop(
            inner_cond, inner_body,
            (jnp.zeros_like(X), jnp.full_like(X, -1.0), xka, xkb))

        Xn = x * x
        Vn = (v * v) * v
        ub1, ub2 = _tf_const(uka, ukb, 0)
        U = _bits_to_unit(ub1 ^ ub2)
        reject = (U >= one - _SQUEEZE * (Xn * Xn)) & \
                 (lax.log(U) >= Xn * np.float32(0.5) +
                  d * ((one - Vn) + lax.log(Vn)))
        X = jnp.where(accept, X, Xn)
        V = jnp.where(accept, V, Vn)
        ka2 = jnp.where(accept, ka, nka)
        kb2 = jnp.where(accept, kb, nkb)
        acc2 = jnp.where(accept | ~reject, jnp.int32(1), jnp.int32(0))
        return (acc2, ka2, kb2, X, V)

    acc, ka, kb, X, V = lax.while_loop(
        outer_cond, outer_body, (acc, ka, kb, X, V))

    bb1, bb2 = _tf_const(sk_a, sk_b, 0)
    samples = one - _bits_to_unit(bb1 ^ bb2)
    boost = jnp.where(boost_mask, one, lax.pow(samples, one / alpha_orig))
    return (d * V) * boost


def _gamma_kernel_body(a_ref, g_ref):
    pid = pl.program_id(0)
    R, C = a_ref.shape
    flat = ((pid * R + lax.broadcasted_iota(jnp.int32, (R, C), 0)) * C
            + lax.broadcasted_iota(jnp.int32, (R, C), 1)).astype(jnp.uint32)
    g_ref[...] = _gamma_tile(a_ref[...], flat)


def _u_kernel_body(B, u_ref):
    R, C = u_ref.shape
    rowflat = lax.broadcasted_iota(jnp.int32, (R, C), 0) * _T
    col = lax.broadcasted_iota(jnp.int32, (R, C), 1)
    flat = (rowflat + col).astype(jnp.uint32)
    b1, b2 = _tf(_KU[0], _KU[1], jnp.zeros_like(flat), flat)
    u_ref[...] = _bits_to_unit(b1 ^ b2)


def _sample_gamma(alpha):
    B, V = alpha.shape
    N = B * V
    R, C = 40, 256
    assert N % (R * C) == 0
    rows = N // C
    af = alpha.reshape(rows, C)
    gf = pl.pallas_call(
        _gamma_kernel_body,
        grid=(rows // R,),
        in_specs=[pl.BlockSpec((R, C), lambda i: (i, 0))],
        out_specs=pl.BlockSpec((R, C), lambda i: (i, 0)),
        out_shape=jax.ShapeDtypeStruct((rows, C), jnp.float32),
        compiler_params=pltpu.CompilerParams(
            dimension_semantics=("parallel",)),
    )(af)
    return gf.reshape(B, V)


def _sample_u(B):
    return pl.pallas_call(
        lambda u: _u_kernel_body(B, u),
        out_shape=jax.ShapeDtypeStruct((B, 512), jnp.float32),
    )()


_UPAD = 512


def _make_sc_multinomial(B, V):
    import functools
    from jax.experimental.pallas import tpu_sc as plsc

    info = plsc.get_sparse_core_info()
    NC, NS = info.num_cores, info.num_subcores
    NW = NC * NS
    assert B % NW == 0 and V % 16 == 0 and _UPAD % 16 == 0
    rows_per = B // NW
    start_step = 1 << ((V - 1).bit_length() - 1)
    mesh = plsc.VectorSubcoreMesh(core_axis_name="c", subcore_axis_name="s")

    @functools.partial(
        pl.kernel, mesh=mesh,
        out_type=jax.ShapeDtypeStruct((B, V), jnp.float32),
        compiler_params=pltpu.CompilerParams(needs_layout_passes=False),
        scratch_types=[
            pltpu.VMEM((V,), jnp.float32),
            pltpu.VMEM((_UPAD,), jnp.float32),
            pltpu.VMEM((_UPAD,), jnp.int32),
        ],
    )
    def sc_kernel(cdf_hbm, u_hbm, out_hbm, cbuf, ubuf, catbuf):
        wid = lax.axis_index("s") * NC + lax.axis_index("c")
        lane = lax.iota(jnp.int32, 16)
        ones = jnp.ones((16,), jnp.float32)
        for k in range(rows_per):
            r = wid * rows_per + k
            pltpu.sync_copy(cdf_hbm.at[r], cbuf)
            pltpu.sync_copy(u_hbm.at[r], ubuf)

            def search_body(j, carry):
                u = ubuf[pl.ds(j * 16, 16)]
                pos = jnp.zeros((16,), jnp.int32)
                step = start_step
                while step:
                    cand = pos + step
                    probe = jnp.minimum(cand, V) - 1
                    val = plsc.load_gather(cbuf, [probe])
                    take = (cand <= V) & (val < u)
                    pos = jnp.where(take, cand, pos)
                    step >>= 1
                catbuf[pl.ds(j * 16, 16)] = jnp.minimum(pos, V - 1)
                return carry

            lax.fori_loop(0, _UPAD // 16, search_body, 0)

            def zero_body(i, carry):
                cbuf[pl.ds(i * 16, 16)] = jnp.zeros((16,), jnp.float32)
                return carry

            lax.fori_loop(0, V // 16, zero_body, 0)

            def scat_body(j, carry):
                cat = catbuf[pl.ds(j * 16, 16)]
                mask = (j * 16 + lane) < _T
                plsc.addupdate_scatter(cbuf, [cat], ones, mask=mask)
                return carry

            lax.fori_loop(0, _UPAD // 16, scat_body, 0)
            pltpu.sync_copy(cbuf, out_hbm.at[r])

    return sc_kernel


def kernel(inpt):
    alpha = inpt
    B, V = alpha.shape
    g = _sample_gamma(alpha)
    u = _sample_u(B)
    denom = jnp.sum(g, axis=-1, keepdims=True)
    p = g / jnp.maximum(denom, 1e-30)
    cdf = jnp.cumsum(p, axis=-1)
    counts = _make_sc_multinomial(B, V)(cdf, u)
    return counts.astype(jnp.int32)

# --- scband reference (transcript-rebuilt; emitter-appended) ---
"""Pipeline reference for scband-dirichlet-simulator-44092134261026 (READ-ONLY COPY).

The authoritative reference and input builder live on the scoring server;
editing this copy changes nothing except your own understanding.
"""

import jax, jax.numpy as jnp
import numpy as np

TOTAL_COUNT = 500


def setup_inputs(seed: int = 0) -> dict:
    key = jax.random.key(seed)
    alpha = jax.random.uniform(key, (128, 100000), dtype=jnp.float32)
    return {"inpt": alpha}


def reference(inpt):
    # DirichletMultinomial(total_count, concentration=alpha).sample():
    #   1) p ~ Dirichlet(alpha)  (gamma-normalize representation)
    #   2) counts ~ Multinomial(total_count, p) (inverse-CDF categorical draws + scatter-add)
    alpha = inpt
    B, V = alpha.shape
    key = jax.random.key(42)
    kg, ku = jax.random.split(key)
    # Dirichlet sample via normalized Gammas
    g = jax.random.gamma(kg, alpha)  # (B, V)
    denom = jnp.sum(g, axis=-1, keepdims=True)
    p = g / jnp.maximum(denom, 1e-30)
    cdf = jnp.cumsum(p, axis=-1)  # (B, V)
    # Multinomial: TOTAL_COUNT categorical draws per row via searchsorted on the CDF
    u = jax.random.uniform(ku, (B, TOTAL_COUNT), dtype=alpha.dtype)
    cat = jax.vmap(lambda c, uu: jnp.searchsorted(c, uu))(cdf, u)  # (B, T)
    cat = jnp.minimum(cat, V - 1)
    rows = jnp.broadcast_to(jnp.arange(B)[:, None], cat.shape)
    counts = jnp.zeros((B, V), dtype=jnp.float32).at[rows, cat].add(1.0)
    return counts.astype(jnp.int32)

if __name__ == "__main__":
    import jax
    _d = setup_inputs()
    print(jax.jit(kernel)(*tuple(_d.values())))

</pallas_src>

<mosaic_0001>
#map = affine_map<(d0, d1) -> (0, 0)>
module attributes {stable_mosaic.version = 14 : i64} {
  func.func @sc_kernel(%arg0: i32, %arg1: i32, %arg2: memref<128x100000xf32, #tpu.memory_space<hbm>>, %arg3: memref<128x512xf32, #tpu.memory_space<hbm>>, %arg4: memref<128x100000xf32, #tpu.memory_space<hbm>>, %arg5: memref<100000xf32, #tpu.memory_space<vmem>>, %arg6: memref<512xf32, #tpu.memory_space<vmem>>, %arg7: memref<512xi32, #tpu.memory_space<vmem>>) attributes {dimension_semantics = [#tpu.dimension_semantics<core_parallel>, #tpu.dimension_semantics<subcore_parallel>], iteration_bounds = array<i64: 2, 16>, scalar_prefetch = 0 : i64, scratch_operands = 3 : i64, tpu.core_type = #tpu.core_type<sc_vector_subcore>, window_params = [{transform_indices = #map}, {transform_indices = #map}, {transform_indices = #map}]} {
    %mul3A = arith.constant 2 : i32
    %mul3A_0 = arith.muli %arg1, %mul3A : i32
    %add3A = arith.addi %mul3A_0, %arg0 : i32
    %iota3A = tpu.iota {dimensions = array<i32: 0>} : vector<16xi32>
    %broadcast_in_dim3A = arith.constant 1.000000e+00 : f32
    %broadcast_in_dim3A_1 = vector.broadcast %broadcast_in_dim3A : f32 to vector<16xf32>
    %mul3A_2 = arith.constant 4 : i32
    %mul3A_3 = arith.muli %add3A, %mul3A_2 : i32
    %add3A_4 = arith.constant 0 : i32
    %add3A_5 = arith.addi %mul3A_3, %add3A_4 : i32
    "tpu.region"() ({
      %run_scoped3A = tpu.sem_alloc : memref<!tpu.dma_semaphore, #tpu.memory_space<semaphore_mem>>
      %dma_start3A = arith.constant 0 : i32
      %dma_start3A_89 = tpu.memref_slice %arg2[%add3A_5, %dma_start3A] : memref<128x100000xf32, #tpu.memory_space<hbm>> -> memref<1x100000xf32, #tpu.memory_space<hbm>>
      %dma_start3A_90 = tpu.memref_squeeze %dma_start3A_89 : memref<1x100000xf32, #tpu.memory_space<hbm>> -> memref<100000xf32, #tpu.memory_space<hbm>>
      %dma_start3A_91 = arith.constant 0 : i32
      %dma_start3A_92 = tpu.memref_slice %arg2[%add3A_5, %dma_start3A_91] : memref<128x100000xf32, #tpu.memory_space<hbm>> -> memref<1x100000xf32, #tpu.memory_space<hbm>>
      %dma_start3A_93 = tpu.memref_squeeze %dma_start3A_92 : memref<1x100000xf32, #tpu.memory_space<hbm>> -> memref<100000xf32, #tpu.memory_space<hbm>>
      tpu.enqueue_dma source(%dma_start3A_93 : memref<100000xf32, #tpu.memory_space<hbm>>) target(%arg5 : memref<100000xf32, #tpu.memory_space<vmem>>) target_semaphore(%run_scoped3A : memref<!tpu.dma_semaphore, #tpu.memory_space<semaphore_mem>>)
      %dma_wait3A = arith.constant 0 : i32
      %dma_wait3A_94 = tpu.memref_slice %arg2[%add3A_5, %dma_wait3A] : memref<128x100000xf32, #tpu.memory_space<hbm>> -> memref<1x100000xf32, #tpu.memory_space<hbm>>
      %dma_wait3A_95 = tpu.memref_squeeze %dma_wait3A_94 : memref<1x100000xf32, #tpu.memory_space<hbm>> -> memref<100000xf32, #tpu.memory_space<hbm>>
      %dma_wait3A_96 = arith.constant 0 : i32
      %dma_wait3A_97 = tpu.memref_slice %arg2[%add3A_5, %dma_wait3A_96] : memref<128x100000xf32, #tpu.memory_space<hbm>> -> memref<1x100000xf32, #tpu.memory_space<hbm>>
      %dma_wait3A_98 = tpu.memref_squeeze %dma_wait3A_97 : memref<1x100000xf32, #tpu.memory_space<hbm>> -> memref<100000xf32, #tpu.memory_space<hbm>>
      tpu.wait_dma2 semaphore(%run_scoped3A : memref<!tpu.dma_semaphore, #tpu.memory_space<semaphore_mem>>) src(%dma_wait3A_98 : memref<100000xf32, #tpu.memory_space<hbm>>) dst(%arg5 : memref<100000xf32, #tpu.memory_space<vmem>>)
      tpu.yield
    }) : () -> ()
    "tpu.region"() ({
      %run_scoped3A = tpu.sem_alloc : memref<!tpu.dma_semaphore, #tpu.memory_space<semaphore_mem>>
      %dma_start3A = arith.constant 0 : i32
      %dma_start3A_89 = tpu.memref_slice %arg3[%add3A_5, %dma_start3A] : memref<128x512xf32, #tpu.memory_space<hbm>> -> memref<1x512xf32, #tpu.memory_space<hbm>>
      %dma_start3A_90 = tpu.memref_squeeze %dma_start3A_89 : memref<1x512xf32, #tpu.memory_space<hbm>> -> memref<512xf32, #tpu.memory_space<hbm>>
      %dma_start3A_91 = arith.constant 0 : i32
      %dma_start3A_92 = tpu.memref_slice %arg3[%add3A_5, %dma_start3A_91] : memref<128x512xf32, #tpu.memory_space<hbm>> -> memref<1x512xf32, #tpu.memory_space<hbm>>
      %dma_start3A_93 = tpu.memref_squeeze %dma_start3A_92 : memref<1x512xf32, #tpu.memory_space<hbm>> -> memref<512xf32, #tpu.memory_space<hbm>>
      tpu.enqueue_dma source(%dma_start3A_93 : memref<512xf32, #tpu.memory_space<hbm>>) target(%arg6 : memref<512xf32, #tpu.memory_space<vmem>>) target_semaphore(%run_scoped3A : memref<!tpu.dma_semaphore, #tpu.memory_space<semaphore_mem>>)
      %dma_wait3A = arith.constant 0 : i32
      %dma_wait3A_94 = tpu.memref_slice %arg3[%add3A_5, %dma_wait3A] : memref<128x512xf32, #tpu.memory_space<hbm>> -> memref<1x512xf32, #tpu.memory_space<hbm>>
      %dma_wait3A_95 = tpu.memref_squeeze %dma_wait3A_94 : memref<1x512xf32, #tpu.memory_space<hbm>> -> memref<512xf32, #tpu.memory_space<hbm>>
      %dma_wait3A_96 = arith.constant 0 : i32
      %dma_wait3A_97 = tpu.memref_slice %arg3[%add3A_5, %dma_wait3A_96] : memref<128x512xf32, #tpu.memory_space<hbm>> -> memref<1x512xf32, #tpu.memory_space<hbm>>
      %dma_wait3A_98 = tpu.memref_squeeze %dma_wait3A_97 : memref<1x512xf32, #tpu.memory_space<hbm>> -> memref<512xf32, #tpu.memory_space<hbm>>
      tpu.wait_dma2 semaphore(%run_scoped3A : memref<!tpu.dma_semaphore, #tpu.memory_space<semaphore_mem>>) src(%dma_wait3A_98 : memref<512xf32, #tpu.memory_space<hbm>>) dst(%arg6 : memref<512xf32, #tpu.memory_space<vmem>>)
      tpu.yield
    }) : () -> ()
    %scan3A = arith.constant 0 : i32
    %scan3A_6 = arith.constant 0 : i32
    %scan3A_7 = arith.constant 32 : i32
    %scan3A_8 = arith.addi %scan3A_6, %scan3A_7 : i32
    %scan3A_9 = arith.constant 1 : i32
    scf.for %scan3A_89 = %scan3A_6 to %scan3A_8 step %scan3A_9  : i32 {
      %mul3A_90 = arith.constant 16 : i32
      %mul3A_91 = arith.muli %scan3A_89, %mul3A_90 : i32
      %get3A = arith.index_cast %mul3A_91 : i32 to index
      %get3A_92 = tpu.vector_load %arg6[%get3A] {strides = array<i32>} : memref<512xf32, #tpu.memory_space<vmem>>, vector<16xf32>,
      %broadcast_in_dim3A_93 = arith.constant 0 : i32
      %broadcast_in_dim3A_94 = vector.broadcast %broadcast_in_dim3A_93 : i32 to vector<16xi32>
      %add3A_95 = arith.constant 65536 : i32
      %add3A_96 = vector.broadcast %add3A_95 : i32 to vector<16xi32>
      %add3A_97 = arith.addi %broadcast_in_dim3A_94, %add3A_96 : vector<16xi32>
      %min3A = arith.constant 100000 : i32
      %min3A_98 = vector.broadcast %min3A : i32 to vector<16xi32>
      %min3A_99 = arith.minsi %add3A_97, %min3A_98 : vector<16xi32>
      %sub3A = arith.constant 1 : i32
      %sub3A_100 = vector.broadcast %sub3A : i32 to vector<16xi32>
      %sub3A_101 = arith.subi %min3A_99, %sub3A_100 : vector<16xi32>
      %gather3A = tpu.vector_load_idx %arg5[%sub3A_101] : memref<100000xf32, #tpu.memory_space<vmem>>[vector<16xi32>], vector<16xf32>,
      %le3A = arith.constant 100000 : i32
      %le3A_102 = vector.broadcast %le3A : i32 to vector<16xi32>
      %le3A_103 = arith.cmpi sle, %add3A_97, %le3A_102 : vector<16xi32>
      %lt3A = arith.cmpf olt, %gather3A, %get3A_92 : vector<16xf32>
      %and3A = arith.andi %le3A_103, %lt3A : vector<16xi1>
      %select_n3A = arith.select %and3A, %add3A_97, %broadcast_in_dim3A_94 : vector<16xi1>, vector<16xi32>
      %add3A_104 = arith.constant 32768 : i32
      %add3A_105 = vector.broadcast %add3A_104 : i32 to vector<16xi32>
      %add3A_106 = arith.addi %select_n3A, %add3A_105 : vector<16xi32>
      %min3A_107 = arith.constant 100000 : i32
      %min3A_108 = vector.broadcast %min3A_107 : i32 to vector<16xi32>
      %min3A_109 = arith.minsi %add3A_106, %min3A_108 : vector<16xi32>
      %sub3A_110 = arith.constant 1 : i32
      %sub3A_111 = vector.broadcast %sub3A_110 : i32 to vector<16xi32>
      %sub3A_112 = arith.subi %min3A_109, %sub3A_111 : vector<16xi32>
      %gather3A_113 = tpu.vector_load_idx %arg5[%sub3A_112] : memref<100000xf32, #tpu.memory_space<vmem>>[vector<16xi32>], vector<16xf32>,
      %le3A_114 = arith.constant 100000 : i32
      %le3A_115 = vector.broadcast %le3A_114 : i32 to vector<16xi32>
      %le3A_116 = arith.cmpi sle, %add3A_106, %le3A_115 : vector<16xi32>
      %lt3A_117 = arith.cmpf olt, %gather3A_113, %get3A_92 : vector<16xf32>
      %and3A_118 = arith.andi %le3A_116, %lt3A_117 : vector<16xi1>
      %select_n3A_119 = arith.select %and3A_118, %add3A_106, %select_n3A : vector<16xi1>, vector<16xi32>
      %add3A_120 = arith.constant 16384 : i32
      %add3A_121 = vector.broadcast %add3A_120 : i32 to vector<16xi32>
      %add3A_122 = arith.addi %select_n3A_119, %add3A_121 : vector<16xi32>
      %min3A_123 = arith.constant 100000 : i32
      %min3A_124 = vector.broadcast %min3A_123 : i32 to vector<16xi32>
      %min3A_125 = arith.minsi %add3A_122, %min3A_124 : vector<16xi32>
      %sub3A_126 = arith.constant 1 : i32
      %sub3A_127 = vector.broadcast %sub3A_126 : i32 to vector<16xi32>
      %sub3A_128 = arith.subi %min3A_125, %sub3A_127 : vector<16xi32>
      %gather3A_129 = tpu.vector_load_idx %arg5[%sub3A_128] : memref<100000xf32, #tpu.memory_space<vmem>>[vector<16xi32>], vector<16xf32>,
      %le3A_130 = arith.constant 100000 : i32
      %le3A_131 = vector.broadcast %le3A_130 : i32 to vector<16xi32>
      %le3A_132 = arith.cmpi sle, %add3A_122, %le3A_131 : vector<16xi32>
      %lt3A_133 = arith.cmpf olt, %gather3A_129, %get3A_92 : vector<16xf32>
      %and3A_134 = arith.andi %le3A_132, %lt3A_133 : vector<16xi1>
      %select_n3A_135 = arith.select %and3A_134, %add3A_122, %select_n3A_119 : vector<16xi1>, vector<16xi32>
      %add3A_136 = arith.constant 8192 : i32
      %add3A_137 = vector.broadcast %add3A_136 : i32 to vector<16xi32>
      %add3A_138 = arith.addi %select_n3A_135, %add3A_137 : vector<16xi32>
      %min3A_139 = arith.constant 100000 : i32
      %min3A_140 = vector.broadcast %min3A_139 : i32 to vector<16xi32>
      %min3A_141 = arith.minsi %add3A_138, %min3A_140 : vector<16xi32>
      %sub3A_142 = arith.constant 1 : i32
      %sub3A_143 = vector.broadcast %sub3A_142 : i32 to vector<16xi32>
      %sub3A_144 = arith.subi %min3A_141, %sub3A_143 : vector<16xi32>
      %gather3A_145 = tpu.vector_load_idx %arg5[%sub3A_144] : memref<100000xf32, #tpu.memory_space<vmem>>[vector<16xi32>], vector<16xf32>,
      %le3A_146 = arith.constant 100000 : i32
      %le3A_147 = vector.broadcast %le3A_146 : i32 to vector<16xi32>
      %le3A_148 = arith.cmpi sle, %add3A_138, %le3A_147 : vector<16xi32>
      %lt3A_149 = arith.cmpf olt, %gather3A_145, %get3A_92 : vector<16xf32>
      %and3A_150 = arith.andi %le3A_148, %lt3A_149 : vector<16xi1>
      %select_n3A_151 = arith.select %and3A_150, %add3A_138, %select_n3A_135 : vector<16xi1>, vector<16xi32>
      %add3A_152 = arith.constant 4096 : i32
      %add3A_153 = vector.broadcast %add3A_152 : i32 to vector<16xi32>
      %add3A_154 = arith.addi %select_n3A_151, %add3A_153 : vector<16xi32>
      %min3A_155 = arith.constant 100000 : i32
      %min3A_156 = vector.broadcast %min3A_155 : i32 to vector<16xi32>
      %min3A_157 = arith.minsi %add3A_154, %min3A_156 : vector<16xi32>
      %sub3A_158 = arith.constant 1 : i32
      %sub3A_159 = vector.broadcast %sub3A_158 : i32 to vector<16xi32>
      %sub3A_160 = arith.subi %min3A_157, %sub3A_159 : vector<16xi32>
      %gather3A_161 = tpu.vector_load_idx %arg5[%sub3A_160] : memref<100000xf32, #tpu.memory_space<vmem>>[vector<16xi32>], vector<16xf32>,
      %le3A_162 = arith.constant 100000 : i32
      %le3A_163 = vector.broadcast %le3A_162 : i32 to vector<16xi32>
      %le3A_164 = arith.cmpi sle, %add3A_154, %le3A_163 : vector<16xi32>
      %lt3A_165 = arith.cmpf olt, %gather3A_161, %get3A_92 : vector<16xf32>
      %and3A_166 = arith.andi %le3A_164, %lt3A_165 : vector<16xi1>
      %select_n3A_167 = arith.select %and3A_166, %add3A_154, %select_n3A_151 : vector<16xi1>, vector<16xi32>
      %add3A_168 = arith.constant 2048 : i32
      %add3A_169 = vector.broadcast %add3A_168 : i32 to vector<16xi32>
      %add3A_170 = arith.addi %select_n3A_167, %add3A_169 : vector<16xi32>
      %min3A_171 = arith.constant 100000 : i32
      %min3A_172 = vector.broadcast %min3A_171 : i32 to vector<16xi32>
      %min3A_173 = arith.minsi %add3A_170, %min3A_172 : vector<16xi32>
      %sub3A_174 = arith.constant 1 : i32
      %sub3A_175 = vector.broadcast %sub3A_174 : i32 to vector<16xi32>
      %sub3A_176 = arith.subi %min3A_173, %sub3A_175 : vector<16xi32>
      %gather3A_177 = tpu.vector_load_idx %arg5[%sub3A_176] : memref<100000xf32, #tpu.memory_space<vmem>>[vector<16xi32>], vector<16xf32>,
      %le3A_178 = arith.constant 100000 : i32
      %le3A_179 = vector.broadcast %le3A_178 : i32 to vector<16xi32>
      %le3A_180 = arith.cmpi sle, %add3A_170, %le3A_179 : vector<16xi32>
      %lt3A_181 = arith.cmpf olt, %gather3A_177, %get3A_92 : vector<16xf32>
      %and3A_182 = arith.andi %le3A_180, %lt3A_181 : vector<16xi1>
      %select_n3A_183 = arith.select %and3A_182, %add3A_170, %select_n3A_167 : vector<16xi1>, vector<16xi32>
      %add3A_184 = arith.constant 1024 : i32
      %add3A_185 = vector.broadcast %add3A_184 : i32 to vector<16xi32>
      %add3A_186 = arith.addi %select_n3A_183, %add3A_185 : vector<16xi32>
      %min3A_187 = arith.constant 100000 : i32
      %min3A_188 = vector.broadcast %min3A_187 : i32 to vector<16xi32>
      %min3A_189 = arith.minsi %add3A_186, %min3A_188 : vector<16xi32>
      %sub3A_190 = arith.constant 1 : i32
      %sub3A_191 = vector.broadcast %sub3A_190 : i32 to vector<16xi32>
      %sub3A_192 = arith.subi %min3A_189, %sub3A_191 : vector<16xi32>
      %gather3A_193 = tpu.vector_load_idx %arg5[%sub3A_192] : memref<100000xf32, #tpu.memory_space<vmem>>[vector<16xi32>], vector<16xf32>,
      %le3A_194 = arith.constant 100000 : i32
      %le3A_195 = vector.broadcast %le3A_194 : i32 to vector<16xi32>
      %le3A_196 = arith.cmpi sle, %add3A_186, %le3A_195 : vector<16xi32>
      %lt3A_197 = arith.cmpf olt, %gather3A_193, %get3A_92 : vector<16xf32>
      %and3A_198 = arith.andi %le3A_196, %lt3A_197 : vector<16xi1>
      %select_n3A_199 = arith.select %and3A_198, %add3A_186, %select_n3A_183 : vector<16xi1>, vector<16xi32>
      %add3A_200 = arith.constant 512 : i32
      %add3A_201 = vector.broadcast %add3A_200 : i32 to vector<16xi32>
      %add3A_202 = arith.addi %select_n3A_199, %add3A_201 : vector<16xi32>
      %min3A_203 = arith.constant 100000 : i32
      %min3A_204 = vector.broadcast %min3A_203 : i32 to vector<16xi32>
      %min3A_205 = arith.minsi %add3A_202, %min3A_204 : vector<16xi32>
      %sub3A_206 = arith.constant 1 : i32
      %sub3A_207 = vector.broadcast %sub3A_206 : i32 to vector<16xi32>
      %sub3A_208 = arith.subi %min3A_205, %sub3A_207 : vector<16xi32>
      %gather3A_209 = tpu.vector_load_idx %arg5[%sub3A_208] : memref<100000xf32, #tpu.memory_space<vmem>>[vector<16xi32>], vector<16xf32>,
      %le3A_210 = arith.constant 100000 : i32
      %le3A_211 = vector.broadcast %le3A_210 : i32 to vector<16xi32>
      %le3A_212 = arith.cmpi sle, %add3A_202, %le3A_211 : vector<16xi32>
      %lt3A_213 = arith.cmpf olt, %gather3A_209, %get3A_92 : vector<16xf32>
      %and3A_214 = arith.andi %le3A_212, %lt3A_213 : vector<16xi1>
      %select_n3A_215 = arith.select %and3A_214, %add3A_202, %select_n3A_199 : vector<16xi1>, vector<16xi32>
      %add3A_216 = arith.constant 256 : i32
      %add3A_217 = vector.broadcast %add3A_216 : i32 to vector<16xi32>
      %add3A_218 = arith.addi %select_n3A_215, %add3A_217 : vector<16xi32>
      %min3A_219 = arith.constant 100000 : i32
      %min3A_220 = vector.broadcast %min3A_219 : i32 to vector<16xi32>
      %min3A_221 = arith.minsi %add3A_218, %min3A_220 : vector<16xi32>
      %sub3A_222 = arith.constant 1 : i32
      %sub3A_223 = vector.broadcast %sub3A_222 : i32 to vector<16xi32>
      %sub3A_224 = arith.subi %min3A_221, %sub3A_223 : vector<16xi32>
      %gather3A_225 = tpu.vector_load_idx %arg5[%sub3A_224] : memref<100000xf32, #tpu.memory_space<vmem>>[vector<16xi32>], vector<16xf32>,
      %le3A_226 = arith.constant 100000 : i32
      %le3A_227 = vector.broadcast %le3A_226 : i32 to vector<16xi32>
      %le3A_228 = arith.cmpi sle, %add3A_218, %le3A_227 : vector<16xi32>
      %lt3A_229 = arith.cmpf olt, %gather3A_225, %get3A_92 : vector<16xf32>
      %and3A_230 = arith.andi %le3A_228, %lt3A_229 : vector<16xi1>
      %select_n3A_231 = arith.select %and3A_230, %add3A_218, %select_n3A_215 : vector<16xi1>, vector<16xi32>
      %add3A_232 = arith.constant 128 : i32
      %add3A_233 = vector.broadcast %add3A_232 : i32 to vector<16xi32>
      %add3A_234 = arith.addi %select_n3A_231, %add3A_233 : vector<16xi32>
      %min3A_235 = arith.constant 100000 : i32
      %min3A_236 = vector.broadcast %min3A_235 : i32 to vector<16xi32>
      %min3A_237 = arith.minsi %add3A_234, %min3A_236 : vector<16xi32>
      %sub3A_238 = arith.constant 1 : i32
      %sub3A_239 = vector.broadcast %sub3A_238 : i32 to vector<16xi32>
      %sub3A_240 = arith.subi %min3A_237, %sub3A_239 : vector<16xi32>
      %gather3A_241 = tpu.vector_load_idx %arg5[%sub3A_240] : memref<100000xf32, #tpu.memory_space<vmem>>[vector<16xi32>], vector<16xf32>,
      %le3A_242 = arith.constant 100000 : i32
      %le3A_243 = vector.broadcast %le3A_242 : i32 to vector<16xi32>
      %le3A_244 = arith.cmpi sle, %add3A_234, %le3A_243 : vector<16xi32>
      %lt3A_245 = arith.cmpf olt, %gather3A_241, %get3A_92 : vector<16xf32>
      %and3A_246 = arith.andi %le3A_244, %lt3A_245 : vector<16xi1>
      %select_n3A_247 = arith.select %and3A_246, %add3A_234, %select_n3A_231 : vector<16xi1>, vector<16xi32>
      %add3A_248 = arith.constant 64 : i32
      %add3A_249 = vector.broadcast %add3A_248 : i32 to vector<16xi32>
      %add3A_250 = arith.addi %select_n3A_247, %add3A_249 : vector<16xi32>
      %min3A_251 = arith.constant 100000 : i32
      %min3A_252 = vector.broadcast %min3A_251 : i32 to vector<16xi32>
      %min3A_253 = arith.minsi %add3A_250, %min3A_252 : vector<16xi32>
      %sub3A_254 = arith.constant 1 : i32
      %sub3A_255 = vector.broadcast %sub3A_254 : i32 to vector<16xi32>
      %sub3A_256 = arith.subi %min3A_253, %sub3A_255 : vector<16xi32>
      %gather3A_257 = tpu.vector_load_idx %arg5[%sub3A_256] : memref<100000xf32, #tpu.memory_space<vmem>>[vector<16xi32>], vector<16xf32>,
      %le3A_258 = arith.constant 100000 : i32
      %le3A_259 = vector.broadcast %le3A_258 : i32 to vector<16xi32>
      %le3A_260 = arith.cmpi sle, %add3A_250, %le3A_259 : vector<16xi32>
      %lt3A_261 = arith.cmpf olt, %gather3A_257, %get3A_92 : vector<16xf32>
      %and3A_262 = arith.andi %le3A_260, %lt3A_261 : vector<16xi1>
      %select_n3A_263 = arith.select %and3A_262, %add3A_250, %select_n3A_247 : vector<16xi1>, vector<16xi32>
      %add3A_264 = arith.constant 32 : i32
      %add3A_265 = vector.broadcast %add3A_264 : i32 to vector<16xi32>
      %add3A_266 = arith.addi %select_n3A_263, %add3A_265 : vector<16xi32>
      %min3A_267 = arith.constant 100000 : i32
      %min3A_268 = vector.broadcast %min3A_267 : i32 to vector<16xi32>
      %min3A_269 = arith.minsi %add3A_266, %min3A_268 : vector<16xi32>
      %sub3A_270 = arith.constant 1 : i32
      %sub3A_271 = vector.broadcast %sub3A_270 : i32 to vector<16xi32>
      %sub3A_272 = arith.subi %min3A_269, %sub3A_271 : vector<16xi32>
      %gather3A_273 = tpu.vector_load_idx %arg5[%sub3A_272] : memref<100000xf32, #tpu.memory_space<vmem>>[vector<16xi32>], vector<16xf32>,
      %le3A_274 = arith.constant 100000 : i32
      %le3A_275 = vector.broadcast %le3A_274 : i32 to vector<16xi32>
      %le3A_276 = arith.cmpi sle, %add3A_266, %le3A_275 : vector<16xi32>
      %lt3A_277 = arith.cmpf olt, %gather3A_273, %get3A_92 : vector<16xf32>
      %and3A_278 = arith.andi %le3A_276, %lt3A_277 : vector<16xi1>
      %select_n3A_279 = arith.select %and3A_278, %add3A_266, %select_n3A_263 : vector<16xi1>, vector<16xi32>
      %add3A_280 = arith.constant 16 : i32
      %add3A_281 = vector.broadcast %add3A_280 : i32 to vector<16xi32>
      %add3A_282 = arith.addi %select_n3A_279, %add3A_281 : vector<16xi32>
      %min3A_283 = arith.constant 100000 : i32
      %min3A_284 = vector.broadcast %min3A_283 : i32 to vector<16xi32>
      %min3A_285 = arith.minsi %add3A_282, %min3A_284 : vector<16xi32>
      %sub3A_286 = arith.constant 1 : i32
      %sub3A_287 = vector.broadcast %sub3A_286 : i32 to vector<16xi32>
      %sub3A_288 = arith.subi %min3A_285, %sub3A_287 : vector<16xi32>
      %gather3A_289 = tpu.vector_load_idx %arg5[%sub3A_288] : memref<100000xf32, #tpu.memory_space<vmem>>[vector<16xi32>], vector<16xf32>,
      %le3A_290 = arith.constant 100000 : i32
      %le3A_291 = vector.broadcast %le3A_290 : i32 to vector<16xi32>
      %le3A_292 = arith.cmpi sle, %add3A_282, %le3A_291 : vector<16xi32>
      %lt3A_293 = arith.cmpf olt, %gather3A_289, %get3A_92 : vector<16xf32>
      %and3A_294 = arith.andi %le3A_292, %lt3A_293 : vector<16xi1>
      %select_n3A_295 = arith.select %and3A_294, %add3A_282, %select_n3A_279 : vector<16xi1>, vector<16xi32>
      %add3A_296 = arith.constant 8 : i32
      %add3A_297 = vector.broadcast %add3A_296 : i32 to vector<16xi32>
      %add3A_298 = arith.addi %select_n3A_295, %add3A_297 : vector<16xi32>
      %min3A_299 = arith.constant 100000 : i32
      %min3A_300 = vector.broadcast %min3A_299 : i32 to vector<16xi32>
      %min3A_301 = arith.minsi %add3A_298, %min3A_300 : vector<16xi32>
      %sub3A_302 = arith.constant 1 : i32
      %sub3A_303 = vector.broadcast %sub3A_302 : i32 to vector<16xi32>
      %sub3A_304 = arith.subi %min3A_301, %sub3A_303 : vector<16xi32>
      %gather3A_305 = tpu.vector_load_idx %arg5[%sub3A_304] : memref<100000xf32, #tpu.memory_space<vmem>>[vector<16xi32>], vector<16xf32>,
      %le3A_306 = arith.constant 100000 : i32
      %le3A_307 = vector.broadcast %le3A_306 : i32 to vector<16xi32>
      %le3A_308 = arith.cmpi sle, %add3A_298, %le3A_307 : vector<16xi32>
      %lt3A_309 = arith.cmpf olt, %gather3A_305, %get3A_92 : vector<16xf32>
      %and3A_310 = arith.andi %le3A_308, %lt3A_309 : vector<16xi1>
      %select_n3A_311 = arith.select %and3A_310, %add3A_298, %select_n3A_295 : vector<16xi1>, vector<16xi32>
      %add3A_312 = arith.constant 4 : i32
      %add3A_313 = vector.broadcast %add3A_312 : i32 to vector<16xi32>
      %add3A_314 = arith.addi %select_n3A_311, %add3A_313 : vector<16xi32>
      %min3A_315 = arith.constant 100000 : i32
      %min3A_316 = vector.broadcast %min3A_315 : i32 to vector<16xi32>
      %min3A_317 = arith.minsi %add3A_314, %min3A_316 : vector<16xi32>
      %sub3A_318 = arith.constant 1 : i32
      %sub3A_319 = vector.broadcast %sub3A_318 : i32 to vector<16xi32>
      %sub3A_320 = arith.subi %min3A_317, %sub3A_319 : vector<16xi32>
      %gather3A_321 = tpu.vector_load_idx %arg5[%sub3A_320] : memref<100000xf32, #tpu.memory_space<vmem>>[vector<16xi32>], vector<16xf32>,
      %le3A_322 = arith.constant 100000 : i32
      %le3A_323 = vector.broadcast %le3A_322 : i32 to vector<16xi32>
      %le3A_324 = arith.cmpi sle, %add3A_314, %le3A_323 : vector<16xi32>
      %lt3A_325 = arith.cmpf olt, %gather3A_321, %get3A_92 : vector<16xf32>
      %and3A_326 = arith.andi %le3A_324, %lt3A_325 : vector<16xi1>
      %select_n3A_327 = arith.select %and3A_326, %add3A_314, %select_n3A_311 : vector<16xi1>, vector<16xi32>
      %add3A_328 = arith.constant 2 : i32
      %add3A_329 = vector.broadcast %add3A_328 : i32 to vector<16xi32>
      %add3A_330 = arith.addi %select_n3A_327, %add3A_329 : vector<16xi32>
      %min3A_331 = arith.constant 100000 : i32
      %min3A_332 = vector.broadcast %min3A_331 : i32 to vector<16xi32>
      %min3A_333 = arith.minsi %add3A_330, %min3A_332 : vector<16xi32>
      %sub3A_334 = arith.constant 1 : i32
      %sub3A_335 = vector.broadcast %sub3A_334 : i32 to vector<16xi32>
      %sub3A_336 = arith.subi %min3A_333, %sub3A_335 : vector<16xi32>
      %gather3A_337 = tpu.vector_load_idx %arg5[%sub3A_336] : memref<100000xf32, #tpu.memory_space<vmem>>[vector<16xi32>], vector<16xf32>,
      %le3A_338 = arith.constant 100000 : i32
      %le3A_339 = vector.broadcast %le3A_338 : i32 to vector<16xi32>
      %le3A_340 = arith.cmpi sle, %add3A_330, %le3A_339 : vector<16xi32>
      %lt3A_341 = arith.cmpf olt, %gather3A_337, %get3A_92 : vector<16xf32>
      %and3A_342 = arith.andi %le3A_340, %lt3A_341 : vector<16xi1>
      %select_n3A_343 = arith.select %and3A_342, %add3A_330, %select_n3A_327 : vector<16xi1>, vector<16xi32>
      %add3A_344 = arith.constant 1 : i32
      %add3A_345 = vector.broadcast %add3A_344 : i32 to vector<16xi32>
      %add3A_346 = arith.addi %select_n3A_343, %add3A_345 : vector<16xi32>
      %min3A_347 = arith.constant 100000 : i32
      %min3A_348 = vector.broadcast %min3A_347 : i32 to vector<16xi32>
      %min3A_349 = arith.minsi %add3A_346, %min3A_348 : vector<16xi32>
      %sub3A_350 = arith.constant 1 : i32
      %sub3A_351 = vector.broadcast %sub3A_350 : i32 to vector<16xi32>
      %sub3A_352 = arith.subi %min3A_349, %sub3A_351 : vector<16xi32>
      %gather3A_353 = tpu.vector_load_idx %arg5[%sub3A_352] : memref<100000xf32, #tpu.memory_space<vmem>>[vector<16xi32>], vector<16xf32>,
      %le3A_354 = arith.constant 100000 : i32
      %le3A_355 = vector.broadcast %le3A_354 : i32 to vector<16xi32>
      %le3A_356 = arith.cmpi sle, %add3A_346, %le3A_355 : vector<16xi32>
      %lt3A_357 = arith.cmpf olt, %gather3A_353, %get3A_92 : vector<16xf32>
      %and3A_358 = arith.andi %le3A_356, %lt3A_357 : vector<16xi1>
      %select_n3A_359 = arith.select %and3A_358, %add3A_346, %select_n3A_343 : vector<16xi1>, vector<16xi32>
      %min3A_360 = arith.constant 99999 : i32
      %min3A_361 = vector.broadcast %min3A_360 : i32 to vector<16xi32>
      %min3A_362 = arith.minsi %select_n3A_359, %min3A_361 : vector<16xi32>
      %mul3A_363 = arith.constant 16 : i32
      %mul3A_364 = arith.muli %scan3A_89, %mul3A_363 : i32
      %swap3A = arith.index_cast %mul3A_364 : i32 to index
      %swap3A_365 = tpu.vector_load %arg7[%swap3A] {strides = array<i32>} : memref<512xi32, #tpu.memory_space<vmem>>, vector<16xi32>,
      tpu.vector_store %arg7[%swap3A], %min3A_362 {strides = array<i32>} : memref<512xi32, #tpu.memory_space<vmem>>, vector<16xi32>,
    }
    %scan3A_10 = arith.constant 32 : i32
    %scan3A_11 = arith.constant 0 : i32
    %scan3A_12 = arith.constant 0 : i32
    %scan3A_13 = arith.constant 6250 : i32
    %scan3A_14 = arith.addi %scan3A_12, %scan3A_13 : i32
    %scan3A_15 = arith.constant 1 : i32
    scf.for %scan3A_89 = %scan3A_12 to %scan3A_14 step %scan3A_15  : i32 {
      %broadcast_in_dim3A_90 = arith.constant 0.000000e+00 : f32
      %broadcast_in_dim3A_91 = vector.broadcast %broadcast_in_dim3A_90 : f32 to vector<16xf32>
      %mul3A_92 = arith.constant 16 : i32
      %mul3A_93 = arith.muli %scan3A_89, %mul3A_92 : i32
      %swap3A = arith.index_cast %mul3A_93 : i32 to index
      %swap3A_94 = tpu.vector_load %arg5[%swap3A] {strides = array<i32>} : memref<100000xf32, #tpu.memory_space<vmem>>, vector<16xf32>,
      tpu.vector_store %arg5[%swap3A], %broadcast_in_dim3A_91 {strides = array<i32>} : memref<100000xf32, #tpu.memory_space<vmem>>, vector<16xf32>,
    }
    %scan3A_16 = arith.constant 6250 : i32
    %scan3A_17 = arith.constant 0 : i32
    %scan3A_18 = arith.constant 0 : i32
    %scan3A_19 = arith.constant 32 : i32
    %scan3A_20 = arith.addi %scan3A_18, %scan3A_19 : i32
    %scan3A_21 = arith.constant 1 : i32
    scf.for %scan3A_89 = %scan3A_18 to %scan3A_20 step %scan3A_21  : i32 {
      %mul3A_90 = arith.constant 16 : i32
      %mul3A_91 = arith.muli %scan3A_89, %mul3A_90 : i32
      %get3A = arith.index_cast %mul3A_91 : i32 to index
      %get3A_92 = tpu.vector_load %arg7[%get3A] {strides = array<i32>} : memref<512xi32, #tpu.memory_space<vmem>>, vector<16xi32>,
      %mul3A_93 = arith.constant 16 : i32
      %mul3A_94 = arith.muli %scan3A_89, %mul3A_93 : i32
      %add3A_95 = vector.broadcast %mul3A_94 : i32 to vector<16xi32>
      %add3A_96 = arith.addi %add3A_95, %iota3A : vector<16xi32>
      %lt3A = arith.constant 500 : i32
      %lt3A_97 = vector.broadcast %lt3A : i32 to vector<16xi32>
      %lt3A_98 = arith.cmpi slt, %add3A_96, %lt3A_97 : vector<16xi32>
      tpu.vector_store_idx %arg5[%get3A_92], %broadcast_in_dim3A_1 masked %lt3A_98 {add = true} : memref<100000xf32, #tpu.memory_space<vmem>>[vector<16xi32>], vector<16xf32>, vector<16xi1>
    }
    %scan3A_22 = arith.constant 32 : i32
    "tpu.region"() ({
      %run_scoped3A = tpu.sem_alloc : memref<!tpu.dma_semaphore, #tpu.memory_space<semaphore_mem>>
      %dma_start3A = arith.constant 0 : i32
      %dma_start3A_89 = tpu.memref_slice %arg4[%add3A_5, %dma_start3A] : memref<128x100000xf32, #tpu.memory_space<hbm>> -> memref<1x100000xf32, #tpu.memory_space<hbm>>
      %dma_start3A_90 = tpu.memref_squeeze %dma_start3A_89 : memref<1x100000xf32, #tpu.memory_space<hbm>> -> memref<100000xf32, #tpu.memory_space<hbm>>
      %dma_start3A_91 = arith.constant 0 : i32
      %dma_start3A_92 = tpu.memref_slice %arg4[%add3A_5, %dma_start3A_91] : memref<128x100000xf32, #tpu.memory_space<hbm>> -> memref<1x100000xf32, #tpu.memory_space<hbm>>
      %dma_start3A_93 = tpu.memref_squeeze %dma_start3A_92 : memref<1x100000xf32, #tpu.memory_space<hbm>> -> memref<100000xf32, #tpu.memory_space<hbm>>
      tpu.enqueue_dma source(%arg5 : memref<100000xf32, #tpu.memory_space<vmem>>) target(%dma_start3A_93 : memref<100000xf32, #tpu.memory_space<hbm>>) target_semaphore(%run_scoped3A : memref<!tpu.dma_semaphore, #tpu.memory_space<semaphore_mem>>)
      %dma_wait3A = arith.constant 0 : i32
      %dma_wait3A_94 = tpu.memref_slice %arg4[%add3A_5, %dma_wait3A] : memref<128x100000xf32, #tpu.memory_space<hbm>> -> memref<1x100000xf32, #tpu.memory_space<hbm>>
      %dma_wait3A_95 = tpu.memref_squeeze %dma_wait3A_94 : memref<1x100000xf32, #tpu.memory_space<hbm>> -> memref<100000xf32, #tpu.memory_space<hbm>>
      %dma_wait3A_96 = arith.constant 0 : i32
      %dma_wait3A_97 = tpu.memref_slice %arg4[%add3A_5, %dma_wait3A_96] : memref<128x100000xf32, #tpu.memory_space<hbm>> -> memref<1x100000xf32, #tpu.memory_space<hbm>>
      %dma_wait3A_98 = tpu.memref_squeeze %dma_wait3A_97 : memref<1x100000xf32, #tpu.memory_space<hbm>> -> memref<100000xf32, #tpu.memory_space<hbm>>
      tpu.wait_dma2 semaphore(%run_scoped3A : memref<!tpu.dma_semaphore, #tpu.memory_space<semaphore_mem>>) src(%arg5 : memref<100000xf32, #tpu.memory_space<vmem>>) dst(%dma_wait3A_98 : memref<100000xf32, #tpu.memory_space<hbm>>)
      tpu.yield
    }) : () -> ()
    %mul3A_23 = arith.constant 4 : i32
    %mul3A_24 = arith.muli %add3A, %mul3A_23 : i32
    %add3A_25 = arith.constant 1 : i32
    %add3A_26 = arith.addi %mul3A_24, %add3A_25 : i32
    "tpu.region"() ({
      %run_scoped3A = tpu.sem_alloc : memref<!tpu.dma_semaphore, #tpu.memory_space<semaphore_mem>>
      %dma_start3A = arith.constant 0 : i32
      %dma_start3A_89 = tpu.memref_slice %arg2[%add3A_26, %dma_start3A] : memref<128x100000xf32, #tpu.memory_space<hbm>> -> memref<1x100000xf32, #tpu.memory_space<hbm>>
      %dma_start3A_90 = tpu.memref_squeeze %dma_start3A_89 : memref<1x100000xf32, #tpu.memory_space<hbm>> -> memref<100000xf32, #tpu.memory_space<hbm>>
      %dma_start3A_91 = arith.constant 0 : i32
      %dma_start3A_92 = tpu.memref_slice %arg2[%add3A_26, %dma_start3A_91] : memref<128x100000xf32, #tpu.memory_space<hbm>> -> memref<1x100000xf32, #tpu.memory_space<hbm>>
      %dma_start3A_93 = tpu.memref_squeeze %dma_start3A_92 : memref<1x100000xf32, #tpu.memory_space<hbm>> -> memref<100000xf32, #tpu.memory_space<hbm>>
      tpu.enqueue_dma source(%dma_start3A_93 : memref<100000xf32, #tpu.memory_space<hbm>>) target(%arg5 : memref<100000xf32, #tpu.memory_space<vmem>>) target_semaphore(%run_scoped3A : memref<!tpu.dma_semaphore, #tpu.memory_space<semaphore_mem>>)
      %dma_wait3A = arith.constant 0 : i32
      %dma_wait3A_94 = tpu.memref_slice %arg2[%add3A_26, %dma_wait3A] : memref<128x100000xf32, #tpu.memory_space<hbm>> -> memref<1x100000xf32, #tpu.memory_space<hbm>>
      %dma_wait3A_95 = tpu.memref_squeeze %dma_wait3A_94 : memref<1x100000xf32, #tpu.memory_space<hbm>> -> memref<100000xf32, #tpu.memory_space<hbm>>
      %dma_wait3A_96 = arith.constant 0 : i32
      %dma_wait3A_97 = tpu.memref_slice %arg2[%add3A_26, %dma_wait3A_96] : memref<128x100000xf32, #tpu.memory_space<hbm>> -> memref<1x100000xf32, #tpu.memory_space<hbm>>
      %dma_wait3A_98 = tpu.memref_squeeze %dma_wait3A_97 : memref<1x100000xf32, #tpu.memory_space<hbm>> -> memref<100000xf32, #tpu.memory_space<hbm>>
      tpu.wait_dma2 semaphore(%run_scoped3A : memref<!tpu.dma_semaphore, #tpu.memory_space<semaphore_mem>>) src(%dma_wait3A_98 : memref<100000xf32, #tpu.memory_space<hbm>>) dst(%arg5 : memref<100000xf32, #tpu.memory_space<vmem>>)
      tpu.yield
    }) : () -> ()
    "tpu.region"() ({
      %run_scoped3A = tpu.sem_alloc : memref<!tpu.dma_semaphore, #tpu.memory_space<semaphore_mem>>
      %dma_start3A = arith.constant 0 : i32
      %dma_start3A_89 = tpu.memref_slice %arg3[%add3A_26, %dma_start3A] : memref<128x512xf32, #tpu.memory_space<hbm>> -> memref<1x512xf32, #tpu.memory_space<hbm>>
      %dma_start3A_90 = tpu.memref_squeeze %dma_start3A_89 : memref<1x512xf32, #tpu.memory_space<hbm>> -> memref<512xf32, #tpu.memory_space<hbm>>
      %dma_start3A_91 = arith.constant 0 : i32
      %dma_start3A_92 = tpu.memref_slice %arg3[%add3A_26, %dma_start3A_91] : memref<128x512xf32, #tpu.memory_space<hbm>> -> memref<1x512xf32, #tpu.memory_space<hbm>>
      %dma_start3A_93 = tpu.memref_squeeze %dma_start3A_92 : memref<1x512xf32, #tpu.memory_space<hbm>> -> memref<512xf32, #tpu.memory_space<hbm>>
      tpu.enqueue_dma source(%dma_start3A_93 : memref<512xf32, #tpu.memory_space<hbm>>) target(%arg6 : memref<512xf32, #tpu.memory_space<vmem>>) target_semaphore(%run_scoped3A : memref<!tpu.dma_semaphore, #tpu.memory_space<semaphore_mem>>)
      %dma_wait3A = arith.constant 0 : i32
      %dma_wait3A_94 = tpu.memref_slice %arg3[%add3A_26, %dma_wait3A] : memref<128x512xf32, #tpu.memory_space<hbm>> -> memref<1x512xf32, #tpu.memory_space<hbm>>
      %dma_wait3A_95 = tpu.memref_squeeze %dma_wait3A_94 : memref<1x512xf32, #tpu.memory_space<hbm>> -> memref<512xf32, #tpu.memory_space<hbm>>
      %dma_wait3A_96 = arith.constant 0 : i32
      %dma_wait3A_97 = tpu.memref_slice %arg3[%add3A_26, %dma_wait3A_96] : memref<128x512xf32, #tpu.memory_space<hbm>> -> memref<1x512xf32, #tpu.memory_space<hbm>>
      %dma_wait3A_98 = tpu.memref_squeeze %dma_wait3A_97 : memref<1x512xf32, #tpu.memory_space<hbm>> -> memref<512xf32, #tpu.memory_space<hbm>>
      tpu.wait_dma2 semaphore(%run_scoped3A : memref<!tpu.dma_semaphore, #tpu.memory_space<semaphore_mem>>) src(%dma_wait3A_98 : memref<512xf32, #tpu.memory_space<hbm>>) dst(%arg6 : memref<512xf32, #tpu.memory_space<vmem>>)
      tpu.yield
    }) : () -> ()
    %scan3A_27 = arith.constant 0 : i32
    %scan3A_28 = arith.constant 0 : i32
    %scan3A_29 = arith.constant 32 : i32
    %scan3A_30 = arith.addi %scan3A_28, %scan3A_29 : i32
    %scan3A_31 = arith.constant 1 : i32
    scf.for %scan3A_89 = %scan3A_28 to %scan3A_30 step %scan3A_31  : i32 {
      %mul3A_90 = arith.constant 16 : i32
      %mul3A_91 = arith.muli %scan3A_89, %mul3A_90 : i32
      %get3A = arith.index_cast %mul3A_91 : i32 to index
      %get3A_92 = tpu.vector_load %arg6[%get3A] {strides = array<i32>} : memref<512xf32, #tpu.memory_space<vmem>>, vector<16xf32>,
      %broadcast_in_dim3A_93 = arith.constant 0 : i32
      %broadcast_in_dim3A_94 = vector.broadcast %broadcast_in_dim3A_93 : i32 to vector<16xi32>
      %add3A_95 = arith.constant 65536 : i32
      %add3A_96 = vector.broadcast %add3A_95 : i32 to vector<16xi32>
      %add3A_97 = arith.addi %broadcast_in_dim3A_94, %add3A_96 : vector<16xi32>
      %min3A = arith.constant 100000 : i32
      %min3A_98 = vector.broadcast %min3A : i32 to vector<16xi32>
      %min3A_99 = arith.minsi %add3A_97, %min3A_98 : vector<16xi32>
      %sub3A = arith.constant 1 : i32
      %sub3A_100 = vector.broadcast %sub3A : i32 to vector<16xi32>
      %sub3A_101 = arith.subi %min3A_99, %sub3A_100 : vector<16xi32>
      %gather3A = tpu.vector_load_idx %arg5[%sub3A_101] : memref<100000xf32, #tpu.memory_space<vmem>>[vector<16xi32>], vector<16xf32>,
      %le3A = arith.constant 100000 : i32
      %le3A_102 = vector.broadcast %le3A : i32 to vector<16xi32>
      %le3A_103 = arith.cmpi sle, %add3A_97, %le3A_102 : vector<16xi32>
      %lt3A = arith.cmpf olt, %gather3A, %get3A_92 : vector<16xf32>
      %and3A = arith.andi %le3A_103, %lt3A : vector<16xi1>
      %select_n3A = arith.select %and3A, %add3A_97, %broadcast_in_dim3A_94 : vector<16xi1>, vector<16xi32>
      %add3A_104 = arith.constant 32768 : i32
      %add3A_105 = vector.broadcast %add3A_104 : i32 to vector<16xi32>
      %add3A_106 = arith.addi %select_n3A, %add3A_105 : vector<16xi32>
      %min3A_107 = arith.constant 100000 : i32
      %min3A_108 = vector.broadcast %min3A_107 : i32 to vector<16xi32>
      %min3A_109 = arith.minsi %add3A_106, %min3A_108 : vector<16xi32>
      %sub3A_110 = arith.constant 1 : i32
      %sub3A_111 = vector.broadcast %sub3A_110 : i32 to vector<16xi32>
      %sub3A_112 = arith.subi %min3A_109, %sub3A_111 : vector<16xi32>
      %gather3A_113 = tpu.vector_load_idx %arg5[%sub3A_112] : memref<100000xf32, #tpu.memory_space<vmem>>[vector<16xi32>], vector<16xf32>,
      %le3A_114 = arith.constant 100000 : i32
      %le3A_115 = vector.broadcast %le3A_114 : i32 to vector<16xi32>
      %le3A_116 = arith.cmpi sle, %add3A_106, %le3A_115 : vector<16xi32>
      %lt3A_117 = arith.cmpf olt, %gather3A_113, %get3A_92 : vector<16xf32>
      %and3A_118 = arith.andi %le3A_116, %lt3A_117 : vector<16xi1>
      %select_n3A_119 = arith.select %and3A_118, %add3A_106, %select_n3A : vector<16xi1>, vector<16xi32>
      %add3A_120 = arith.constant 16384 : i32
      %add3A_121 = vector.broadcast %add3A_120 : i32 to vector<16xi32>
      %add3A_122 = arith.addi %select_n3A_119, %add3A_121 : vector<16xi32>
      %min3A_123 = arith.constant 100000 : i32
      %min3A_124 = vector.broadcast %min3A_123 : i32 to vector<16xi32>
      %min3A_125 = arith.minsi %add3A_122, %min3A_124 : vector<16xi32>
      %sub3A_126 = arith.constant 1 : i32
      %sub3A_127 = vector.broadcast %sub3A_126 : i32 to vector<16xi32>
      %sub3A_128 = arith.subi %min3A_125, %sub3A_127 : vector<16xi32>
      %gather3A_129 = tpu.vector_load_idx %arg5[%sub3A_128] : memref<100000xf32, #tpu.memory_space<vmem>>[vector<16xi32>], vector<16xf32>,
      %le3A_130 = arith.constant 100000 : i32
      %le3A_131 = vector.broadcast %le3A_130 : i32 to vector<16xi32>
      %le3A_132 = arith.cmpi sle, %add3A_122, %le3A_131 : vector<16xi32>
      %lt3A_133 = arith.cmpf olt, %gather3A_129, %get3A_92 : vector<16xf32>
      %and3A_134 = arith.andi %le3A_132, %lt3A_133 : vector<16xi1>
      %select_n3A_135 = arith.select %and3A_134, %add3A_122, %select_n3A_119 : vector<16xi1>, vector<16xi32>
      %add3A_136 = arith.constant 8192 : i32
      %add3A_137 = vector.broadcast %add3A_136 : i32 to vector<16xi32>
      %add3A_138 = arith.addi %select_n3A_135, %add3A_137 : vector<16xi32>
      %min3A_139 = arith.constant 100000 : i32
      %min3A_140 = vector.broadcast %min3A_139 : i32 to vector<16xi32>
      %min3A_141 = arith.minsi %add3A_138, %min3A_140 : vector<16xi32>
      %sub3A_142 = arith.constant 1 : i32
      %sub3A_143 = vector.broadcast %sub3A_142 : i32 to vector<16xi32>
      %sub3A_144 = arith.subi %min3A_141, %sub3A_143 : vector<16xi32>
      %gather3A_145 = tpu.vector_load_idx %arg5[%sub3A_144] : memref<100000xf32, #tpu.memory_space<vmem>>[vector<16xi32>], vector<16xf32>,
      %le3A_146 = arith.constant 100000 : i32
      %le3A_147 = vector.broadcast %le3A_146 : i32 to vector<16xi32>
      %le3A_148 = arith.cmpi sle, %add3A_138, %le3A_147 : vector<16xi32>
      %lt3A_149 = arith.cmpf olt, %gather3A_145, %get3A_92 : vector<16xf32>
      %and3A_150 = arith.andi %le3A_148, %lt3A_149 : vector<16xi1>
      %select_n3A_151 = arith.select %and3A_150, %add3A_138, %select_n3A_135 : vector<16xi1>, vector<16xi32>
      %add3A_152 = arith.constant 4096 : i32
      %add3A_153 = vector.broadcast %add3A_152 : i32 to vector<16xi32>
      %add3A_154 = arith.addi %select_n3A_151, %add3A_153 : vector<16xi32>
      %min3A_155 = arith.constant 100000 : i32
      %min3A_156 = vector.broadcast %min3A_155 : i32 to vector<16xi32>
      %min3A_157 = arith.minsi %add3A_154, %min3A_156 : vector<16xi32>
      %sub3A_158 = arith.constant 1 : i32
      %sub3A_159 = vector.broadcast %sub3A_158 : i32 to vector<16xi32>
      %sub3A_160 = arith.subi %min3A_157, %sub3A_159 : vector<16xi32>
      %gather3A_161 = tpu.vector_load_idx %arg5[%sub3A_160] : memref<100000xf32, #tpu.memory_space<vmem>>[vector<16xi32>], vector<16xf32>,
      %le3A_162 = arith.constant 100000 : i32
      %le3A_163 = vector.broadcast %le3A_162 : i32 to vector<16xi32>
      %le3A_164 = arith.cmpi sle, %add3A_154, %le3A_163 : vector<16xi32>
      %lt3A_165 = arith.cmpf olt, %gather3A_161, %get3A_92 : vector<16xf32>
      %and3A_166 = arith.andi %le3A_164, %lt3A_165 : vector<16xi1>
      %select_n3A_167 = arith.select %and3A_166, %add3A_154, %select_n3A_151 : vector<16xi1>, vector<16xi32>
      %add3A_168 = arith.constant 2048 : i32
      %add3A_169 = vector.broadcast %add3A_168 : i32 to vector<16xi32>
      %add3A_170 = arith.addi %select_n3A_167, %add3A_169 : vector<16xi32>
      %min3A_171 = arith.constant 100000 : i32
      %min3A_172 = vector.broadcast %min3A_171 : i32 to vector<16xi32>
      %min3A_173 = arith.minsi %add3A_170, %min3A_172 : vector<16xi32>
      %sub3A_174 = arith.constant 1 : i32
      %sub3A_175 = vector.broadcast %sub3A_174 : i32 to vector<16xi32>
      %sub3A_176 = arith.subi %min3A_173, %sub3A_175 : vector<16xi32>
      %gather3A_177 = tpu.vector_load_idx %arg5[%sub3A_176] : memref<100000xf32, #tpu.memory_space<vmem>>[vector<16xi32>], vector<16xf32>,
      %le3A_178 = arith.constant 100000 : i32
      %le3A_179 = vector.broadcast %le3A_178 : i32 to vector<16xi32>
      %le3A_180 = arith.cmpi sle, %add3A_170, %le3A_179 : vector<16xi32>
      %lt3A_181 = arith.cmpf olt, %gather3A_177, %get3A_92 : vector<16xf32>
      %and3A_182 = arith.andi %le3A_180, %lt3A_181 : vector<16xi1>
      %select_n3A_183 = arith.select %and3A_182, %add3A_170, %select_n3A_167 : vector<16xi1>, vector<16xi32>
      %add3A_184 = arith.constant 1024 : i32
      %add3A_185 = vector.broadcast %add3A_184 : i32 to vector<16xi32>
      %add3A_186 = arith.addi %select_n3A_183, %add3A_185 : vector<16xi32>
      %min3A_187 = arith.constant 100000 : i32
      %min3A_188 = vector.broadcast %min3A_187 : i32 to vector<16xi32>
      %min3A_189 = arith.minsi %add3A_186, %min3A_188 : vector<16xi32>
      %sub3A_190 = arith.constant 1 : i32
      %sub3A_191 = vector.broadcast %sub3A_190 : i32 to vector<16xi32>
      %sub3A_192 = arith.subi %min3A_189, %sub3A_191 : vector<16xi32>
      %gather3A_193 = tpu.vector_load_idx %arg5[%sub3A_192] : memref<100000xf32, #tpu.memory_space<vmem>>[vector<16xi32>], vector<16xf32>,
      %le3A_194 = arith.constant 100000 : i32
      %le3A_195 = vector.broadcast %le3A_194 : i32 to vector<16xi32>
      %le3A_196 = arith.cmpi sle, %add3A_186, %le3A_195 : vector<16xi32>
      %lt3A_197 = arith.cmpf olt, %gather3A_193, %get3A_92 : vector<16xf32>
      %and3A_198 = arith.andi %le3A_196, %lt3A_197 : vector<16xi1>
      %select_n3A_199 = arith.select %and3A_198, %add3A_186, %select_n3A_183 : vector<16xi1>, vector<16xi32>
      %add3A_200 = arith.constant 512 : i32
      %add3A_201 = vector.broadcast %add3A_200 : i32 to vector<16xi32>
      %add3A_202 = arith.addi %select_n3A_199, %add3A_201 : vector<16xi32>
      %min3A_203 = arith.constant 100000 : i32
      %min3A_204 = vector.broadcast %min3A_203 : i32 to vector<16xi32>
      %min3A_205 = arith.minsi %add3A_202, %min3A_204 : vector<16xi32>
      %sub3A_206 = arith.constant 1 : i32
      %sub3A_207 = vector.broadcast %sub3A_206 : i32 to vector<16xi32>
      %sub3A_208 = arith.subi %min3A_205, %sub3A_207 : vector<16xi32>
      %gather3A_209 = tpu.vector_load_idx %arg5[%sub3A_208] : memref<100000xf32, #tpu.memory_space<vmem>>[vector<16xi32>], vector<16xf32>,
      %le3A_210 = arith.constant 100000 : i32
      %le3A_211 = vector.broadcast %le3A_210 : i32 to vector<16xi32>
      %le3A_212 = arith.cmpi sle, %add3A_202, %le3A_211 : vector<16xi32>
      %lt3A_213 = arith.cmpf olt, %gather3A_209, %get3A_92 : vector<16xf32>
      %and3A_214 = arith.andi %le3A_212, %lt3A_213 : vector<16xi1>
      %select_n3A_215 = arith.select %and3A_214, %add3A_202, %select_n3A_199 : vector<16xi1>, vector<16xi32>
      %add3A_216 = arith.constant 256 : i32
      %add3A_217 = vector.broadcast %add3A_216 : i32 to vector<16xi32>
      %add3A_218 = arith.addi %select_n3A_215, %add3A_217 : vector<16xi32>
      %min3A_219 = arith.constant 100000 : i32
      %min3A_220 = vector.broadcast %min3A_219 : i32 to vector<16xi32>
      %min3A_221 = arith.minsi %add3A_218, %min3A_220 : vector<16xi32>
      %sub3A_222 = arith.constant 1 : i32
      %sub3A_223 = vector.broadcast %sub3A_222 : i32 to vector<16xi32>
      %sub3A_224 = arith.subi %min3A_221, %sub3A_223 : vector<16xi32>
      %gather3A_225 = tpu.vector_load_idx %arg5[%sub3A_224] : memref<100000xf32, #tpu.memory_space<vmem>>[vector<16xi32>], vector<16xf32>,
      %le3A_226 = arith.constant 100000 : i32
      %le3A_227 = vector.broadcast %le3A_226 : i32 to vector<16xi32>
      %le3A_228 = arith.cmpi sle, %add3A_218, %le3A_227 : vector<16xi32>
      %lt3A_229 = arith.cmpf olt, %gather3A_225, %get3A_92 : vector<16xf32>
      %and3A_230 = arith.andi %le3A_228, %lt3A_229 : vector<16xi1>
      %select_n3A_231 = arith.select %and3A_230, %add3A_218, %select_n3A_215 : vector<16xi1>, vector<16xi32>
      %add3A_232 = arith.constant 128 : i32
      %add3A_233 = vector.broadcast %add3A_232 : i32 to vector<16xi32>
      %add3A_234 = arith.addi %select_n3A_231, %add3A_233 : vector<16xi32>
      %min3A_235 = arith.constant 100000 : i32
      %min3A_236 = vector.broadcast %min3A_235 : i32 to vector<16xi32>
      %min3A_237 = arith.minsi %add3A_234, %min3A_236 : vector<16xi32>
      %sub3A_238 = arith.constant 1 : i32
      %sub3A_239 = vector.broadcast %sub3A_238 : i32 to vector<16xi32>
      %sub3A_240 = arith.subi %min3A_237, %sub3A_239 : vector<16xi32>
      %gather3A_241 = tpu.vector_load_idx %arg5[%sub3A_240] : memref<100000xf32, #tpu.memory_space<vmem>>[vector<16xi32>], vector<16xf32>,
      %le3A_242 = arith.constant 100000 : i32
      %le3A_243 = vector.broadcast %le3A_242 : i32 to vector<16xi32>
      %le3A_244 = arith.cmpi sle, %add3A_234, %le3A_243 : vector<16xi32>
      %lt3A_245 = arith.cmpf olt, %gather3A_241, %get3A_92 : vector<16xf32>
      %and3A_246 = arith.andi %le3A_244, %lt3A_245 : vector<16xi1>
      %select_n3A_247 = arith.select %and3A_246, %add3A_234, %select_n3A_231 : vector<16xi1>, vector<16xi32>
      %add3A_248 = arith.constant 64 : i32
      %add3A_249 = vector.broadcast %add3A_248 : i32 to vector<16xi32>
      %add3A_250 = arith.addi %select_n3A_247, %add3A_249 : vector<16xi32>
      %min3A_251 = arith.constant 100000 : i32
      %min3A_252 = vector.broadcast %min3A_251 : i32 to vector<16xi32>
      %min3A_253 = arith.minsi %add3A_250, %min3A_252 : vector<16xi32>
      %sub3A_254 = arith.constant 1 : i32
      %sub3A_255 = vector.broadcast %sub3A_254 : i32 to vector<16xi32>
      %sub3A_256 = arith.subi %min3A_253, %sub3A_255 : vector<16xi32>
      %gather3A_257 = tpu.vector_load_idx %arg5[%sub3A_256] : memref<100000xf32, #tpu.memory_space<vmem>>[vector<16xi32>], vector<16xf32>,
      %le3A_258 = arith.constant 100000 : i32
      %le3A_259 = vector.broadcast %le3A_258 : i32 to vector<16xi32>
      %le3A_260 = arith.cmpi sle, %add3A_250, %le3A_259 : vector<16xi32>
      %lt3A_261 = arith.cmpf olt, %gather3A_257, %get3A_92 : vector<16xf32>
      %and3A_262 = arith.andi %le3A_260, %lt3A_261 : vector<16xi1>
      %select_n3A_263 = arith.select %and3A_262, %add3A_250, %select_n3A_247 : vector<16xi1>, vector<16xi32>
      %add3A_264 = arith.constant 32 : i32
      %add3A_265 = vector.broadcast %add3A_264 : i32 to vector<16xi32>
      %add3A_266 = arith.addi %select_n3A_263, %add3A_265 : vector<16xi32>
      %min3A_267 = arith.constant 100000 : i32
      %min3A_268 = vector.broadcast %min3A_267 : i32 to vector<16xi32>
      %min3A_269 = arith.minsi %add3A_266, %min3A_268 : vector<16xi32>
      %sub3A_270 = arith.constant 1 : i32
      %sub3A_271 = vector.broadcast %sub3A_270 : i32 to vector<16xi32>
      %sub3A_272 = arith.subi %min3A_269, %sub3A_271 : vector<16xi32>
      %gather3A_273 = tpu.vector_load_idx %arg5[%sub3A_272] : memref<100000xf32, #tpu.memory_space<vmem>>[vector<16xi32>], vector<16xf32>,
      %le3A_274 = arith.constant 100000 : i32
      %le3A_275 = vector.broadcast %le3A_274 : i32 to vector<16xi32>
      %le3A_276 = arith.cmpi sle, %add3A_266, %le3A_275 : vector<16xi32>
      %lt3A_277 = arith.cmpf olt, %gather3A_273, %get3A_92 : vector<16xf32>
      %and3A_278 = arith.andi %le3A_276, %lt3A_277 : vector<16xi1>
      %select_n3A_279 = arith.select %and3A_278, %add3A_266, %select_n3A_263 : vector<16xi1>, vector<16xi32>
      %add3A_280 = arith.constant 16 : i32
      %add3A_281 = vector.broadcast %add3A_280 : i32 to vector<16xi32>
      %add3A_282 = arith.addi %select_n3A_279, %add3A_281 : vector<16xi32>
      %min3A_283 = arith.constant 100000 : i32
      %min3A_284 = vector.broadcast %min3A_283 : i32 to vector<16xi32>
      %min3A_285 = arith.minsi %add3A_282, %min3A_284 : vector<16xi32>
      %sub3A_286 = arith.constant 1 : i32
      %sub3A_287 = vector.broadcast %sub3A_286 : i32 to vector<16xi32>
      %sub3A_288 = arith.subi %min3A_285, %sub3A_287 : vector<16xi32>
      %gather3A_289 = tpu.vector_load_idx %arg5[%sub3A_288] : memref<100000xf32, #tpu.memory_space<vmem>>[vector<16xi32>], vector<16xf32>,
      %le3A_290 = arith.constant 100000 : i32
      %le3A_291 = vector.broadcast %le3A_290 : i32 to vector<16xi32>
      %le3A_292 = arith.cmpi sle, %add3A_282, %le3A_291 : vector<16xi32>
      %lt3A_293 = arith.cmpf olt, %gather3A_289, %get3A_92 : vector<16xf32>
      %and3A_294 = arith.andi %le3A_292, %lt3A_293 : vector<16xi1>
      %select_n3A_295 = arith.select %and3A_294, %add3A_282, %select_n3A_279 : vector<16xi1>, vector<16xi32>
      %add3A_296 = arith.constant 8 : i32
      %add3A_297 = vector.broadcast %add3A_296 : i32 to vector<16xi32>
      %add3A_298 = arith.addi %select_n3A_295, %add3A_297 : vector<16xi32>
      %min3A_299 = arith.constant 100000 : i32
      %min3A_300 = vector.broadcast %min3A_299 : i32 to vector<16xi32>
      %min3A_301 = arith.minsi %add3A_298, %min3A_300 : vector<16xi32>
      %sub3A_302 = arith.constant 1 : i32
      %sub3A_303 = vector.broadcast %sub3A_302 : i32 to vector<16xi32>
      %sub3A_304 = arith.subi %min3A_301, %sub3A_303 : vector<16xi32>
      %gather3A_305 = tpu.vector_load_idx %arg5[%sub3A_304] : memref<100000xf32, #tpu.memory_space<vmem>>[vector<16xi32>], vector<16xf32>,
      %le3A_306 = arith.constant 100000 : i32
      %le3A_307 = vector.broadcast %le3A_306 : i32 to vector<16xi32>
      %le3A_308 = arith.cmpi sle, %add3A_298, %le3A_307 : vector<16xi32>
      %lt3A_309 = arith.cmpf olt, %gather3A_305, %get3A_92 : vector<16xf32>
      %and3A_310 = arith.andi %le3A_308, %lt3A_309 : vector<16xi1>
      %select_n3A_311 = arith.select %and3A_310, %add3A_298, %select_n3A_295 : vector<16xi1>, vector<16xi32>
      %add3A_312 = arith.constant 4 : i32
      %add3A_313 = vector.broadcast %add3A_312 : i32 to vector<16xi32>
      %add3A_314 = arith.addi %select_n3A_311, %add3A_313 : vector<16xi32>
      %min3A_315 = arith.constant 100000 : i32
      %min3A_316 = vector.broadcast %min3A_315 : i32 to vector<16xi32>
      %min3A_317 = arith.minsi %add3A_314, %min3A_316 : vector<16xi32>
      %sub3A_318 = arith.constant 1 : i32
      %sub3A_319 = vector.broadcast %sub3A_318 : i32 to vector<16xi32>
      %sub3A_320 = arith.subi %min3A_317, %sub3A_319 : vector<16xi32>
      %gather3A_321 = tpu.vector_load_idx %arg5[%sub3A_320] : memref<100000xf32, #tpu.memory_space<vmem>>[vector<16xi32>], vector<16xf32>,
      %le3A_322 = arith.constant 100000 : i32
      %le3A_323 = vector.broadcast %le3A_322 : i32 to vector<16xi32>
      %le3A_324 = arith.cmpi sle, %add3A_314, %le3A_323 : vector<16xi32>
      %lt3A_325 = arith.cmpf olt, %gather3A_321, %get3A_92 : vector<16xf32>
      %and3A_326 = arith.andi %le3A_324, %lt3A_325 : vector<16xi1>
      %select_n3A_327 = arith.select %and3A_326, %add3A_314, %select_n3A_311 : vector<16xi1>, vector<16xi32>
      %add3A_328 = arith.constant 2 : i32
      %add3A_329 = vector.broadcast %add3A_328 : i32 to vector<16xi32>
      %add3A_330 = arith.addi %select_n3A_327, %add3A_329 : vector<16xi32>
      %min3A_331 = arith.constant 100000 : i32
      %min3A_332 = vector.broadcast %min3A_331 : i32 to vector<16xi32>
      %min3A_333 = arith.minsi %add3A_330, %min3A_332 : vector<16xi32>
      %sub3A_334 = arith.constant 1 : i32
      %sub3A_335 = vector.broadcast %sub3A_334 : i32 to vector<16xi32>
      %sub3A_336 = arith.subi %min3A_333, %sub3A_335 : vector<16xi32>
      %gather3A_337 = tpu.vector_load_idx %arg5[%sub3A_336] : memref<100000xf32, #tpu.memory_space<vmem>>[vector<16xi32>], vector<16xf32>,
      %le3A_338 = arith.constant 100000 : i32
      %le3A_339 = vector.broadcast %le3A_338 : i32 to vector<16xi32>
      %le3A_340 = arith.cmpi sle, %add3A_330, %le3A_339 : vector<16xi32>
      %lt3A_341 = arith.cmpf olt, %gather3A_337, %get3A_92 : vector<16xf32>
      %and3A_342 = arith.andi %le3A_340, %lt3A_341 : vector<16xi1>
      %select_n3A_343 = arith.select %and3A_342, %add3A_330, %select_n3A_327 : vector<16xi1>, vector<16xi32>
      %add3A_344 = arith.constant 1 : i32
      %add3A_345 = vector.broadcast %add3A_344 : i32 to vector<16xi32>
      %add3A_346 = arith.addi %select_n3A_343, %add3A_345 : vector<16xi32>
      %min3A_347 = arith.constant 100000 : i32
      %min3A_348 = vector.broadcast %min3A_347 : i32 to vector<16xi32>
      %min3A_349 = arith.minsi %add3A_346, %min3A_348 : vector<16xi32>
      %sub3A_350 = arith.constant 1 : i32
      %sub3A_351 = vector.broadcast %sub3A_350 : i32 to vector<16xi32>
      %sub3A_352 = arith.subi %min3A_349, %sub3A_351 : vector<16xi32>
      %gather3A_353 = tpu.vector_load_idx %arg5[%sub3A_352] : memref<100000xf32, #tpu.memory_space<vmem>>[vector<16xi32>], vector<16xf32>,
      %le3A_354 = arith.constant 100000 : i32
      %le3A_355 = vector.broadcast %le3A_354 : i32 to vector<16xi32>
      %le3A_356 = arith.cmpi sle, %add3A_346, %le3A_355 : vector<16xi32>
      %lt3A_357 = arith.cmpf olt, %gather3A_353, %get3A_92 : vector<16xf32>
      %and3A_358 = arith.andi %le3A_356, %lt3A_357 : vector<16xi1>
      %select_n3A_359 = arith.select %and3A_358, %add3A_346, %select_n3A_343 : vector<16xi1>, vector<16xi32>
      %min3A_360 = arith.constant 99999 : i32
      %min3A_361 = vector.broadcast %min3A_360 : i32 to vector<16xi32>
      %min3A_362 = arith.minsi %select_n3A_359, %min3A_361 : vector<16xi32>
      %mul3A_363 = arith.constant 16 : i32
      %mul3A_364 = arith.muli %scan3A_89, %mul3A_363 : i32
      %swap3A = arith.index_cast %mul3A_364 : i32 to index
      %swap3A_365 = tpu.vector_load %arg7[%swap3A] {strides = array<i32>} : memref<512xi32, #tpu.memory_space<vmem>>, vector<16xi32>,
      tpu.vector_store %arg7[%swap3A], %min3A_362 {strides = array<i32>} : memref<512xi32, #tpu.memory_space<vmem>>, vector<16xi32>,
    }
    %scan3A_32 = arith.constant 32 : i32
    %scan3A_33 = arith.constant 0 : i32
    %scan3A_34 = arith.constant 0 : i32
    %scan3A_35 = arith.constant 6250 : i32
    %scan3A_36 = arith.addi %scan3A_34, %scan3A_35 : i32
    %scan3A_37 = arith.constant 1 : i32
    scf.for %scan3A_89 = %scan3A_34 to %scan3A_36 step %scan3A_37  : i32 {
      %broadcast_in_dim3A_90 = arith.constant 0.000000e+00 : f32
      %broadcast_in_dim3A_91 = vector.broadcast %broadcast_in_dim3A_90 : f32 to vector<16xf32>
      %mul3A_92 = arith.constant 16 : i32
      %mul3A_93 = arith.muli %scan3A_89, %mul3A_92 : i32
      %swap3A = arith.index_cast %mul3A_93 : i32 to index
      %swap3A_94 = tpu.vector_load %arg5[%swap3A] {strides = array<i32>} : memref<100000xf32, #tpu.memory_space<vmem>>, vector<16xf32>,
      tpu.vector_store %arg5[%swap3A], %broadcast_in_dim3A_91 {strides = array<i32>} : memref<100000xf32, #tpu.memory_space<vmem>>, vector<16xf32>,
    }
    %scan3A_38 = arith.constant 6250 : i32
    %scan3A_39 = arith.constant 0 : i32
    %scan3A_40 = arith.constant 0 : i32
    %scan3A_41 = arith.constant 32 : i32
    %scan3A_42 = arith.addi %scan3A_40, %scan3A_41 : i32
    %scan3A_43 = arith.constant 1 : i32
    scf.for %scan3A_89 = %scan3A_40 to %scan3A_42 step %scan3A_43  : i32 {
      %mul3A_90 = arith.constant 16 : i32
      %mul3A_91 = arith.muli %scan3A_89, %mul3A_90 : i32
      %get3A = arith.index_cast %mul3A_91 : i32 to index
      %get3A_92 = tpu.vector_load %arg7[%get3A] {strides = array<i32>} : memref<512xi32, #tpu.memory_space<vmem>>, vector<16xi32>,
      %mul3A_93 = arith.constant 16 : i32
      %mul3A_94 = arith.muli %scan3A_89, %mul3A_93 : i32
      %add3A_95 = vector.broadcast %mul3A_94 : i32 to vector<16xi32>
      %add3A_96 = arith.addi %add3A_95, %iota3A : vector<16xi32>
      %lt3A = arith.constant 500 : i32
      %lt3A_97 = vector.broadcast %lt3A : i32 to vector<16xi32>
      %lt3A_98 = arith.cmpi slt, %add3A_96, %lt3A_97 : vector<16xi32>
      tpu.vector_store_idx %arg5[%get3A_92], %broadcast_in_dim3A_1 masked %lt3A_98 {add = true} : memref<100000xf32, #tpu.memory_space<vmem>>[vector<16xi32>], vector<16xf32>, vector<16xi1>
    }
    %scan3A_44 = arith.constant 32 : i32
    "tpu.region"() ({
      %run_scoped3A = tpu.sem_alloc : memref<!tpu.dma_semaphore, #tpu.memory_space<semaphore_mem>>
      %dma_start3A = arith.constant 0 : i32
      %dma_start3A_89 = tpu.memref_slice %arg4[%add3A_26, %dma_start3A] : memref<128x100000xf32, #tpu.memory_space<hbm>> -> memref<1x100000xf32, #tpu.memory_space<hbm>>
      %dma_start3A_90 = tpu.memref_squeeze %dma_start3A_89 : memref<1x100000xf32, #tpu.memory_space<hbm>> -> memref<100000xf32, #tpu.memory_space<hbm>>
      %dma_start3A_91 = arith.constant 0 : i32
      %dma_start3A_92 = tpu.memref_slice %arg4[%add3A_26, %dma_start3A_91] : memref<128x100000xf32, #tpu.memory_space<hbm>> -> memref<1x100000xf32, #tpu.memory_space<hbm>>
      %dma_start3A_93 = tpu.memref_squeeze %dma_start3A_92 : memref<1x100000xf32, #tpu.memory_space<hbm>> -> memref<100000xf32, #tpu.memory_space<hbm>>
      tpu.enqueue_dma source(%arg5 : memref<100000xf32, #tpu.memory_space<vmem>>) target(%dma_start3A_93 : memref<100000xf32, #tpu.memory_space<hbm>>) target_semaphore(%run_scoped3A : memref<!tpu.dma_semaphore, #tpu.memory_space<semaphore_mem>>)
      %dma_wait3A = arith.constant 0 : i32
      %dma_wait3A_94 = tpu.memref_slice %arg4[%add3A_26, %dma_wait3A] : memref<128x100000xf32, #tpu.memory_space<hbm>> -> memref<1x100000xf32, #tpu.memory_space<hbm>>
      %dma_wait3A_95 = tpu.memref_squeeze %dma_wait3A_94 : memref<1x100000xf32, #tpu.memory_space<hbm>> -> memref<100000xf32, #tpu.memory_space<hbm>>
      %dma_wait3A_96 = arith.constant 0 : i32
      %dma_wait3A_97 = tpu.memref_slice %arg4[%add3A_26, %dma_wait3A_96] : memref<128x100000xf32, #tpu.memory_space<hbm>> -> memref<1x100000xf32, #tpu.memory_space<hbm>>
      %dma_wait3A_98 = tpu.memref_squeeze %dma_wait3A_97 : memref<1x100000xf32, #tpu.memory_space<hbm>> -> memref<100000xf32, #tpu.memory_space<hbm>>
      tpu.wait_dma2 semaphore(%run_scoped3A : memref<!tpu.dma_semaphore, #tpu.memory_space<semaphore_mem>>) src(%arg5 : memref<100000xf32, #tpu.memory_space<vmem>>) dst(%dma_wait3A_98 : memref<100000xf32, #tpu.memory_space<hbm>>)
      tpu.yield
    }) : () -> ()
    %mul3A_45 = arith.constant 4 : i32
    %mul3A_46 = arith.muli %add3A, %mul3A_45 : i32
    %add3A_47 = arith.constant 2 : i32
    %add3A_48 = arith.addi %mul3A_46, %add3A_47 : i32
    "tpu.region"() ({
      %run_scoped3A = tpu.sem_alloc : memref<!tpu.dma_semaphore, #tpu.memory_space<semaphore_mem>>
      %dma_start3A = arith.constant 0 : i32
      %dma_start3A_89 = tpu.memref_slice %arg2[%add3A_48, %dma_start3A] : memref<128x100000xf32, #tpu.memory_space<hbm>> -> memref<1x100000xf32, #tpu.memory_space<hbm>>
      %dma_start3A_90 = tpu.memref_squeeze %dma_start3A_89 : memref<1x100000xf32, #tpu.memory_space<hbm>> -> memref<100000xf32, #tpu.memory_space<hbm>>
      %dma_start3A_91 = arith.constant 0 : i32
      %dma_start3A_92 = tpu.memref_slice %arg2[%add3A_48, %dma_start3A_91] : memref<128x100000xf32, #tpu.memory_space<hbm>> -> memref<1x100000xf32, #tpu.memory_space<hbm>>
      %dma_start3A_93 = tpu.memref_squeeze %dma_start3A_92 : memref<1x100000xf32, #tpu.memory_space<hbm>> -> memref<100000xf32, #tpu.memory_space<hbm>>
      tpu.enqueue_dma source(%dma_start3A_93 : memref<100000xf32, #tpu.memory_space<hbm>>) target(%arg5 : memref<100000xf32, #tpu.memory_space<vmem>>) target_semaphore(%run_scoped3A : memref<!tpu.dma_semaphore, #tpu.memory_space<semaphore_mem>>)
      %dma_wait3A = arith.constant 0 : i32
      %dma_wait3A_94 = tpu.memref_slice %arg2[%add3A_48, %dma_wait3A] : memref<128x100000xf32, #tpu.memory_space<hbm>> -> memref<1x100000xf32, #tpu.memory_space<hbm>>
      %dma_wait3A_95 = tpu.memref_squeeze %dma_wait3A_94 : memref<1x100000xf32, #tpu.memory_space<hbm>> -> memref<100000xf32, #tpu.memory_space<hbm>>
      %dma_wait3A_96 = arith.constant 0 : i32
      %dma_wait3A_97 = tpu.memref_slice %arg2[%add3A_48, %dma_wait3A_96] : memref<128x100000xf32, #tpu.memory_space<hbm>> -> memref<1x100000xf32, #tpu.memory_space<hbm>>
      %dma_wait3A_98 = tpu.memref_squeeze %dma_wait3A_97 : memref<1x100000xf32, #tpu.memory_space<hbm>> -> memref<100000xf32, #tpu.memory_space<hbm>>
      tpu.wait_dma2 semaphore(%run_scoped3A : memref<!tpu.dma_semaphore, #tpu.memory_space<semaphore_mem>>) src(%dma_wait3A_98 : memref<100000xf32, #tpu.memory_space<hbm>>) dst(%arg5 : memref<100000xf32, #tpu.memory_space<vmem>>)
      tpu.yield
    }) : () -> ()
    "tpu.region"() ({
      %run_scoped3A = tpu.sem_alloc : memref<!tpu.dma_semaphore, #tpu.memory_space<semaphore_mem>>
      %dma_start3A = arith.constant 0 : i32
      %dma_start3A_89 = tpu.memref_slice %arg3[%add3A_48, %dma_start3A] : memref<128x512xf32, #tpu.memory_space<hbm>> -> memref<1x512xf32, #tpu.memory_space<hbm>>
      %dma_start3A_90 = tpu.memref_squeeze %dma_start3A_89 : memref<1x512xf32, #tpu.memory_space<hbm>> -> memref<512xf32, #tpu.memory_space<hbm>>
      %dma_start3A_91 = arith.constant 0 : i32
      %dma_start3A_92 = tpu.memref_slice %arg3[%add3A_48, %dma_start3A_91] : memref<128x512xf32, #tpu.memory_space<hbm>> -> memref<1x512xf32, #tpu.memory_space<hbm>>
      %dma_start3A_93 = tpu.memref_squeeze %dma_start3A_92 : memref<1x512xf32, #tpu.memory_space<hbm>> -> memref<512xf32, #tpu.memory_space<hbm>>
      tpu.enqueue_dma source(%dma_start3A_93 : memref<512xf32, #tpu.memory_space<hbm>>) target(%arg6 : memref<512xf32, #tpu.memory_space<vmem>>) target_semaphore(%run_scoped3A : memref<!tpu.dma_semaphore, #tpu.memory_space<semaphore_mem>>)
      %dma_wait3A = arith.constant 0 : i32
      %dma_wait3A_94 = tpu.memref_slice %arg3[%add3A_48, %dma_wait3A] : memref<128x512xf32, #tpu.memory_space<hbm>> -> memref<1x512xf32, #tpu.memory_space<hbm>>
      %dma_wait3A_95 = tpu.memref_squeeze %dma_wait3A_94 : memref<1x512xf32, #tpu.memory_space<hbm>> -> memref<512xf32, #tpu.memory_space<hbm>>
      %dma_wait3A_96 = arith.constant 0 : i32
      %dma_wait3A_97 = tpu.memref_slice %arg3[%add3A_48, %dma_wait3A_96] : memref<128x512xf32, #tpu.memory_space<hbm>> -> memref<1x512xf32, #tpu.memory_space<hbm>>
      %dma_wait3A_98 = tpu.memref_squeeze %dma_wait3A_97 : memref<1x512xf32, #tpu.memory_space<hbm>> -> memref<512xf32, #tpu.memory_space<hbm>>
      tpu.wait_dma2 semaphore(%run_scoped3A : memref<!tpu.dma_semaphore, #tpu.memory_space<semaphore_mem>>) src(%dma_wait3A_98 : memref<512xf32, #tpu.memory_space<hbm>>) dst(%arg6 : memref<512xf32, #tpu.memory_space<vmem>>)
      tpu.yield
    }) : () -> ()
    %scan3A_49 = arith.constant 0 : i32
    %scan3A_50 = arith.constant 0 : i32
    %scan3A_51 = arith.constant 32 : i32
    %scan3A_52 = arith.addi %scan3A_50, %scan3A_51 : i32
    %scan3A_53 = arith.constant 1 : i32
    scf.for %scan3A_89 = %scan3A_50 to %scan3A_52 step %scan3A_53  : i32 {
      %mul3A_90 = arith.constant 16 : i32
      %mul3A_91 = arith.muli %scan3A_89, %mul3A_90 : i32
      %get3A = arith.index_cast %mul3A_91 : i32 to index
      %get3A_92 = tpu.vector_load %arg6[%get3A] {strides = array<i32>} : memref<512xf32, #tpu.memory_space<vmem>>, vector<16xf32>,
      %broadcast_in_dim3A_93 = arith.constant 0 : i32
      %broadcast_in_dim3A_94 = vector.broadcast %broadcast_in_dim3A_93 : i32 to vector<16xi32>
      %add3A_95 = arith.constant 65536 : i32
      %add3A_96 = vector.broadcast %add3A_95 : i32 to vector<16xi32>
      %add3A_97 = arith.addi %broadcast_in_dim3A_94, %add3A_96 : vector<16xi32>
      %min3A = arith.constant 100000 : i32
      %min3A_98 = vector.broadcast %min3A : i32 to vector<16xi32>
      %min3A_99 = arith.minsi %add3A_97, %min3A_98 : vector<16xi32>
      %sub3A = arith.constant 1 : i32
      %sub3A_100 = vector.broadcast %sub3A : i32 to vector<16xi32>
      %sub3A_101 = arith.subi %min3A_99, %sub3A_100 : vector<16xi32>
      %gather3A = tpu.vector_load_idx %arg5[%sub3A_101] : memref<100000xf32, #tpu.memory_space<vmem>>[vector<16xi32>], vector<16xf32>,
      %le3A = arith.constant 100000 : i32
      %le3A_102 = vector.broadcast %le3A : i32 to vector<16xi32>
      %le3A_103 = arith.cmpi sle, %add3A_97, %le3A_102 : vector<16xi32>
      %lt3A = arith.cmpf olt, %gather3A, %get3A_92 : vector<16xf32>
      %and3A = arith.andi %le3A_103, %lt3A : vector<16xi1>
      %select_n3A = arith.select %and3A, %add3A_97, %broadcast_in_dim3A_94 : vector<16xi1>, vector<16xi32>
      %add3A_104 = arith.constant 32768 : i32
      %add3A_105 = vector.broadcast %add3A_104 : i32 to vector<16xi32>
      %add3A_106 = arith.addi %select_n3A, %add3A_105 : vector<16xi32>
      %min3A_107 = arith.constant 100000 : i32
      %min3A_108 = vector.broadcast %min3A_107 : i32 to vector<16xi32>
      %min3A_109 = arith.minsi %add3A_106, %min3A_108 : vector<16xi32>
      %sub3A_110 = arith.constant 1 : i32
      %sub3A_111 = vector.broadcast %sub3A_110 : i32 to vector<16xi32>
      %sub3A_112 = arith.subi %min3A_109, %sub3A_111 : vector<16xi32>
      %gather3A_113 = tpu.vector_load_idx %arg5[%sub3A_112] : memref<100000xf32, #tpu.memory_space<vmem>>[vector<16xi32>], vector<16xf32>,
      %le3A_114 = arith.constant 100000 : i32
      %le3A_115 = vector.broadcast %le3A_114 : i32 to vector<16xi32>
      %le3A_116 = arith.cmpi sle, %add3A_106, %le3A_115 : vector<16xi32>
      %lt3A_117 = arith.cmpf olt, %gather3A_113, %get3A_92 : vector<16xf32>
      %and3A_118 = arith.andi %le3A_116, %lt3A_117 : vector<16xi1>
      %select_n3A_119 = arith.select %and3A_118, %add3A_106, %select_n3A : vector<16xi1>, vector<16xi32>
      %add3A_120 = arith.constant 16384 : i32
      %add3A_121 = vector.broadcast %add3A_120 : i32 to vector<16xi32>
      %add3A_122 = arith.addi %select_n3A_119, %add3A_121 : vector<16xi32>
      %min3A_123 = arith.constant 100000 : i32
      %min3A_124 = vector.broadcast %min3A_123 : i32 to vector<16xi32>
      %min3A_125 = arith.minsi %add3A_122, %min3A_124 : vector<16xi32>
      %sub3A_126 = arith.constant 1 : i32
      %sub3A_127 = vector.broadcast %sub3A_126 : i32 to vector<16xi32>
      %sub3A_128 = arith.subi %min3A_125, %sub3A_127 : vector<16xi32>
      %gather3A_129 = tpu.vector_load_idx %arg5[%sub3A_128] : memref<100000xf32, #tpu.memory_space<vmem>>[vector<16xi32>], vector<16xf32>,
      %le3A_130 = arith.constant 100000 : i32
      %le3A_131 = vector.broadcast %le3A_130 : i32 to vector<16xi32>
      %le3A_132 = arith.cmpi sle, %add3A_122, %le3A_131 : vector<16xi32>
      %lt3A_133 = arith.cmpf olt, %gather3A_129, %get3A_92 : vector<16xf32>
      %and3A_134 = arith.andi %le3A_132, %lt3A_133 : vector<16xi1>
      %select_n3A_135 = arith.select %and3A_134, %add3A_122, %select_n3A_119 : vector<16xi1>, vector<16xi32>
      %add3A_136 = arith.constant 8192 : i32
      %add3A_137 = vector.broadcast %add3A_136 : i32 to vector<16xi32>
      %add3A_138 = arith.addi %select_n3A_135, %add3A_137 : vector<16xi32>
      %min3A_139 = arith.constant 100000 : i32
      %min3A_140 = vector.broadcast %min3A_139 : i32 to vector<16xi32>
      %min3A_141 = arith.minsi %add3A_138, %min3A_140 : vector<16xi32>
      %sub3A_142 = arith.constant 1 : i32
      %sub3A_143 = vector.broadcast %sub3A_142 : i32 to vector<16xi32>
      %sub3A_144 = arith.subi %min3A_141, %sub3A_143 : vector<16xi32>
      %gather3A_145 = tpu.vector_load_idx %arg5[%sub3A_144] : memref<100000xf32, #tpu.memory_space<vmem>>[vector<16xi32>], vector<16xf32>,
      %le3A_146 = arith.constant 100000 : i32
      %le3A_147 = vector.broadcast %le3A_146 : i32 to vector<16xi32>
      %le3A_148 = arith.cmpi sle, %add3A_138, %le3A_147 : vector<16xi32>
      %lt3A_149 = arith.cmpf olt, %gather3A_145, %get3A_92 : vector<16xf32>
      %and3A_150 = arith.andi %le3A_148, %lt3A_149 : vector<16xi1>
      %select_n3A_151 = arith.select %and3A_150, %add3A_138, %select_n3A_135 : vector<16xi1>, vector<16xi32>
      %add3A_152 = arith.constant 4096 : i32
      %add3A_153 = vector.broadcast %add3A_152 : i32 to vector<16xi32>
      %add3A_154 = arith.addi %select_n3A_151, %add3A_153 : vector<16xi32>
      %min3A_155 = arith.constant 100000 : i32
      %min3A_156 = vector.broadcast %min3A_155 : i32 to vector<16xi32>
      %min3A_157 = arith.minsi %add3A_154, %min3A_156 : vector<16xi32>
      %sub3A_158 = arith.constant 1 : i32
      %sub3A_159 = vector.broadcast %sub3A_158 : i32 to vector<16xi32>
      %sub3A_160 = arith.subi %min3A_157, %sub3A_159 : vector<16xi32>
      %gather3A_161 = tpu.vector_load_idx %arg5[%sub3A_160] : memref<100000xf32, #tpu.memory_space<vmem>>[vector<16xi32>], vector<16xf32>,
      %le3A_162 = arith.constant 100000 : i32
      %le3A_163 = vector.broadcast %le3A_162 : i32 to vector<16xi32>
      %le3A_164 = arith.cmpi sle, %add3A_154, %le3A_163 : vector<16xi32>
      %lt3A_165 = arith.cmpf olt, %gather3A_161, %get3A_92 : vector<16xf32>
      %and3A_166 = arith.andi %le3A_164, %lt3A_165 : vector<16xi1>
      %select_n3A_167 = arith.select %and3A_166, %add3A_154, %select_n3A_151 : vector<16xi1>, vector<16xi32>
      %add3A_168 = arith.constant 2048 : i32
      %add3A_169 = vector.broadcast %add3A_168 : i32 to vector<16xi32>
      %add3A_170 = arith.addi %select_n3A_167, %add3A_169 : vector<16xi32>
      %min3A_171 = arith.constant 100000 : i32
      %min3A_172 = vector.broadcast %min3A_171 : i32 to vector<16xi32>
      %min3A_173 = arith.minsi %add3A_170, %min3A_172 : vector<16xi32>
      %sub3A_174 = arith.constant 1 : i32
      %sub3A_175 = vector.broadcast %sub3A_174 : i32 to vector<16xi32>
      %sub3A_176 = arith.subi %min3A_173, %sub3A_175 : vector<16xi32>
      %gather3A_177 = tpu.vector_load_idx %arg5[%sub3A_176] : memref<100000xf32, #tpu.memory_space<vmem>>[vector<16xi32>], vector<16xf32>,
      %le3A_178 = arith.constant 100000 : i32
      %le3A_179 = vector.broadcast %le3A_178 : i32 to vector<16xi32>
      %le3A_180 = arith.cmpi sle, %add3A_170, %le3A_179 : vector<16xi32>
      %lt3A_181 = arith.cmpf olt, %gather3A_177, %get3A_92 : vector<16xf32>
      %and3A_182 = arith.andi %le3A_180, %lt3A_181 : vector<16xi1>
      %select_n3A_183 = arith.select %and3A_182, %add3A_170, %select_n3A_167 : vector<16xi1>, vector<16xi32>
      %add3A_184 = arith.constant 1024 : i32
      %add3A_185 = vector.broadcast %add3A_184 : i32 to vector<16xi32>
      %add3A_186 = arith.addi %select_n3A_183, %add3A_185 : vector<16xi32>
      %min3A_187 = arith.constant 100000 : i32
      %min3A_188 = vector.broadcast %min3A_187 : i32 to vector<16xi32>
      %min3A_189 = arith.minsi %add3A_186, %min3A_188 : vector<16xi32>
      %sub3A_190 = arith.constant 1 : i32
      %sub3A_191 = vector.broadcast %sub3A_190 : i32 to vector<16xi32>
      %sub3A_192 = arith.subi %min3A_189, %sub3A_191 : vector<16xi32>
      %gather3A_193 = tpu.vector_load_idx %arg5[%sub3A_192] : memref<100000xf32, #tpu.memory_space<vmem>>[vector<16xi32>], vector<16xf32>,
      %le3A_194 = arith.constant 100000 : i32
      %le3A_195 = vector.broadcast %le3A_194 : i32 to vector<16xi32>
      %le3A_196 = arith.cmpi sle, %add3A_186, %le3A_195 : vector<16xi32>
      %lt3A_197 = arith.cmpf olt, %gather3A_193, %get3A_92 : vector<16xf32>
      %and3A_198 = arith.andi %le3A_196, %lt3A_197 : vector<16xi1>
      %select_n3A_199 = arith.select %and3A_198, %add3A_186, %select_n3A_183 : vector<16xi1>, vector<16xi32>
      %add3A_200 = arith.constant 512 : i32
      %add3A_201 = vector.broadcast %add3A_200 : i32 to vector<16xi32>
      %add3A_202 = arith.addi %select_n3A_199, %add3A_201 : vector<16xi32>
      %min3A_203 = arith.constant 100000 : i32
      %min3A_204 = vector.broadcast %min3A_203 : i32 to vector<16xi32>
      %min3A_205 = arith.minsi %add3A_202, %min3A_204 : vector<16xi32>
      %sub3A_206 = arith.constant 1 : i32
      %sub3A_207 = vector.broadcast %sub3A_206 : i32 to vector<16xi32>
      %sub3A_208 = arith.subi %min3A_205, %sub3A_207 : vector<16xi32>
      %gather3A_209 = tpu.vector_load_idx %arg5[%sub3A_208] : memref<100000xf32, #tpu.memory_space<vmem>>[vector<16xi32>], vector<16xf32>,
      %le3A_210 = arith.constant 100000 : i32
      %le3A_211 = vector.broadcast %le3A_210 : i32 to vector<16xi32>
      %le3A_212 = arith.cmpi sle, %add3A_202, %le3A_211 : vector<16xi32>
      %lt3A_213 = arith.cmpf olt, %gather3A_209, %get3A_92 : vector<16xf32>
      %and3A_214 = arith.andi %le3A_212, %lt3A_213 : vector<16xi1>
      %select_n3A_215 = arith.select %and3A_214, %add3A_202, %select_n3A_199 : vector<16xi1>, vector<16xi32>
      %add3A_216 = arith.constant 256 : i32
      %add3A_217 = vector.broadcast %add3A_216 : i32 to vector<16xi32>
      %add3A_218 = arith.addi %select_n3A_215, %add3A_217 : vector<16xi32>
      %min3A_219 = arith.constant 100000 : i32
      %min3A_220 = vector.broadcast %min3A_219 : i32 to vector<16xi32>
      %min3A_221 = arith.minsi %add3A_218, %min3A_220 : vector<16xi32>
      %sub3A_222 = arith.constant 1 : i32
      %sub3A_223 = vector.broadcast %sub3A_222 : i32 to vector<16xi32>
      %sub3A_224 = arith.subi %min3A_221, %sub3A_223 : vector<16xi32>
      %gather3A_225 = tpu.vector_load_idx %arg5[%sub3A_224] : memref<100000xf32, #tpu.memory_space<vmem>>[vector<16xi32>], vector<16xf32>,
      %le3A_226 = arith.constant 100000 : i32
      %le3A_227 = vector.broadcast %le3A_226 : i32 to vector<16xi32>
      %le3A_228 = arith.cmpi sle, %add3A_218, %le3A_227 : vector<16xi32>
      %lt3A_229 = arith.cmpf olt, %gather3A_225, %get3A_92 : vector<16xf32>
      %and3A_230 = arith.andi %le3A_228, %lt3A_229 : vector<16xi1>
      %select_n3A_231 = arith.select %and3A_230, %add3A_218, %select_n3A_215 : vector<16xi1>, vector<16xi32>
      %add3A_232 = arith.constant 128 : i32
      %add3A_233 = vector.broadcast %add3A_232 : i32 to vector<16xi32>
      %add3A_234 = arith.addi %select_n3A_231, %add3A_233 : vector<16xi32>
      %min3A_235 = arith.constant 100000 : i32
      %min3A_236 = vector.broadcast %min3A_235 : i32 to vector<16xi32>
      %min3A_237 = arith.minsi %add3A_234, %min3A_236 : vector<16xi32>
      %sub3A_238 = arith.constant 1 : i32
      %sub3A_239 = vector.broadcast %sub3A_238 : i32 to vector<16xi32>
      %sub3A_240 = arith.subi %min3A_237, %sub3A_239 : vector<16xi32>
      %gather3A_241 = tpu.vector_load_idx %arg5[%sub3A_240] : memref<100000xf32, #tpu.memory_space<vmem>>[vector<16xi32>], vector<16xf32>,
      %le3A_242 = arith.constant 100000 : i32
      %le3A_243 = vector.broadcast %le3A_242 : i32 to vector<16xi32>
      %le3A_244 = arith.cmpi sle, %add3A_234, %le3A_243 : vector<16xi32>
      %lt3A_245 = arith.cmpf olt, %gather3A_241, %get3A_92 : vector<16xf32>
      %and3A_246 = arith.andi %le3A_244, %lt3A_245 : vector<16xi1>
      %select_n3A_247 = arith.select %and3A_246, %add3A_234, %select_n3A_231 : vector<16xi1>, vector<16xi32>
      %add3A_248 = arith.constant 64 : i32
      %add3A_249 = vector.broadcast %add3A_248 : i32 to vector<16xi32>
      %add3A_250 = arith.addi %select_n3A_247, %add3A_249 : vector<16xi32>
      %min3A_251 = arith.constant 100000 : i32
      %min3A_252 = vector.broadcast %min3A_251 : i32 to vector<16xi32>
      %min3A_253 = arith.minsi %add3A_250, %min3A_252 : vector<16xi32>
      %sub3A_254 = arith.constant 1 : i32
      %sub3A_255 = vector.broadcast %sub3A_254 : i32 to vector<16xi32>
      %sub3A_256 = arith.subi %min3A_253, %sub3A_255 : vector<16xi32>
      %gather3A_257 = tpu.vector_load_idx %arg5[%sub3A_256] : memref<100000xf32, #tpu.memory_space<vmem>>[vector<16xi32>], vector<16xf32>,
      %le3A_258 = arith.constant 100000 : i32
      %le3A_259 = vector.broadcast %le3A_258 : i32 to vector<16xi32>
      %le3A_260 = arith.cmpi sle, %add3A_250, %le3A_259 : vector<16xi32>
      %lt3A_261 = arith.cmpf olt, %gather3A_257, %get3A_92 : vector<16xf32>
      %and3A_262 = arith.andi %le3A_260, %lt3A_261 : vector<16xi1>
      %select_n3A_263 = arith.select %and3A_262, %add3A_250, %select_n3A_247 : vector<16xi1>, vector<16xi32>
      %add3A_264 = arith.constant 32 : i32
      %add3A_265 = vector.broadcast %add3A_264 : i32 to vector<16xi32>
      %add3A_266 = arith.addi %select_n3A_263, %add3A_265 : vector<16xi32>
      %min3A_267 = arith.constant 100000 : i32
      %min3A_268 = vector.broadcast %min3A_267 : i32 to vector<16xi32>
      %min3A_269 = arith.minsi %add3A_266, %min3A_268 : vector<16xi32>
      %sub3A_270 = arith.constant 1 : i32
      %sub3A_271 = vector.broadcast %sub3A_270 : i32 to vector<16xi32>
      %sub3A_272 = arith.subi %min3A_269, %sub3A_271 : vector<16xi32>
      %gather3A_273 = tpu.vector_load_idx %arg5[%sub3A_272] : memref<100000xf32, #tpu.memory_space<vmem>>[vector<16xi32>], vector<16xf32>,
      %le3A_274 = arith.constant 100000 : i32
      %le3A_275 = vector.broadcast %le3A_274 : i32 to vector<16xi32>
      %le3A_276 = arith.cmpi sle, %add3A_266, %le3A_275 : vector<16xi32>
      %lt3A_277 = arith.cmpf olt, %gather3A_273, %get3A_92 : vector<16xf32>
      %and3A_278 = arith.andi %le3A_276, %lt3A_277 : vector<16xi1>
      %select_n3A_279 = arith.select %and3A_278, %add3A_266, %select_n3A_263 : vector<16xi1>, vector<16xi32>
      %add3A_280 = arith.constant 16 : i32
      %add3A_281 = vector.broadcast %add3A_280 : i32 to vector<16xi32>
      %add3A_282 = arith.addi %select_n3A_279, %add3A_281 : vector<16xi32>
      %min3A_283 = arith.constant 100000 : i32
      %min3A_284 = vector.broadcast %min3A_283 : i32 to vector<16xi32>
      %min3A_285 = arith.minsi %add3A_282, %min3A_284 : vector<16xi32>
      %sub3A_286 = arith.constant 1 : i32
      %sub3A_287 = vector.broadcast %sub3A_286 : i32 to vector<16xi32>
      %sub3A_288 = arith.subi %min3A_285, %sub3A_287 : vector<16xi32>
      %gather3A_289 = tpu.vector_load_idx %arg5[%sub3A_288] : memref<100000xf32, #tpu.memory_space<vmem>>[vector<16xi32>], vector<16xf32>,
      %le3A_290 = arith.constant 100000 : i32
      %le3A_291 = vector.broadcast %le3A_290 : i32 to vector<16xi32>
      %le3A_292 = arith.cmpi sle, %add3A_282, %le3A_291 : vector<16xi32>
      %lt3A_293 = arith.cmpf olt, %gather3A_289, %get3A_92 : vector<16xf32>
      %and3A_294 = arith.andi %le3A_292, %lt3A_293 : vector<16xi1>
      %select_n3A_295 = arith.select %and3A_294, %add3A_282, %select_n3A_279 : vector<16xi1>, vector<16xi32>
      %add3A_296 = arith.constant 8 : i32
      %add3A_297 = vector.broadcast %add3A_296 : i32 to vector<16xi32>
      %add3A_298 = arith.addi %select_n3A_295, %add3A_297 : vector<16xi32>
      %min3A_299 = arith.constant 100000 : i32
      %min3A_300 = vector.broadcast %min3A_299 : i32 to vector<16xi32>
      %min3A_301 = arith.minsi %add3A_298, %min3A_300 : vector<16xi32>
      %sub3A_302 = arith.constant 1 : i32
      %sub3A_303 = vector.broadcast %sub3A_302 : i32 to vector<16xi32>
      %sub3A_304 = arith.subi %min3A_301, %sub3A_303 : vector<16xi32>
      %gather3A_305 = tpu.vector_load_idx %arg5[%sub3A_304] : memref<100000xf32, #tpu.memory_space<vmem>>[vector<16xi32>], vector<16xf32>,
      %le3A_306 = arith.constant 100000 : i32
      %le3A_307 = vector.broadcast %le3A_306 : i32 to vector<16xi32>
      %le3A_308 = arith.cmpi sle, %add3A_298, %le3A_307 : vector<16xi32>
      %lt3A_309 = arith.cmpf olt, %gather3A_305, %get3A_92 : vector<16xf32>
      %and3A_310 = arith.andi %le3A_308, %lt3A_309 : vector<16xi1>
      %select_n3A_311 = arith.select %and3A_310, %add3A_298, %select_n3A_295 : vector<16xi1>, vector<16xi32>
      %add3A_312 = arith.constant 4 : i32
      %add3A_313 = vector.broadcast %add3A_312 : i32 to vector<16xi32>
      %add3A_314 = arith.addi %select_n3A_311, %add3A_313 : vector<16xi32>
      %min3A_315 = arith.constant 100000 : i32
      %min3A_316 = vector.broadcast %min3A_315 : i32 to vector<16xi32>
      %min3A_317 = arith.minsi %add3A_314, %min3A_316 : vector<16xi32>
      %sub3A_318 = arith.constant 1 : i32
      %sub3A_319 = vector.broadcast %sub3A_318 : i32 to vector<16xi32>
      %sub3A_320 = arith.subi %min3A_317, %sub3A_319 : vector<16xi32>
      %gather3A_321 = tpu.vector_load_idx %arg5[%sub3A_320] : memref<100000xf32, #tpu.memory_space<vmem>>[vector<16xi32>], vector<16xf32>,
      %le3A_322 = arith.constant 100000 : i32
      %le3A_323 = vector.broadcast %le3A_322 : i32 to vector<16xi32>
      %le3A_324 = arith.cmpi sle, %add3A_314, %le3A_323 : vector<16xi32>
      %lt3A_325 = arith.cmpf olt, %gather3A_321, %get3A_92 : vector<16xf32>
      %and3A_326 = arith.andi %le3A_324, %lt3A_325 : vector<16xi1>
      %select_n3A_327 = arith.select %and3A_326, %add3A_314, %select_n3A_311 : vector<16xi1>, vector<16xi32>
      %add3A_328 = arith.constant 2 : i32
      %add3A_329 = vector.broadcast %add3A_328 : i32 to vector<16xi32>
      %add3A_330 = arith.addi %select_n3A_327, %add3A_329 : vector<16xi32>
      %min3A_331 = arith.constant 100000 : i32
      %min3A_332 = vector.broadcast %min3A_331 : i32 to vector<16xi32>
      %min3A_333 = arith.minsi %add3A_330, %min3A_332 : vector<16xi32>
      %sub3A_334 = arith.constant 1 : i32
      %sub3A_335 = vector.broadcast %sub3A_334 : i32 to vector<16xi32>
      %sub3A_336 = arith.subi %min3A_333, %sub3A_335 : vector<16xi32>
      %gather3A_337 = tpu.vector_load_idx %arg5[%sub3A_336] : memref<100000xf32, #tpu.memory_space<vmem>>[vector<16xi32>], vector<16xf32>,
      %le3A_338 = arith.constant 100000 : i32
      %le3A_339 = vector.broadcast %le3A_338 : i32 to vector<16xi32>
      %le3A_340 = arith.cmpi sle, %add3A_330, %le3A_339 : vector<16xi32>
      %lt3A_341 = arith.cmpf olt, %gather3A_337, %get3A_92 : vector<16xf32>
      %and3A_342 = arith.andi %le3A_340, %lt3A_341 : vector<16xi1>
      %select_n3A_343 = arith.select %and3A_342, %add3A_330, %select_n3A_327 : vector<16xi1>, vector<16xi32>
      %add3A_344 = arith.constant 1 : i32
      %add3A_345 = vector.broadcast %add3A_344 : i32 to vector<16xi32>
      %add3A_346 = arith.addi %select_n3A_343, %add3A_345 : vector<16xi32>
      %min3A_347 = arith.constant 100000 : i32
      %min3A_348 = vector.broadcast %min3A_347 : i32 to vector<16xi32>
      %min3A_349 = arith.minsi %add3A_346, %min3A_348 : vector<16xi32>
      %sub3A_350 = arith.constant 1 : i32
      %sub3A_351 = vector.broadcast %sub3A_350 : i32 to vector<16xi32>
      %sub3A_352 = arith.subi %min3A_349, %sub3A_351 : vector<16xi32>
      %gather3A_353 = tpu.vector_load_idx %arg5[%sub3A_352] : memref<100000xf32, #tpu.memory_space<vmem>>[vector<16xi32>], vector<16xf32>,
      %le3A_354 = arith.constant 100000 : i32
      %le3A_355 = vector.broadcast %le3A_354 : i32 to vector<16xi32>
      %le3A_356 = arith.cmpi sle, %add3A_346, %le3A_355 : vector<16xi32>
      %lt3A_357 = arith.cmpf olt, %gather3A_353, %get3A_92 : vector<16xf32>
      %and3A_358 = arith.andi %le3A_356, %lt3A_357 : vector<16xi1>
      %select_n3A_359 = arith.select %and3A_358, %add3A_346, %select_n3A_343 : vector<16xi1>, vector<16xi32>
      %min3A_360 = arith.constant 99999 : i32
      %min3A_361 = vector.broadcast %min3A_360 : i32 to vector<16xi32>
      %min3A_362 = arith.minsi %select_n3A_359, %min3A_361 : vector<16xi32>
      %mul3A_363 = arith.constant 16 : i32
      %mul3A_364 = arith.muli %scan3A_89, %mul3A_363 : i32
      %swap3A = arith.index_cast %mul3A_364 : i32 to index
      %swap3A_365 = tpu.vector_load %arg7[%swap3A] {strides = array<i32>} : memref<512xi32, #tpu.memory_space<vmem>>, vector<16xi32>,
      tpu.vector_store %arg7[%swap3A], %min3A_362 {strides = array<i32>} : memref<512xi32, #tpu.memory_space<vmem>>, vector<16xi32>,
    }
    %scan3A_54 = arith.constant 32 : i32
    %scan3A_55 = arith.constant 0 : i32
    %scan3A_56 = arith.constant 0 : i32
    %scan3A_57 = arith.constant 6250 : i32
    %scan3A_58 = arith.addi %scan3A_56, %scan3A_57 : i32
    %scan3A_59 = arith.constant 1 : i32
    scf.for %scan3A_89 = %scan3A_56 to %scan3A_58 step %scan3A_59  : i32 {
      %broadcast_in_dim3A_90 = arith.constant 0.000000e+00 : f32
      %broadcast_in_dim3A_91 = vector.broadcast %broadcast_in_dim3A_90 : f32 to vector<16xf32>
      %mul3A_92 = arith.constant 16 : i32
      %mul3A_93 = arith.muli %scan3A_89, %mul3A_92 : i32
      %swap3A = arith.index_cast %mul3A_93 : i32 to index
      %swap3A_94 = tpu.vector_load %arg5[%swap3A] {strides = array<i32>} : memref<100000xf32, #tpu.memory_space<vmem>>, vector<16xf32>,
      tpu.vector_store %arg5[%swap3A], %broadcast_in_dim3A_91 {strides = array<i32>} : memref<100000xf32, #tpu.memory_space<vmem>>, vector<16xf32>,
    }
    %scan3A_60 = arith.constant 6250 : i32
    %scan3A_61 = arith.constant 0 : i32
    %scan3A_62 = arith.constant 0 : i32
    %scan3A_63 = arith.constant 32 : i32
    %scan3A_64 = arith.addi %scan3A_62, %scan3A_63 : i32
    %scan3A_65 = arith.constant 1 : i32
    scf.for %scan3A_89 = %scan3A_62 to %scan3A_64 step %scan3A_65  : i32 {
      %mul3A_90 = arith.constant 16 : i32
      %mul3A_91 = arith.muli %scan3A_89, %mul3A_90 : i32
      %get3A = arith.index_cast %mul3A_91 : i32 to index
      %get3A_92 = tpu.vector_load %arg7[%get3A] {strides = array<i32>} : memref<512xi32, #tpu.memory_space<vmem>>, vector<16xi32>,
      %mul3A_93 = arith.constant 16 : i32
      %mul3A_94 = arith.muli %scan3A_89, %mul3A_93 : i32
      %add3A_95 = vector.broadcast %mul3A_94 : i32 to vector<16xi32>
      %add3A_96 = arith.addi %add3A_95, %iota3A : vector<16xi32>
      %lt3A = arith.constant 500 : i32
      %lt3A_97 = vector.broadcast %lt3A : i32 to vector<16xi32>
      %lt3A_98 = arith.cmpi slt, %add3A_96, %lt3A_97 : vector<16xi32>
      tpu.vector_store_idx %arg5[%get3A_92], %broadcast_in_dim3A_1 masked %lt3A_98 {add = true} : memref<100000xf32, #tpu.memory_space<vmem>>[vector<16xi32>], vector<16xf32>, vector<16xi1>
    }
    %scan3A_66 = arith.constant 32 : i32
    "tpu.region"() ({
      %run_scoped3A = tpu.sem_alloc : memref<!tpu.dma_semaphore, #tpu.memory_space<semaphore_mem>>
      %dma_start3A = arith.constant 0 : i32
      %dma_start3A_89 = tpu.memref_slice %arg4[%add3A_48, %dma_start3A] : memref<128x100000xf32, #tpu.memory_space<hbm>> -> memref<1x100000xf32, #tpu.memory_space<hbm>>
      %dma_start3A_90 = tpu.memref_squeeze %dma_start3A_89 : memref<1x100000xf32, #tpu.memory_space<hbm>> -> memref<100000xf32, #tpu.memory_space<hbm>>
      %dma_start3A_91 = arith.constant 0 : i32
      %dma_start3A_92 = tpu.memref_slice %arg4[%add3A_48, %dma_start3A_91] : memref<128x100000xf32, #tpu.memory_space<hbm>> -> memref<1x100000xf32, #tpu.memory_space<hbm>>
      %dma_start3A_93 = tpu.memref_squeeze %dma_start3A_92 : memref<1x100000xf32, #tpu.memory_space<hbm>> -> memref<100000xf32, #tpu.memory_space<hbm>>
      tpu.enqueue_dma source(%arg5 : memref<100000xf32, #tpu.memory_space<vmem>>) target(%dma_start3A_93 : memref<100000xf32, #tpu.memory_space<hbm>>) target_semaphore(%run_scoped3A : memref<!tpu.dma_semaphore, #tpu.memory_space<semaphore_mem>>)
      %dma_wait3A = arith.constant 0 : i32
      %dma_wait3A_94 = tpu.memref_slice %arg4[%add3A_48, %dma_wait3A] : memref<128x100000xf32, #tpu.memory_space<hbm>> -> memref<1x100000xf32, #tpu.memory_space<hbm>>
      %dma_wait3A_95 = tpu.memref_squeeze %dma_wait3A_94 : memref<1x100000xf32, #tpu.memory_space<hbm>> -> memref<100000xf32, #tpu.memory_space<hbm>>
      %dma_wait3A_96 = arith.constant 0 : i32
      %dma_wait3A_97 = tpu.memref_slice %arg4[%add3A_48, %dma_wait3A_96] : memref<128x100000xf32, #tpu.memory_space<hbm>> -> memref<1x100000xf32, #tpu.memory_space<hbm>>
      %dma_wait3A_98 = tpu.memref_squeeze %dma_wait3A_97 : memref<1x100000xf32, #tpu.memory_space<hbm>> -> memref<100000xf32, #tpu.memory_space<hbm>>
      tpu.wait_dma2 semaphore(%run_scoped3A : memref<!tpu.dma_semaphore, #tpu.memory_space<semaphore_mem>>) src(%arg5 : memref<100000xf32, #tpu.memory_space<vmem>>) dst(%dma_wait3A_98 : memref<100000xf32, #tpu.memory_space<hbm>>)
      tpu.yield
    }) : () -> ()
    %mul3A_67 = arith.constant 4 : i32
    %mul3A_68 = arith.muli %add3A, %mul3A_67 : i32
    %add3A_69 = arith.constant 3 : i32
    %add3A_70 = arith.addi %mul3A_68, %add3A_69 : i32
    "tpu.region"() ({
      %run_scoped3A = tpu.sem_alloc : memref<!tpu.dma_semaphore, #tpu.memory_space<semaphore_mem>>
      %dma_start3A = arith.constant 0 : i32
      %dma_start3A_89 = tpu.memref_slice %arg2[%add3A_70, %dma_start3A] : memref<128x100000xf32, #tpu.memory_space<hbm>> -> memref<1x100000xf32, #tpu.memory_space<hbm>>
      %dma_start3A_90 = tpu.memref_squeeze %dma_start3A_89 : memref<1x100000xf32, #tpu.memory_space<hbm>> -> memref<100000xf32, #tpu.memory_space<hbm>>
      %dma_start3A_91 = arith.constant 0 : i32
      %dma_start3A_92 = tpu.memref_slice %arg2[%add3A_70, %dma_start3A_91] : memref<128x100000xf32, #tpu.memory_space<hbm>> -> memref<1x100000xf32, #tpu.memory_space<hbm>>
      %dma_start3A_93 = tpu.memref_squeeze %dma_start3A_92 : memref<1x100000xf32, #tpu.memory_space<hbm>> -> memref<100000xf32, #tpu.memory_space<hbm>>
      tpu.enqueue_dma source(%dma_start3A_93 : memref<100000xf32, #tpu.memory_space<hbm>>) target(%arg5 : memref<100000xf32, #tpu.memory_space<vmem>>) target_semaphore(%run_scoped3A : memref<!tpu.dma_semaphore, #tpu.memory_space<semaphore_mem>>)
      %dma_wait3A = arith.constant 0 : i32
      %dma_wait3A_94 = tpu.memref_slice %arg2[%add3A_70, %dma_wait3A] : memref<128x100000xf32, #tpu.memory_space<hbm>> -> memref<1x100000xf32, #tpu.memory_space<hbm>>
      %dma_wait3A_95 = tpu.memref_squeeze %dma_wait3A_94 : memref<1x100000xf32, #tpu.memory_space<hbm>> -> memref<100000xf32, #tpu.memory_space<hbm>>
      %dma_wait3A_96 = arith.constant 0 : i32
      %dma_wait3A_97 = tpu.memref_slice %arg2[%add3A_70, %dma_wait3A_96] : memref<128x100000xf32, #tpu.memory_space<hbm>> -> memref<1x100000xf32, #tpu.memory_space<hbm>>
      %dma_wait3A_98 = tpu.memref_squeeze %dma_wait3A_97 : memref<1x100000xf32, #tpu.memory_space<hbm>> -> memref<100000xf32, #tpu.memory_space<hbm>>
      tpu.wait_dma2 semaphore(%run_scoped3A : memref<!tpu.dma_semaphore, #tpu.memory_space<semaphore_mem>>) src(%dma_wait3A_98 : memref<100000xf32, #tpu.memory_space<hbm>>) dst(%arg5 : memref<100000xf32, #tpu.memory_space<vmem>>)
      tpu.yield
    }) : () -> ()
    "tpu.region"() ({
      %run_scoped3A = tpu.sem_alloc : memref<!tpu.dma_semaphore, #tpu.memory_space<semaphore_mem>>
      %dma_start3A = arith.constant 0 : i32
      %dma_start3A_89 = tpu.memref_slice %arg3[%add3A_70, %dma_start3A] : memref<128x512xf32, #tpu.memory_space<hbm>> -> memref<1x512xf32, #tpu.memory_space<hbm>>
      %dma_start3A_90 = tpu.memref_squeeze %dma_start3A_89 : memref<1x512xf32, #tpu.memory_space<hbm>> -> memref<512xf32, #tpu.memory_space<hbm>>
      %dma_start3A_91 = arith.constant 0 : i32
      %dma_start3A_92 = tpu.memref_slice %arg3[%add3A_70, %dma_start3A_91] : memref<128x512xf32, #tpu.memory_space<hbm>> -> memref<1x512xf32, #tpu.memory_space<hbm>>
      %dma_start3A_93 = tpu.memref_squeeze %dma_start3A_92 : memref<1x512xf32, #tpu.memory_space<hbm>> -> memref<512xf32, #tpu.memory_space<hbm>>
      tpu.enqueue_dma source(%dma_start3A_93 : memref<512xf32, #tpu.memory_space<hbm>>) target(%arg6 : memref<512xf32, #tpu.memory_space<vmem>>) target_semaphore(%run_scoped3A : memref<!tpu.dma_semaphore, #tpu.memory_space<semaphore_mem>>)
      %dma_wait3A = arith.constant 0 : i32
      %dma_wait3A_94 = tpu.memref_slice %arg3[%add3A_70, %dma_wait3A] : memref<128x512xf32, #tpu.memory_space<hbm>> -> memref<1x512xf32, #tpu.memory_space<hbm>>
      %dma_wait3A_95 = tpu.memref_squeeze %dma_wait3A_94 : memref<1x512xf32, #tpu.memory_space<hbm>> -> memref<512xf32, #tpu.memory_space<hbm>>
      %dma_wait3A_96 = arith.constant 0 : i32
      %dma_wait3A_97 = tpu.memref_slice %arg3[%add3A_70, %dma_wait3A_96] : memref<128x512xf32, #tpu.memory_space<hbm>> -> memref<1x512xf32, #tpu.memory_space<hbm>>
      %dma_wait3A_98 = tpu.memref_squeeze %dma_wait3A_97 : memref<1x512xf32, #tpu.memory_space<hbm>> -> memref<512xf32, #tpu.memory_space<hbm>>
      tpu.wait_dma2 semaphore(%run_scoped3A : memref<!tpu.dma_semaphore, #tpu.memory_space<semaphore_mem>>) src(%dma_wait3A_98 : memref<512xf32, #tpu.memory_space<hbm>>) dst(%arg6 : memref<512xf32, #tpu.memory_space<vmem>>)
      tpu.yield
    }) : () -> ()
    %scan3A_71 = arith.constant 0 : i32
    %scan3A_72 = arith.constant 0 : i32
    %scan3A_73 = arith.constant 32 : i32
    %scan3A_74 = arith.addi %scan3A_72, %scan3A_73 : i32
    %scan3A_75 = arith.constant 1 : i32
    scf.for %scan3A_89 = %scan3A_72 to %scan3A_74 step %scan3A_75  : i32 {
      %mul3A_90 = arith.constant 16 : i32
      %mul3A_91 = arith.muli %scan3A_89, %mul3A_90 : i32
      %get3A = arith.index_cast %mul3A_91 : i32 to index
      %get3A_92 = tpu.vector_load %arg6[%get3A] {strides = array<i32>} : memref<512xf32, #tpu.memory_space<vmem>>, vector<16xf32>,
      %broadcast_in_dim3A_93 = arith.constant 0 : i32
      %broadcast_in_dim3A_94 = vector.broadcast %broadcast_in_dim3A_93 : i32 to vector<16xi32>
      %add3A_95 = arith.constant 65536 : i32
      %add3A_96 = vector.broadcast %add3A_95 : i32 to vector<16xi32>
      %add3A_97 = arith.addi %broadcast_in_dim3A_94, %add3A_96 : vector<16xi32>
      %min3A = arith.constant 100000 : i32
      %min3A_98 = vector.broadcast %min3A : i32 to vector<16xi32>
      %min3A_99 = arith.minsi %add3A_97, %min3A_98 : vector<16xi32>
      %sub3A = arith.constant 1 : i32
      %sub3A_100 = vector.broadcast %sub3A : i32 to vector<16xi32>
      %sub3A_101 = arith.subi %min3A_99, %sub3A_100 : vector<16xi32>
      %gather3A = tpu.vector_load_idx %arg5[%sub3A_101] : memref<100000xf32, #tpu.memory_space<vmem>>[vector<16xi32>], vector<16xf32>,
      %le3A = arith.constant 100000 : i32
      %le3A_102 = vector.broadcast %le3A : i32 to vector<16xi32>
      %le3A_103 = arith.cmpi sle, %add3A_97, %le3A_102 : vector<16xi32>
      %lt3A = arith.cmpf olt, %gather3A, %get3A_92 : vector<16xf32>
      %and3A = arith.andi %le3A_103, %lt3A : vector<16xi1>
      %select_n3A = arith.select %and3A, %add3A_97, %broadcast_in_dim3A_94 : vector<16xi1>, vector<16xi32>
      %add3A_104 = arith.constant 32768 : i32
      %add3A_105 = vector.broadcast %add3A_104 : i32 to vector<16xi32>
      %add3A_106 = arith.addi %select_n3A, %add3A_105 : vector<16xi32>
      %min3A_107 = arith.constant 100000 : i32
      %min3A_108 = vector.broadcast %min3A_107 : i32 to vector<16xi32>
      %min3A_109 = arith.minsi %add3A_106, %min3A_108 : vector<16xi32>
      %sub3A_110 = arith.constant 1 : i32
      %sub3A_111 = vector.broadcast %sub3A_110 : i32 to vector<16xi32>
      %sub3A_112 = arith.subi %min3A_109, %sub3A_111 : vector<16xi32>
      %gather3A_113 = tpu.vector_load_idx %arg5[%sub3A_112] : memref<100000xf32, #tpu.memory_space<vmem>>[vector<16xi32>], vector<16xf32>,
      %le3A_114 = arith.constant 100000 : i32
      %le3A_115 = vector.broadcast %le3A_114 : i32 to vector<16xi32>
      %le3A_116 = arith.cmpi sle, %add3A_106, %le3A_115 : vector<16xi32>
      %lt3A_117 = arith.cmpf olt, %gather3A_113, %get3A_92 : vector<16xf32>
      %and3A_118 = arith.andi %le3A_116, %lt3A_117 : vector<16xi1>
      %select_n3A_119 = arith.select %and3A_118, %add3A_106, %select_n3A : vector<16xi1>, vector<16xi32>
      %add3A_120 = arith.constant 16384 : i32
      %add3A_121 = vector.broadcast %add3A_120 : i32 to vector<16xi32>
      %add3A_122 = arith.addi %select_n3A_119, %add3A_121 : vector<16xi32>
      %min3A_123 = arith.constant 100000 : i32
      %min3A_124 = vector.broadcast %min3A_123 : i32 to vector<16xi32>
      %min3A_125 = arith.minsi %add3A_122, %min3A_124 : vector<16xi32>
      %sub3A_126 = arith.constant 1 : i32
      %sub3A_127 = vector.broadcast %sub3A_126 : i32 to vector<16xi32>
      %sub3A_128 = arith.subi %min3A_125, %sub3A_127 : vector<16xi32>
      %gather3A_129 = tpu.vector_load_idx %arg5[%sub3A_128] : memref<100000xf32, #tpu.memory_space<vmem>>[vector<16xi32>], vector<16xf32>,
      %le3A_130 = arith.constant 100000 : i32
      %le3A_131 = vector.broadcast %le3A_130 : i32 to vector<16xi32>
      %le3A_132 = arith.cmpi sle, %add3A_122, %le3A_131 : vector<16xi32>
      %lt3A_133 = arith.cmpf olt, %gather3A_129, %get3A_92 : vector<16xf32>
      %and3A_134 = arith.andi %le3A_132, %lt3A_133 : vector<16xi1>
      %select_n3A_135 = arith.select %and3A_134, %add3A_122, %select_n3A_119 : vector<16xi1>, vector<16xi32>
      %add3A_136 = arith.constant 8192 : i32
      %add3A_137 = vector.broadcast %add3A_136 : i32 to vector<16xi32>
      %add3A_138 = arith.addi %select_n3A_135, %add3A_137 : vector<16xi32>
      %min3A_139 = arith.constant 100000 : i32
      %min3A_140 = vector.broadcast %min3A_139 : i32 to vector<16xi32>
      %min3A_141 = arith.minsi %add3A_138, %min3A_140 : vector<16xi32>
      %sub3A_142 = arith.constant 1 : i32
      %sub3A_143 = vector.broadcast %sub3A_142 : i32 to vector<16xi32>
      %sub3A_144 = arith.subi %min3A_141, %sub3A_143 : vector<16xi32>
      %gather3A_145 = tpu.vector_load_idx %arg5[%sub3A_144] : memref<100000xf32, #tpu.memory_space<vmem>>[vector<16xi32>], vector<16xf32>,
      %le3A_146 = arith.constant 100000 : i32
      %le3A_147 = vector.broadcast %le3A_146 : i32 to vector<16xi32>
      %le3A_148 = arith.cmpi sle, %add3A_138, %le3A_147 : vector<16xi32>
      %lt3A_149 = arith.cmpf olt, %gather3A_145, %get3A_92 : vector<16xf32>
      %and3A_150 = arith.andi %le3A_148, %lt3A_149 : vector<16xi1>
      %select_n3A_151 = arith.select %and3A_150, %add3A_138, %select_n3A_135 : vector<16xi1>, vector<16xi32>
      %add3A_152 = arith.constant 4096 : i32
      %add3A_153 = vector.broadcast %add3A_152 : i32 to vector<16xi32>
      %add3A_154 = arith.addi %select_n3A_151, %add3A_153 : vector<16xi32>
      %min3A_155 = arith.constant 100000 : i32
      %min3A_156 = vector.broadcast %min3A_155 : i32 to vector<16xi32>
      %min3A_157 = arith.minsi %add3A_154, %min3A_156 : vector<16xi32>
      %sub3A_158 = arith.constant 1 : i32
      %sub3A_159 = vector.broadcast %sub3A_158 : i32 to vector<16xi32>
      %sub3A_160 = arith.subi %min3A_157, %sub3A_159 : vector<16xi32>
      %gather3A_161 = tpu.vector_load_idx %arg5[%sub3A_160] : memref<100000xf32, #tpu.memory_space<vmem>>[vector<16xi32>], vector<16xf32>,
      %le3A_162 = arith.constant 100000 : i32
      %le3A_163 = vector.broadcast %le3A_162 : i32 to vector<16xi32>
      %le3A_164 = arith.cmpi sle, %add3A_154, %le3A_163 : vector<16xi32>
      %lt3A_165 = arith.cmpf olt, %gather3A_161, %get3A_92 : vector<16xf32>
      %and3A_166 = arith.andi %le3A_164, %lt3A_165 : vector<16xi1>
      %select_n3A_167 = arith.select %and3A_166, %add3A_154, %select_n3A_151 : vector<16xi1>, vector<16xi32>
      %add3A_168 = arith.constant 2048 : i32
      %add3A_169 = vector.broadcast %add3A_168 : i32 to vector<16xi32>
      %add3A_170 = arith.addi %select_n3A_167, %add3A_169 : vector<16xi32>
      %min3A_171 = arith.constant 100000 : i32
      %min3A_172 = vector.broadcast %min3A_171 : i32 to vector<16xi32>
      %min3A_173 = arith.minsi %add3A_170, %min3A_172 : vector<16xi32>
      %sub3A_174 = arith.constant 1 : i32
      %sub3A_175 = vector.broadcast %sub3A_174 : i32 to vector<16xi32>
      %sub3A_176 = arith.subi %min3A_173, %sub3A_175 : vector<16xi32>
      %gather3A_177 = tpu.vector_load_idx %arg5[%sub3A_176] : memref<100000xf32, #tpu.memory_space<vmem>>[vector<16xi32>], vector<16xf32>,
      %le3A_178 = arith.constant 100000 : i32
      %le3A_179 = vector.broadcast %le3A_178 : i32 to vector<16xi32>
      %le3A_180 = arith.cmpi sle, %add3A_170, %le3A_179 : vector<16xi32>
      %lt3A_181 = arith.cmpf olt, %gather3A_177, %get3A_92 : vector<16xf32>
      %and3A_182 = arith.andi %le3A_180, %lt3A_181 : vector<16xi1>
      %select_n3A_183 = arith.select %and3A_182, %add3A_170, %select_n3A_167 : vector<16xi1>, vector<16xi32>
      %add3A_184 = arith.constant 1024 : i32
      %add3A_185 = vector.broadcast %add3A_184 : i32 to vector<16xi32>
      %add3A_186 = arith.addi %select_n3A_183, %add3A_185 : vector<16xi32>
      %min3A_187 = arith.constant 100000 : i32
      %min3A_188 = vector.broadcast %min3A_187 : i32 to vector<16xi32>
      %min3A_189 = arith.minsi %add3A_186, %min3A_188 : vector<16xi32>
      %sub3A_190 = arith.constant 1 : i32
      %sub3A_191 = vector.broadcast %sub3A_190 : i32 to vector<16xi32>
      %sub3A_192 = arith.subi %min3A_189, %sub3A_191 : vector<16xi32>
      %gather3A_193 = tpu.vector_load_idx %arg5[%sub3A_192] : memref<100000xf32, #tpu.memory_space<vmem>>[vector<16xi32>], vector<16xf32>,
      %le3A_194 = arith.constant 100000 : i32
      %le3A_195 = vector.broadcast %le3A_194 : i32 to vector<16xi32>
      %le3A_196 = arith.cmpi sle, %add3A_186, %le3A_195 : vector<16xi32>
      %lt3A_197 = arith.cmpf olt, %gather3A_193, %get3A_92 : vector<16xf32>
      %and3A_198 = arith.andi %le3A_196, %lt3A_197 : vector<16xi1>
      %select_n3A_199 = arith.select %and3A_198, %add3A_186, %select_n3A_183 : vector<16xi1>, vector<16xi32>
      %add3A_200 = arith.constant 512 : i32
      %add3A_201 = vector.broadcast %add3A_200 : i32 to vector<16xi32>
      %add3A_202 = arith.addi %select_n3A_199, %add3A_201 : vector<16xi32>
      %min3A_203 = arith.constant 100000 : i32
      %min3A_204 = vector.broadcast %min3A_203 : i32 to vector<16xi32>
      %min3A_205 = arith.minsi %add3A_202, %min3A_204 : vector<16xi32>
      %sub3A_206 = arith.constant 1 : i32
      %sub3A_207 = vector.broadcast %sub3A_206 : i32 to vector<16xi32>
      %sub3A_208 = arith.subi %min3A_205, %sub3A_207 : vector<16xi32>
      %gather3A_209 = tpu.vector_load_idx %arg5[%sub3A_208] : memref<100000xf32, #tpu.memory_space<vmem>>[vector<16xi32>], vector<16xf32>,
      %le3A_210 = arith.constant 100000 : i32
      %le3A_211 = vector.broadcast %le3A_210 : i32 to vector<16xi32>
      %le3A_212 = arith.cmpi sle, %add3A_202, %le3A_211 : vector<16xi32>
      %lt3A_213 = arith.cmpf olt, %gather3A_209, %get3A_92 : vector<16xf32>
      %and3A_214 = arith.andi %le3A_212, %lt3A_213 : vector<16xi1>
      %select_n3A_215 = arith.select %and3A_214, %add3A_202, %select_n3A_199 : vector<16xi1>, vector<16xi32>
      %add3A_216 = arith.constant 256 : i32
      %add3A_217 = vector.broadcast %add3A_216 : i32 to vector<16xi32>
      %add3A_218 = arith.addi %select_n3A_215, %add3A_217 : vector<16xi32>
      %min3A_219 = arith.constant 100000 : i32
      %min3A_220 = vector.broadcast %min3A_219 : i32 to vector<16xi32>
      %min3A_221 = arith.minsi %add3A_218, %min3A_220 : vector<16xi32>
      %sub3A_222 = arith.constant 1 : i32
      %sub3A_223 = vector.broadcast %sub3A_222 : i32 to vector<16xi32>
      %sub3A_224 = arith.subi %min3A_221, %sub3A_223 : vector<16xi32>
      %gather3A_225 = tpu.vector_load_idx %arg5[%sub3A_224] : memref<100000xf32, #tpu.memory_space<vmem>>[vector<16xi32>], vector<16xf32>,
      %le3A_226 = arith.constant 100000 : i32
      %le3A_227 = vector.broadcast %le3A_226 : i32 to vector<16xi32>
      %le3A_228 = arith.cmpi sle, %add3A_218, %le3A_227 : vector<16xi32>
      %lt3A_229 = arith.cmpf olt, %gather3A_225, %get3A_92 : vector<16xf32>
      %and3A_230 = arith.andi %le3A_228, %lt3A_229 : vector<16xi1>
      %select_n3A_231 = arith.select %and3A_230, %add3A_218, %select_n3A_215 : vector<16xi1>, vector<16xi32>
      %add3A_232 = arith.constant 128 : i32
      %add3A_233 = vector.broadcast %add3A_232 : i32 to vector<16xi32>
      %add3A_234 = arith.addi %select_n3A_231, %add3A_233 : vector<16xi32>
      %min3A_235 = arith.constant 100000 : i32
      %min3A_236 = vector.broadcast %min3A_235 : i32 to vector<16xi32>
      %min3A_237 = arith.minsi %add3A_234, %min3A_236 : vector<16xi32>
      %sub3A_238 = arith.constant 1 : i32
      %sub3A_239 = vector.broadcast %sub3A_238 : i32 to vector<16xi32>
      %sub3A_240 = arith.subi %min3A_237, %sub3A_239 : vector<16xi32>
      %gather3A_241 = tpu.vector_load_idx %arg5[%sub3A_240] : memref<100000xf32, #tpu.memory_space<vmem>>[vector<16xi32>], vector<16xf32>,
      %le3A_242 = arith.constant 100000 : i32
      %le3A_243 = vector.broadcast %le3A_242 : i32 to vector<16xi32>
      %le3A_244 = arith.cmpi sle, %add3A_234, %le3A_243 : vector<16xi32>
      %lt3A_245 = arith.cmpf olt, %gather3A_241, %get3A_92 : vector<16xf32>
      %and3A_246 = arith.andi %le3A_244, %lt3A_245 : vector<16xi1>
      %select_n3A_247 = arith.select %and3A_246, %add3A_234, %select_n3A_231 : vector<16xi1>, vector<16xi32>
      %add3A_248 = arith.constant 64 : i32
      %add3A_249 = vector.broadcast %add3A_248 : i32 to vector<16xi32>
      %add3A_250 = arith.addi %select_n3A_247, %add3A_249 : vector<16xi32>
      %min3A_251 = arith.constant 100000 : i32
      %min3A_252 = vector.broadcast %min3A_251 : i32 to vector<16xi32>
      %min3A_253 = arith.minsi %add3A_250, %min3A_252 : vector<16xi32>
      %sub3A_254 = arith.constant 1 : i32
      %sub3A_255 = vector.broadcast %sub3A_254 : i32 to vector<16xi32>
      %sub3A_256 = arith.subi %min3A_253, %sub3A_255 : vector<16xi32>
      %gather3A_257 = tpu.vector_load_idx %arg5[%sub3A_256] : memref<100000xf32, #tpu.memory_space<vmem>>[vector<16xi32>], vector<16xf32>,
      %le3A_258 = arith.constant 100000 : i32
      %le3A_259 = vector.broadcast %le3A_258 : i32 to vector<16xi32>
      %le3A_260 = arith.cmpi sle, %add3A_250, %le3A_259 : vector<16xi32>
      %lt3A_261 = arith.cmpf olt, %gather3A_257, %get3A_92 : vector<16xf32>
      %and3A_262 = arith.andi %le3A_260, %lt3A_261 : vector<16xi1>
      %select_n3A_263 = arith.select %and3A_262, %add3A_250, %select_n3A_247 : vector<16xi1>, vector<16xi32>
      %add3A_264 = arith.constant 32 : i32
      %add3A_265 = vector.broadcast %add3A_264 : i32 to vector<16xi32>
      %add3A_266 = arith.addi %select_n3A_263, %add3A_265 : vector<16xi32>
      %min3A_267 = arith.constant 100000 : i32
      %min3A_268 = vector.broadcast %min3A_267 : i32 to vector<16xi32>
      %min3A_269 = arith.minsi %add3A_266, %min3A_268 : vector<16xi32>
      %sub3A_270 = arith.constant 1 : i32
      %sub3A_271 = vector.broadcast %sub3A_270 : i32 to vector<16xi32>
      %sub3A_272 = arith.subi %min3A_269, %sub3A_271 : vector<16xi32>
      %gather3A_273 = tpu.vector_load_idx %arg5[%sub3A_272] : memref<100000xf32, #tpu.memory_space<vmem>>[vector<16xi32>], vector<16xf32>,
      %le3A_274 = arith.constant 100000 : i32
      %le3A_275 = vector.broadcast %le3A_274 : i32 to vector<16xi32>
      %le3A_276 = arith.cmpi sle, %add3A_266, %le3A_275 : vector<16xi32>
      %lt3A_277 = arith.cmpf olt, %gather3A_273, %get3A_92 : vector<16xf32>
      %and3A_278 = arith.andi %le3A_276, %lt3A_277 : vector<16xi1>
      %select_n3A_279 = arith.select %and3A_278, %add3A_266, %select_n3A_263 : vector<16xi1>, vector<16xi32>
      %add3A_280 = arith.constant 16 : i32
      %add3A_281 = vector.broadcast %add3A_280 : i32 to vector<16xi32>
      %add3A_282 = arith.addi %select_n3A_279, %add3A_281 : vector<16xi32>
      %min3A_283 = arith.constant 100000 : i32
      %min3A_284 = vector.broadcast %min3A_283 : i32 to vector<16xi32>
      %min3A_285 = arith.minsi %add3A_282, %min3A_284 : vector<16xi32>
      %sub3A_286 = arith.constant 1 : i32
      %sub3A_287 = vector.broadcast %sub3A_286 : i32 to vector<16xi32>
      %sub3A_288 = arith.subi %min3A_285, %sub3A_287 : vector<16xi32>
      %gather3A_289 = tpu.vector_load_idx %arg5[%sub3A_288] : memref<100000xf32, #tpu.memory_space<vmem>>[vector<16xi32>], vector<16xf32>,
      %le3A_290 = arith.constant 100000 : i32
      %le3A_291 = vector.broadcast %le3A_290 : i32 to vector<16xi32>
      %le3A_292 = arith.cmpi sle, %add3A_282, %le3A_291 : vector<16xi32>
      %lt3A_293 = arith.cmpf olt, %gather3A_289, %get3A_92 : vector<16xf32>
      %and3A_294 = arith.andi %le3A_292, %lt3A_293 : vector<16xi1>
      %select_n3A_295 = arith.select %and3A_294, %add3A_282, %select_n3A_279 : vector<16xi1>, vector<16xi32>
      %add3A_296 = arith.constant 8 : i32
      %add3A_297 = vector.broadcast %add3A_296 : i32 to vector<16xi32>
      %add3A_298 = arith.addi %select_n3A_295, %add3A_297 : vector<16xi32>
      %min3A_299 = arith.constant 100000 : i32
      %min3A_300 = vector.broadcast %min3A_299 : i32 to vector<16xi32>
      %min3A_301 = arith.minsi %add3A_298, %min3A_300 : vector<16xi32>
      %sub3A_302 = arith.constant 1 : i32
      %sub3A_303 = vector.broadcast %sub3A_302 : i32 to vector<16xi32>
      %sub3A_304 = arith.subi %min3A_301, %sub3A_303 : vector<16xi32>
      %gather3A_305 = tpu.vector_load_idx %arg5[%sub3A_304] : memref<100000xf32, #tpu.memory_space<vmem>>[vector<16xi32>], vector<16xf32>,
      %le3A_306 = arith.constant 100000 : i32
      %le3A_307 = vector.broadcast %le3A_306 : i32 to vector<16xi32>
      %le3A_308 = arith.cmpi sle, %add3A_298, %le3A_307 : vector<16xi32>
      %lt3A_309 = arith.cmpf olt, %gather3A_305, %get3A_92 : vector<16xf32>
      %and3A_310 = arith.andi %le3A_308, %lt3A_309 : vector<16xi1>
      %select_n3A_311 = arith.select %and3A_310, %add3A_298, %select_n3A_295 : vector<16xi1>, vector<16xi32>
      %add3A_312 = arith.constant 4 : i32
      %add3A_313 = vector.broadcast %add3A_312 : i32 to vector<16xi32>
      %add3A_314 = arith.addi %select_n3A_311, %add3A_313 : vector<16xi32>
      %min3A_315 = arith.constant 100000 : i32
      %min3A_316 = vector.broadcast %min3A_315 : i32 to vector<16xi32>
      %min3A_317 = arith.minsi %add3A_314, %min3A_316 : vector<16xi32>
      %sub3A_318 = arith.constant 1 : i32
      %sub3A_319 = vector.broadcast %sub3A_318 : i32 to vector<16xi32>
      %sub3A_320 = arith.subi %min3A_317, %sub3A_319 : vector<16xi32>
      %gather3A_321 = tpu.vector_load_idx %arg5[%sub3A_320] : memref<100000xf32, #tpu.memory_space<vmem>>[vector<16xi32>], vector<16xf32>,
      %le3A_322 = arith.constant 100000 : i32
      %le3A_323 = vector.broadcast %le3A_322 : i32 to vector<16xi32>
      %le3A_324 = arith.cmpi sle, %add3A_314, %le3A_323 : vector<16xi32>
      %lt3A_325 = arith.cmpf olt, %gather3A_321, %get3A_92 : vector<16xf32>
      %and3A_326 = arith.andi %le3A_324, %lt3A_325 : vector<16xi1>
      %select_n3A_327 = arith.select %and3A_326, %add3A_314, %select_n3A_311 : vector<16xi1>, vector<16xi32>
      %add3A_328 = arith.constant 2 : i32
      %add3A_329 = vector.broadcast %add3A_328 : i32 to vector<16xi32>
      %add3A_330 = arith.addi %select_n3A_327, %add3A_329 : vector<16xi32>
      %min3A_331 = arith.constant 100000 : i32
      %min3A_332 = vector.broadcast %min3A_331 : i32 to vector<16xi32>
      %min3A_333 = arith.minsi %add3A_330, %min3A_332 : vector<16xi32>
      %sub3A_334 = arith.constant 1 : i32
      %sub3A_335 = vector.broadcast %sub3A_334 : i32 to vector<16xi32>
      %sub3A_336 = arith.subi %min3A_333, %sub3A_335 : vector<16xi32>
      %gather3A_337 = tpu.vector_load_idx %arg5[%sub3A_336] : memref<100000xf32, #tpu.memory_space<vmem>>[vector<16xi32>], vector<16xf32>,
      %le3A_338 = arith.constant 100000 : i32
      %le3A_339 = vector.broadcast %le3A_338 : i32 to vector<16xi32>
      %le3A_340 = arith.cmpi sle, %add3A_330, %le3A_339 : vector<16xi32>
      %lt3A_341 = arith.cmpf olt, %gather3A_337, %get3A_92 : vector<16xf32>
      %and3A_342 = arith.andi %le3A_340, %lt3A_341 : vector<16xi1>
      %select_n3A_343 = arith.select %and3A_342, %add3A_330, %select_n3A_327 : vector<16xi1>, vector<16xi32>
      %add3A_344 = arith.constant 1 : i32
      %add3A_345 = vector.broadcast %add3A_344 : i32 to vector<16xi32>
      %add3A_346 = arith.addi %select_n3A_343, %add3A_345 : vector<16xi32>
      %min3A_347 = arith.constant 100000 : i32
      %min3A_348 = vector.broadcast %min3A_347 : i32 to vector<16xi32>
      %min3A_349 = arith.minsi %add3A_346, %min3A_348 : vector<16xi32>
      %sub3A_350 = arith.constant 1 : i32
      %sub3A_351 = vector.broadcast %sub3A_350 : i32 to vector<16xi32>
      %sub3A_352 = arith.subi %min3A_349, %sub3A_351 : vector<16xi32>
      %gather3A_353 = tpu.vector_load_idx %arg5[%sub3A_352] : memref<100000xf32, #tpu.memory_space<vmem>>[vector<16xi32>], vector<16xf32>,
      %le3A_354 = arith.constant 100000 : i32
      %le3A_355 = vector.broadcast %le3A_354 : i32 to vector<16xi32>
      %le3A_356 = arith.cmpi sle, %add3A_346, %le3A_355 : vector<16xi32>
      %lt3A_357 = arith.cmpf olt, %gather3A_353, %get3A_92 : vector<16xf32>
      %and3A_358 = arith.andi %le3A_356, %lt3A_357 : vector<16xi1>
      %select_n3A_359 = arith.select %and3A_358, %add3A_346, %select_n3A_343 : vector<16xi1>, vector<16xi32>
      %min3A_360 = arith.constant 99999 : i32
      %min3A_361 = vector.broadcast %min3A_360 : i32 to vector<16xi32>
      %min3A_362 = arith.minsi %select_n3A_359, %min3A_361 : vector<16xi32>
      %mul3A_363 = arith.constant 16 : i32
      %mul3A_364 = arith.muli %scan3A_89, %mul3A_363 : i32
      %swap3A = arith.index_cast %mul3A_364 : i32 to index
      %swap3A_365 = tpu.vector_load %arg7[%swap3A] {strides = array<i32>} : memref<512xi32, #tpu.memory_space<vmem>>, vector<16xi32>,
      tpu.vector_store %arg7[%swap3A], %min3A_362 {strides = array<i32>} : memref<512xi32, #tpu.memory_space<vmem>>, vector<16xi32>,
    }
    %scan3A_76 = arith.constant 32 : i32
    %scan3A_77 = arith.constant 0 : i32
    %scan3A_78 = arith.constant 0 : i32
    %scan3A_79 = arith.constant 6250 : i32
    %scan3A_80 = arith.addi %scan3A_78, %scan3A_79 : i32
    %scan3A_81 = arith.constant 1 : i32
    scf.for %scan3A_89 = %scan3A_78 to %scan3A_80 step %scan3A_81  : i32 {
      %broadcast_in_dim3A_90 = arith.constant 0.000000e+00 : f32
      %broadcast_in_dim3A_91 = vector.broadcast %broadcast_in_dim3A_90 : f32 to vector<16xf32>
      %mul3A_92 = arith.constant 16 : i32
      %mul3A_93 = arith.muli %scan3A_89, %mul3A_92 : i32
      %swap3A = arith.index_cast %mul3A_93 : i32 to index
      %swap3A_94 = tpu.vector_load %arg5[%swap3A] {strides = array<i32>} : memref<100000xf32, #tpu.memory_space<vmem>>, vector<16xf32>,
      tpu.vector_store %arg5[%swap3A], %broadcast_in_dim3A_91 {strides = array<i32>} : memref<100000xf32, #tpu.memory_space<vmem>>, vector<16xf32>,
    }
    %scan3A_82 = arith.constant 6250 : i32
    %scan3A_83 = arith.constant 0 : i32
    %scan3A_84 = arith.constant 0 : i32
    %scan3A_85 = arith.constant 32 : i32
    %scan3A_86 = arith.addi %scan3A_84, %scan3A_85 : i32
    %scan3A_87 = arith.constant 1 : i32
    scf.for %scan3A_89 = %scan3A_84 to %scan3A_86 step %scan3A_87  : i32 {
      %mul3A_90 = arith.constant 16 : i32
      %mul3A_91 = arith.muli %scan3A_89, %mul3A_90 : i32
      %get3A = arith.index_cast %mul3A_91 : i32 to index
      %get3A_92 = tpu.vector_load %arg7[%get3A] {strides = array<i32>} : memref<512xi32, #tpu.memory_space<vmem>>, vector<16xi32>,
      %mul3A_93 = arith.constant 16 : i32
      %mul3A_94 = arith.muli %scan3A_89, %mul3A_93 : i32
      %add3A_95 = vector.broadcast %mul3A_94 : i32 to vector<16xi32>
      %add3A_96 = arith.addi %add3A_95, %iota3A : vector<16xi32>
      %lt3A = arith.constant 500 : i32
      %lt3A_97 = vector.broadcast %lt3A : i32 to vector<16xi32>
      %lt3A_98 = arith.cmpi slt, %add3A_96, %lt3A_97 : vector<16xi32>
      tpu.vector_store_idx %arg5[%get3A_92], %broadcast_in_dim3A_1 masked %lt3A_98 {add = true} : memref<100000xf32, #tpu.memory_space<vmem>>[vector<16xi32>], vector<16xf32>, vector<16xi1>
    }
    %scan3A_88 = arith.constant 32 : i32
    "tpu.region"() ({
      %run_scoped3A = tpu.sem_alloc : memref<!tpu.dma_semaphore, #tpu.memory_space<semaphore_mem>>
      %dma_start3A = arith.constant 0 : i32
      %dma_start3A_89 = tpu.memref_slice %arg4[%add3A_70, %dma_start3A] : memref<128x100000xf32, #tpu.memory_space<hbm>> -> memref<1x100000xf32, #tpu.memory_space<hbm>>
      %dma_start3A_90 = tpu.memref_squeeze %dma_start3A_89 : memref<1x100000xf32, #tpu.memory_space<hbm>> -> memref<100000xf32, #tpu.memory_space<hbm>>
      %dma_start3A_91 = arith.constant 0 : i32
      %dma_start3A_92 = tpu.memref_slice %arg4[%add3A_70, %dma_start3A_91] : memref<128x100000xf32, #tpu.memory_space<hbm>> -> memref<1x100000xf32, #tpu.memory_space<hbm>>
      %dma_start3A_93 = tpu.memref_squeeze %dma_start3A_92 : memref<1x100000xf32, #tpu.memory_space<hbm>> -> memref<100000xf32, #tpu.memory_space<hbm>>
      tpu.enqueue_dma source(%arg5 : memref<100000xf32, #tpu.memory_space<vmem>>) target(%dma_start3A_93 : memref<100000xf32, #tpu.memory_space<hbm>>) target_semaphore(%run_scoped3A : memref<!tpu.dma_semaphore, #tpu.memory_space<semaphore_mem>>)
      %dma_wait3A = arith.constant 0 : i32
      %dma_wait3A_94 = tpu.memref_slice %arg4[%add3A_70, %dma_wait3A] : memref<128x100000xf32, #tpu.memory_space<hbm>> -> memref<1x100000xf32, #tpu.memory_space<hbm>>
      %dma_wait3A_95 = tpu.memref_squeeze %dma_wait3A_94 : memref<1x100000xf32, #tpu.memory_space<hbm>> -> memref<100000xf32, #tpu.memory_space<hbm>>
      %dma_wait3A_96 = arith.constant 0 : i32
      %dma_wait3A_97 = tpu.memref_slice %arg4[%add3A_70, %dma_wait3A_96] : memref<128x100000xf32, #tpu.memory_space<hbm>> -> memref<1x100000xf32, #tpu.memory_space<hbm>>
      %dma_wait3A_98 = tpu.memref_squeeze %dma_wait3A_97 : memref<1x100000xf32, #tpu.memory_space<hbm>> -> memref<100000xf32, #tpu.memory_space<hbm>>
      tpu.wait_dma2 semaphore(%run_scoped3A : memref<!tpu.dma_semaphore, #tpu.memory_space<semaphore_mem>>) src(%arg5 : memref<100000xf32, #tpu.memory_space<vmem>>) dst(%dma_wait3A_98 : memref<100000xf32, #tpu.memory_space<hbm>>)
      tpu.yield
    }) : () -> ()
    return
  }
}

module attributes {stable_mosaic.version = 14 : i64} {
  func.func @_gamma_kernel_body(%arg0: i32, %arg1: memref<40x256xf32, #tpu.memory_space<vmem>>, %arg2: memref<40x256xf32, #tpu.memory_space<vmem>>) attributes {dimension_semantics = [#tpu.dimension_semantics<parallel>], iteration_bounds = array<i64: 1250>, scalar_prefetch = 0 : i64, scratch_operands = 0 : i64, tpu.core_type = #tpu.core_type<tc>, window_params = [{transform_indices = @transform_0, window_bounds = array<i64: 40, 256>}, {transform_indices = @transform_1, window_bounds = array<i64: 40, 256>}]} {
    %mul3A = arith.constant 40 : i32
    %mul3A_0 = arith.muli %arg0, %mul3A : i32
    %iota3A = tpu.iota {dimensions = array<i32: 0>} : vector<40x256xi32>
    %add3A = vector.broadcast %mul3A_0 : i32 to vector<40x256xi32>
    %add3A_1 = arith.addi %add3A, %iota3A : vector<40x256xi32>
    %mul3A_2 = arith.constant 256 : i32
    %mul3A_3 = vector.broadcast %mul3A_2 : i32 to vector<40x256xi32>
    %mul3A_4 = arith.muli %add3A_1, %mul3A_3 : vector<40x256xi32>
    %iota3A_5 = tpu.iota {dimensions = array<i32: 1>} : vector<40x256xi32>
    %add3A_6 = arith.addi %mul3A_4, %iota3A_5 : vector<40x256xi32>
    %get3A = arith.constant 0 : index
    %get3A_7 = arith.constant 0 : index
    %get3A_8 = vector.load %arg1[%get3A, %get3A_7] : memref<40x256xf32, #tpu.memory_space<vmem>>, vector<40x256xf32>
    %broadcast_in_dim3A = arith.constant 0 : i32
    %broadcast_in_dim3A_9 = vector.broadcast %broadcast_in_dim3A : i32 to vector<40x256xi32>
    %add3A_10 = arith.constant 1832780943 : i32
    %add3A_11 = vector.broadcast %add3A_10 : i32 to vector<40x256xi32>
    %add3A_12 = arith.addi %broadcast_in_dim3A_9, %add3A_11 : vector<40x256xi32>
    %add3A_13 = arith.constant 270669613 : i32
    %add3A_14 = vector.broadcast %add3A_13 : i32 to vector<40x256xi32>
    %add3A_15 = arith.addi %add3A_6, %add3A_14 : vector<40x256xi32>
    %add3A_16 = arith.addi %add3A_12, %add3A_15 : vector<40x256xi32>
    %shift_left3A = arith.constant 13 : i32
    %shift_left3A_17 = vector.broadcast %shift_left3A : i32 to vector<40x256xi32>
    %shift_left3A_18 = arith.shli %add3A_15, %shift_left3A_17 : vector<40x256xi32>
    %shift_right_logical3A = arith.constant 19 : i32
    %shift_right_logical3A_19 = vector.broadcast %shift_right_logical3A : i32 to vector<40x256xi32>
    %shift_right_logical3A_20 = arith.shrui %add3A_15, %shift_right_logical3A_19 : vector<40x256xi32>
    %or3A = arith.ori %shift_left3A_18, %shift_right_logical3A_20 : vector<40x256xi32>
    %xor3A = arith.xori %add3A_16, %or3A : vector<40x256xi32>
    %add3A_21 = arith.addi %add3A_16, %xor3A : vector<40x256xi32>
    %shift_left3A_22 = arith.constant 15 : i32
    %shift_left3A_23 = vector.broadcast %shift_left3A_22 : i32 to vector<40x256xi32>
    %shift_left3A_24 = arith.shli %xor3A, %shift_left3A_23 : vector<40x256xi32>
    %shift_right_logical3A_25 = arith.constant 17 : i32
    %shift_right_logical3A_26 = vector.broadcast %shift_right_logical3A_25 : i32 to vector<40x256xi32>
    %shift_right_logical3A_27 = arith.shrui %xor3A, %shift_right_logical3A_26 : vector<40x256xi32>
    %or3A_28 = arith.ori %shift_left3A_24, %shift_right_logical3A_27 : vector<40x256xi32>
    %xor3A_29 = arith.xori %add3A_21, %or3A_28 : vector<40x256xi32>
    %add3A_30 = arith.addi %add3A_21, %xor3A_29 : vector<40x256xi32>
    %shift_left3A_31 = arith.constant 26 : i32
    %shift_left3A_32 = vector.broadcast %shift_left3A_31 : i32 to vector<40x256xi32>
    %shift_left3A_33 = arith.shli %xor3A_29, %shift_left3A_32 : vector<40x256xi32>
    %shift_right_logical3A_34 = arith.constant 6 : i32
    %shift_right_logical3A_35 = vector.broadcast %shift_right_logical3A_34 : i32 to vector<40x256xi32>
    %shift_right_logical3A_36 = arith.shrui %xor3A_29, %shift_right_logical3A_35 : vector<40x256xi32>
    %or3A_37 = arith.ori %shift_left3A_33, %shift_right_logical3A_36 : vector<40x256xi32>
    %xor3A_38 = arith.xori %add3A_30, %or3A_37 : vector<40x256xi32>
    %add3A_39 = arith.addi %add3A_30, %xor3A_38 : vector<40x256xi32>
    %shift_left3A_40 = arith.constant 6 : i32
    %shift_left3A_41 = vector.broadcast %shift_left3A_40 : i32 to vector<40x256xi32>
    %shift_left3A_42 = arith.shli %xor3A_38, %shift_left3A_41 : vector<40x256xi32>
    %shift_right_logical3A_43 = arith.constant 26 : i32
    %shift_right_logical3A_44 = vector.broadcast %shift_right_logical3A_43 : i32 to vector<40x256xi32>
    %shift_right_logical3A_45 = arith.shrui %xor3A_38, %shift_right_logical3A_44 : vector<40x256xi32>
    %or3A_46 = arith.ori %shift_left3A_42, %shift_right_logical3A_45 : vector<40x256xi32>
    %xor3A_47 = arith.xori %add3A_39, %or3A_46 : vector<40x256xi32>
    %add3A_48 = arith.constant 270669613 : i32
    %add3A_49 = vector.broadcast %add3A_48 : i32 to vector<40x256xi32>
    %add3A_50 = arith.addi %add3A_39, %add3A_49 : vector<40x256xi32>
    %add3A_51 = arith.constant 1724713081 : i32
    %add3A_52 = vector.broadcast %add3A_51 : i32 to vector<40x256xi32>
    %add3A_53 = arith.addi %xor3A_47, %add3A_52 : vector<40x256xi32>
    %add3A_54 = arith.addi %add3A_50, %add3A_53 : vector<40x256xi32>
    %shift_left3A_55 = arith.constant 17 : i32
    %shift_left3A_56 = vector.broadcast %shift_left3A_55 : i32 to vector<40x256xi32>
    %shift_left3A_57 = arith.shli %add3A_53, %shift_left3A_56 : vector<40x256xi32>
    %shift_right_logical3A_58 = arith.constant 15 : i32
    %shift_right_logical3A_59 = vector.broadcast %shift_right_logical3A_58 : i32 to vector<40x256xi32>
    %shift_right_logical3A_60 = arith.shrui %add3A_53, %shift_right_logical3A_59 : vector<40x256xi32>
    %or3A_61 = arith.ori %shift_left3A_57, %shift_right_logical3A_60 : vector<40x256xi32>
    %xor3A_62 = arith.xori %add3A_54, %or3A_61 : vector<40x256xi32>
    %add3A_63 = arith.addi %add3A_54, %xor3A_62 : vector<40x256xi32>
    %shift_left3A_64 = arith.constant 29 : i32
    %shift_left3A_65 = vector.broadcast %shift_left3A_64 : i32 to vector<40x256xi32>
    %shift_left3A_66 = arith.shli %xor3A_62, %shift_left3A_65 : vector<40x256xi32>
    %shift_right_logical3A_67 = arith.constant 3 : i32
    %shift_right_logical3A_68 = vector.broadcast %shift_right_logical3A_67 : i32 to vector<40x256xi32>
    %shift_right_logical3A_69 = arith.shrui %xor3A_62, %shift_right_logical3A_68 : vector<40x256xi32>
    %or3A_70 = arith.ori %shift_left3A_66, %shift_right_logical3A_69 : vector<40x256xi32>
    %xor3A_71 = arith.xori %add3A_63, %or3A_70 : vector<40x256xi32>
    %add3A_72 = arith.addi %add3A_63, %xor3A_71 : vector<40x256xi32>
    %shift_left3A_73 = arith.constant 16 : i32
    %shift_left3A_74 = vector.broadcast %shift_left3A_73 : i32 to vector<40x256xi32>
    %shift_left3A_75 = arith.shli %xor3A_71, %shift_left3A_74 : vector<40x256xi32>
    %shift_right_logical3A_76 = arith.constant 16 : i32
    %shift_right_logical3A_77 = vector.broadcast %shift_right_logical3A_76 : i32 to vector<40x256xi32>
    %shift_right_logical3A_78 = arith.shrui %xor3A_71, %shift_right_logical3A_77 : vector<40x256xi32>
    %or3A_79 = arith.ori %shift_left3A_75, %shift_right_logical3A_78 : vector<40x256xi32>
    %xor3A_80 = arith.xori %add3A_72, %or3A_79 : vector<40x256xi32>
    %add3A_81 = arith.addi %add3A_72, %xor3A_80 : vector<40x256xi32>
    %shift_left3A_82 = arith.constant 24 : i32
    %shift_left3A_83 = vector.broadcast %shift_left3A_82 : i32 to vector<40x256xi32>
    %shift_left3A_84 = arith.shli %xor3A_80, %shift_left3A_83 : vector<40x256xi32>
    %shift_right_logical3A_85 = arith.constant 8 : i32
    %shift_right_logical3A_86 = vector.broadcast %shift_right_logical3A_85 : i32 to vector<40x256xi32>
    %shift_right_logical3A_87 = arith.shrui %xor3A_80, %shift_right_logical3A_86 : vector<40x256xi32>
    %or3A_88 = arith.ori %shift_left3A_84, %shift_right_logical3A_87 : vector<40x256xi32>
    %xor3A_89 = arith.xori %add3A_81, %or3A_88 : vector<40x256xi32>
    %add3A_90 = arith.constant 1724713080 : i32
    %add3A_91 = vector.broadcast %add3A_90 : i32 to vector<40x256xi32>
    %add3A_92 = arith.addi %add3A_81, %add3A_91 : vector<40x256xi32>
    %add3A_93 = arith.constant 1832780945 : i32
    %add3A_94 = vector.broadcast %add3A_93 : i32 to vector<40x256xi32>
    %add3A_95 = arith.addi %xor3A_89, %add3A_94 : vector<40x256xi32>
    %add3A_96 = arith.addi %add3A_92, %add3A_95 : vector<40x256xi32>
    %shift_left3A_97 = arith.constant 13 : i32
    %shift_left3A_98 = vector.broadcast %shift_left3A_97 : i32 to vector<40x256xi32>
    %shift_left3A_99 = arith.shli %add3A_95, %shift_left3A_98 : vector<40x256xi32>
    %shift_right_logical3A_100 = arith.constant 19 : i32
    %shift_right_logical3A_101 = vector.broadcast %shift_right_logical3A_100 : i32 to vector<40x256xi32>
    %shift_right_logical3A_102 = arith.shrui %add3A_95, %shift_right_logical3A_101 : vector<40x256xi32>
    %or3A_103 = arith.ori %shift_left3A_99, %shift_right_logical3A_102 : vector<40x256xi32>
    %xor3A_104 = arith.xori %add3A_96, %or3A_103 : vector<40x256xi32>
    %add3A_105 = arith.addi %add3A_96, %xor3A_104 : vector<40x256xi32>
    %shift_left3A_106 = arith.constant 15 : i32
    %shift_left3A_107 = vector.broadcast %shift_left3A_106 : i32 to vector<40x256xi32>
    %shift_left3A_108 = arith.shli %xor3A_104, %shift_left3A_107 : vector<40x256xi32>
    %shift_right_logical3A_109 = arith.constant 17 : i32
    %shift_right_logical3A_110 = vector.broadcast %shift_right_logical3A_109 : i32 to vector<40x256xi32>
    %shift_right_logical3A_111 = arith.shrui %xor3A_104, %shift_right_logical3A_110 : vector<40x256xi32>
    %or3A_112 = arith.ori %shift_left3A_108, %shift_right_logical3A_111 : vector<40x256xi32>
    %xor3A_113 = arith.xori %add3A_105, %or3A_112 : vector<40x256xi32>
    %add3A_114 = arith.addi %add3A_105, %xor3A_113 : vector<40x256xi32>
    %shift_left3A_115 = arith.constant 26 : i32
    %shift_left3A_116 = vector.broadcast %shift_left3A_115 : i32 to vector<40x256xi32>
    %shift_left3A_117 = arith.shli %xor3A_113, %shift_left3A_116 : vector<40x256xi32>
    %shift_right_logical3A_118 = arith.constant 6 : i32
    %shift_right_logical3A_119 = vector.broadcast %shift_right_logical3A_118 : i32 to vector<40x256xi32>
    %shift_right_logical3A_120 = arith.shrui %xor3A_113, %shift_right_logical3A_119 : vector<40x256xi32>
    %or3A_121 = arith.ori %shift_left3A_117, %shift_right_logical3A_120 : vector<40x256xi32>
    %xor3A_122 = arith.xori %add3A_114, %or3A_121 : vector<40x256xi32>
    %add3A_123 = arith.addi %add3A_114, %xor3A_122 : vector<40x256xi32>
    %shift_left3A_124 = arith.constant 6 : i32
    %shift_left3A_125 = vector.broadcast %shift_left3A_124 : i32 to vector<40x256xi32>
    %shift_left3A_126 = arith.shli %xor3A_122, %shift_left3A_125 : vector<40x256xi32>
    %shift_right_logical3A_127 = arith.constant 26 : i32
    %shift_right_logical3A_128 = vector.broadcast %shift_right_logical3A_127 : i32 to vector<40x256xi32>
    %shift_right_logical3A_129 = arith.shrui %xor3A_122, %shift_right_logical3A_128 : vector<40x256xi32>
    %or3A_130 = arith.ori %shift_left3A_126, %shift_right_logical3A_129 : vector<40x256xi32>
    %xor3A_131 = arith.xori %add3A_123, %or3A_130 : vector<40x256xi32>
    %add3A_132 = arith.constant 1832780943 : i32
    %add3A_133 = vector.broadcast %add3A_132 : i32 to vector<40x256xi32>
    %add3A_134 = arith.addi %add3A_123, %add3A_133 : vector<40x256xi32>
    %add3A_135 = arith.constant 270669616 : i32
    %add3A_136 = vector.broadcast %add3A_135 : i32 to vector<40x256xi32>
    %add3A_137 = arith.addi %xor3A_131, %add3A_136 : vector<40x256xi32>
    %add3A_138 = arith.addi %add3A_134, %add3A_137 : vector<40x256xi32>
    %shift_left3A_139 = arith.constant 17 : i32
    %shift_left3A_140 = vector.broadcast %shift_left3A_139 : i32 to vector<40x256xi32>
    %shift_left3A_141 = arith.shli %add3A_137, %shift_left3A_140 : vector<40x256xi32>
    %shift_right_logical3A_142 = arith.constant 15 : i32
    %shift_right_logical3A_143 = vector.broadcast %shift_right_logical3A_142 : i32 to vector<40x256xi32>
    %shift_right_logical3A_144 = arith.shrui %add3A_137, %shift_right_logical3A_143 : vector<40x256xi32>
    %or3A_145 = arith.ori %shift_left3A_141, %shift_right_logical3A_144 : vector<40x256xi32>
    %xor3A_146 = arith.xori %add3A_138, %or3A_145 : vector<40x256xi32>
    %add3A_147 = arith.addi %add3A_138, %xor3A_146 : vector<40x256xi32>
    %shift_left3A_148 = arith.constant 29 : i32
    %shift_left3A_149 = vector.broadcast %shift_left3A_148 : i32 to vector<40x256xi32>
    %shift_left3A_150 = arith.shli %xor3A_146, %shift_left3A_149 : vector<40x256xi32>
    %shift_right_logical3A_151 = arith.constant 3 : i32
    %shift_right_logical3A_152 = vector.broadcast %shift_right_logical3A_151 : i32 to vector<40x256xi32>
    %shift_right_logical3A_153 = arith.shrui %xor3A_146, %shift_right_logical3A_152 : vector<40x256xi32>
    %or3A_154 = arith.ori %shift_left3A_150, %shift_right_logical3A_153 : vector<40x256xi32>
    %xor3A_155 = arith.xori %add3A_147, %or3A_154 : vector<40x256xi32>
    %add3A_156 = arith.addi %add3A_147, %xor3A_155 : vector<40x256xi32>
    %shift_left3A_157 = arith.constant 16 : i32
    %shift_left3A_158 = vector.broadcast %shift_left3A_157 : i32 to vector<40x256xi32>
    %shift_left3A_159 = arith.shli %xor3A_155, %shift_left3A_158 : vector<40x256xi32>
    %shift_right_logical3A_160 = arith.constant 16 : i32
    %shift_right_logical3A_161 = vector.broadcast %shift_right_logical3A_160 : i32 to vector<40x256xi32>
    %shift_right_logical3A_162 = arith.shrui %xor3A_155, %shift_right_logical3A_161 : vector<40x256xi32>
    %or3A_163 = arith.ori %shift_left3A_159, %shift_right_logical3A_162 : vector<40x256xi32>
    %xor3A_164 = arith.xori %add3A_156, %or3A_163 : vector<40x256xi32>
    %add3A_165 = arith.addi %add3A_156, %xor3A_164 : vector<40x256xi32>
    %shift_left3A_166 = arith.constant 24 : i32
    %shift_left3A_167 = vector.broadcast %shift_left3A_166 : i32 to vector<40x256xi32>
    %shift_left3A_168 = arith.shli %xor3A_164, %shift_left3A_167 : vector<40x256xi32>
    %shift_right_logical3A_169 = arith.constant 8 : i32
    %shift_right_logical3A_170 = vector.broadcast %shift_right_logical3A_169 : i32 to vector<40x256xi32>
    %shift_right_logical3A_171 = arith.shrui %xor3A_164, %shift_right_logical3A_170 : vector<40x256xi32>
    %or3A_172 = arith.ori %shift_left3A_168, %shift_right_logical3A_171 : vector<40x256xi32>
    %xor3A_173 = arith.xori %add3A_165, %or3A_172 : vector<40x256xi32>
    %add3A_174 = arith.constant 270669613 : i32
    %add3A_175 = vector.broadcast %add3A_174 : i32 to vector<40x256xi32>
    %add3A_176 = arith.addi %add3A_165, %add3A_175 : vector<40x256xi32>
    %add3A_177 = arith.constant 1724713084 : i32
    %add3A_178 = vector.broadcast %add3A_177 : i32 to vector<40x256xi32>
    %add3A_179 = arith.addi %xor3A_173, %add3A_178 : vector<40x256xi32>
    %add3A_180 = arith.addi %add3A_176, %add3A_179 : vector<40x256xi32>
    %shift_left3A_181 = arith.constant 13 : i32
    %shift_left3A_182 = vector.broadcast %shift_left3A_181 : i32 to vector<40x256xi32>
    %shift_left3A_183 = arith.shli %add3A_179, %shift_left3A_182 : vector<40x256xi32>
    %shift_right_logical3A_184 = arith.constant 19 : i32
    %shift_right_logical3A_185 = vector.broadcast %shift_right_logical3A_184 : i32 to vector<40x256xi32>
    %shift_right_logical3A_186 = arith.shrui %add3A_179, %shift_right_logical3A_185 : vector<40x256xi32>
    %or3A_187 = arith.ori %shift_left3A_183, %shift_right_logical3A_186 : vector<40x256xi32>
    %xor3A_188 = arith.xori %add3A_180, %or3A_187 : vector<40x256xi32>
    %add3A_189 = arith.addi %add3A_180, %xor3A_188 : vector<40x256xi32>
    %shift_left3A_190 = arith.constant 15 : i32
    %shift_left3A_191 = vector.broadcast %shift_left3A_190 : i32 to vector<40x256xi32>
    %shift_left3A_192 = arith.shli %xor3A_188, %shift_left3A_191 : vector<40x256xi32>
    %shift_right_logical3A_193 = arith.constant 17 : i32
    %shift_right_logical3A_194 = vector.broadcast %shift_right_logical3A_193 : i32 to vector<40x256xi32>
    %shift_right_logical3A_195 = arith.shrui %xor3A_188, %shift_right_logical3A_194 : vector<40x256xi32>
    %or3A_196 = arith.ori %shift_left3A_192, %shift_right_logical3A_195 : vector<40x256xi32>
    %xor3A_197 = arith.xori %add3A_189, %or3A_196 : vector<40x256xi32>
    %add3A_198 = arith.addi %add3A_189, %xor3A_197 : vector<40x256xi32>
    %shift_left3A_199 = arith.constant 26 : i32
    %shift_left3A_200 = vector.broadcast %shift_left3A_199 : i32 to vector<40x256xi32>
    %shift_left3A_201 = arith.shli %xor3A_197, %shift_left3A_200 : vector<40x256xi32>
    %shift_right_logical3A_202 = arith.constant 6 : i32
    %shift_right_logical3A_203 = vector.broadcast %shift_right_logical3A_202 : i32 to vector<40x256xi32>
    %shift_right_logical3A_204 = arith.shrui %xor3A_197, %shift_right_logical3A_203 : vector<40x256xi32>
    %or3A_205 = arith.ori %shift_left3A_201, %shift_right_logical3A_204 : vector<40x256xi32>
    %xor3A_206 = arith.xori %add3A_198, %or3A_205 : vector<40x256xi32>
    %add3A_207 = arith.addi %add3A_198, %xor3A_206 : vector<40x256xi32>
    %shift_left3A_208 = arith.constant 6 : i32
    %shift_left3A_209 = vector.broadcast %shift_left3A_208 : i32 to vector<40x256xi32>
    %shift_left3A_210 = arith.shli %xor3A_206, %shift_left3A_209 : vector<40x256xi32>
    %shift_right_logical3A_211 = arith.constant 26 : i32
    %shift_right_logical3A_212 = vector.broadcast %shift_right_logical3A_211 : i32 to vector<40x256xi32>
    %shift_right_logical3A_213 = arith.shrui %xor3A_206, %shift_right_logical3A_212 : vector<40x256xi32>
    %or3A_214 = arith.ori %shift_left3A_210, %shift_right_logical3A_213 : vector<40x256xi32>
    %xor3A_215 = arith.xori %add3A_207, %or3A_214 : vector<40x256xi32>
    %add3A_216 = arith.constant 1724713080 : i32
    %add3A_217 = vector.broadcast %add3A_216 : i32 to vector<40x256xi32>
    %add3A_218 = arith.addi %add3A_207, %add3A_217 : vector<40x256xi32>
    %add3A_219 = arith.constant 1832780948 : i32
    %add3A_220 = vector.broadcast %add3A_219 : i32 to vector<40x256xi32>
    %add3A_221 = arith.addi %xor3A_215, %add3A_220 : vector<40x256xi32>
    %ge3A = arith.constant 1.000000e+00 : f32
    %ge3A_222 = vector.broadcast %ge3A : f32 to vector<40x256xf32>
    %ge3A_223 = arith.cmpf oge, %get3A_8, %ge3A_222 : vector<40x256xf32>
    %add3A_224 = arith.constant 1.000000e+00 : f32
    %add3A_225 = vector.broadcast %add3A_224 : f32 to vector<40x256xf32>
    %add3A_226 = arith.addf %get3A_8, %add3A_225 : vector<40x256xf32>
    %select_n3A = arith.select %ge3A_223, %get3A_8, %add3A_226 : vector<40x256xi1>, vector<40x256xf32>
    %sub3A = arith.constant 0.333333343 : f32
    %sub3A_227 = vector.broadcast %sub3A : f32 to vector<40x256xf32>
    %sub3A_228 = arith.subf %select_n3A, %sub3A_227 : vector<40x256xf32>
    %rsqrt3A = math.rsqrt %sub3A_228 : vector<40x256xf32>
    %mul3A_229 = arith.constant 0.333333343 : f32
    %mul3A_230 = vector.broadcast %mul3A_229 : f32 to vector<40x256xf32>
    %mul3A_231 = arith.mulf %mul3A_230, %rsqrt3A : vector<40x256xf32>
    %broadcast_in_dim3A_232 = arith.constant 0 : i32
    %broadcast_in_dim3A_233 = vector.broadcast %broadcast_in_dim3A_232 : i32 to vector<40x256xi32>
    %add3A_234 = arith.constant 1 : i32
    %add3A_235 = vector.broadcast %add3A_234 : i32 to vector<40x256xi32>
    %add3A_236 = arith.addi %broadcast_in_dim3A_233, %add3A_235 : vector<40x256xi32>
    %xor3A_237 = arith.xori %add3A_218, %add3A_221 : vector<40x256xi32>
    %xor3A_238 = arith.constant 466688986 : i32
    %xor3A_239 = vector.broadcast %xor3A_238 : i32 to vector<40x256xi32>
    %xor3A_240 = arith.xori %xor3A_237, %xor3A_239 : vector<40x256xi32>
    %add3A_241 = arith.addi %broadcast_in_dim3A_233, %add3A_218 : vector<40x256xi32>
    %add3A_242 = arith.addi %add3A_236, %add3A_221 : vector<40x256xi32>
    %add3A_243 = arith.addi %add3A_241, %add3A_242 : vector<40x256xi32>
    %shift_left3A_244 = arith.constant 13 : i32
    %shift_left3A_245 = vector.broadcast %shift_left3A_244 : i32 to vector<40x256xi32>
    %shift_left3A_246 = arith.shli %add3A_242, %shift_left3A_245 : vector<40x256xi32>
    %shift_right_logical3A_247 = arith.constant 19 : i32
    %shift_right_logical3A_248 = vector.broadcast %shift_right_logical3A_247 : i32 to vector<40x256xi32>
    %shift_right_logical3A_249 = arith.shrui %add3A_242, %shift_right_logical3A_248 : vector<40x256xi32>
    %or3A_250 = arith.ori %shift_left3A_246, %shift_right_logical3A_249 : vector<40x256xi32>
    %xor3A_251 = arith.xori %add3A_243, %or3A_250 : vector<40x256xi32>
    %add3A_252 = arith.addi %add3A_243, %xor3A_251 : vector<40x256xi32>
    %shift_left3A_253 = arith.constant 15 : i32
    %shift_left3A_254 = vector.broadcast %shift_left3A_253 : i32 to vector<40x256xi32>
    %shift_left3A_255 = arith.shli %xor3A_251, %shift_left3A_254 : vector<40x256xi32>
    %shift_right_logical3A_256 = arith.constant 17 : i32
    %shift_right_logical3A_257 = vector.broadcast %shift_right_logical3A_256 : i32 to vector<40x256xi32>
    %shift_right_logical3A_258 = arith.shrui %xor3A_251, %shift_right_logical3A_257 : vector<40x256xi32>
    %or3A_259 = arith.ori %shift_left3A_255, %shift_right_logical3A_258 : vector<40x256xi32>
    %xor3A_260 = arith.xori %add3A_252, %or3A_259 : vector<40x256xi32>
    %add3A_261 = arith.addi %add3A_252, %xor3A_260 : vector<40x256xi32>
    %shift_left3A_262 = arith.constant 26 : i32
    %shift_left3A_263 = vector.broadcast %shift_left3A_262 : i32 to vector<40x256xi32>
    %shift_left3A_264 = arith.shli %xor3A_260, %shift_left3A_263 : vector<40x256xi32>
    %shift_right_logical3A_265 = arith.constant 6 : i32
    %shift_right_logical3A_266 = vector.broadcast %shift_right_logical3A_265 : i32 to vector<40x256xi32>
    %shift_right_logical3A_267 = arith.shrui %xor3A_260, %shift_right_logical3A_266 : vector<40x256xi32>
    %or3A_268 = arith.ori %shift_left3A_264, %shift_right_logical3A_267 : vector<40x256xi32>
    %xor3A_269 = arith.xori %add3A_261, %or3A_268 : vector<40x256xi32>
    %add3A_270 = arith.addi %add3A_261, %xor3A_269 : vector<40x256xi32>
    %shift_left3A_271 = arith.constant 6 : i32
    %shift_left3A_272 = vector.broadcast %shift_left3A_271 : i32 to vector<40x256xi32>
    %shift_left3A_273 = arith.shli %xor3A_269, %shift_left3A_272 : vector<40x256xi32>
    %shift_right_logical3A_274 = arith.constant 26 : i32
    %shift_right_logical3A_275 = vector.broadcast %shift_right_logical3A_274 : i32 to vector<40x256xi32>
    %shift_right_logical3A_276 = arith.shrui %xor3A_269, %shift_right_logical3A_275 : vector<40x256xi32>
    %or3A_277 = arith.ori %shift_left3A_273, %shift_right_logical3A_276 : vector<40x256xi32>
    %xor3A_278 = arith.xori %add3A_270, %or3A_277 : vector<40x256xi32>
    %add3A_279 = arith.addi %add3A_270, %add3A_221 : vector<40x256xi32>
    %add3A_280 = arith.addi %xor3A_278, %xor3A_240 : vector<40x256xi32>
    %add3A_281 = arith.constant 1 : i32
    %add3A_282 = vector.broadcast %add3A_281 : i32 to vector<40x256xi32>
    %add3A_283 = arith.addi %add3A_280, %add3A_282 : vector<40x256xi32>
    %add3A_284 = arith.addi %add3A_279, %add3A_283 : vector<40x256xi32>
    %shift_left3A_285 = arith.constant 17 : i32
    %shift_left3A_286 = vector.broadcast %shift_left3A_285 : i32 to vector<40x256xi32>
    %shift_left3A_287 = arith.shli %add3A_283, %shift_left3A_286 : vector<40x256xi32>
    %shift_right_logical3A_288 = arith.constant 15 : i32
    %shift_right_logical3A_289 = vector.broadcast %shift_right_logical3A_288 : i32 to vector<40x256xi32>
    %shift_right_logical3A_290 = arith.shrui %add3A_283, %shift_right_logical3A_289 : vector<40x256xi32>
    %or3A_291 = arith.ori %shift_left3A_287, %shift_right_logical3A_290 : vector<40x256xi32>
    %xor3A_292 = arith.xori %add3A_284, %or3A_291 : vector<40x256xi32>
    %add3A_293 = arith.addi %add3A_284, %xor3A_292 : vector<40x256xi32>
    %shift_left3A_294 = arith.constant 29 : i32
    %shift_left3A_295 = vector.broadcast %shift_left3A_294 : i32 to vector<40x256xi32>
    %shift_left3A_296 = arith.shli %xor3A_292, %shift_left3A_295 : vector<40x256xi32>
    %shift_right_logical3A_297 = arith.constant 3 : i32
    %shift_right_logical3A_298 = vector.broadcast %shift_right_logical3A_297 : i32 to vector<40x256xi32>
    %shift_right_logical3A_299 = arith.shrui %xor3A_292, %shift_right_logical3A_298 : vector<40x256xi32>
    %or3A_300 = arith.ori %shift_left3A_296, %shift_right_logical3A_299 : vector<40x256xi32>
    %xor3A_301 = arith.xori %add3A_293, %or3A_300 : vector<40x256xi32>
    %add3A_302 = arith.addi %add3A_293, %xor3A_301 : vector<40x256xi32>
    %shift_left3A_303 = arith.constant 16 : i32
    %shift_left3A_304 = vector.broadcast %shift_left3A_303 : i32 to vector<40x256xi32>
    %shift_left3A_305 = arith.shli %xor3A_301, %shift_left3A_304 : vector<40x256xi32>
    %shift_right_logical3A_306 = arith.constant 16 : i32
    %shift_right_logical3A_307 = vector.broadcast %shift_right_logical3A_306 : i32 to vector<40x256xi32>
    %shift_right_logical3A_308 = arith.shrui %xor3A_301, %shift_right_logical3A_307 : vector<40x256xi32>
    %or3A_309 = arith.ori %shift_left3A_305, %shift_right_logical3A_308 : vector<40x256xi32>
    %xor3A_310 = arith.xori %add3A_302, %or3A_309 : vector<40x256xi32>
    %add3A_311 = arith.addi %add3A_302, %xor3A_310 : vector<40x256xi32>
    %shift_left3A_312 = arith.constant 24 : i32
    %shift_left3A_313 = vector.broadcast %shift_left3A_312 : i32 to vector<40x256xi32>
    %shift_left3A_314 = arith.shli %xor3A_310, %shift_left3A_313 : vector<40x256xi32>
    %shift_right_logical3A_315 = arith.constant 8 : i32
    %shift_right_logical3A_316 = vector.broadcast %shift_right_logical3A_315 : i32 to vector<40x256xi32>
    %shift_right_logical3A_317 = arith.shrui %xor3A_310, %shift_right_logical3A_316 : vector<40x256xi32>
    %or3A_318 = arith.ori %shift_left3A_314, %shift_right_logical3A_317 : vector<40x256xi32>
    %xor3A_319 = arith.xori %add3A_311, %or3A_318 : vector<40x256xi32>
    %add3A_320 = arith.addi %add3A_311, %xor3A_240 : vector<40x256xi32>
    %add3A_321 = arith.addi %xor3A_319, %add3A_218 : vector<40x256xi32>
    %add3A_322 = arith.constant 2 : i32
    %add3A_323 = vector.broadcast %add3A_322 : i32 to vector<40x256xi32>
    %add3A_324 = arith.addi %add3A_321, %add3A_323 : vector<40x256xi32>
    %add3A_325 = arith.addi %add3A_320, %add3A_324 : vector<40x256xi32>
    %shift_left3A_326 = arith.constant 13 : i32
    %shift_left3A_327 = vector.broadcast %shift_left3A_326 : i32 to vector<40x256xi32>
    %shift_left3A_328 = arith.shli %add3A_324, %shift_left3A_327 : vector<40x256xi32>
    %shift_right_logical3A_329 = arith.constant 19 : i32
    %shift_right_logical3A_330 = vector.broadcast %shift_right_logical3A_329 : i32 to vector<40x256xi32>
    %shift_right_logical3A_331 = arith.shrui %add3A_324, %shift_right_logical3A_330 : vector<40x256xi32>
    %or3A_332 = arith.ori %shift_left3A_328, %shift_right_logical3A_331 : vector<40x256xi32>
    %xor3A_333 = arith.xori %add3A_325, %or3A_332 : vector<40x256xi32>
    %add3A_334 = arith.addi %add3A_325, %xor3A_333 : vector<40x256xi32>
    %shift_left3A_335 = arith.constant 15 : i32
    %shift_left3A_336 = vector.broadcast %shift_left3A_335 : i32 to vector<40x256xi32>
    %shift_left3A_337 = arith.shli %xor3A_333, %shift_left3A_336 : vector<40x256xi32>
    %shift_right_logical3A_338 = arith.constant 17 : i32
    %shift_right_logical3A_339 = vector.broadcast %shift_right_logical3A_338 : i32 to vector<40x256xi32>
    %shift_right_logical3A_340 = arith.shrui %xor3A_333, %shift_right_logical3A_339 : vector<40x256xi32>
    %or3A_341 = arith.ori %shift_left3A_337, %shift_right_logical3A_340 : vector<40x256xi32>
    %xor3A_342 = arith.xori %add3A_334, %or3A_341 : vector<40x256xi32>
    %add3A_343 = arith.addi %add3A_334, %xor3A_342 : vector<40x256xi32>
    %shift_left3A_344 = arith.constant 26 : i32
    %shift_left3A_345 = vector.broadcast %shift_left3A_344 : i32 to vector<40x256xi32>
    %shift_left3A_346 = arith.shli %xor3A_342, %shift_left3A_345 : vector<40x256xi32>
    %shift_right_logical3A_347 = arith.constant 6 : i32
    %shift_right_logical3A_348 = vector.broadcast %shift_right_logical3A_347 : i32 to vector<40x256xi32>
    %shift_right_logical3A_349 = arith.shrui %xor3A_342, %shift_right_logical3A_348 : vector<40x256xi32>
    %or3A_350 = arith.ori %shift_left3A_346, %shift_right_logical3A_349 : vector<40x256xi32>
    %xor3A_351 = arith.xori %add3A_343, %or3A_350 : vector<40x256xi32>
    %add3A_352 = arith.addi %add3A_343, %xor3A_351 : vector<40x256xi32>
    %shift_left3A_353 = arith.constant 6 : i32
    %shift_left3A_354 = vector.broadcast %shift_left3A_353 : i32 to vector<40x256xi32>
    %shift_left3A_355 = arith.shli %xor3A_351, %shift_left3A_354 : vector<40x256xi32>
    %shift_right_logical3A_356 = arith.constant 26 : i32
    %shift_right_logical3A_357 = vector.broadcast %shift_right_logical3A_356 : i32 to vector<40x256xi32>
    %shift_right_logical3A_358 = arith.shrui %xor3A_351, %shift_right_logical3A_357 : vector<40x256xi32>
    %or3A_359 = arith.ori %shift_left3A_355, %shift_right_logical3A_358 : vector<40x256xi32>
    %xor3A_360 = arith.xori %add3A_352, %or3A_359 : vector<40x256xi32>
    %add3A_361 = arith.addi %add3A_352, %add3A_218 : vector<40x256xi32>
    %add3A_362 = arith.addi %xor3A_360, %add3A_221 : vector<40x256xi32>
    %add3A_363 = arith.constant 3 : i32
    %add3A_364 = vector.broadcast %add3A_363 : i32 to vector<40x256xi32>
    %add3A_365 = arith.addi %add3A_362, %add3A_364 : vector<40x256xi32>
    %add3A_366 = arith.addi %add3A_361, %add3A_365 : vector<40x256xi32>
    %shift_left3A_367 = arith.constant 17 : i32
    %shift_left3A_368 = vector.broadcast %shift_left3A_367 : i32 to vector<40x256xi32>
    %shift_left3A_369 = arith.shli %add3A_365, %shift_left3A_368 : vector<40x256xi32>
    %shift_right_logical3A_370 = arith.constant 15 : i32
    %shift_right_logical3A_371 = vector.broadcast %shift_right_logical3A_370 : i32 to vector<40x256xi32>
    %shift_right_logical3A_372 = arith.shrui %add3A_365, %shift_right_logical3A_371 : vector<40x256xi32>
    %or3A_373 = arith.ori %shift_left3A_369, %shift_right_logical3A_372 : vector<40x256xi32>
    %xor3A_374 = arith.xori %add3A_366, %or3A_373 : vector<40x256xi32>
    %add3A_375 = arith.addi %add3A_366, %xor3A_374 : vector<40x256xi32>
    %shift_left3A_376 = arith.constant 29 : i32
    %shift_left3A_377 = vector.broadcast %shift_left3A_376 : i32 to vector<40x256xi32>
    %shift_left3A_378 = arith.shli %xor3A_374, %shift_left3A_377 : vector<40x256xi32>
    %shift_right_logical3A_379 = arith.constant 3 : i32
    %shift_right_logical3A_380 = vector.broadcast %shift_right_logical3A_379 : i32 to vector<40x256xi32>
    %shift_right_logical3A_381 = arith.shrui %xor3A_374, %shift_right_logical3A_380 : vector<40x256xi32>
    %or3A_382 = arith.ori %shift_left3A_378, %shift_right_logical3A_381 : vector<40x256xi32>
    %xor3A_383 = arith.xori %add3A_375, %or3A_382 : vector<40x256xi32>
    %add3A_384 = arith.addi %add3A_375, %xor3A_383 : vector<40x256xi32>
    %shift_left3A_385 = arith.constant 16 : i32
    %shift_left3A_386 = vector.broadcast %shift_left3A_385 : i32 to vector<40x256xi32>
    %shift_left3A_387 = arith.shli %xor3A_383, %shift_left3A_386 : vector<40x256xi32>
    %shift_right_logical3A_388 = arith.constant 16 : i32
    %shift_right_logical3A_389 = vector.broadcast %shift_right_logical3A_388 : i32 to vector<40x256xi32>
    %shift_right_logical3A_390 = arith.shrui %xor3A_383, %shift_right_logical3A_389 : vector<40x256xi32>
    %or3A_391 = arith.ori %shift_left3A_387, %shift_right_logical3A_390 : vector<40x256xi32>
    %xor3A_392 = arith.xori %add3A_384, %or3A_391 : vector<40x256xi32>
    %add3A_393 = arith.addi %add3A_384, %xor3A_392 : vector<40x256xi32>
    %shift_left3A_394 = arith.constant 24 : i32
    %shift_left3A_395 = vector.broadcast %shift_left3A_394 : i32 to vector<40x256xi32>
    %shift_left3A_396 = arith.shli %xor3A_392, %shift_left3A_395 : vector<40x256xi32>
    %shift_right_logical3A_397 = arith.constant 8 : i32
    %shift_right_logical3A_398 = vector.broadcast %shift_right_logical3A_397 : i32 to vector<40x256xi32>
    %shift_right_logical3A_399 = arith.shrui %xor3A_392, %shift_right_logical3A_398 : vector<40x256xi32>
    %or3A_400 = arith.ori %shift_left3A_396, %shift_right_logical3A_399 : vector<40x256xi32>
    %xor3A_401 = arith.xori %add3A_393, %or3A_400 : vector<40x256xi32>
    %add3A_402 = arith.addi %add3A_393, %add3A_221 : vector<40x256xi32>
    %add3A_403 = arith.addi %xor3A_401, %xor3A_240 : vector<40x256xi32>
    %add3A_404 = arith.constant 4 : i32
    %add3A_405 = vector.broadcast %add3A_404 : i32 to vector<40x256xi32>
    %add3A_406 = arith.addi %add3A_403, %add3A_405 : vector<40x256xi32>
    %add3A_407 = arith.addi %add3A_402, %add3A_406 : vector<40x256xi32>
    %shift_left3A_408 = arith.constant 13 : i32
    %shift_left3A_409 = vector.broadcast %shift_left3A_408 : i32 to vector<40x256xi32>
    %shift_left3A_410 = arith.shli %add3A_406, %shift_left3A_409 : vector<40x256xi32>
    %shift_right_logical3A_411 = arith.constant 19 : i32
    %shift_right_logical3A_412 = vector.broadcast %shift_right_logical3A_411 : i32 to vector<40x256xi32>
    %shift_right_logical3A_413 = arith.shrui %add3A_406, %shift_right_logical3A_412 : vector<40x256xi32>
    %or3A_414 = arith.ori %shift_left3A_410, %shift_right_logical3A_413 : vector<40x256xi32>
    %xor3A_415 = arith.xori %add3A_407, %or3A_414 : vector<40x256xi32>
    %add3A_416 = arith.addi %add3A_407, %xor3A_415 : vector<40x256xi32>
    %shift_left3A_417 = arith.constant 15 : i32
    %shift_left3A_418 = vector.broadcast %shift_left3A_417 : i32 to vector<40x256xi32>
    %shift_left3A_419 = arith.shli %xor3A_415, %shift_left3A_418 : vector<40x256xi32>
    %shift_right_logical3A_420 = arith.constant 17 : i32
    %shift_right_logical3A_421 = vector.broadcast %shift_right_logical3A_420 : i32 to vector<40x256xi32>
    %shift_right_logical3A_422 = arith.shrui %xor3A_415, %shift_right_logical3A_421 : vector<40x256xi32>
    %or3A_423 = arith.ori %shift_left3A_419, %shift_right_logical3A_422 : vector<40x256xi32>
    %xor3A_424 = arith.xori %add3A_416, %or3A_423 : vector<40x256xi32>
    %add3A_425 = arith.addi %add3A_416, %xor3A_424 : vector<40x256xi32>
    %shift_left3A_426 = arith.constant 26 : i32
    %shift_left3A_427 = vector.broadcast %shift_left3A_426 : i32 to vector<40x256xi32>
    %shift_left3A_428 = arith.shli %xor3A_424, %shift_left3A_427 : vector<40x256xi32>
    %shift_right_logical3A_429 = arith.constant 6 : i32
    %shift_right_logical3A_430 = vector.broadcast %shift_right_logical3A_429 : i32 to vector<40x256xi32>
    %shift_right_logical3A_431 = arith.shrui %xor3A_424, %shift_right_logical3A_430 : vector<40x256xi32>
    %or3A_432 = arith.ori %shift_left3A_428, %shift_right_logical3A_431 : vector<40x256xi32>
    %xor3A_433 = arith.xori %add3A_425, %or3A_432 : vector<40x256xi32>
    %add3A_434 = arith.addi %add3A_425, %xor3A_433 : vector<40x256xi32>
    %shift_left3A_435 = arith.constant 6 : i32
    %shift_left3A_436 = vector.broadcast %shift_left3A_435 : i32 to vector<40x256xi32>
    %shift_left3A_437 = arith.shli %xor3A_433, %shift_left3A_436 : vector<40x256xi32>
    %shift_right_logical3A_438 = arith.constant 26 : i32
    %shift_right_logical3A_439 = vector.broadcast %shift_right_logical3A_438 : i32 to vector<40x256xi32>
    %shift_right_logical3A_440 = arith.shrui %xor3A_433, %shift_right_logical3A_439 : vector<40x256xi32>
    %or3A_441 = arith.ori %shift_left3A_437, %shift_right_logical3A_440 : vector<40x256xi32>
    %xor3A_442 = arith.xori %add3A_434, %or3A_441 : vector<40x256xi32>
    %add3A_443 = arith.addi %add3A_434, %xor3A_240 : vector<40x256xi32>
    %add3A_444 = arith.addi %xor3A_442, %add3A_218 : vector<40x256xi32>
    %add3A_445 = arith.constant 5 : i32
    %add3A_446 = vector.broadcast %add3A_445 : i32 to vector<40x256xi32>
    %add3A_447 = arith.addi %add3A_444, %add3A_446 : vector<40x256xi32>
    %broadcast_in_dim3A_448 = arith.constant 0 : i32
    %broadcast_in_dim3A_449 = vector.broadcast %broadcast_in_dim3A_448 : i32 to vector<40x256xi32>
    %add3A_450 = arith.constant 0 : i32
    %add3A_451 = vector.broadcast %add3A_450 : i32 to vector<40x256xi32>
    %add3A_452 = arith.addi %broadcast_in_dim3A_449, %add3A_451 : vector<40x256xi32>
    %xor3A_453 = arith.xori %add3A_218, %add3A_221 : vector<40x256xi32>
    %xor3A_454 = arith.constant 466688986 : i32
    %xor3A_455 = vector.broadcast %xor3A_454 : i32 to vector<40x256xi32>
    %xor3A_456 = arith.xori %xor3A_453, %xor3A_455 : vector<40x256xi32>
    %add3A_457 = arith.addi %broadcast_in_dim3A_449, %add3A_218 : vector<40x256xi32>
    %add3A_458 = arith.addi %add3A_452, %add3A_221 : vector<40x256xi32>
    %add3A_459 = arith.addi %add3A_457, %add3A_458 : vector<40x256xi32>
    %shift_left3A_460 = arith.constant 13 : i32
    %shift_left3A_461 = vector.broadcast %shift_left3A_460 : i32 to vector<40x256xi32>
    %shift_left3A_462 = arith.shli %add3A_458, %shift_left3A_461 : vector<40x256xi32>
    %shift_right_logical3A_463 = arith.constant 19 : i32
    %shift_right_logical3A_464 = vector.broadcast %shift_right_logical3A_463 : i32 to vector<40x256xi32>
    %shift_right_logical3A_465 = arith.shrui %add3A_458, %shift_right_logical3A_464 : vector<40x256xi32>
    %or3A_466 = arith.ori %shift_left3A_462, %shift_right_logical3A_465 : vector<40x256xi32>
    %xor3A_467 = arith.xori %add3A_459, %or3A_466 : vector<40x256xi32>
    %add3A_468 = arith.addi %add3A_459, %xor3A_467 : vector<40x256xi32>
    %shift_left3A_469 = arith.constant 15 : i32
    %shift_left3A_470 = vector.broadcast %shift_left3A_469 : i32 to vector<40x256xi32>
    %shift_left3A_471 = arith.shli %xor3A_467, %shift_left3A_470 : vector<40x256xi32>
    %shift_right_logical3A_472 = arith.constant 17 : i32
    %shift_right_logical3A_473 = vector.broadcast %shift_right_logical3A_472 : i32 to vector<40x256xi32>
    %shift_right_logical3A_474 = arith.shrui %xor3A_467, %shift_right_logical3A_473 : vector<40x256xi32>
    %or3A_475 = arith.ori %shift_left3A_471, %shift_right_logical3A_474 : vector<40x256xi32>
    %xor3A_476 = arith.xori %add3A_468, %or3A_475 : vector<40x256xi32>
    %add3A_477 = arith.addi %add3A_468, %xor3A_476 : vector<40x256xi32>
    %shift_left3A_478 = arith.constant 26 : i32
    %shift_left3A_479 = vector.broadcast %shift_left3A_478 : i32 to vector<40x256xi32>
    %shift_left3A_480 = arith.shli %xor3A_476, %shift_left3A_479 : vector<40x256xi32>
    %shift_right_logical3A_481 = arith.constant 6 : i32
    %shift_right_logical3A_482 = vector.broadcast %shift_right_logical3A_481 : i32 to vector<40x256xi32>
    %shift_right_logical3A_483 = arith.shrui %xor3A_476, %shift_right_logical3A_482 : vector<40x256xi32>
    %or3A_484 = arith.ori %shift_left3A_480, %shift_right_logical3A_483 : vector<40x256xi32>
    %xor3A_485 = arith.xori %add3A_477, %or3A_484 : vector<40x256xi32>
    %add3A_486 = arith.addi %add3A_477, %xor3A_485 : vector<40x256xi32>
    %shift_left3A_487 = arith.constant 6 : i32
    %shift_left3A_488 = vector.broadcast %shift_left3A_487 : i32 to vector<40x256xi32>
    %shift_left3A_489 = arith.shli %xor3A_485, %shift_left3A_488 : vector<40x256xi32>
    %shift_right_logical3A_490 = arith.constant 26 : i32
    %shift_right_logical3A_491 = vector.broadcast %shift_right_logical3A_490 : i32 to vector<40x256xi32>
    %shift_right_logical3A_492 = arith.shrui %xor3A_485, %shift_right_logical3A_491 : vector<40x256xi32>
    %or3A_493 = arith.ori %shift_left3A_489, %shift_right_logical3A_492 : vector<40x256xi32>
    %xor3A_494 = arith.xori %add3A_486, %or3A_493 : vector<40x256xi32>
    %add3A_495 = arith.addi %add3A_486, %add3A_221 : vector<40x256xi32>
    %add3A_496 = arith.addi %xor3A_494, %xor3A_456 : vector<40x256xi32>
    %add3A_497 = arith.constant 1 : i32
    %add3A_498 = vector.broadcast %add3A_497 : i32 to vector<40x256xi32>
    %add3A_499 = arith.addi %add3A_496, %add3A_498 : vector<40x256xi32>
    %add3A_500 = arith.addi %add3A_495, %add3A_499 : vector<40x256xi32>
    %shift_left3A_501 = arith.constant 17 : i32
    %shift_left3A_502 = vector.broadcast %shift_left3A_501 : i32 to vector<40x256xi32>
    %shift_left3A_503 = arith.shli %add3A_499, %shift_left3A_502 : vector<40x256xi32>
    %shift_right_logical3A_504 = arith.constant 15 : i32
    %shift_right_logical3A_505 = vector.broadcast %shift_right_logical3A_504 : i32 to vector<40x256xi32>
    %shift_right_logical3A_506 = arith.shrui %add3A_499, %shift_right_logical3A_505 : vector<40x256xi32>
    %or3A_507 = arith.ori %shift_left3A_503, %shift_right_logical3A_506 : vector<40x256xi32>
    %xor3A_508 = arith.xori %add3A_500, %or3A_507 : vector<40x256xi32>
    %add3A_509 = arith.addi %add3A_500, %xor3A_508 : vector<40x256xi32>
    %shift_left3A_510 = arith.constant 29 : i32
    %shift_left3A_511 = vector.broadcast %shift_left3A_510 : i32 to vector<40x256xi32>
    %shift_left3A_512 = arith.shli %xor3A_508, %shift_left3A_511 : vector<40x256xi32>
    %shift_right_logical3A_513 = arith.constant 3 : i32
    %shift_right_logical3A_514 = vector.broadcast %shift_right_logical3A_513 : i32 to vector<40x256xi32>
    %shift_right_logical3A_515 = arith.shrui %xor3A_508, %shift_right_logical3A_514 : vector<40x256xi32>
    %or3A_516 = arith.ori %shift_left3A_512, %shift_right_logical3A_515 : vector<40x256xi32>
    %xor3A_517 = arith.xori %add3A_509, %or3A_516 : vector<40x256xi32>
    %add3A_518 = arith.addi %add3A_509, %xor3A_517 : vector<40x256xi32>
    %shift_left3A_519 = arith.constant 16 : i32
    %shift_left3A_520 = vector.broadcast %shift_left3A_519 : i32 to vector<40x256xi32>
    %shift_left3A_521 = arith.shli %xor3A_517, %shift_left3A_520 : vector<40x256xi32>
    %shift_right_logical3A_522 = arith.constant 16 : i32
    %shift_right_logical3A_523 = vector.broadcast %shift_right_logical3A_522 : i32 to vector<40x256xi32>
    %shift_right_logical3A_524 = arith.shrui %xor3A_517, %shift_right_logical3A_523 : vector<40x256xi32>
    %or3A_525 = arith.ori %shift_left3A_521, %shift_right_logical3A_524 : vector<40x256xi32>
    %xor3A_526 = arith.xori %add3A_518, %or3A_525 : vector<40x256xi32>
    %add3A_527 = arith.addi %add3A_518, %xor3A_526 : vector<40x256xi32>
    %shift_left3A_528 = arith.constant 24 : i32
    %shift_left3A_529 = vector.broadcast %shift_left3A_528 : i32 to vector<40x256xi32>
    %shift_left3A_530 = arith.shli %xor3A_526, %shift_left3A_529 : vector<40x256xi32>
    %shift_right_logical3A_531 = arith.constant 8 : i32
    %shift_right_logical3A_532 = vector.broadcast %shift_right_logical3A_531 : i32 to vector<40x256xi32>
    %shift_right_logical3A_533 = arith.shrui %xor3A_526, %shift_right_logical3A_532 : vector<40x256xi32>
    %or3A_534 = arith.ori %shift_left3A_530, %shift_right_logical3A_533 : vector<40x256xi32>
    %xor3A_535 = arith.xori %add3A_527, %or3A_534 : vector<40x256xi32>
    %add3A_536 = arith.addi %add3A_527, %xor3A_456 : vector<40x256xi32>
    %add3A_537 = arith.addi %xor3A_535, %add3A_218 : vector<40x256xi32>
    %add3A_538 = arith.constant 2 : i32
    %add3A_539 = vector.broadcast %add3A_538 : i32 to vector<40x256xi32>
    %add3A_540 = arith.addi %add3A_537, %add3A_539 : vector<40x256xi32>
    %add3A_541 = arith.addi %add3A_536, %add3A_540 : vector<40x256xi32>
    %shift_left3A_542 = arith.constant 13 : i32
    %shift_left3A_543 = vector.broadcast %shift_left3A_542 : i32 to vector<40x256xi32>
    %shift_left3A_544 = arith.shli %add3A_540, %shift_left3A_543 : vector<40x256xi32>
    %shift_right_logical3A_545 = arith.constant 19 : i32
    %shift_right_logical3A_546 = vector.broadcast %shift_right_logical3A_545 : i32 to vector<40x256xi32>
    %shift_right_logical3A_547 = arith.shrui %add3A_540, %shift_right_logical3A_546 : vector<40x256xi32>
    %or3A_548 = arith.ori %shift_left3A_544, %shift_right_logical3A_547 : vector<40x256xi32>
    %xor3A_549 = arith.xori %add3A_541, %or3A_548 : vector<40x256xi32>
    %add3A_550 = arith.addi %add3A_541, %xor3A_549 : vector<40x256xi32>
    %shift_left3A_551 = arith.constant 15 : i32
    %shift_left3A_552 = vector.broadcast %shift_left3A_551 : i32 to vector<40x256xi32>
    %shift_left3A_553 = arith.shli %xor3A_549, %shift_left3A_552 : vector<40x256xi32>
    %shift_right_logical3A_554 = arith.constant 17 : i32
    %shift_right_logical3A_555 = vector.broadcast %shift_right_logical3A_554 : i32 to vector<40x256xi32>
    %shift_right_logical3A_556 = arith.shrui %xor3A_549, %shift_right_logical3A_555 : vector<40x256xi32>
    %or3A_557 = arith.ori %shift_left3A_553, %shift_right_logical3A_556 : vector<40x256xi32>
    %xor3A_558 = arith.xori %add3A_550, %or3A_557 : vector<40x256xi32>
    %add3A_559 = arith.addi %add3A_550, %xor3A_558 : vector<40x256xi32>
    %shift_left3A_560 = arith.constant 26 : i32
    %shift_left3A_561 = vector.broadcast %shift_left3A_560 : i32 to vector<40x256xi32>
    %shift_left3A_562 = arith.shli %xor3A_558, %shift_left3A_561 : vector<40x256xi32>
    %shift_right_logical3A_563 = arith.constant 6 : i32
    %shift_right_logical3A_564 = vector.broadcast %shift_right_logical3A_563 : i32 to vector<40x256xi32>
    %shift_right_logical3A_565 = arith.shrui %xor3A_558, %shift_right_logical3A_564 : vector<40x256xi32>
    %or3A_566 = arith.ori %shift_left3A_562, %shift_right_logical3A_565 : vector<40x256xi32>
    %xor3A_567 = arith.xori %add3A_559, %or3A_566 : vector<40x256xi32>
    %add3A_568 = arith.addi %add3A_559, %xor3A_567 : vector<40x256xi32>
    %shift_left3A_569 = arith.constant 6 : i32
    %shift_left3A_570 = vector.broadcast %shift_left3A_569 : i32 to vector<40x256xi32>
    %shift_left3A_571 = arith.shli %xor3A_567, %shift_left3A_570 : vector<40x256xi32>
    %shift_right_logical3A_572 = arith.constant 26 : i32
    %shift_right_logical3A_573 = vector.broadcast %shift_right_logical3A_572 : i32 to vector<40x256xi32>
    %shift_right_logical3A_574 = arith.shrui %xor3A_567, %shift_right_logical3A_573 : vector<40x256xi32>
    %or3A_575 = arith.ori %shift_left3A_571, %shift_right_logical3A_574 : vector<40x256xi32>
    %xor3A_576 = arith.xori %add3A_568, %or3A_575 : vector<40x256xi32>
    %add3A_577 = arith.addi %add3A_568, %add3A_218 : vector<40x256xi32>
    %add3A_578 = arith.addi %xor3A_576, %add3A_221 : vector<40x256xi32>
    %add3A_579 = arith.constant 3 : i32
    %add3A_580 = vector.broadcast %add3A_579 : i32 to vector<40x256xi32>
    %add3A_581 = arith.addi %add3A_578, %add3A_580 : vector<40x256xi32>
    %add3A_582 = arith.addi %add3A_577, %add3A_581 : vector<40x256xi32>
    %shift_left3A_583 = arith.constant 17 : i32
    %shift_left3A_584 = vector.broadcast %shift_left3A_583 : i32 to vector<40x256xi32>
    %shift_left3A_585 = arith.shli %add3A_581, %shift_left3A_584 : vector<40x256xi32>
    %shift_right_logical3A_586 = arith.constant 15 : i32
    %shift_right_logical3A_587 = vector.broadcast %shift_right_logical3A_586 : i32 to vector<40x256xi32>
    %shift_right_logical3A_588 = arith.shrui %add3A_581, %shift_right_logical3A_587 : vector<40x256xi32>
    %or3A_589 = arith.ori %shift_left3A_585, %shift_right_logical3A_588 : vector<40x256xi32>
    %xor3A_590 = arith.xori %add3A_582, %or3A_589 : vector<40x256xi32>
    %add3A_591 = arith.addi %add3A_582, %xor3A_590 : vector<40x256xi32>
    %shift_left3A_592 = arith.constant 29 : i32
    %shift_left3A_593 = vector.broadcast %shift_left3A_592 : i32 to vector<40x256xi32>
    %shift_left3A_594 = arith.shli %xor3A_590, %shift_left3A_593 : vector<40x256xi32>
    %shift_right_logical3A_595 = arith.constant 3 : i32
    %shift_right_logical3A_596 = vector.broadcast %shift_right_logical3A_595 : i32 to vector<40x256xi32>
    %shift_right_logical3A_597 = arith.shrui %xor3A_590, %shift_right_logical3A_596 : vector<40x256xi32>
    %or3A_598 = arith.ori %shift_left3A_594, %shift_right_logical3A_597 : vector<40x256xi32>
    %xor3A_599 = arith.xori %add3A_591, %or3A_598 : vector<40x256xi32>
    %add3A_600 = arith.addi %add3A_591, %xor3A_599 : vector<40x256xi32>
    %shift_left3A_601 = arith.constant 16 : i32
    %shift_left3A_602 = vector.broadcast %shift_left3A_601 : i32 to vector<40x256xi32>
    %shift_left3A_603 = arith.shli %xor3A_599, %shift_left3A_602 : vector<40x256xi32>
    %shift_right_logical3A_604 = arith.constant 16 : i32
    %shift_right_logical3A_605 = vector.broadcast %shift_right_logical3A_604 : i32 to vector<40x256xi32>
    %shift_right_logical3A_606 = arith.shrui %xor3A_599, %shift_right_logical3A_605 : vector<40x256xi32>
    %or3A_607 = arith.ori %shift_left3A_603, %shift_right_logical3A_606 : vector<40x256xi32>
    %xor3A_608 = arith.xori %add3A_600, %or3A_607 : vector<40x256xi32>
    %add3A_609 = arith.addi %add3A_600, %xor3A_608 : vector<40x256xi32>
    %shift_left3A_610 = arith.constant 24 : i32
    %shift_left3A_611 = vector.broadcast %shift_left3A_610 : i32 to vector<40x256xi32>
    %shift_left3A_612 = arith.shli %xor3A_608, %shift_left3A_611 : vector<40x256xi32>
    %shift_right_logical3A_613 = arith.constant 8 : i32
    %shift_right_logical3A_614 = vector.broadcast %shift_right_logical3A_613 : i32 to vector<40x256xi32>
    %shift_right_logical3A_615 = arith.shrui %xor3A_608, %shift_right_logical3A_614 : vector<40x256xi32>
    %or3A_616 = arith.ori %shift_left3A_612, %shift_right_logical3A_615 : vector<40x256xi32>
    %xor3A_617 = arith.xori %add3A_609, %or3A_616 : vector<40x256xi32>
    %add3A_618 = arith.addi %add3A_609, %add3A_221 : vector<40x256xi32>
    %add3A_619 = arith.addi %xor3A_617, %xor3A_456 : vector<40x256xi32>
    %add3A_620 = arith.constant 4 : i32
    %add3A_621 = vector.broadcast %add3A_620 : i32 to vector<40x256xi32>
    %add3A_622 = arith.addi %add3A_619, %add3A_621 : vector<40x256xi32>
    %add3A_623 = arith.addi %add3A_618, %add3A_622 : vector<40x256xi32>
    %shift_left3A_624 = arith.constant 13 : i32
    %shift_left3A_625 = vector.broadcast %shift_left3A_624 : i32 to vector<40x256xi32>
    %shift_left3A_626 = arith.shli %add3A_622, %shift_left3A_625 : vector<40x256xi32>
    %shift_right_logical3A_627 = arith.constant 19 : i32
    %shift_right_logical3A_628 = vector.broadcast %shift_right_logical3A_627 : i32 to vector<40x256xi32>
    %shift_right_logical3A_629 = arith.shrui %add3A_622, %shift_right_logical3A_628 : vector<40x256xi32>
    %or3A_630 = arith.ori %shift_left3A_626, %shift_right_logical3A_629 : vector<40x256xi32>
    %xor3A_631 = arith.xori %add3A_623, %or3A_630 : vector<40x256xi32>
    %add3A_632 = arith.addi %add3A_623, %xor3A_631 : vector<40x256xi32>
    %shift_left3A_633 = arith.constant 15 : i32
    %shift_left3A_634 = vector.broadcast %shift_left3A_633 : i32 to vector<40x256xi32>
    %shift_left3A_635 = arith.shli %xor3A_631, %shift_left3A_634 : vector<40x256xi32>
    %shift_right_logical3A_636 = arith.constant 17 : i32
    %shift_right_logical3A_637 = vector.broadcast %shift_right_logical3A_636 : i32 to vector<40x256xi32>
    %shift_right_logical3A_638 = arith.shrui %xor3A_631, %shift_right_logical3A_637 : vector<40x256xi32>
    %or3A_639 = arith.ori %shift_left3A_635, %shift_right_logical3A_638 : vector<40x256xi32>
    %xor3A_640 = arith.xori %add3A_632, %or3A_639 : vector<40x256xi32>
    %add3A_641 = arith.addi %add3A_632, %xor3A_640 : vector<40x256xi32>
    %shift_left3A_642 = arith.constant 26 : i32
    %shift_left3A_643 = vector.broadcast %shift_left3A_642 : i32 to vector<40x256xi32>
    %shift_left3A_644 = arith.shli %xor3A_640, %shift_left3A_643 : vector<40x256xi32>
    %shift_right_logical3A_645 = arith.constant 6 : i32
    %shift_right_logical3A_646 = vector.broadcast %shift_right_logical3A_645 : i32 to vector<40x256xi32>
    %shift_right_logical3A_647 = arith.shrui %xor3A_640, %shift_right_logical3A_646 : vector<40x256xi32>
    %or3A_648 = arith.ori %shift_left3A_644, %shift_right_logical3A_647 : vector<40x256xi32>
    %xor3A_649 = arith.xori %add3A_641, %or3A_648 : vector<40x256xi32>
    %add3A_650 = arith.addi %add3A_641, %xor3A_649 : vector<40x256xi32>
    %shift_left3A_651 = arith.constant 6 : i32
    %shift_left3A_652 = vector.broadcast %shift_left3A_651 : i32 to vector<40x256xi32>
    %shift_left3A_653 = arith.shli %xor3A_649, %shift_left3A_652 : vector<40x256xi32>
    %shift_right_logical3A_654 = arith.constant 26 : i32
    %shift_right_logical3A_655 = vector.broadcast %shift_right_logical3A_654 : i32 to vector<40x256xi32>
    %shift_right_logical3A_656 = arith.shrui %xor3A_649, %shift_right_logical3A_655 : vector<40x256xi32>
    %or3A_657 = arith.ori %shift_left3A_653, %shift_right_logical3A_656 : vector<40x256xi32>
    %xor3A_658 = arith.xori %add3A_650, %or3A_657 : vector<40x256xi32>
    %add3A_659 = arith.addi %add3A_650, %xor3A_456 : vector<40x256xi32>
    %add3A_660 = arith.addi %xor3A_658, %add3A_218 : vector<40x256xi32>
    %add3A_661 = arith.constant 5 : i32
    %add3A_662 = vector.broadcast %add3A_661 : i32 to vector<40x256xi32>
    %add3A_663 = arith.addi %add3A_660, %add3A_662 : vector<40x256xi32>
    %broadcast_in_dim3A_664 = arith.constant 0.000000e+00 : f32
    %broadcast_in_dim3A_665 = vector.broadcast %broadcast_in_dim3A_664 : f32 to vector<40x256xf32>
    %broadcast_in_dim3A_666 = arith.constant 1.000000e+00 : f32
    %broadcast_in_dim3A_667 = vector.broadcast %broadcast_in_dim3A_666 : f32 to vector<40x256xf32>
    %broadcast_in_dim3A_668 = arith.constant 0 : i32
    %broadcast_in_dim3A_669 = vector.broadcast %broadcast_in_dim3A_668 : i32 to vector<40x256xi32>
    %while3A:5 = scf.while (%while3A_907 = %broadcast_in_dim3A_669, %while3A_908 = %add3A_659, %while3A_909 = %add3A_663, %while3A_910 = %broadcast_in_dim3A_665, %while3A_911 = %broadcast_in_dim3A_667) : (vector<40x256xi32>, vector<40x256xi32>, vector<40x256xi32>, vector<40x256xf32>, vector<40x256xf32>) -> (vector<40x256xi32>, vector<40x256xi32>, vector<40x256xi32>, vector<40x256xf32>, vector<40x256xf32>) {
      %eq3A = arith.constant 0 : i32
      %eq3A_912 = vector.broadcast %eq3A : i32 to vector<40x256xi32>
      %eq3A_913 = arith.cmpi eq, %while3A_907, %eq3A_912 : vector<40x256xi32>
      %reduce_or3A = arith.constant 1.000000e+00 : f32
      %reduce_or3A_914 = arith.constant 0.000000e+00 : f32
      %reduce_or3A_915 = vector.broadcast %reduce_or3A : f32 to vector<40x256xf32>
      %reduce_or3A_916 = vector.broadcast %reduce_or3A_914 : f32 to vector<40x256xf32>
      %reduce_or3A_917 = arith.select %eq3A_913, %reduce_or3A_915, %reduce_or3A_916 : vector<40x256xi1>, vector<40x256xf32>
      %reduce_or3A_918 = vector.shape_cast %reduce_or3A_917 : vector<40x256xf32> to vector<1x40x256xf32>
      %reduce_or3A_919 = arith.constant dense<0xFF800000> : vector<1xf32>
      %reduce_or3A_920 = vector.multi_reduction <maximumf>, %reduce_or3A_918, %reduce_or3A_919 [1, 2] : vector<1x40x256xf32> to vector<1xf32>
      %reduce_or3A_921 = vector.shape_cast %reduce_or3A_920 : vector<1xf32> to vector<1x1x1xf32>
      %reduce_or3A_922 = vector.extract %reduce_or3A_921[0, 0, 0] : f32 from vector<1x1x1xf32>
      %reduce_or3A_923 = arith.constant 0.000000e+00 : f32
      %reduce_or3A_924 = arith.cmpf ogt, %reduce_or3A_922, %reduce_or3A_923 : f32
      scf.condition(%reduce_or3A_924) %while3A_907, %while3A_908, %while3A_909, %while3A_910, %while3A_911 : vector<40x256xi32>, vector<40x256xi32>, vector<40x256xi32>, vector<40x256xf32>, vector<40x256xf32>
    } do {
    ^bb0(%while3A_907: vector<40x256xi32>, %while3A_908: vector<40x256xi32>, %while3A_909: vector<40x256xi32>, %while3A_910: vector<40x256xf32>, %while3A_911: vector<40x256xf32>):
      %ne3A = arith.constant 0 : i32
      %ne3A_912 = vector.broadcast %ne3A : i32 to vector<40x256xi32>
      %ne3A_913 = arith.cmpi ne, %while3A_907, %ne3A_912 : vector<40x256xi32>
      %broadcast_in_dim3A_914 = arith.constant 0 : i32
      %broadcast_in_dim3A_915 = vector.broadcast %broadcast_in_dim3A_914 : i32 to vector<40x256xi32>
      %add3A_916 = arith.constant 0 : i32
      %add3A_917 = vector.broadcast %add3A_916 : i32 to vector<40x256xi32>
      %add3A_918 = arith.addi %broadcast_in_dim3A_915, %add3A_917 : vector<40x256xi32>
      %xor3A_919 = arith.xori %while3A_908, %while3A_909 : vector<40x256xi32>
      %xor3A_920 = arith.constant 466688986 : i32
      %xor3A_921 = vector.broadcast %xor3A_920 : i32 to vector<40x256xi32>
      %xor3A_922 = arith.xori %xor3A_919, %xor3A_921 : vector<40x256xi32>
      %add3A_923 = arith.addi %broadcast_in_dim3A_915, %while3A_908 : vector<40x256xi32>
      %add3A_924 = arith.addi %add3A_918, %while3A_909 : vector<40x256xi32>
      %add3A_925 = arith.addi %add3A_923, %add3A_924 : vector<40x256xi32>
      %shift_left3A_926 = arith.constant 13 : i32
      %shift_left3A_927 = vector.broadcast %shift_left3A_926 : i32 to vector<40x256xi32>
      %shift_left3A_928 = arith.shli %add3A_924, %shift_left3A_927 : vector<40x256xi32>
      %shift_right_logical3A_929 = arith.constant 19 : i32
      %shift_right_logical3A_930 = vector.broadcast %shift_right_logical3A_929 : i32 to vector<40x256xi32>
      %shift_right_logical3A_931 = arith.shrui %add3A_924, %shift_right_logical3A_930 : vector<40x256xi32>
      %or3A_932 = arith.ori %shift_left3A_928, %shift_right_logical3A_931 : vector<40x256xi32>
      %xor3A_933 = arith.xori %add3A_925, %or3A_932 : vector<40x256xi32>
      %add3A_934 = arith.addi %add3A_925, %xor3A_933 : vector<40x256xi32>
      %shift_left3A_935 = arith.constant 15 : i32
      %shift_left3A_936 = vector.broadcast %shift_left3A_935 : i32 to vector<40x256xi32>
      %shift_left3A_937 = arith.shli %xor3A_933, %shift_left3A_936 : vector<40x256xi32>
      %shift_right_logical3A_938 = arith.constant 17 : i32
      %shift_right_logical3A_939 = vector.broadcast %shift_right_logical3A_938 : i32 to vector<40x256xi32>
      %shift_right_logical3A_940 = arith.shrui %xor3A_933, %shift_right_logical3A_939 : vector<40x256xi32>
      %or3A_941 = arith.ori %shift_left3A_937, %shift_right_logical3A_940 : vector<40x256xi32>
      %xor3A_942 = arith.xori %add3A_934, %or3A_941 : vector<40x256xi32>
      %add3A_943 = arith.addi %add3A_934, %xor3A_942 : vector<40x256xi32>
      %shift_left3A_944 = arith.constant 26 : i32
      %shift_left3A_945 = vector.broadcast %shift_left3A_944 : i32 to vector<40x256xi32>
      %shift_left3A_946 = arith.shli %xor3A_942, %shift_left3A_945 : vector<40x256xi32>
      %shift_right_logical3A_947 = arith.constant 6 : i32
      %shift_right_logical3A_948 = vector.broadcast %shift_right_logical3A_947 : i32 to vector<40x256xi32>
      %shift_right_logical3A_949 = arith.shrui %xor3A_942, %shift_right_logical3A_948 : vector<40x256xi32>
      %or3A_950 = arith.ori %shift_left3A_946, %shift_right_logical3A_949 : vector<40x256xi32>
      %xor3A_951 = arith.xori %add3A_943, %or3A_950 : vector<40x256xi32>
      %add3A_952 = arith.addi %add3A_943, %xor3A_951 : vector<40x256xi32>
      %shift_left3A_953 = arith.constant 6 : i32
      %shift_left3A_954 = vector.broadcast %shift_left3A_953 : i32 to vector<40x256xi32>
      %shift_left3A_955 = arith.shli %xor3A_951, %shift_left3A_954 : vector<40x256xi32>
      %shift_right_logical3A_956 = arith.constant 26 : i32
      %shift_right_logical3A_957 = vector.broadcast %shift_right_logical3A_956 : i32 to vector<40x256xi32>
      %shift_right_logical3A_958 = arith.shrui %xor3A_951, %shift_right_logical3A_957 : vector<40x256xi32>
      %or3A_959 = arith.ori %shift_left3A_955, %shift_right_logical3A_958 : vector<40x256xi32>
      %xor3A_960 = arith.xori %add3A_952, %or3A_959 : vector<40x256xi32>
      %add3A_961 = arith.addi %add3A_952, %while3A_909 : vector<40x256xi32>
      %add3A_962 = arith.addi %xor3A_960, %xor3A_922 : vector<40x256xi32>
      %add3A_963 = arith.constant 1 : i32
      %add3A_964 = vector.broadcast %add3A_963 : i32 to vector<40x256xi32>
      %add3A_965 = arith.addi %add3A_962, %add3A_964 : vector<40x256xi32>
      %add3A_966 = arith.addi %add3A_961, %add3A_965 : vector<40x256xi32>
      %shift_left3A_967 = arith.constant 17 : i32
      %shift_left3A_968 = vector.broadcast %shift_left3A_967 : i32 to vector<40x256xi32>
      %shift_left3A_969 = arith.shli %add3A_965, %shift_left3A_968 : vector<40x256xi32>
      %shift_right_logical3A_970 = arith.constant 15 : i32
      %shift_right_logical3A_971 = vector.broadcast %shift_right_logical3A_970 : i32 to vector<40x256xi32>
      %shift_right_logical3A_972 = arith.shrui %add3A_965, %shift_right_logical3A_971 : vector<40x256xi32>
      %or3A_973 = arith.ori %shift_left3A_969, %shift_right_logical3A_972 : vector<40x256xi32>
      %xor3A_974 = arith.xori %add3A_966, %or3A_973 : vector<40x256xi32>
      %add3A_975 = arith.addi %add3A_966, %xor3A_974 : vector<40x256xi32>
      %shift_left3A_976 = arith.constant 29 : i32
      %shift_left3A_977 = vector.broadcast %shift_left3A_976 : i32 to vector<40x256xi32>
      %shift_left3A_978 = arith.shli %xor3A_974, %shift_left3A_977 : vector<40x256xi32>
      %shift_right_logical3A_979 = arith.constant 3 : i32
      %shift_right_logical3A_980 = vector.broadcast %shift_right_logical3A_979 : i32 to vector<40x256xi32>
      %shift_right_logical3A_981 = arith.shrui %xor3A_974, %shift_right_logical3A_980 : vector<40x256xi32>
      %or3A_982 = arith.ori %shift_left3A_978, %shift_right_logical3A_981 : vector<40x256xi32>
      %xor3A_983 = arith.xori %add3A_975, %or3A_982 : vector<40x256xi32>
      %add3A_984 = arith.addi %add3A_975, %xor3A_983 : vector<40x256xi32>
      %shift_left3A_985 = arith.constant 16 : i32
      %shift_left3A_986 = vector.broadcast %shift_left3A_985 : i32 to vector<40x256xi32>
      %shift_left3A_987 = arith.shli %xor3A_983, %shift_left3A_986 : vector<40x256xi32>
      %shift_right_logical3A_988 = arith.constant 16 : i32
      %shift_right_logical3A_989 = vector.broadcast %shift_right_logical3A_988 : i32 to vector<40x256xi32>
      %shift_right_logical3A_990 = arith.shrui %xor3A_983, %shift_right_logical3A_989 : vector<40x256xi32>
      %or3A_991 = arith.ori %shift_left3A_987, %shift_right_logical3A_990 : vector<40x256xi32>
      %xor3A_992 = arith.xori %add3A_984, %or3A_991 : vector<40x256xi32>
      %add3A_993 = arith.addi %add3A_984, %xor3A_992 : vector<40x256xi32>
      %shift_left3A_994 = arith.constant 24 : i32
      %shift_left3A_995 = vector.broadcast %shift_left3A_994 : i32 to vector<40x256xi32>
      %shift_left3A_996 = arith.shli %xor3A_992, %shift_left3A_995 : vector<40x256xi32>
      %shift_right_logical3A_997 = arith.constant 8 : i32
      %shift_right_logical3A_998 = vector.broadcast %shift_right_logical3A_997 : i32 to vector<40x256xi32>
      %shift_right_logical3A_999 = arith.shrui %xor3A_992, %shift_right_logical3A_998 : vector<40x256xi32>
      %or3A_1000 = arith.ori %shift_left3A_996, %shift_right_logical3A_999 : vector<40x256xi32>
      %xor3A_1001 = arith.xori %add3A_993, %or3A_1000 : vector<40x256xi32>
      %add3A_1002 = arith.addi %add3A_993, %xor3A_922 : vector<40x256xi32>
      %add3A_1003 = arith.addi %xor3A_1001, %while3A_908 : vector<40x256xi32>
      %add3A_1004 = arith.constant 2 : i32
      %add3A_1005 = vector.broadcast %add3A_1004 : i32 to vector<40x256xi32>
      %add3A_1006 = arith.addi %add3A_1003, %add3A_1005 : vector<40x256xi32>
      %add3A_1007 = arith.addi %add3A_1002, %add3A_1006 : vector<40x256xi32>
      %shift_left3A_1008 = arith.constant 13 : i32
      %shift_left3A_1009 = vector.broadcast %shift_left3A_1008 : i32 to vector<40x256xi32>
      %shift_left3A_1010 = arith.shli %add3A_1006, %shift_left3A_1009 : vector<40x256xi32>
      %shift_right_logical3A_1011 = arith.constant 19 : i32
      %shift_right_logical3A_1012 = vector.broadcast %shift_right_logical3A_1011 : i32 to vector<40x256xi32>
      %shift_right_logical3A_1013 = arith.shrui %add3A_1006, %shift_right_logical3A_1012 : vector<40x256xi32>
      %or3A_1014 = arith.ori %shift_left3A_1010, %shift_right_logical3A_1013 : vector<40x256xi32>
      %xor3A_1015 = arith.xori %add3A_1007, %or3A_1014 : vector<40x256xi32>
      %add3A_1016 = arith.addi %add3A_1007, %xor3A_1015 : vector<40x256xi32>
      %shift_left3A_1017 = arith.constant 15 : i32
      %shift_left3A_1018 = vector.broadcast %shift_left3A_1017 : i32 to vector<40x256xi32>
      %shift_left3A_1019 = arith.shli %xor3A_1015, %shift_left3A_1018 : vector<40x256xi32>
      %shift_right_logical3A_1020 = arith.constant 17 : i32
      %shift_right_logical3A_1021 = vector.broadcast %shift_right_logical3A_1020 : i32 to vector<40x256xi32>
      %shift_right_logical3A_1022 = arith.shrui %xor3A_1015, %shift_right_logical3A_1021 : vector<40x256xi32>
      %or3A_1023 = arith.ori %shift_left3A_1019, %shift_right_logical3A_1022 : vector<40x256xi32>
      %xor3A_1024 = arith.xori %add3A_1016, %or3A_1023 : vector<40x256xi32>
      %add3A_1025 = arith.addi %add3A_1016, %xor3A_1024 : vector<40x256xi32>
      %shift_left3A_1026 = arith.constant 26 : i32
      %shift_left3A_1027 = vector.broadcast %shift_left3A_1026 : i32 to vector<40x256xi32>
      %shift_left3A_1028 = arith.shli %xor3A_1024, %shift_left3A_1027 : vector<40x256xi32>
      %shift_right_logical3A_1029 = arith.constant 6 : i32
      %shift_right_logical3A_1030 = vector.broadcast %shift_right_logical3A_1029 : i32 to vector<40x256xi32>
      %shift_right_logical3A_1031 = arith.shrui %xor3A_1024, %shift_right_logical3A_1030 : vector<40x256xi32>
      %or3A_1032 = arith.ori %shift_left3A_1028, %shift_right_logical3A_1031 : vector<40x256xi32>
      %xor3A_1033 = arith.xori %add3A_1025, %or3A_1032 : vector<40x256xi32>
      %add3A_1034 = arith.addi %add3A_1025, %xor3A_1033 : vector<40x256xi32>
      %shift_left3A_1035 = arith.constant 6 : i32
      %shift_left3A_1036 = vector.broadcast %shift_left3A_1035 : i32 to vector<40x256xi32>
      %shift_left3A_1037 = arith.shli %xor3A_1033, %shift_left3A_1036 : vector<40x256xi32>
      %shift_right_logical3A_1038 = arith.constant 26 : i32
      %shift_right_logical3A_1039 = vector.broadcast %shift_right_logical3A_1038 : i32 to vector<40x256xi32>
      %shift_right_logical3A_1040 = arith.shrui %xor3A_1033, %shift_right_logical3A_1039 : vector<40x256xi32>
      %or3A_1041 = arith.ori %shift_left3A_1037, %shift_right_logical3A_1040 : vector<40x256xi32>
      %xor3A_1042 = arith.xori %add3A_1034, %or3A_1041 : vector<40x256xi32>
      %add3A_1043 = arith.addi %add3A_1034, %while3A_908 : vector<40x256xi32>
      %add3A_1044 = arith.addi %xor3A_1042, %while3A_909 : vector<40x256xi32>
      %add3A_1045 = arith.constant 3 : i32
      %add3A_1046 = vector.broadcast %add3A_1045 : i32 to vector<40x256xi32>
      %add3A_1047 = arith.addi %add3A_1044, %add3A_1046 : vector<40x256xi32>
      %add3A_1048 = arith.addi %add3A_1043, %add3A_1047 : vector<40x256xi32>
      %shift_left3A_1049 = arith.constant 17 : i32
      %shift_left3A_1050 = vector.broadcast %shift_left3A_1049 : i32 to vector<40x256xi32>
      %shift_left3A_1051 = arith.shli %add3A_1047, %shift_left3A_1050 : vector<40x256xi32>
      %shift_right_logical3A_1052 = arith.constant 15 : i32
      %shift_right_logical3A_1053 = vector.broadcast %shift_right_logical3A_1052 : i32 to vector<40x256xi32>
      %shift_right_logical3A_1054 = arith.shrui %add3A_1047, %shift_right_logical3A_1053 : vector<40x256xi32>
      %or3A_1055 = arith.ori %shift_left3A_1051, %shift_right_logical3A_1054 : vector<40x256xi32>
      %xor3A_1056 = arith.xori %add3A_1048, %or3A_1055 : vector<40x256xi32>
      %add3A_1057 = arith.addi %add3A_1048, %xor3A_1056 : vector<40x256xi32>
      %shift_left3A_1058 = arith.constant 29 : i32
      %shift_left3A_1059 = vector.broadcast %shift_left3A_1058 : i32 to vector<40x256xi32>
      %shift_left3A_1060 = arith.shli %xor3A_1056, %shift_left3A_1059 : vector<40x256xi32>
      %shift_right_logical3A_1061 = arith.constant 3 : i32
      %shift_right_logical3A_1062 = vector.broadcast %shift_right_logical3A_1061 : i32 to vector<40x256xi32>
      %shift_right_logical3A_1063 = arith.shrui %xor3A_1056, %shift_right_logical3A_1062 : vector<40x256xi32>
      %or3A_1064 = arith.ori %shift_left3A_1060, %shift_right_logical3A_1063 : vector<40x256xi32>
      %xor3A_1065 = arith.xori %add3A_1057, %or3A_1064 : vector<40x256xi32>
      %add3A_1066 = arith.addi %add3A_1057, %xor3A_1065 : vector<40x256xi32>
      %shift_left3A_1067 = arith.constant 16 : i32
      %shift_left3A_1068 = vector.broadcast %shift_left3A_1067 : i32 to vector<40x256xi32>
      %shift_left3A_1069 = arith.shli %xor3A_1065, %shift_left3A_1068 : vector<40x256xi32>
      %shift_right_logical3A_1070 = arith.constant 16 : i32
      %shift_right_logical3A_1071 = vector.broadcast %shift_right_logical3A_1070 : i32 to vector<40x256xi32>
      %shift_right_logical3A_1072 = arith.shrui %xor3A_1065, %shift_right_logical3A_1071 : vector<40x256xi32>
      %or3A_1073 = arith.ori %shift_left3A_1069, %shift_right_logical3A_1072 : vector<40x256xi32>
      %xor3A_1074 = arith.xori %add3A_1066, %or3A_1073 : vector<40x256xi32>
      %add3A_1075 = arith.addi %add3A_1066, %xor3A_1074 : vector<40x256xi32>
      %shift_left3A_1076 = arith.constant 24 : i32
      %shift_left3A_1077 = vector.broadcast %shift_left3A_1076 : i32 to vector<40x256xi32>
      %shift_left3A_1078 = arith.shli %xor3A_1074, %shift_left3A_1077 : vector<40x256xi32>
      %shift_right_logical3A_1079 = arith.constant 8 : i32
      %shift_right_logical3A_1080 = vector.broadcast %shift_right_logical3A_1079 : i32 to vector<40x256xi32>
      %shift_right_logical3A_1081 = arith.shrui %xor3A_1074, %shift_right_logical3A_1080 : vector<40x256xi32>
      %or3A_1082 = arith.ori %shift_left3A_1078, %shift_right_logical3A_1081 : vector<40x256xi32>
      %xor3A_1083 = arith.xori %add3A_1075, %or3A_1082 : vector<40x256xi32>
      %add3A_1084 = arith.addi %add3A_1075, %while3A_909 : vector<40x256xi32>
      %add3A_1085 = arith.addi %xor3A_1083, %xor3A_922 : vector<40x256xi32>
      %add3A_1086 = arith.constant 4 : i32
      %add3A_1087 = vector.broadcast %add3A_1086 : i32 to vector<40x256xi32>
      %add3A_1088 = arith.addi %add3A_1085, %add3A_1087 : vector<40x256xi32>
      %add3A_1089 = arith.addi %add3A_1084, %add3A_1088 : vector<40x256xi32>
      %shift_left3A_1090 = arith.constant 13 : i32
      %shift_left3A_1091 = vector.broadcast %shift_left3A_1090 : i32 to vector<40x256xi32>
      %shift_left3A_1092 = arith.shli %add3A_1088, %shift_left3A_1091 : vector<40x256xi32>
      %shift_right_logical3A_1093 = arith.constant 19 : i32
      %shift_right_logical3A_1094 = vector.broadcast %shift_right_logical3A_1093 : i32 to vector<40x256xi32>
      %shift_right_logical3A_1095 = arith.shrui %add3A_1088, %shift_right_logical3A_1094 : vector<40x256xi32>
      %or3A_1096 = arith.ori %shift_left3A_1092, %shift_right_logical3A_1095 : vector<40x256xi32>
      %xor3A_1097 = arith.xori %add3A_1089, %or3A_1096 : vector<40x256xi32>
      %add3A_1098 = arith.addi %add3A_1089, %xor3A_1097 : vector<40x256xi32>
      %shift_left3A_1099 = arith.constant 15 : i32
      %shift_left3A_1100 = vector.broadcast %shift_left3A_1099 : i32 to vector<40x256xi32>
      %shift_left3A_1101 = arith.shli %xor3A_1097, %shift_left3A_1100 : vector<40x256xi32>
      %shift_right_logical3A_1102 = arith.constant 17 : i32
      %shift_right_logical3A_1103 = vector.broadcast %shift_right_logical3A_1102 : i32 to vector<40x256xi32>
      %shift_right_logical3A_1104 = arith.shrui %xor3A_1097, %shift_right_logical3A_1103 : vector<40x256xi32>
      %or3A_1105 = arith.ori %shift_left3A_1101, %shift_right_logical3A_1104 : vector<40x256xi32>
      %xor3A_1106 = arith.xori %add3A_1098, %or3A_1105 : vector<40x256xi32>
      %add3A_1107 = arith.addi %add3A_1098, %xor3A_1106 : vector<40x256xi32>
      %shift_left3A_1108 = arith.constant 26 : i32
      %shift_left3A_1109 = vector.broadcast %shift_left3A_1108 : i32 to vector<40x256xi32>
      %shift_left3A_1110 = arith.shli %xor3A_1106, %shift_left3A_1109 : vector<40x256xi32>
      %shift_right_logical3A_1111 = arith.constant 6 : i32
      %shift_right_logical3A_1112 = vector.broadcast %shift_right_logical3A_1111 : i32 to vector<40x256xi32>
      %shift_right_logical3A_1113 = arith.shrui %xor3A_1106, %shift_right_logical3A_1112 : vector<40x256xi32>
      %or3A_1114 = arith.ori %shift_left3A_1110, %shift_right_logical3A_1113 : vector<40x256xi32>
      %xor3A_1115 = arith.xori %add3A_1107, %or3A_1114 : vector<40x256xi32>
      %add3A_1116 = arith.addi %add3A_1107, %xor3A_1115 : vector<40x256xi32>
      %shift_left3A_1117 = arith.constant 6 : i32
      %shift_left3A_1118 = vector.broadcast %shift_left3A_1117 : i32 to vector<40x256xi32>
      %shift_left3A_1119 = arith.shli %xor3A_1115, %shift_left3A_1118 : vector<40x256xi32>
      %shift_right_logical3A_1120 = arith.constant 26 : i32
      %shift_right_logical3A_1121 = vector.broadcast %shift_right_logical3A_1120 : i32 to vector<40x256xi32>
      %shift_right_logical3A_1122 = arith.shrui %xor3A_1115, %shift_right_logical3A_1121 : vector<40x256xi32>
      %or3A_1123 = arith.ori %shift_left3A_1119, %shift_right_logical3A_1122 : vector<40x256xi32>
      %xor3A_1124 = arith.xori %add3A_1116, %or3A_1123 : vector<40x256xi32>
      %add3A_1125 = arith.addi %add3A_1116, %xor3A_922 : vector<40x256xi32>
      %add3A_1126 = arith.addi %xor3A_1124, %while3A_908 : vector<40x256xi32>
      %add3A_1127 = arith.constant 5 : i32
      %add3A_1128 = vector.broadcast %add3A_1127 : i32 to vector<40x256xi32>
      %add3A_1129 = arith.addi %add3A_1126, %add3A_1128 : vector<40x256xi32>
      %broadcast_in_dim3A_1130 = arith.constant 0 : i32
      %broadcast_in_dim3A_1131 = vector.broadcast %broadcast_in_dim3A_1130 : i32 to vector<40x256xi32>
      %add3A_1132 = arith.constant 1 : i32
      %add3A_1133 = vector.broadcast %add3A_1132 : i32 to vector<40x256xi32>
      %add3A_1134 = arith.addi %broadcast_in_dim3A_1131, %add3A_1133 : vector<40x256xi32>
      %xor3A_1135 = arith.xori %while3A_908, %while3A_909 : vector<40x256xi32>
      %xor3A_1136 = arith.constant 466688986 : i32
      %xor3A_1137 = vector.broadcast %xor3A_1136 : i32 to vector<40x256xi32>
      %xor3A_1138 = arith.xori %xor3A_1135, %xor3A_1137 : vector<40x256xi32>
      %add3A_1139 = arith.addi %broadcast_in_dim3A_1131, %while3A_908 : vector<40x256xi32>
      %add3A_1140 = arith.addi %add3A_1134, %while3A_909 : vector<40x256xi32>
      %add3A_1141 = arith.addi %add3A_1139, %add3A_1140 : vector<40x256xi32>
      %shift_left3A_1142 = arith.constant 13 : i32
      %shift_left3A_1143 = vector.broadcast %shift_left3A_1142 : i32 to vector<40x256xi32>
      %shift_left3A_1144 = arith.shli %add3A_1140, %shift_left3A_1143 : vector<40x256xi32>
      %shift_right_logical3A_1145 = arith.constant 19 : i32
      %shift_right_logical3A_1146 = vector.broadcast %shift_right_logical3A_1145 : i32 to vector<40x256xi32>
      %shift_right_logical3A_1147 = arith.shrui %add3A_1140, %shift_right_logical3A_1146 : vector<40x256xi32>
      %or3A_1148 = arith.ori %shift_left3A_1144, %shift_right_logical3A_1147 : vector<40x256xi32>
      %xor3A_1149 = arith.xori %add3A_1141, %or3A_1148 : vector<40x256xi32>
      %add3A_1150 = arith.addi %add3A_1141, %xor3A_1149 : vector<40x256xi32>
      %shift_left3A_1151 = arith.constant 15 : i32
      %shift_left3A_1152 = vector.broadcast %shift_left3A_1151 : i32 to vector<40x256xi32>
      %shift_left3A_1153 = arith.shli %xor3A_1149, %shift_left3A_1152 : vector<40x256xi32>
      %shift_right_logical3A_1154 = arith.constant 17 : i32
      %shift_right_logical3A_1155 = vector.broadcast %shift_right_logical3A_1154 : i32 to vector<40x256xi32>
      %shift_right_logical3A_1156 = arith.shrui %xor3A_1149, %shift_right_logical3A_1155 : vector<40x256xi32>
      %or3A_1157 = arith.ori %shift_left3A_1153, %shift_right_logical3A_1156 : vector<40x256xi32>
      %xor3A_1158 = arith.xori %add3A_1150, %or3A_1157 : vector<40x256xi32>
      %add3A_1159 = arith.addi %add3A_1150, %xor3A_1158 : vector<40x256xi32>
      %shift_left3A_1160 = arith.constant 26 : i32
      %shift_left3A_1161 = vector.broadcast %shift_left3A_1160 : i32 to vector<40x256xi32>
      %shift_left3A_1162 = arith.shli %xor3A_1158, %shift_left3A_1161 : vector<40x256xi32>
      %shift_right_logical3A_1163 = arith.constant 6 : i32
      %shift_right_logical3A_1164 = vector.broadcast %shift_right_logical3A_1163 : i32 to vector<40x256xi32>
      %shift_right_logical3A_1165 = arith.shrui %xor3A_1158, %shift_right_logical3A_1164 : vector<40x256xi32>
      %or3A_1166 = arith.ori %shift_left3A_1162, %shift_right_logical3A_1165 : vector<40x256xi32>
      %xor3A_1167 = arith.xori %add3A_1159, %or3A_1166 : vector<40x256xi32>
      %add3A_1168 = arith.addi %add3A_1159, %xor3A_1167 : vector<40x256xi32>
      %shift_left3A_1169 = arith.constant 6 : i32
      %shift_left3A_1170 = vector.broadcast %shift_left3A_1169 : i32 to vector<40x256xi32>
      %shift_left3A_1171 = arith.shli %xor3A_1167, %shift_left3A_1170 : vector<40x256xi32>
      %shift_right_logical3A_1172 = arith.constant 26 : i32
      %shift_right_logical3A_1173 = vector.broadcast %shift_right_logical3A_1172 : i32 to vector<40x256xi32>
      %shift_right_logical3A_1174 = arith.shrui %xor3A_1167, %shift_right_logical3A_1173 : vector<40x256xi32>
      %or3A_1175 = arith.ori %shift_left3A_1171, %shift_right_logical3A_1174 : vector<40x256xi32>
      %xor3A_1176 = arith.xori %add3A_1168, %or3A_1175 : vector<40x256xi32>
      %add3A_1177 = arith.addi %add3A_1168, %while3A_909 : vector<40x256xi32>
      %add3A_1178 = arith.addi %xor3A_1176, %xor3A_1138 : vector<40x256xi32>
      %add3A_1179 = arith.constant 1 : i32
      %add3A_1180 = vector.broadcast %add3A_1179 : i32 to vector<40x256xi32>
      %add3A_1181 = arith.addi %add3A_1178, %add3A_1180 : vector<40x256xi32>
      %add3A_1182 = arith.addi %add3A_1177, %add3A_1181 : vector<40x256xi32>
      %shift_left3A_1183 = arith.constant 17 : i32
      %shift_left3A_1184 = vector.broadcast %shift_left3A_1183 : i32 to vector<40x256xi32>
      %shift_left3A_1185 = arith.shli %add3A_1181, %shift_left3A_1184 : vector<40x256xi32>
      %shift_right_logical3A_1186 = arith.constant 15 : i32
      %shift_right_logical3A_1187 = vector.broadcast %shift_right_logical3A_1186 : i32 to vector<40x256xi32>
      %shift_right_logical3A_1188 = arith.shrui %add3A_1181, %shift_right_logical3A_1187 : vector<40x256xi32>
      %or3A_1189 = arith.ori %shift_left3A_1185, %shift_right_logical3A_1188 : vector<40x256xi32>
      %xor3A_1190 = arith.xori %add3A_1182, %or3A_1189 : vector<40x256xi32>
      %add3A_1191 = arith.addi %add3A_1182, %xor3A_1190 : vector<40x256xi32>
      %shift_left3A_1192 = arith.constant 29 : i32
      %shift_left3A_1193 = vector.broadcast %shift_left3A_1192 : i32 to vector<40x256xi32>
      %shift_left3A_1194 = arith.shli %xor3A_1190, %shift_left3A_1193 : vector<40x256xi32>
      %shift_right_logical3A_1195 = arith.constant 3 : i32
      %shift_right_logical3A_1196 = vector.broadcast %shift_right_logical3A_1195 : i32 to vector<40x256xi32>
      %shift_right_logical3A_1197 = arith.shrui %xor3A_1190, %shift_right_logical3A_1196 : vector<40x256xi32>
      %or3A_1198 = arith.ori %shift_left3A_1194, %shift_right_logical3A_1197 : vector<40x256xi32>
      %xor3A_1199 = arith.xori %add3A_1191, %or3A_1198 : vector<40x256xi32>
      %add3A_1200 = arith.addi %add3A_1191, %xor3A_1199 : vector<40x256xi32>
      %shift_left3A_1201 = arith.constant 16 : i32
      %shift_left3A_1202 = vector.broadcast %shift_left3A_1201 : i32 to vector<40x256xi32>
      %shift_left3A_1203 = arith.shli %xor3A_1199, %shift_left3A_1202 : vector<40x256xi32>
      %shift_right_logical3A_1204 = arith.constant 16 : i32
      %shift_right_logical3A_1205 = vector.broadcast %shift_right_logical3A_1204 : i32 to vector<40x256xi32>
      %shift_right_logical3A_1206 = arith.shrui %xor3A_1199, %shift_right_logical3A_1205 : vector<40x256xi32>
      %or3A_1207 = arith.ori %shift_left3A_1203, %shift_right_logical3A_1206 : vector<40x256xi32>
      %xor3A_1208 = arith.xori %add3A_1200, %or3A_1207 : vector<40x256xi32>
      %add3A_1209 = arith.addi %add3A_1200, %xor3A_1208 : vector<40x256xi32>
      %shift_left3A_1210 = arith.constant 24 : i32
      %shift_left3A_1211 = vector.broadcast %shift_left3A_1210 : i32 to vector<40x256xi32>
      %shift_left3A_1212 = arith.shli %xor3A_1208, %shift_left3A_1211 : vector<40x256xi32>
      %shift_right_logical3A_1213 = arith.constant 8 : i32
      %shift_right_logical3A_1214 = vector.broadcast %shift_right_logical3A_1213 : i32 to vector<40x256xi32>
      %shift_right_logical3A_1215 = arith.shrui %xor3A_1208, %shift_right_logical3A_1214 : vector<40x256xi32>
      %or3A_1216 = arith.ori %shift_left3A_1212, %shift_right_logical3A_1215 : vector<40x256xi32>
      %xor3A_1217 = arith.xori %add3A_1209, %or3A_1216 : vector<40x256xi32>
      %add3A_1218 = arith.addi %add3A_1209, %xor3A_1138 : vector<40x256xi32>
      %add3A_1219 = arith.addi %xor3A_1217, %while3A_908 : vector<40x256xi32>
      %add3A_1220 = arith.constant 2 : i32
      %add3A_1221 = vector.broadcast %add3A_1220 : i32 to vector<40x256xi32>
      %add3A_1222 = arith.addi %add3A_1219, %add3A_1221 : vector<40x256xi32>
      %add3A_1223 = arith.addi %add3A_1218, %add3A_1222 : vector<40x256xi32>
      %shift_left3A_1224 = arith.constant 13 : i32
      %shift_left3A_1225 = vector.broadcast %shift_left3A_1224 : i32 to vector<40x256xi32>
      %shift_left3A_1226 = arith.shli %add3A_1222, %shift_left3A_1225 : vector<40x256xi32>
      %shift_right_logical3A_1227 = arith.constant 19 : i32
      %shift_right_logical3A_1228 = vector.broadcast %shift_right_logical3A_1227 : i32 to vector<40x256xi32>
      %shift_right_logical3A_1229 = arith.shrui %add3A_1222, %shift_right_logical3A_1228 : vector<40x256xi32>
      %or3A_1230 = arith.ori %shift_left3A_1226, %shift_right_logical3A_1229 : vector<40x256xi32>
      %xor3A_1231 = arith.xori %add3A_1223, %or3A_1230 : vector<40x256xi32>
      %add3A_1232 = arith.addi %add3A_1223, %xor3A_1231 : vector<40x256xi32>
      %shift_left3A_1233 = arith.constant 15 : i32
      %shift_left3A_1234 = vector.broadcast %shift_left3A_1233 : i32 to vector<40x256xi32>
      %shift_left3A_1235 = arith.shli %xor3A_1231, %shift_left3A_1234 : vector<40x256xi32>
      %shift_right_logical3A_1236 = arith.constant 17 : i32
      %shift_right_logical3A_1237 = vector.broadcast %shift_right_logical3A_1236 : i32 to vector<40x256xi32>
      %shift_right_logical3A_1238 = arith.shrui %xor3A_1231, %shift_right_logical3A_1237 : vector<40x256xi32>
      %or3A_1239 = arith.ori %shift_left3A_1235, %shift_right_logical3A_1238 : vector<40x256xi32>
      %xor3A_1240 = arith.xori %add3A_1232, %or3A_1239 : vector<40x256xi32>
      %add3A_1241 = arith.addi %add3A_1232, %xor3A_1240 : vector<40x256xi32>
      %shift_left3A_1242 = arith.constant 26 : i32
      %shift_left3A_1243 = vector.broadcast %shift_left3A_1242 : i32 to vector<40x256xi32>
      %shift_left3A_1244 = arith.shli %xor3A_1240, %shift_left3A_1243 : vector<40x256xi32>
      %shift_right_logical3A_1245 = arith.constant 6 : i32
      %shift_right_logical3A_1246 = vector.broadcast %shift_right_logical3A_1245 : i32 to vector<40x256xi32>
      %shift_right_logical3A_1247 = arith.shrui %xor3A_1240, %shift_right_logical3A_1246 : vector<40x256xi32>
      %or3A_1248 = arith.ori %shift_left3A_1244, %shift_right_logical3A_1247 : vector<40x256xi32>
      %xor3A_1249 = arith.xori %add3A_1241, %or3A_1248 : vector<40x256xi32>
      %add3A_1250 = arith.addi %add3A_1241, %xor3A_1249 : vector<40x256xi32>
      %shift_left3A_1251 = arith.constant 6 : i32
      %shift_left3A_1252 = vector.broadcast %shift_left3A_1251 : i32 to vector<40x256xi32>
      %shift_left3A_1253 = arith.shli %xor3A_1249, %shift_left3A_1252 : vector<40x256xi32>
      %shift_right_logical3A_1254 = arith.constant 26 : i32
      %shift_right_logical3A_1255 = vector.broadcast %shift_right_logical3A_1254 : i32 to vector<40x256xi32>
      %shift_right_logical3A_1256 = arith.shrui %xor3A_1249, %shift_right_logical3A_1255 : vector<40x256xi32>
      %or3A_1257 = arith.ori %shift_left3A_1253, %shift_right_logical3A_1256 : vector<40x256xi32>
      %xor3A_1258 = arith.xori %add3A_1250, %or3A_1257 : vector<40x256xi32>
      %add3A_1259 = arith.addi %add3A_1250, %while3A_908 : vector<40x256xi32>
      %add3A_1260 = arith.addi %xor3A_1258, %while3A_909 : vector<40x256xi32>
      %add3A_1261 = arith.constant 3 : i32
      %add3A_1262 = vector.broadcast %add3A_1261 : i32 to vector<40x256xi32>
      %add3A_1263 = arith.addi %add3A_1260, %add3A_1262 : vector<40x256xi32>
      %add3A_1264 = arith.addi %add3A_1259, %add3A_1263 : vector<40x256xi32>
      %shift_left3A_1265 = arith.constant 17 : i32
      %shift_left3A_1266 = vector.broadcast %shift_left3A_1265 : i32 to vector<40x256xi32>
      %shift_left3A_1267 = arith.shli %add3A_1263, %shift_left3A_1266 : vector<40x256xi32>
      %shift_right_logical3A_1268 = arith.constant 15 : i32
      %shift_right_logical3A_1269 = vector.broadcast %shift_right_logical3A_1268 : i32 to vector<40x256xi32>
      %shift_right_logical3A_1270 = arith.shrui %add3A_1263, %shift_right_logical3A_1269 : vector<40x256xi32>
      %or3A_1271 = arith.ori %shift_left3A_1267, %shift_right_logical3A_1270 : vector<40x256xi32>
      %xor3A_1272 = arith.xori %add3A_1264, %or3A_1271 : vector<40x256xi32>
      %add3A_1273 = arith.addi %add3A_1264, %xor3A_1272 : vector<40x256xi32>
      %shift_left3A_1274 = arith.constant 29 : i32
      %shift_left3A_1275 = vector.broadcast %shift_left3A_1274 : i32 to vector<40x256xi32>
      %shift_left3A_1276 = arith.shli %xor3A_1272, %shift_left3A_1275 : vector<40x256xi32>
      %shift_right_logical3A_1277 = arith.constant 3 : i32
      %shift_right_logical3A_1278 = vector.broadcast %shift_right_logical3A_1277 : i32 to vector<40x256xi32>
      %shift_right_logical3A_1279 = arith.shrui %xor3A_1272, %shift_right_logical3A_1278 : vector<40x256xi32>
      %or3A_1280 = arith.ori %shift_left3A_1276, %shift_right_logical3A_1279 : vector<40x256xi32>
      %xor3A_1281 = arith.xori %add3A_1273, %or3A_1280 : vector<40x256xi32>
      %add3A_1282 = arith.addi %add3A_1273, %xor3A_1281 : vector<40x256xi32>
      %shift_left3A_1283 = arith.constant 16 : i32
      %shift_left3A_1284 = vector.broadcast %shift_left3A_1283 : i32 to vector<40x256xi32>
      %shift_left3A_1285 = arith.shli %xor3A_1281, %shift_left3A_1284 : vector<40x256xi32>
      %shift_right_logical3A_1286 = arith.constant 16 : i32
      %shift_right_logical3A_1287 = vector.broadcast %shift_right_logical3A_1286 : i32 to vector<40x256xi32>
      %shift_right_logical3A_1288 = arith.shrui %xor3A_1281, %shift_right_logical3A_1287 : vector<40x256xi32>
      %or3A_1289 = arith.ori %shift_left3A_1285, %shift_right_logical3A_1288 : vector<40x256xi32>
      %xor3A_1290 = arith.xori %add3A_1282, %or3A_1289 : vector<40x256xi32>
      %add3A_1291 = arith.addi %add3A_1282, %xor3A_1290 : vector<40x256xi32>
      %shift_left3A_1292 = arith.constant 24 : i32
      %shift_left3A_1293 = vector.broadcast %shift_left3A_1292 : i32 to vector<40x256xi32>
      %shift_left3A_1294 = arith.shli %xor3A_1290, %shift_left3A_1293 : vector<40x256xi32>
      %shift_right_logical3A_1295 = arith.constant 8 : i32
      %shift_right_logical3A_1296 = vector.broadcast %shift_right_logical3A_1295 : i32 to vector<40x256xi32>
      %shift_right_logical3A_1297 = arith.shrui %xor3A_1290, %shift_right_logical3A_1296 : vector<40x256xi32>
      %or3A_1298 = arith.ori %shift_left3A_1294, %shift_right_logical3A_1297 : vector<40x256xi32>
      %xor3A_1299 = arith.xori %add3A_1291, %or3A_1298 : vector<40x256xi32>
      %add3A_1300 = arith.addi %add3A_1291, %while3A_909 : vector<40x256xi32>
      %add3A_1301 = arith.addi %xor3A_1299, %xor3A_1138 : vector<40x256xi32>
      %add3A_1302 = arith.constant 4 : i32
      %add3A_1303 = vector.broadcast %add3A_1302 : i32 to vector<40x256xi32>
      %add3A_1304 = arith.addi %add3A_1301, %add3A_1303 : vector<40x256xi32>
      %add3A_1305 = arith.addi %add3A_1300, %add3A_1304 : vector<40x256xi32>
      %shift_left3A_1306 = arith.constant 13 : i32
      %shift_left3A_1307 = vector.broadcast %shift_left3A_1306 : i32 to vector<40x256xi32>
      %shift_left3A_1308 = arith.shli %add3A_1304, %shift_left3A_1307 : vector<40x256xi32>
      %shift_right_logical3A_1309 = arith.constant 19 : i32
      %shift_right_logical3A_1310 = vector.broadcast %shift_right_logical3A_1309 : i32 to vector<40x256xi32>
      %shift_right_logical3A_1311 = arith.shrui %add3A_1304, %shift_right_logical3A_1310 : vector<40x256xi32>
      %or3A_1312 = arith.ori %shift_left3A_1308, %shift_right_logical3A_1311 : vector<40x256xi32>
      %xor3A_1313 = arith.xori %add3A_1305, %or3A_1312 : vector<40x256xi32>
      %add3A_1314 = arith.addi %add3A_1305, %xor3A_1313 : vector<40x256xi32>
      %shift_left3A_1315 = arith.constant 15 : i32
      %shift_left3A_1316 = vector.broadcast %shift_left3A_1315 : i32 to vector<40x256xi32>
      %shift_left3A_1317 = arith.shli %xor3A_1313, %shift_left3A_1316 : vector<40x256xi32>
      %shift_right_logical3A_1318 = arith.constant 17 : i32
      %shift_right_logical3A_1319 = vector.broadcast %shift_right_logical3A_1318 : i32 to vector<40x256xi32>
      %shift_right_logical3A_1320 = arith.shrui %xor3A_1313, %shift_right_logical3A_1319 : vector<40x256xi32>
      %or3A_1321 = arith.ori %shift_left3A_1317, %shift_right_logical3A_1320 : vector<40x256xi32>
      %xor3A_1322 = arith.xori %add3A_1314, %or3A_1321 : vector<40x256xi32>
      %add3A_1323 = arith.addi %add3A_1314, %xor3A_1322 : vector<40x256xi32>
      %shift_left3A_1324 = arith.constant 26 : i32
      %shift_left3A_1325 = vector.broadcast %shift_left3A_1324 : i32 to vector<40x256xi32>
      %shift_left3A_1326 = arith.shli %xor3A_1322, %shift_left3A_1325 : vector<40x256xi32>
      %shift_right_logical3A_1327 = arith.constant 6 : i32
      %shift_right_logical3A_1328 = vector.broadcast %shift_right_logical3A_1327 : i32 to vector<40x256xi32>
      %shift_right_logical3A_1329 = arith.shrui %xor3A_1322, %shift_right_logical3A_1328 : vector<40x256xi32>
      %or3A_1330 = arith.ori %shift_left3A_1326, %shift_right_logical3A_1329 : vector<40x256xi32>
      %xor3A_1331 = arith.xori %add3A_1323, %or3A_1330 : vector<40x256xi32>
      %add3A_1332 = arith.addi %add3A_1323, %xor3A_1331 : vector<40x256xi32>
      %shift_left3A_1333 = arith.constant 6 : i32
      %shift_left3A_1334 = vector.broadcast %shift_left3A_1333 : i32 to vector<40x256xi32>
      %shift_left3A_1335 = arith.shli %xor3A_1331, %shift_left3A_1334 : vector<40x256xi32>
      %shift_right_logical3A_1336 = arith.constant 26 : i32
      %shift_right_logical3A_1337 = vector.broadcast %shift_right_logical3A_1336 : i32 to vector<40x256xi32>
      %shift_right_logical3A_1338 = arith.shrui %xor3A_1331, %shift_right_logical3A_1337 : vector<40x256xi32>
      %or3A_1339 = arith.ori %shift_left3A_1335, %shift_right_logical3A_1338 : vector<40x256xi32>
      %xor3A_1340 = arith.xori %add3A_1332, %or3A_1339 : vector<40x256xi32>
      %add3A_1341 = arith.addi %add3A_1332, %xor3A_1138 : vector<40x256xi32>
      %add3A_1342 = arith.addi %xor3A_1340, %while3A_908 : vector<40x256xi32>
      %add3A_1343 = arith.constant 5 : i32
      %add3A_1344 = vector.broadcast %add3A_1343 : i32 to vector<40x256xi32>
      %add3A_1345 = arith.addi %add3A_1342, %add3A_1344 : vector<40x256xi32>
      %broadcast_in_dim3A_1346 = arith.constant 0 : i32
      %broadcast_in_dim3A_1347 = vector.broadcast %broadcast_in_dim3A_1346 : i32 to vector<40x256xi32>
      %add3A_1348 = arith.constant 2 : i32
      %add3A_1349 = vector.broadcast %add3A_1348 : i32 to vector<40x256xi32>
      %add3A_1350 = arith.addi %broadcast_in_dim3A_1347, %add3A_1349 : vector<40x256xi32>
      %xor3A_1351 = arith.xori %while3A_908, %while3A_909 : vector<40x256xi32>
      %xor3A_1352 = arith.constant 466688986 : i32
      %xor3A_1353 = vector.broadcast %xor3A_1352 : i32 to vector<40x256xi32>
      %xor3A_1354 = arith.xori %xor3A_1351, %xor3A_1353 : vector<40x256xi32>
      %add3A_1355 = arith.addi %broadcast_in_dim3A_1347, %while3A_908 : vector<40x256xi32>
      %add3A_1356 = arith.addi %add3A_1350, %while3A_909 : vector<40x256xi32>
      %add3A_1357 = arith.addi %add3A_1355, %add3A_1356 : vector<40x256xi32>
      %shift_left3A_1358 = arith.constant 13 : i32
      %shift_left3A_1359 = vector.broadcast %shift_left3A_1358 : i32 to vector<40x256xi32>
      %shift_left3A_1360 = arith.shli %add3A_1356, %shift_left3A_1359 : vector<40x256xi32>
      %shift_right_logical3A_1361 = arith.constant 19 : i32
      %shift_right_logical3A_1362 = vector.broadcast %shift_right_logical3A_1361 : i32 to vector<40x256xi32>
      %shift_right_logical3A_1363 = arith.shrui %add3A_1356, %shift_right_logical3A_1362 : vector<40x256xi32>
      %or3A_1364 = arith.ori %shift_left3A_1360, %shift_right_logical3A_1363 : vector<40x256xi32>
      %xor3A_1365 = arith.xori %add3A_1357, %or3A_1364 : vector<40x256xi32>
      %add3A_1366 = arith.addi %add3A_1357, %xor3A_1365 : vector<40x256xi32>
      %shift_left3A_1367 = arith.constant 15 : i32
      %shift_left3A_1368 = vector.broadcast %shift_left3A_1367 : i32 to vector<40x256xi32>
      %shift_left3A_1369 = arith.shli %xor3A_1365, %shift_left3A_1368 : vector<40x256xi32>
      %shift_right_logical3A_1370 = arith.constant 17 : i32
      %shift_right_logical3A_1371 = vector.broadcast %shift_right_logical3A_1370 : i32 to vector<40x256xi32>
      %shift_right_logical3A_1372 = arith.shrui %xor3A_1365, %shift_right_logical3A_1371 : vector<40x256xi32>
      %or3A_1373 = arith.ori %shift_left3A_1369, %shift_right_logical3A_1372 : vector<40x256xi32>
      %xor3A_1374 = arith.xori %add3A_1366, %or3A_1373 : vector<40x256xi32>
      %add3A_1375 = arith.addi %add3A_1366, %xor3A_1374 : vector<40x256xi32>
      %shift_left3A_1376 = arith.constant 26 : i32
      %shift_left3A_1377 = vector.broadcast %shift_left3A_1376 : i32 to vector<40x256xi32>
      %shift_left3A_1378 = arith.shli %xor3A_1374, %shift_left3A_1377 : vector<40x256xi32>
      %shift_right_logical3A_1379 = arith.constant 6 : i32
      %shift_right_logical3A_1380 = vector.broadcast %shift_right_logical3A_1379 : i32 to vector<40x256xi32>
      %shift_right_logical3A_1381 = arith.shrui %xor3A_1374, %shift_right_logical3A_1380 : vector<40x256xi32>
      %or3A_1382 = arith.ori %shift_left3A_1378, %shift_right_logical3A_1381 : vector<40x256xi32>
      %xor3A_1383 = arith.xori %add3A_1375, %or3A_1382 : vector<40x256xi32>
      %add3A_1384 = arith.addi %add3A_1375, %xor3A_1383 : vector<40x256xi32>
      %shift_left3A_1385 = arith.constant 6 : i32
      %shift_left3A_1386 = vector.broadcast %shift_left3A_1385 : i32 to vector<40x256xi32>
      %shift_left3A_1387 = arith.shli %xor3A_1383, %shift_left3A_1386 : vector<40x256xi32>
      %shift_right_logical3A_1388 = arith.constant 26 : i32
      %shift_right_logical3A_1389 = vector.broadcast %shift_right_logical3A_1388 : i32 to vector<40x256xi32>
      %shift_right_logical3A_1390 = arith.shrui %xor3A_1383, %shift_right_logical3A_1389 : vector<40x256xi32>
      %or3A_1391 = arith.ori %shift_left3A_1387, %shift_right_logical3A_1390 : vector<40x256xi32>
      %xor3A_1392 = arith.xori %add3A_1384, %or3A_1391 : vector<40x256xi32>
      %add3A_1393 = arith.addi %add3A_1384, %while3A_909 : vector<40x256xi32>
      %add3A_1394 = arith.addi %xor3A_1392, %xor3A_1354 : vector<40x256xi32>
      %add3A_1395 = arith.constant 1 : i32
      %add3A_1396 = vector.broadcast %add3A_1395 : i32 to vector<40x256xi32>
      %add3A_1397 = arith.addi %add3A_1394, %add3A_1396 : vector<40x256xi32>
      %add3A_1398 = arith.addi %add3A_1393, %add3A_1397 : vector<40x256xi32>
      %shift_left3A_1399 = arith.constant 17 : i32
      %shift_left3A_1400 = vector.broadcast %shift_left3A_1399 : i32 to vector<40x256xi32>
      %shift_left3A_1401 = arith.shli %add3A_1397, %shift_left3A_1400 : vector<40x256xi32>
      %shift_right_logical3A_1402 = arith.constant 15 : i32
      %shift_right_logical3A_1403 = vector.broadcast %shift_right_logical3A_1402 : i32 to vector<40x256xi32>
      %shift_right_logical3A_1404 = arith.shrui %add3A_1397, %shift_right_logical3A_1403 : vector<40x256xi32>
      %or3A_1405 = arith.ori %shift_left3A_1401, %shift_right_logical3A_1404 : vector<40x256xi32>
      %xor3A_1406 = arith.xori %add3A_1398, %or3A_1405 : vector<40x256xi32>
      %add3A_1407 = arith.addi %add3A_1398, %xor3A_1406 : vector<40x256xi32>
      %shift_left3A_1408 = arith.constant 29 : i32
      %shift_left3A_1409 = vector.broadcast %shift_left3A_1408 : i32 to vector<40x256xi32>
      %shift_left3A_1410 = arith.shli %xor3A_1406, %shift_left3A_1409 : vector<40x256xi32>
      %shift_right_logical3A_1411 = arith.constant 3 : i32
      %shift_right_logical3A_1412 = vector.broadcast %shift_right_logical3A_1411 : i32 to vector<40x256xi32>
      %shift_right_logical3A_1413 = arith.shrui %xor3A_1406, %shift_right_logical3A_1412 : vector<40x256xi32>
      %or3A_1414 = arith.ori %shift_left3A_1410, %shift_right_logical3A_1413 : vector<40x256xi32>
      %xor3A_1415 = arith.xori %add3A_1407, %or3A_1414 : vector<40x256xi32>
      %add3A_1416 = arith.addi %add3A_1407, %xor3A_1415 : vector<40x256xi32>
      %shift_left3A_1417 = arith.constant 16 : i32
      %shift_left3A_1418 = vector.broadcast %shift_left3A_1417 : i32 to vector<40x256xi32>
      %shift_left3A_1419 = arith.shli %xor3A_1415, %shift_left3A_1418 : vector<40x256xi32>
      %shift_right_logical3A_1420 = arith.constant 16 : i32
      %shift_right_logical3A_1421 = vector.broadcast %shift_right_logical3A_1420 : i32 to vector<40x256xi32>
      %shift_right_logical3A_1422 = arith.shrui %xor3A_1415, %shift_right_logical3A_1421 : vector<40x256xi32>
      %or3A_1423 = arith.ori %shift_left3A_1419, %shift_right_logical3A_1422 : vector<40x256xi32>
      %xor3A_1424 = arith.xori %add3A_1416, %or3A_1423 : vector<40x256xi32>
      %add3A_1425 = arith.addi %add3A_1416, %xor3A_1424 : vector<40x256xi32>
      %shift_left3A_1426 = arith.constant 24 : i32
      %shift_left3A_1427 = vector.broadcast %shift_left3A_1426 : i32 to vector<40x256xi32>
      %shift_left3A_1428 = arith.shli %xor3A_1424, %shift_left3A_1427 : vector<40x256xi32>
      %shift_right_logical3A_1429 = arith.constant 8 : i32
      %shift_right_logical3A_1430 = vector.broadcast %shift_right_logical3A_1429 : i32 to vector<40x256xi32>
      %shift_right_logical3A_1431 = arith.shrui %xor3A_1424, %shift_right_logical3A_1430 : vector<40x256xi32>
      %or3A_1432 = arith.ori %shift_left3A_1428, %shift_right_logical3A_1431 : vector<40x256xi32>
      %xor3A_1433 = arith.xori %add3A_1425, %or3A_1432 : vector<40x256xi32>
      %add3A_1434 = arith.addi %add3A_1425, %xor3A_1354 : vector<40x256xi32>
      %add3A_1435 = arith.addi %xor3A_1433, %while3A_908 : vector<40x256xi32>
      %add3A_1436 = arith.constant 2 : i32
      %add3A_1437 = vector.broadcast %add3A_1436 : i32 to vector<40x256xi32>
      %add3A_1438 = arith.addi %add3A_1435, %add3A_1437 : vector<40x256xi32>
      %add3A_1439 = arith.addi %add3A_1434, %add3A_1438 : vector<40x256xi32>
      %shift_left3A_1440 = arith.constant 13 : i32
      %shift_left3A_1441 = vector.broadcast %shift_left3A_1440 : i32 to vector<40x256xi32>
      %shift_left3A_1442 = arith.shli %add3A_1438, %shift_left3A_1441 : vector<40x256xi32>
      %shift_right_logical3A_1443 = arith.constant 19 : i32
      %shift_right_logical3A_1444 = vector.broadcast %shift_right_logical3A_1443 : i32 to vector<40x256xi32>
      %shift_right_logical3A_1445 = arith.shrui %add3A_1438, %shift_right_logical3A_1444 : vector<40x256xi32>
      %or3A_1446 = arith.ori %shift_left3A_1442, %shift_right_logical3A_1445 : vector<40x256xi32>
      %xor3A_1447 = arith.xori %add3A_1439, %or3A_1446 : vector<40x256xi32>
      %add3A_1448 = arith.addi %add3A_1439, %xor3A_1447 : vector<40x256xi32>
      %shift_left3A_1449 = arith.constant 15 : i32
      %shift_left3A_1450 = vector.broadcast %shift_left3A_1449 : i32 to vector<40x256xi32>
      %shift_left3A_1451 = arith.shli %xor3A_1447, %shift_left3A_1450 : vector<40x256xi32>
      %shift_right_logical3A_1452 = arith.constant 17 : i32
      %shift_right_logical3A_1453 = vector.broadcast %shift_right_logical3A_1452 : i32 to vector<40x256xi32>
      %shift_right_logical3A_1454 = arith.shrui %xor3A_1447, %shift_right_logical3A_1453 : vector<40x256xi32>
      %or3A_1455 = arith.ori %shift_left3A_1451, %shift_right_logical3A_1454 : vector<40x256xi32>
      %xor3A_1456 = arith.xori %add3A_1448, %or3A_1455 : vector<40x256xi32>
      %add3A_1457 = arith.addi %add3A_1448, %xor3A_1456 : vector<40x256xi32>
      %shift_left3A_1458 = arith.constant 26 : i32
      %shift_left3A_1459 = vector.broadcast %shift_left3A_1458 : i32 to vector<40x256xi32>
      %shift_left3A_1460 = arith.shli %xor3A_1456, %shift_left3A_1459 : vector<40x256xi32>
      %shift_right_logical3A_1461 = arith.constant 6 : i32
      %shift_right_logical3A_1462 = vector.broadcast %shift_right_logical3A_1461 : i32 to vector<40x256xi32>
      %shift_right_logical3A_1463 = arith.shrui %xor3A_1456, %shift_right_logical3A_1462 : vector<40x256xi32>
      %or3A_1464 = arith.ori %shift_left3A_1460, %shift_right_logical3A_1463 : vector<40x256xi32>
      %xor3A_1465 = arith.xori %add3A_1457, %or3A_1464 : vector<40x256xi32>
      %add3A_1466 = arith.addi %add3A_1457, %xor3A_1465 : vector<40x256xi32>
      %shift_left3A_1467 = arith.constant 6 : i32
      %shift_left3A_1468 = vector.broadcast %shift_left3A_1467 : i32 to vector<40x256xi32>
      %shift_left3A_1469 = arith.shli %xor3A_1465, %shift_left3A_1468 : vector<40x256xi32>
      %shift_right_logical3A_1470 = arith.constant 26 : i32
      %shift_right_logical3A_1471 = vector.broadcast %shift_right_logical3A_1470 : i32 to vector<40x256xi32>
      %shift_right_logical3A_1472 = arith.shrui %xor3A_1465, %shift_right_logical3A_1471 : vector<40x256xi32>
      %or3A_1473 = arith.ori %shift_left3A_1469, %shift_right_logical3A_1472 : vector<40x256xi32>
      %xor3A_1474 = arith.xori %add3A_1466, %or3A_1473 : vector<40x256xi32>
      %add3A_1475 = arith.addi %add3A_1466, %while3A_908 : vector<40x256xi32>
      %add3A_1476 = arith.addi %xor3A_1474, %while3A_909 : vector<40x256xi32>
      %add3A_1477 = arith.constant 3 : i32
      %add3A_1478 = vector.broadcast %add3A_1477 : i32 to vector<40x256xi32>
      %add3A_1479 = arith.addi %add3A_1476, %add3A_1478 : vector<40x256xi32>
      %add3A_1480 = arith.addi %add3A_1475, %add3A_1479 : vector<40x256xi32>
      %shift_left3A_1481 = arith.constant 17 : i32
      %shift_left3A_1482 = vector.broadcast %shift_left3A_1481 : i32 to vector<40x256xi32>
      %shift_left3A_1483 = arith.shli %add3A_1479, %shift_left3A_1482 : vector<40x256xi32>
      %shift_right_logical3A_1484 = arith.constant 15 : i32
      %shift_right_logical3A_1485 = vector.broadcast %shift_right_logical3A_1484 : i32 to vector<40x256xi32>
      %shift_right_logical3A_1486 = arith.shrui %add3A_1479, %shift_right_logical3A_1485 : vector<40x256xi32>
      %or3A_1487 = arith.ori %shift_left3A_1483, %shift_right_logical3A_1486 : vector<40x256xi32>
      %xor3A_1488 = arith.xori %add3A_1480, %or3A_1487 : vector<40x256xi32>
      %add3A_1489 = arith.addi %add3A_1480, %xor3A_1488 : vector<40x256xi32>
      %shift_left3A_1490 = arith.constant 29 : i32
      %shift_left3A_1491 = vector.broadcast %shift_left3A_1490 : i32 to vector<40x256xi32>
      %shift_left3A_1492 = arith.shli %xor3A_1488, %shift_left3A_1491 : vector<40x256xi32>
      %shift_right_logical3A_1493 = arith.constant 3 : i32
      %shift_right_logical3A_1494 = vector.broadcast %shift_right_logical3A_1493 : i32 to vector<40x256xi32>
      %shift_right_logical3A_1495 = arith.shrui %xor3A_1488, %shift_right_logical3A_1494 : vector<40x256xi32>
      %or3A_1496 = arith.ori %shift_left3A_1492, %shift_right_logical3A_1495 : vector<40x256xi32>
      %xor3A_1497 = arith.xori %add3A_1489, %or3A_1496 : vector<40x256xi32>
      %add3A_1498 = arith.addi %add3A_1489, %xor3A_1497 : vector<40x256xi32>
      %shift_left3A_1499 = arith.constant 16 : i32
      %shift_left3A_1500 = vector.broadcast %shift_left3A_1499 : i32 to vector<40x256xi32>
      %shift_left3A_1501 = arith.shli %xor3A_1497, %shift_left3A_1500 : vector<40x256xi32>
      %shift_right_logical3A_1502 = arith.constant 16 : i32
      %shift_right_logical3A_1503 = vector.broadcast %shift_right_logical3A_1502 : i32 to vector<40x256xi32>
      %shift_right_logical3A_1504 = arith.shrui %xor3A_1497, %shift_right_logical3A_1503 : vector<40x256xi32>
      %or3A_1505 = arith.ori %shift_left3A_1501, %shift_right_logical3A_1504 : vector<40x256xi32>
      %xor3A_1506 = arith.xori %add3A_1498, %or3A_1505 : vector<40x256xi32>
      %add3A_1507 = arith.addi %add3A_1498, %xor3A_1506 : vector<40x256xi32>
      %shift_left3A_1508 = arith.constant 24 : i32
      %shift_left3A_1509 = vector.broadcast %shift_left3A_1508 : i32 to vector<40x256xi32>
      %shift_left3A_1510 = arith.shli %xor3A_1506, %shift_left3A_1509 : vector<40x256xi32>
      %shift_right_logical3A_1511 = arith.constant 8 : i32
      %shift_right_logical3A_1512 = vector.broadcast %shift_right_logical3A_1511 : i32 to vector<40x256xi32>
      %shift_right_logical3A_1513 = arith.shrui %xor3A_1506, %shift_right_logical3A_1512 : vector<40x256xi32>
      %or3A_1514 = arith.ori %shift_left3A_1510, %shift_right_logical3A_1513 : vector<40x256xi32>
      %xor3A_1515 = arith.xori %add3A_1507, %or3A_1514 : vector<40x256xi32>
      %add3A_1516 = arith.addi %add3A_1507, %while3A_909 : vector<40x256xi32>
      %add3A_1517 = arith.addi %xor3A_1515, %xor3A_1354 : vector<40x256xi32>
      %add3A_1518 = arith.constant 4 : i32
      %add3A_1519 = vector.broadcast %add3A_1518 : i32 to vector<40x256xi32>
      %add3A_1520 = arith.addi %add3A_1517, %add3A_1519 : vector<40x256xi32>
      %add3A_1521 = arith.addi %add3A_1516, %add3A_1520 : vector<40x256xi32>
      %shift_left3A_1522 = arith.constant 13 : i32
      %shift_left3A_1523 = vector.broadcast %shift_left3A_1522 : i32 to vector<40x256xi32>
      %shift_left3A_1524 = arith.shli %add3A_1520, %shift_left3A_1523 : vector<40x256xi32>
      %shift_right_logical3A_1525 = arith.constant 19 : i32
      %shift_right_logical3A_1526 = vector.broadcast %shift_right_logical3A_1525 : i32 to vector<40x256xi32>
      %shift_right_logical3A_1527 = arith.shrui %add3A_1520, %shift_right_logical3A_1526 : vector<40x256xi32>
      %or3A_1528 = arith.ori %shift_left3A_1524, %shift_right_logical3A_1527 : vector<40x256xi32>
      %xor3A_1529 = arith.xori %add3A_1521, %or3A_1528 : vector<40x256xi32>
      %add3A_1530 = arith.addi %add3A_1521, %xor3A_1529 : vector<40x256xi32>
      %shift_left3A_1531 = arith.constant 15 : i32
      %shift_left3A_1532 = vector.broadcast %shift_left3A_1531 : i32 to vector<40x256xi32>
      %shift_left3A_1533 = arith.shli %xor3A_1529, %shift_left3A_1532 : vector<40x256xi32>
      %shift_right_logical3A_1534 = arith.constant 17 : i32
      %shift_right_logical3A_1535 = vector.broadcast %shift_right_logical3A_1534 : i32 to vector<40x256xi32>
      %shift_right_logical3A_1536 = arith.shrui %xor3A_1529, %shift_right_logical3A_1535 : vector<40x256xi32>
      %or3A_1537 = arith.ori %shift_left3A_1533, %shift_right_logical3A_1536 : vector<40x256xi32>
      %xor3A_1538 = arith.xori %add3A_1530, %or3A_1537 : vector<40x256xi32>
      %add3A_1539 = arith.addi %add3A_1530, %xor3A_1538 : vector<40x256xi32>
      %shift_left3A_1540 = arith.constant 26 : i32
      %shift_left3A_1541 = vector.broadcast %shift_left3A_1540 : i32 to vector<40x256xi32>
      %shift_left3A_1542 = arith.shli %xor3A_1538, %shift_left3A_1541 : vector<40x256xi32>
      %shift_right_logical3A_1543 = arith.constant 6 : i32
      %shift_right_logical3A_1544 = vector.broadcast %shift_right_logical3A_1543 : i32 to vector<40x256xi32>
      %shift_right_logical3A_1545 = arith.shrui %xor3A_1538, %shift_right_logical3A_1544 : vector<40x256xi32>
      %or3A_1546 = arith.ori %shift_left3A_1542, %shift_right_logical3A_1545 : vector<40x256xi32>
      %xor3A_1547 = arith.xori %add3A_1539, %or3A_1546 : vector<40x256xi32>
      %add3A_1548 = arith.addi %add3A_1539, %xor3A_1547 : vector<40x256xi32>
      %shift_left3A_1549 = arith.constant 6 : i32
      %shift_left3A_1550 = vector.broadcast %shift_left3A_1549 : i32 to vector<40x256xi32>
      %shift_left3A_1551 = arith.shli %xor3A_1547, %shift_left3A_1550 : vector<40x256xi32>
      %shift_right_logical3A_1552 = arith.constant 26 : i32
      %shift_right_logical3A_1553 = vector.broadcast %shift_right_logical3A_1552 : i32 to vector<40x256xi32>
      %shift_right_logical3A_1554 = arith.shrui %xor3A_1547, %shift_right_logical3A_1553 : vector<40x256xi32>
      %or3A_1555 = arith.ori %shift_left3A_1551, %shift_right_logical3A_1554 : vector<40x256xi32>
      %xor3A_1556 = arith.xori %add3A_1548, %or3A_1555 : vector<40x256xi32>
      %add3A_1557 = arith.addi %add3A_1548, %xor3A_1354 : vector<40x256xi32>
      %add3A_1558 = arith.addi %xor3A_1556, %while3A_908 : vector<40x256xi32>
      %add3A_1559 = arith.constant 5 : i32
      %add3A_1560 = vector.broadcast %add3A_1559 : i32 to vector<40x256xi32>
      %add3A_1561 = arith.addi %add3A_1558, %add3A_1560 : vector<40x256xi32>
      %broadcast_in_dim3A_1562 = arith.constant 0.000000e+00 : f32
      %broadcast_in_dim3A_1563 = vector.broadcast %broadcast_in_dim3A_1562 : f32 to vector<40x256xf32>
      %broadcast_in_dim3A_1564 = arith.constant -1.000000e+00 : f32
      %broadcast_in_dim3A_1565 = vector.broadcast %broadcast_in_dim3A_1564 : f32 to vector<40x256xf32>
      %while3A_1566:4 = scf.while (%while3A_1827 = %broadcast_in_dim3A_1563, %while3A_1828 = %broadcast_in_dim3A_1565, %while3A_1829 = %add3A_1341, %while3A_1830 = %add3A_1345) : (vector<40x256xf32>, vector<40x256xf32>, vector<40x256xi32>, vector<40x256xi32>) -> (vector<40x256xf32>, vector<40x256xf32>, vector<40x256xi32>, vector<40x256xi32>) {
        %not3A_1831 = arith.constant dense<true> : vector<40x256xi1>
        %not3A_1832 = arith.xori %ne3A_913, %not3A_1831 : vector<40x256xi1>
        %le3A = arith.constant 0.000000e+00 : f32
        %le3A_1833 = vector.broadcast %le3A : f32 to vector<40x256xf32>
        %le3A_1834 = arith.cmpf ole, %while3A_1828, %le3A_1833 : vector<40x256xf32>
        %and3A_1835 = arith.andi %not3A_1832, %le3A_1834 : vector<40x256xi1>
        %reduce_or3A = arith.constant 1.000000e+00 : f32
        %reduce_or3A_1836 = arith.constant 0.000000e+00 : f32
        %reduce_or3A_1837 = vector.broadcast %reduce_or3A : f32 to vector<40x256xf32>
        %reduce_or3A_1838 = vector.broadcast %reduce_or3A_1836 : f32 to vector<40x256xf32>
        %reduce_or3A_1839 = arith.select %and3A_1835, %reduce_or3A_1837, %reduce_or3A_1838 : vector<40x256xi1>, vector<40x256xf32>
        %reduce_or3A_1840 = vector.shape_cast %reduce_or3A_1839 : vector<40x256xf32> to vector<1x40x256xf32>
        %reduce_or3A_1841 = arith.constant dense<0xFF800000> : vector<1xf32>
        %reduce_or3A_1842 = vector.multi_reduction <maximumf>, %reduce_or3A_1840, %reduce_or3A_1841 [1, 2] : vector<1x40x256xf32> to vector<1xf32>
        %reduce_or3A_1843 = vector.shape_cast %reduce_or3A_1842 : vector<1xf32> to vector<1x1x1xf32>
        %reduce_or3A_1844 = vector.extract %reduce_or3A_1843[0, 0, 0] : f32 from vector<1x1x1xf32>
        %reduce_or3A_1845 = arith.constant 0.000000e+00 : f32
        %reduce_or3A_1846 = arith.cmpf ogt, %reduce_or3A_1844, %reduce_or3A_1845 : f32
        scf.condition(%reduce_or3A_1846) %while3A_1827, %while3A_1828, %while3A_1829, %while3A_1830 : vector<40x256xf32>, vector<40x256xf32>, vector<40x256xi32>, vector<40x256xi32>
      } do {
      ^bb0(%while3A_1827: vector<40x256xf32>, %while3A_1828: vector<40x256xf32>, %while3A_1829: vector<40x256xi32>, %while3A_1830: vector<40x256xi32>):
        %not3A_1831 = arith.constant dense<true> : vector<40x256xi1>
        %not3A_1832 = arith.xori %ne3A_913, %not3A_1831 : vector<40x256xi1>
        %le3A = arith.constant 0.000000e+00 : f32
        %le3A_1833 = vector.broadcast %le3A : f32 to vector<40x256xf32>
        %le3A_1834 = arith.cmpf ole, %while3A_1828, %le3A_1833 : vector<40x256xf32>
        %and3A_1835 = arith.andi %not3A_1832, %le3A_1834 : vector<40x256xi1>
        %broadcast_in_dim3A_1836 = arith.constant 0 : i32
        %broadcast_in_dim3A_1837 = vector.broadcast %broadcast_in_dim3A_1836 : i32 to vector<40x256xi32>
        %add3A_1838 = arith.constant 0 : i32
        %add3A_1839 = vector.broadcast %add3A_1838 : i32 to vector<40x256xi32>
        %add3A_1840 = arith.addi %broadcast_in_dim3A_1837, %add3A_1839 : vector<40x256xi32>
        %xor3A_1841 = arith.xori %while3A_1829, %while3A_1830 : vector<40x256xi32>
        %xor3A_1842 = arith.constant 466688986 : i32
        %xor3A_1843 = vector.broadcast %xor3A_1842 : i32 to vector<40x256xi32>
        %xor3A_1844 = arith.xori %xor3A_1841, %xor3A_1843 : vector<40x256xi32>
        %add3A_1845 = arith.addi %broadcast_in_dim3A_1837, %while3A_1829 : vector<40x256xi32>
        %add3A_1846 = arith.addi %add3A_1840, %while3A_1830 : vector<40x256xi32>
        %add3A_1847 = arith.addi %add3A_1845, %add3A_1846 : vector<40x256xi32>
        %shift_left3A_1848 = arith.constant 13 : i32
        %shift_left3A_1849 = vector.broadcast %shift_left3A_1848 : i32 to vector<40x256xi32>
        %shift_left3A_1850 = arith.shli %add3A_1846, %shift_left3A_1849 : vector<40x256xi32>
        %shift_right_logical3A_1851 = arith.constant 19 : i32
        %shift_right_logical3A_1852 = vector.broadcast %shift_right_logical3A_1851 : i32 to vector<40x256xi32>
        %shift_right_logical3A_1853 = arith.shrui %add3A_1846, %shift_right_logical3A_1852 : vector<40x256xi32>
        %or3A_1854 = arith.ori %shift_left3A_1850, %shift_right_logical3A_1853 : vector<40x256xi32>
        %xor3A_1855 = arith.xori %add3A_1847, %or3A_1854 : vector<40x256xi32>
        %add3A_1856 = arith.addi %add3A_1847, %xor3A_1855 : vector<40x256xi32>
        %shift_left3A_1857 = arith.constant 15 : i32
        %shift_left3A_1858 = vector.broadcast %shift_left3A_1857 : i32 to vector<40x256xi32>
        %shift_left3A_1859 = arith.shli %xor3A_1855, %shift_left3A_1858 : vector<40x256xi32>
        %shift_right_logical3A_1860 = arith.constant 17 : i32
        %shift_right_logical3A_1861 = vector.broadcast %shift_right_logical3A_1860 : i32 to vector<40x256xi32>
        %shift_right_logical3A_1862 = arith.shrui %xor3A_1855, %shift_right_logical3A_1861 : vector<40x256xi32>
        %or3A_1863 = arith.ori %shift_left3A_1859, %shift_right_logical3A_1862 : vector<40x256xi32>
        %xor3A_1864 = arith.xori %add3A_1856, %or3A_1863 : vector<40x256xi32>
        %add3A_1865 = arith.addi %add3A_1856, %xor3A_1864 : vector<40x256xi32>
        %shift_left3A_1866 = arith.constant 26 : i32
        %shift_left3A_1867 = vector.broadcast %shift_left3A_1866 : i32 to vector<40x256xi32>
        %shift_left3A_1868 = arith.shli %xor3A_1864, %shift_left3A_1867 : vector<40x256xi32>
        %shift_right_logical3A_1869 = arith.constant 6 : i32
        %shift_right_logical3A_1870 = vector.broadcast %shift_right_logical3A_1869 : i32 to vector<40x256xi32>
        %shift_right_logical3A_1871 = arith.shrui %xor3A_1864, %shift_right_logical3A_1870 : vector<40x256xi32>
        %or3A_1872 = arith.ori %shift_left3A_1868, %shift_right_logical3A_1871 : vector<40x256xi32>
        %xor3A_1873 = arith.xori %add3A_1865, %or3A_1872 : vector<40x256xi32>
        %add3A_1874 = arith.addi %add3A_1865, %xor3A_1873 : vector<40x256xi32>
        %shift_left3A_1875 = arith.constant 6 : i32
        %shift_left3A_1876 = vector.broadcast %shift_left3A_1875 : i32 to vector<40x256xi32>
        %shift_left3A_1877 = arith.shli %xor3A_1873, %shift_left3A_1876 : vector<40x256xi32>
        %shift_right_logical3A_1878 = arith.constant 26 : i32
        %shift_right_logical3A_1879 = vector.broadcast %shift_right_logical3A_1878 : i32 to vector<40x256xi32>
        %shift_right_logical3A_1880 = arith.shrui %xor3A_1873, %shift_right_logical3A_1879 : vector<40x256xi32>
        %or3A_1881 = arith.ori %shift_left3A_1877, %shift_right_logical3A_1880 : vector<40x256xi32>
        %xor3A_1882 = arith.xori %add3A_1874, %or3A_1881 : vector<40x256xi32>
        %add3A_1883 = arith.addi %add3A_1874, %while3A_1830 : vector<40x256xi32>
        %add3A_1884 = arith.addi %xor3A_1882, %xor3A_1844 : vector<40x256xi32>
        %add3A_1885 = arith.constant 1 : i32
        %add3A_1886 = vector.broadcast %add3A_1885 : i32 to vector<40x256xi32>
        %add3A_1887 = arith.addi %add3A_1884, %add3A_1886 : vector<40x256xi32>
        %add3A_1888 = arith.addi %add3A_1883, %add3A_1887 : vector<40x256xi32>
        %shift_left3A_1889 = arith.constant 17 : i32
        %shift_left3A_1890 = vector.broadcast %shift_left3A_1889 : i32 to vector<40x256xi32>
        %shift_left3A_1891 = arith.shli %add3A_1887, %shift_left3A_1890 : vector<40x256xi32>
        %shift_right_logical3A_1892 = arith.constant 15 : i32
        %shift_right_logical3A_1893 = vector.broadcast %shift_right_logical3A_1892 : i32 to vector<40x256xi32>
        %shift_right_logical3A_1894 = arith.shrui %add3A_1887, %shift_right_logical3A_1893 : vector<40x256xi32>
        %or3A_1895 = arith.ori %shift_left3A_1891, %shift_right_logical3A_1894 : vector<40x256xi32>
        %xor3A_1896 = arith.xori %add3A_1888, %or3A_1895 : vector<40x256xi32>
        %add3A_1897 = arith.addi %add3A_1888, %xor3A_1896 : vector<40x256xi32>
        %shift_left3A_1898 = arith.constant 29 : i32
        %shift_left3A_1899 = vector.broadcast %shift_left3A_1898 : i32 to vector<40x256xi32>
        %shift_left3A_1900 = arith.shli %xor3A_1896, %shift_left3A_1899 : vector<40x256xi32>
        %shift_right_logical3A_1901 = arith.constant 3 : i32
        %shift_right_logical3A_1902 = vector.broadcast %shift_right_logical3A_1901 : i32 to vector<40x256xi32>
        %shift_right_logical3A_1903 = arith.shrui %xor3A_1896, %shift_right_logical3A_1902 : vector<40x256xi32>
        %or3A_1904 = arith.ori %shift_left3A_1900, %shift_right_logical3A_1903 : vector<40x256xi32>
        %xor3A_1905 = arith.xori %add3A_1897, %or3A_1904 : vector<40x256xi32>
        %add3A_1906 = arith.addi %add3A_1897, %xor3A_1905 : vector<40x256xi32>
        %shift_left3A_1907 = arith.constant 16 : i32
        %shift_left3A_1908 = vector.broadcast %shift_left3A_1907 : i32 to vector<40x256xi32>
        %shift_left3A_1909 = arith.shli %xor3A_1905, %shift_left3A_1908 : vector<40x256xi32>
        %shift_right_logical3A_1910 = arith.constant 16 : i32
        %shift_right_logical3A_1911 = vector.broadcast %shift_right_logical3A_1910 : i32 to vector<40x256xi32>
        %shift_right_logical3A_1912 = arith.shrui %xor3A_1905, %shift_right_logical3A_1911 : vector<40x256xi32>
        %or3A_1913 = arith.ori %shift_left3A_1909, %shift_right_logical3A_1912 : vector<40x256xi32>
        %xor3A_1914 = arith.xori %add3A_1906, %or3A_1913 : vector<40x256xi32>
        %add3A_1915 = arith.addi %add3A_1906, %xor3A_1914 : vector<40x256xi32>
        %shift_left3A_1916 = arith.constant 24 : i32
        %shift_left3A_1917 = vector.broadcast %shift_left3A_1916 : i32 to vector<40x256xi32>
        %shift_left3A_1918 = arith.shli %xor3A_1914, %shift_left3A_1917 : vector<40x256xi32>
        %shift_right_logical3A_1919 = arith.constant 8 : i32
        %shift_right_logical3A_1920 = vector.broadcast %shift_right_logical3A_1919 : i32 to vector<40x256xi32>
        %shift_right_logical3A_1921 = arith.shrui %xor3A_1914, %shift_right_logical3A_1920 : vector<40x256xi32>
        %or3A_1922 = arith.ori %shift_left3A_1918, %shift_right_logical3A_1921 : vector<40x256xi32>
        %xor3A_1923 = arith.xori %add3A_1915, %or3A_1922 : vector<40x256xi32>
        %add3A_1924 = arith.addi %add3A_1915, %xor3A_1844 : vector<40x256xi32>
        %add3A_1925 = arith.addi %xor3A_1923, %while3A_1829 : vector<40x256xi32>
        %add3A_1926 = arith.constant 2 : i32
        %add3A_1927 = vector.broadcast %add3A_1926 : i32 to vector<40x256xi32>
        %add3A_1928 = arith.addi %add3A_1925, %add3A_1927 : vector<40x256xi32>
        %add3A_1929 = arith.addi %add3A_1924, %add3A_1928 : vector<40x256xi32>
        %shift_left3A_1930 = arith.constant 13 : i32
        %shift_left3A_1931 = vector.broadcast %shift_left3A_1930 : i32 to vector<40x256xi32>
        %shift_left3A_1932 = arith.shli %add3A_1928, %shift_left3A_1931 : vector<40x256xi32>
        %shift_right_logical3A_1933 = arith.constant 19 : i32
        %shift_right_logical3A_1934 = vector.broadcast %shift_right_logical3A_1933 : i32 to vector<40x256xi32>
        %shift_right_logical3A_1935 = arith.shrui %add3A_1928, %shift_right_logical3A_1934 : vector<40x256xi32>
        %or3A_1936 = arith.ori %shift_left3A_1932, %shift_right_logical3A_1935 : vector<40x256xi32>
        %xor3A_1937 = arith.xori %add3A_1929, %or3A_1936 : vector<40x256xi32>
        %add3A_1938 = arith.addi %add3A_1929, %xor3A_1937 : vector<40x256xi32>
        %shift_left3A_1939 = arith.constant 15 : i32
        %shift_left3A_1940 = vector.broadcast %shift_left3A_1939 : i32 to vector<40x256xi32>
        %shift_left3A_1941 = arith.shli %xor3A_1937, %shift_left3A_1940 : vector<40x256xi32>
        %shift_right_logical3A_1942 = arith.constant 17 : i32
        %shift_right_logical3A_1943 = vector.broadcast %shift_right_logical3A_1942 : i32 to vector<40x256xi32>
        %shift_right_logical3A_1944 = arith.shrui %xor3A_1937, %shift_right_logical3A_1943 : vector<40x256xi32>
        %or3A_1945 = arith.ori %shift_left3A_1941, %shift_right_logical3A_1944 : vector<40x256xi32>
        %xor3A_1946 = arith.xori %add3A_1938, %or3A_1945 : vector<40x256xi32>
        %add3A_1947 = arith.addi %add3A_1938, %xor3A_1946 : vector<40x256xi32>
        %shift_left3A_1948 = arith.constant 26 : i32
        %shift_left3A_1949 = vector.broadcast %shift_left3A_1948 : i32 to vector<40x256xi32>
        %shift_left3A_1950 = arith.shli %xor3A_1946, %shift_left3A_1949 : vector<40x256xi32>
        %shift_right_logical3A_1951 = arith.constant 6 : i32
        %shift_right_logical3A_1952 = vector.broadcast %shift_right_logical3A_1951 : i32 to vector<40x256xi32>
        %shift_right_logical3A_1953 = arith.shrui %xor3A_1946, %shift_right_logical3A_1952 : vector<40x256xi32>
        %or3A_1954 = arith.ori %shift_left3A_1950, %shift_right_logical3A_1953 : vector<40x256xi32>
        %xor3A_1955 = arith.xori %add3A_1947, %or3A_1954 : vector<40x256xi32>
        %add3A_1956 = arith.addi %add3A_1947, %xor3A_1955 : vector<40x256xi32>
        %shift_left3A_1957 = arith.constant 6 : i32
        %shift_left3A_1958 = vector.broadcast %shift_left3A_1957 : i32 to vector<40x256xi32>
        %shift_left3A_1959 = arith.shli %xor3A_1955, %shift_left3A_1958 : vector<40x256xi32>
        %shift_right_logical3A_1960 = arith.constant 26 : i32
        %shift_right_logical3A_1961 = vector.broadcast %shift_right_logical3A_1960 : i32 to vector<40x256xi32>
        %shift_right_logical3A_1962 = arith.shrui %xor3A_1955, %shift_right_logical3A_1961 : vector<40x256xi32>
        %or3A_1963 = arith.ori %shift_left3A_1959, %shift_right_logical3A_1962 : vector<40x256xi32>
        %xor3A_1964 = arith.xori %add3A_1956, %or3A_1963 : vector<40x256xi32>
        %add3A_1965 = arith.addi %add3A_1956, %while3A_1829 : vector<40x256xi32>
        %add3A_1966 = arith.addi %xor3A_1964, %while3A_1830 : vector<40x256xi32>
        %add3A_1967 = arith.constant 3 : i32
        %add3A_1968 = vector.broadcast %add3A_1967 : i32 to vector<40x256xi32>
        %add3A_1969 = arith.addi %add3A_1966, %add3A_1968 : vector<40x256xi32>
        %add3A_1970 = arith.addi %add3A_1965, %add3A_1969 : vector<40x256xi32>
        %shift_left3A_1971 = arith.constant 17 : i32
        %shift_left3A_1972 = vector.broadcast %shift_left3A_1971 : i32 to vector<40x256xi32>
        %shift_left3A_1973 = arith.shli %add3A_1969, %shift_left3A_1972 : vector<40x256xi32>
        %shift_right_logical3A_1974 = arith.constant 15 : i32
        %shift_right_logical3A_1975 = vector.broadcast %shift_right_logical3A_1974 : i32 to vector<40x256xi32>
        %shift_right_logical3A_1976 = arith.shrui %add3A_1969, %shift_right_logical3A_1975 : vector<40x256xi32>
        %or3A_1977 = arith.ori %shift_left3A_1973, %shift_right_logical3A_1976 : vector<40x256xi32>
        %xor3A_1978 = arith.xori %add3A_1970, %or3A_1977 : vector<40x256xi32>
        %add3A_1979 = arith.addi %add3A_1970, %xor3A_1978 : vector<40x256xi32>
        %shift_left3A_1980 = arith.constant 29 : i32
        %shift_left3A_1981 = vector.broadcast %shift_left3A_1980 : i32 to vector<40x256xi32>
        %shift_left3A_1982 = arith.shli %xor3A_1978, %shift_left3A_1981 : vector<40x256xi32>
        %shift_right_logical3A_1983 = arith.constant 3 : i32
        %shift_right_logical3A_1984 = vector.broadcast %shift_right_logical3A_1983 : i32 to vector<40x256xi32>
        %shift_right_logical3A_1985 = arith.shrui %xor3A_1978, %shift_right_logical3A_1984 : vector<40x256xi32>
        %or3A_1986 = arith.ori %shift_left3A_1982, %shift_right_logical3A_1985 : vector<40x256xi32>
        %xor3A_1987 = arith.xori %add3A_1979, %or3A_1986 : vector<40x256xi32>
        %add3A_1988 = arith.addi %add3A_1979, %xor3A_1987 : vector<40x256xi32>
        %shift_left3A_1989 = arith.constant 16 : i32
        %shift_left3A_1990 = vector.broadcast %shift_left3A_1989 : i32 to vector<40x256xi32>
        %shift_left3A_1991 = arith.shli %xor3A_1987, %shift_left3A_1990 : vector<40x256xi32>
        %shift_right_logical3A_1992 = arith.constant 16 : i32
        %shift_right_logical3A_1993 = vector.broadcast %shift_right_logical3A_1992 : i32 to vector<40x256xi32>
        %shift_right_logical3A_1994 = arith.shrui %xor3A_1987, %shift_right_logical3A_1993 : vector<40x256xi32>
        %or3A_1995 = arith.ori %shift_left3A_1991, %shift_right_logical3A_1994 : vector<40x256xi32>
        %xor3A_1996 = arith.xori %add3A_1988, %or3A_1995 : vector<40x256xi32>
        %add3A_1997 = arith.addi %add3A_1988, %xor3A_1996 : vector<40x256xi32>
        %shift_left3A_1998 = arith.constant 24 : i32
        %shift_left3A_1999 = vector.broadcast %shift_left3A_1998 : i32 to vector<40x256xi32>
        %shift_left3A_2000 = arith.shli %xor3A_1996, %shift_left3A_1999 : vector<40x256xi32>
        %shift_right_logical3A_2001 = arith.constant 8 : i32
        %shift_right_logical3A_2002 = vector.broadcast %shift_right_logical3A_2001 : i32 to vector<40x256xi32>
        %shift_right_logical3A_2003 = arith.shrui %xor3A_1996, %shift_right_logical3A_2002 : vector<40x256xi32>
        %or3A_2004 = arith.ori %shift_left3A_2000, %shift_right_logical3A_2003 : vector<40x256xi32>
        %xor3A_2005 = arith.xori %add3A_1997, %or3A_2004 : vector<40x256xi32>
        %add3A_2006 = arith.addi %add3A_1997, %while3A_1830 : vector<40x256xi32>
        %add3A_2007 = arith.addi %xor3A_2005, %xor3A_1844 : vector<40x256xi32>
        %add3A_2008 = arith.constant 4 : i32
        %add3A_2009 = vector.broadcast %add3A_2008 : i32 to vector<40x256xi32>
        %add3A_2010 = arith.addi %add3A_2007, %add3A_2009 : vector<40x256xi32>
        %add3A_2011 = arith.addi %add3A_2006, %add3A_2010 : vector<40x256xi32>
        %shift_left3A_2012 = arith.constant 13 : i32
        %shift_left3A_2013 = vector.broadcast %shift_left3A_2012 : i32 to vector<40x256xi32>
        %shift_left3A_2014 = arith.shli %add3A_2010, %shift_left3A_2013 : vector<40x256xi32>
        %shift_right_logical3A_2015 = arith.constant 19 : i32
        %shift_right_logical3A_2016 = vector.broadcast %shift_right_logical3A_2015 : i32 to vector<40x256xi32>
        %shift_right_logical3A_2017 = arith.shrui %add3A_2010, %shift_right_logical3A_2016 : vector<40x256xi32>
        %or3A_2018 = arith.ori %shift_left3A_2014, %shift_right_logical3A_2017 : vector<40x256xi32>
        %xor3A_2019 = arith.xori %add3A_2011, %or3A_2018 : vector<40x256xi32>
        %add3A_2020 = arith.addi %add3A_2011, %xor3A_2019 : vector<40x256xi32>
        %shift_left3A_2021 = arith.constant 15 : i32
        %shift_left3A_2022 = vector.broadcast %shift_left3A_2021 : i32 to vector<40x256xi32>
        %shift_left3A_2023 = arith.shli %xor3A_2019, %shift_left3A_2022 : vector<40x256xi32>
        %shift_right_logical3A_2024 = arith.constant 17 : i32
        %shift_right_logical3A_2025 = vector.broadcast %shift_right_logical3A_2024 : i32 to vector<40x256xi32>
        %shift_right_logical3A_2026 = arith.shrui %xor3A_2019, %shift_right_logical3A_2025 : vector<40x256xi32>
        %or3A_2027 = arith.ori %shift_left3A_2023, %shift_right_logical3A_2026 : vector<40x256xi32>
        %xor3A_2028 = arith.xori %add3A_2020, %or3A_2027 : vector<40x256xi32>
        %add3A_2029 = arith.addi %add3A_2020, %xor3A_2028 : vector<40x256xi32>
        %shift_left3A_2030 = arith.constant 26 : i32
        %shift_left3A_2031 = vector.broadcast %shift_left3A_2030 : i32 to vector<40x256xi32>
        %shift_left3A_2032 = arith.shli %xor3A_2028, %shift_left3A_2031 : vector<40x256xi32>
        %shift_right_logical3A_2033 = arith.constant 6 : i32
        %shift_right_logical3A_2034 = vector.broadcast %shift_right_logical3A_2033 : i32 to vector<40x256xi32>
        %shift_right_logical3A_2035 = arith.shrui %xor3A_2028, %shift_right_logical3A_2034 : vector<40x256xi32>
        %or3A_2036 = arith.ori %shift_left3A_2032, %shift_right_logical3A_2035 : vector<40x256xi32>
        %xor3A_2037 = arith.xori %add3A_2029, %or3A_2036 : vector<40x256xi32>
        %add3A_2038 = arith.addi %add3A_2029, %xor3A_2037 : vector<40x256xi32>
        %shift_left3A_2039 = arith.constant 6 : i32
        %shift_left3A_2040 = vector.broadcast %shift_left3A_2039 : i32 to vector<40x256xi32>
        %shift_left3A_2041 = arith.shli %xor3A_2037, %shift_left3A_2040 : vector<40x256xi32>
        %shift_right_logical3A_2042 = arith.constant 26 : i32
        %shift_right_logical3A_2043 = vector.broadcast %shift_right_logical3A_2042 : i32 to vector<40x256xi32>
        %shift_right_logical3A_2044 = arith.shrui %xor3A_2037, %shift_right_logical3A_2043 : vector<40x256xi32>
        %or3A_2045 = arith.ori %shift_left3A_2041, %shift_right_logical3A_2044 : vector<40x256xi32>
        %xor3A_2046 = arith.xori %add3A_2038, %or3A_2045 : vector<40x256xi32>
        %add3A_2047 = arith.addi %add3A_2038, %xor3A_1844 : vector<40x256xi32>
        %add3A_2048 = arith.addi %xor3A_2046, %while3A_1829 : vector<40x256xi32>
        %add3A_2049 = arith.constant 5 : i32
        %add3A_2050 = vector.broadcast %add3A_2049 : i32 to vector<40x256xi32>
        %add3A_2051 = arith.addi %add3A_2048, %add3A_2050 : vector<40x256xi32>
        %broadcast_in_dim3A_2052 = arith.constant 0 : i32
        %broadcast_in_dim3A_2053 = vector.broadcast %broadcast_in_dim3A_2052 : i32 to vector<40x256xi32>
        %add3A_2054 = arith.constant 1 : i32
        %add3A_2055 = vector.broadcast %add3A_2054 : i32 to vector<40x256xi32>
        %add3A_2056 = arith.addi %broadcast_in_dim3A_2053, %add3A_2055 : vector<40x256xi32>
        %xor3A_2057 = arith.xori %while3A_1829, %while3A_1830 : vector<40x256xi32>
        %xor3A_2058 = arith.constant 466688986 : i32
        %xor3A_2059 = vector.broadcast %xor3A_2058 : i32 to vector<40x256xi32>
        %xor3A_2060 = arith.xori %xor3A_2057, %xor3A_2059 : vector<40x256xi32>
        %add3A_2061 = arith.addi %broadcast_in_dim3A_2053, %while3A_1829 : vector<40x256xi32>
        %add3A_2062 = arith.addi %add3A_2056, %while3A_1830 : vector<40x256xi32>
        %add3A_2063 = arith.addi %add3A_2061, %add3A_2062 : vector<40x256xi32>
        %shift_left3A_2064 = arith.constant 13 : i32
        %shift_left3A_2065 = vector.broadcast %shift_left3A_2064 : i32 to vector<40x256xi32>
        %shift_left3A_2066 = arith.shli %add3A_2062, %shift_left3A_2065 : vector<40x256xi32>
        %shift_right_logical3A_2067 = arith.constant 19 : i32
        %shift_right_logical3A_2068 = vector.broadcast %shift_right_logical3A_2067 : i32 to vector<40x256xi32>
        %shift_right_logical3A_2069 = arith.shrui %add3A_2062, %shift_right_logical3A_2068 : vector<40x256xi32>
        %or3A_2070 = arith.ori %shift_left3A_2066, %shift_right_logical3A_2069 : vector<40x256xi32>
        %xor3A_2071 = arith.xori %add3A_2063, %or3A_2070 : vector<40x256xi32>
        %add3A_2072 = arith.addi %add3A_2063, %xor3A_2071 : vector<40x256xi32>
        %shift_left3A_2073 = arith.constant 15 : i32
        %shift_left3A_2074 = vector.broadcast %shift_left3A_2073 : i32 to vector<40x256xi32>
        %shift_left3A_2075 = arith.shli %xor3A_2071, %shift_left3A_2074 : vector<40x256xi32>
        %shift_right_logical3A_2076 = arith.constant 17 : i32
        %shift_right_logical3A_2077 = vector.broadcast %shift_right_logical3A_2076 : i32 to vector<40x256xi32>
        %shift_right_logical3A_2078 = arith.shrui %xor3A_2071, %shift_right_logical3A_2077 : vector<40x256xi32>
        %or3A_2079 = arith.ori %shift_left3A_2075, %shift_right_logical3A_2078 : vector<40x256xi32>
        %xor3A_2080 = arith.xori %add3A_2072, %or3A_2079 : vector<40x256xi32>
        %add3A_2081 = arith.addi %add3A_2072, %xor3A_2080 : vector<40x256xi32>
        %shift_left3A_2082 = arith.constant 26 : i32
        %shift_left3A_2083 = vector.broadcast %shift_left3A_2082 : i32 to vector<40x256xi32>
        %shift_left3A_2084 = arith.shli %xor3A_2080, %shift_left3A_2083 : vector<40x256xi32>
        %shift_right_logical3A_2085 = arith.constant 6 : i32
        %shift_right_logical3A_2086 = vector.broadcast %shift_right_logical3A_2085 : i32 to vector<40x256xi32>
        %shift_right_logical3A_2087 = arith.shrui %xor3A_2080, %shift_right_logical3A_2086 : vector<40x256xi32>
        %or3A_2088 = arith.ori %shift_left3A_2084, %shift_right_logical3A_2087 : vector<40x256xi32>
        %xor3A_2089 = arith.xori %add3A_2081, %or3A_2088 : vector<40x256xi32>
        %add3A_2090 = arith.addi %add3A_2081, %xor3A_2089 : vector<40x256xi32>
        %shift_left3A_2091 = arith.constant 6 : i32
        %shift_left3A_2092 = vector.broadcast %shift_left3A_2091 : i32 to vector<40x256xi32>
        %shift_left3A_2093 = arith.shli %xor3A_2089, %shift_left3A_2092 : vector<40x256xi32>
        %shift_right_logical3A_2094 = arith.constant 26 : i32
        %shift_right_logical3A_2095 = vector.broadcast %shift_right_logical3A_2094 : i32 to vector<40x256xi32>
        %shift_right_logical3A_2096 = arith.shrui %xor3A_2089, %shift_right_logical3A_2095 : vector<40x256xi32>
        %or3A_2097 = arith.ori %shift_left3A_2093, %shift_right_logical3A_2096 : vector<40x256xi32>
        %xor3A_2098 = arith.xori %add3A_2090, %or3A_2097 : vector<40x256xi32>
        %add3A_2099 = arith.addi %add3A_2090, %while3A_1830 : vector<40x256xi32>
        %add3A_2100 = arith.addi %xor3A_2098, %xor3A_2060 : vector<40x256xi32>
        %add3A_2101 = arith.constant 1 : i32
        %add3A_2102 = vector.broadcast %add3A_2101 : i32 to vector<40x256xi32>
        %add3A_2103 = arith.addi %add3A_2100, %add3A_2102 : vector<40x256xi32>
        %add3A_2104 = arith.addi %add3A_2099, %add3A_2103 : vector<40x256xi32>
        %shift_left3A_2105 = arith.constant 17 : i32
        %shift_left3A_2106 = vector.broadcast %shift_left3A_2105 : i32 to vector<40x256xi32>
        %shift_left3A_2107 = arith.shli %add3A_2103, %shift_left3A_2106 : vector<40x256xi32>
        %shift_right_logical3A_2108 = arith.constant 15 : i32
        %shift_right_logical3A_2109 = vector.broadcast %shift_right_logical3A_2108 : i32 to vector<40x256xi32>
        %shift_right_logical3A_2110 = arith.shrui %add3A_2103, %shift_right_logical3A_2109 : vector<40x256xi32>
        %or3A_2111 = arith.ori %shift_left3A_2107, %shift_right_logical3A_2110 : vector<40x256xi32>
        %xor3A_2112 = arith.xori %add3A_2104, %or3A_2111 : vector<40x256xi32>
        %add3A_2113 = arith.addi %add3A_2104, %xor3A_2112 : vector<40x256xi32>
        %shift_left3A_2114 = arith.constant 29 : i32
        %shift_left3A_2115 = vector.broadcast %shift_left3A_2114 : i32 to vector<40x256xi32>
        %shift_left3A_2116 = arith.shli %xor3A_2112, %shift_left3A_2115 : vector<40x256xi32>
        %shift_right_logical3A_2117 = arith.constant 3 : i32
        %shift_right_logical3A_2118 = vector.broadcast %shift_right_logical3A_2117 : i32 to vector<40x256xi32>
        %shift_right_logical3A_2119 = arith.shrui %xor3A_2112, %shift_right_logical3A_2118 : vector<40x256xi32>
        %or3A_2120 = arith.ori %shift_left3A_2116, %shift_right_logical3A_2119 : vector<40x256xi32>
        %xor3A_2121 = arith.xori %add3A_2113, %or3A_2120 : vector<40x256xi32>
        %add3A_2122 = arith.addi %add3A_2113, %xor3A_2121 : vector<40x256xi32>
        %shift_left3A_2123 = arith.constant 16 : i32
        %shift_left3A_2124 = vector.broadcast %shift_left3A_2123 : i32 to vector<40x256xi32>
        %shift_left3A_2125 = arith.shli %xor3A_2121, %shift_left3A_2124 : vector<40x256xi32>
        %shift_right_logical3A_2126 = arith.constant 16 : i32
        %shift_right_logical3A_2127 = vector.broadcast %shift_right_logical3A_2126 : i32 to vector<40x256xi32>
        %shift_right_logical3A_2128 = arith.shrui %xor3A_2121, %shift_right_logical3A_2127 : vector<40x256xi32>
        %or3A_2129 = arith.ori %shift_left3A_2125, %shift_right_logical3A_2128 : vector<40x256xi32>
        %xor3A_2130 = arith.xori %add3A_2122, %or3A_2129 : vector<40x256xi32>
        %add3A_2131 = arith.addi %add3A_2122, %xor3A_2130 : vector<40x256xi32>
        %shift_left3A_2132 = arith.constant 24 : i32
        %shift_left3A_2133 = vector.broadcast %shift_left3A_2132 : i32 to vector<40x256xi32>
        %shift_left3A_2134 = arith.shli %xor3A_2130, %shift_left3A_2133 : vector<40x256xi32>
        %shift_right_logical3A_2135 = arith.constant 8 : i32
        %shift_right_logical3A_2136 = vector.broadcast %shift_right_logical3A_2135 : i32 to vector<40x256xi32>
        %shift_right_logical3A_2137 = arith.shrui %xor3A_2130, %shift_right_logical3A_2136 : vector<40x256xi32>
        %or3A_2138 = arith.ori %shift_left3A_2134, %shift_right_logical3A_2137 : vector<40x256xi32>
        %xor3A_2139 = arith.xori %add3A_2131, %or3A_2138 : vector<40x256xi32>
        %add3A_2140 = arith.addi %add3A_2131, %xor3A_2060 : vector<40x256xi32>
        %add3A_2141 = arith.addi %xor3A_2139, %while3A_1829 : vector<40x256xi32>
        %add3A_2142 = arith.constant 2 : i32
        %add3A_2143 = vector.broadcast %add3A_2142 : i32 to vector<40x256xi32>
        %add3A_2144 = arith.addi %add3A_2141, %add3A_2143 : vector<40x256xi32>
        %add3A_2145 = arith.addi %add3A_2140, %add3A_2144 : vector<40x256xi32>
        %shift_left3A_2146 = arith.constant 13 : i32
        %shift_left3A_2147 = vector.broadcast %shift_left3A_2146 : i32 to vector<40x256xi32>
        %shift_left3A_2148 = arith.shli %add3A_2144, %shift_left3A_2147 : vector<40x256xi32>
        %shift_right_logical3A_2149 = arith.constant 19 : i32
        %shift_right_logical3A_2150 = vector.broadcast %shift_right_logical3A_2149 : i32 to vector<40x256xi32>
        %shift_right_logical3A_2151 = arith.shrui %add3A_2144, %shift_right_logical3A_2150 : vector<40x256xi32>
        %or3A_2152 = arith.ori %shift_left3A_2148, %shift_right_logical3A_2151 : vector<40x256xi32>
        %xor3A_2153 = arith.xori %add3A_2145, %or3A_2152 : vector<40x256xi32>
        %add3A_2154 = arith.addi %add3A_2145, %xor3A_2153 : vector<40x256xi32>
        %shift_left3A_2155 = arith.constant 15 : i32
        %shift_left3A_2156 = vector.broadcast %shift_left3A_2155 : i32 to vector<40x256xi32>
        %shift_left3A_2157 = arith.shli %xor3A_2153, %shift_left3A_2156 : vector<40x256xi32>
        %shift_right_logical3A_2158 = arith.constant 17 : i32
        %shift_right_logical3A_2159 = vector.broadcast %shift_right_logical3A_2158 : i32 to vector<40x256xi32>
        %shift_right_logical3A_2160 = arith.shrui %xor3A_2153, %shift_right_logical3A_2159 : vector<40x256xi32>
        %or3A_2161 = arith.ori %shift_left3A_2157, %shift_right_logical3A_2160 : vector<40x256xi32>
        %xor3A_2162 = arith.xori %add3A_2154, %or3A_2161 : vector<40x256xi32>
        %add3A_2163 = arith.addi %add3A_2154, %xor3A_2162 : vector<40x256xi32>
        %shift_left3A_2164 = arith.constant 26 : i32
        %shift_left3A_2165 = vector.broadcast %shift_left3A_2164 : i32 to vector<40x256xi32>
        %shift_left3A_2166 = arith.shli %xor3A_2162, %shift_left3A_2165 : vector<40x256xi32>
        %shift_right_logical3A_2167 = arith.constant 6 : i32
        %shift_right_logical3A_2168 = vector.broadcast %shift_right_logical3A_2167 : i32 to vector<40x256xi32>
        %shift_right_logical3A_2169 = arith.shrui %xor3A_2162, %shift_right_logical3A_2168 : vector<40x256xi32>
        %or3A_2170 = arith.ori %shift_left3A_2166, %shift_right_logical3A_2169 : vector<40x256xi32>
        %xor3A_2171 = arith.xori %add3A_2163, %or3A_2170 : vector<40x256xi32>
        %add3A_2172 = arith.addi %add3A_2163, %xor3A_2171 : vector<40x256xi32>
        %shift_left3A_2173 = arith.constant 6 : i32
        %shift_left3A_2174 = vector.broadcast %shift_left3A_2173 : i32 to vector<40x256xi32>
        %shift_left3A_2175 = arith.shli %xor3A_2171, %shift_left3A_2174 : vector<40x256xi32>
        %shift_right_logical3A_2176 = arith.constant 26 : i32
        %shift_right_logical3A_2177 = vector.broadcast %shift_right_logical3A_2176 : i32 to vector<40x256xi32>
        %shift_right_logical3A_2178 = arith.shrui %xor3A_2171, %shift_right_logical3A_2177 : vector<40x256xi32>
        %or3A_2179 = arith.ori %shift_left3A_2175, %shift_right_logical3A_2178 : vector<40x256xi32>
        %xor3A_2180 = arith.xori %add3A_2172, %or3A_2179 : vector<40x256xi32>
        %add3A_2181 = arith.addi %add3A_2172, %while3A_1829 : vector<40x256xi32>
        %add3A_2182 = arith.addi %xor3A_2180, %while3A_1830 : vector<40x256xi32>
        %add3A_2183 = arith.constant 3 : i32
        %add3A_2184 = vector.broadcast %add3A_2183 : i32 to vector<40x256xi32>
        %add3A_2185 = arith.addi %add3A_2182, %add3A_2184 : vector<40x256xi32>
        %add3A_2186 = arith.addi %add3A_2181, %add3A_2185 : vector<40x256xi32>
        %shift_left3A_2187 = arith.constant 17 : i32
        %shift_left3A_2188 = vector.broadcast %shift_left3A_2187 : i32 to vector<40x256xi32>
        %shift_left3A_2189 = arith.shli %add3A_2185, %shift_left3A_2188 : vector<40x256xi32>
        %shift_right_logical3A_2190 = arith.constant 15 : i32
        %shift_right_logical3A_2191 = vector.broadcast %shift_right_logical3A_2190 : i32 to vector<40x256xi32>
        %shift_right_logical3A_2192 = arith.shrui %add3A_2185, %shift_right_logical3A_2191 : vector<40x256xi32>
        %or3A_2193 = arith.ori %shift_left3A_2189, %shift_right_logical3A_2192 : vector<40x256xi32>
        %xor3A_2194 = arith.xori %add3A_2186, %or3A_2193 : vector<40x256xi32>
        %add3A_2195 = arith.addi %add3A_2186, %xor3A_2194 : vector<40x256xi32>
        %shift_left3A_2196 = arith.constant 29 : i32
        %shift_left3A_2197 = vector.broadcast %shift_left3A_2196 : i32 to vector<40x256xi32>
        %shift_left3A_2198 = arith.shli %xor3A_2194, %shift_left3A_2197 : vector<40x256xi32>
        %shift_right_logical3A_2199 = arith.constant 3 : i32
        %shift_right_logical3A_2200 = vector.broadcast %shift_right_logical3A_2199 : i32 to vector<40x256xi32>
        %shift_right_logical3A_2201 = arith.shrui %xor3A_2194, %shift_right_logical3A_2200 : vector<40x256xi32>
        %or3A_2202 = arith.ori %shift_left3A_2198, %shift_right_logical3A_2201 : vector<40x256xi32>
        %xor3A_2203 = arith.xori %add3A_2195, %or3A_2202 : vector<40x256xi32>
        %add3A_2204 = arith.addi %add3A_2195, %xor3A_2203 : vector<40x256xi32>
        %shift_left3A_2205 = arith.constant 16 : i32
        %shift_left3A_2206 = vector.broadcast %shift_left3A_2205 : i32 to vector<40x256xi32>
        %shift_left3A_2207 = arith.shli %xor3A_2203, %shift_left3A_2206 : vector<40x256xi32>
        %shift_right_logical3A_2208 = arith.constant 16 : i32
        %shift_right_logical3A_2209 = vector.broadcast %shift_right_logical3A_2208 : i32 to vector<40x256xi32>
        %shift_right_logical3A_2210 = arith.shrui %xor3A_2203, %shift_right_logical3A_2209 : vector<40x256xi32>
        %or3A_2211 = arith.ori %shift_left3A_2207, %shift_right_logical3A_2210 : vector<40x256xi32>
        %xor3A_2212 = arith.xori %add3A_2204, %or3A_2211 : vector<40x256xi32>
        %add3A_2213 = arith.addi %add3A_2204, %xor3A_2212 : vector<40x256xi32>
        %shift_left3A_2214 = arith.constant 24 : i32
        %shift_left3A_2215 = vector.broadcast %shift_left3A_2214 : i32 to vector<40x256xi32>
        %shift_left3A_2216 = arith.shli %xor3A_2212, %shift_left3A_2215 : vector<40x256xi32>
        %shift_right_logical3A_2217 = arith.constant 8 : i32
        %shift_right_logical3A_2218 = vector.broadcast %shift_right_logical3A_2217 : i32 to vector<40x256xi32>
        %shift_right_logical3A_2219 = arith.shrui %xor3A_2212, %shift_right_logical3A_2218 : vector<40x256xi32>
        %or3A_2220 = arith.ori %shift_left3A_2216, %shift_right_logical3A_2219 : vector<40x256xi32>
        %xor3A_2221 = arith.xori %add3A_2213, %or3A_2220 : vector<40x256xi32>
        %add3A_2222 = arith.addi %add3A_2213, %while3A_1830 : vector<40x256xi32>
        %add3A_2223 = arith.addi %xor3A_2221, %xor3A_2060 : vector<40x256xi32>
        %add3A_2224 = arith.constant 4 : i32
        %add3A_2225 = vector.broadcast %add3A_2224 : i32 to vector<40x256xi32>
        %add3A_2226 = arith.addi %add3A_2223, %add3A_2225 : vector<40x256xi32>
        %add3A_2227 = arith.addi %add3A_2222, %add3A_2226 : vector<40x256xi32>
        %shift_left3A_2228 = arith.constant 13 : i32
        %shift_left3A_2229 = vector.broadcast %shift_left3A_2228 : i32 to vector<40x256xi32>
        %shift_left3A_2230 = arith.shli %add3A_2226, %shift_left3A_2229 : vector<40x256xi32>
        %shift_right_logical3A_2231 = arith.constant 19 : i32
        %shift_right_logical3A_2232 = vector.broadcast %shift_right_logical3A_2231 : i32 to vector<40x256xi32>
        %shift_right_logical3A_2233 = arith.shrui %add3A_2226, %shift_right_logical3A_2232 : vector<40x256xi32>
        %or3A_2234 = arith.ori %shift_left3A_2230, %shift_right_logical3A_2233 : vector<40x256xi32>
        %xor3A_2235 = arith.xori %add3A_2227, %or3A_2234 : vector<40x256xi32>
        %add3A_2236 = arith.addi %add3A_2227, %xor3A_2235 : vector<40x256xi32>
        %shift_left3A_2237 = arith.constant 15 : i32
        %shift_left3A_2238 = vector.broadcast %shift_left3A_2237 : i32 to vector<40x256xi32>
        %shift_left3A_2239 = arith.shli %xor3A_2235, %shift_left3A_2238 : vector<40x256xi32>
        %shift_right_logical3A_2240 = arith.constant 17 : i32
        %shift_right_logical3A_2241 = vector.broadcast %shift_right_logical3A_2240 : i32 to vector<40x256xi32>
        %shift_right_logical3A_2242 = arith.shrui %xor3A_2235, %shift_right_logical3A_2241 : vector<40x256xi32>
        %or3A_2243 = arith.ori %shift_left3A_2239, %shift_right_logical3A_2242 : vector<40x256xi32>
        %xor3A_2244 = arith.xori %add3A_2236, %or3A_2243 : vector<40x256xi32>
        %add3A_2245 = arith.addi %add3A_2236, %xor3A_2244 : vector<40x256xi32>
        %shift_left3A_2246 = arith.constant 26 : i32
        %shift_left3A_2247 = vector.broadcast %shift_left3A_2246 : i32 to vector<40x256xi32>
        %shift_left3A_2248 = arith.shli %xor3A_2244, %shift_left3A_2247 : vector<40x256xi32>
        %shift_right_logical3A_2249 = arith.constant 6 : i32
        %shift_right_logical3A_2250 = vector.broadcast %shift_right_logical3A_2249 : i32 to vector<40x256xi32>
        %shift_right_logical3A_2251 = arith.shrui %xor3A_2244, %shift_right_logical3A_2250 : vector<40x256xi32>
        %or3A_2252 = arith.ori %shift_left3A_2248, %shift_right_logical3A_2251 : vector<40x256xi32>
        %xor3A_2253 = arith.xori %add3A_2245, %or3A_2252 : vector<40x256xi32>
        %add3A_2254 = arith.addi %add3A_2245, %xor3A_2253 : vector<40x256xi32>
        %shift_left3A_2255 = arith.constant 6 : i32
        %shift_left3A_2256 = vector.broadcast %shift_left3A_2255 : i32 to vector<40x256xi32>
        %shift_left3A_2257 = arith.shli %xor3A_2253, %shift_left3A_2256 : vector<40x256xi32>
        %shift_right_logical3A_2258 = arith.constant 26 : i32
        %shift_right_logical3A_2259 = vector.broadcast %shift_right_logical3A_2258 : i32 to vector<40x256xi32>
        %shift_right_logical3A_2260 = arith.shrui %xor3A_2253, %shift_right_logical3A_2259 : vector<40x256xi32>
        %or3A_2261 = arith.ori %shift_left3A_2257, %shift_right_logical3A_2260 : vector<40x256xi32>
        %xor3A_2262 = arith.xori %add3A_2254, %or3A_2261 : vector<40x256xi32>
        %add3A_2263 = arith.addi %add3A_2254, %xor3A_2060 : vector<40x256xi32>
        %add3A_2264 = arith.addi %xor3A_2262, %while3A_1829 : vector<40x256xi32>
        %add3A_2265 = arith.constant 5 : i32
        %add3A_2266 = vector.broadcast %add3A_2265 : i32 to vector<40x256xi32>
        %add3A_2267 = arith.addi %add3A_2264, %add3A_2266 : vector<40x256xi32>
        %broadcast_in_dim3A_2268 = arith.constant 0 : i32
        %broadcast_in_dim3A_2269 = vector.broadcast %broadcast_in_dim3A_2268 : i32 to vector<40x256xi32>
        %add3A_2270 = arith.constant 0 : i32
        %add3A_2271 = vector.broadcast %add3A_2270 : i32 to vector<40x256xi32>
        %add3A_2272 = arith.addi %broadcast_in_dim3A_2269, %add3A_2271 : vector<40x256xi32>
        %xor3A_2273 = arith.xori %add3A_2263, %add3A_2267 : vector<40x256xi32>
        %xor3A_2274 = arith.constant 466688986 : i32
        %xor3A_2275 = vector.broadcast %xor3A_2274 : i32 to vector<40x256xi32>
        %xor3A_2276 = arith.xori %xor3A_2273, %xor3A_2275 : vector<40x256xi32>
        %add3A_2277 = arith.addi %broadcast_in_dim3A_2269, %add3A_2263 : vector<40x256xi32>
        %add3A_2278 = arith.addi %add3A_2272, %add3A_2267 : vector<40x256xi32>
        %add3A_2279 = arith.addi %add3A_2277, %add3A_2278 : vector<40x256xi32>
        %shift_left3A_2280 = arith.constant 13 : i32
        %shift_left3A_2281 = vector.broadcast %shift_left3A_2280 : i32 to vector<40x256xi32>
        %shift_left3A_2282 = arith.shli %add3A_2278, %shift_left3A_2281 : vector<40x256xi32>
        %shift_right_logical3A_2283 = arith.constant 19 : i32
        %shift_right_logical3A_2284 = vector.broadcast %shift_right_logical3A_2283 : i32 to vector<40x256xi32>
        %shift_right_logical3A_2285 = arith.shrui %add3A_2278, %shift_right_logical3A_2284 : vector<40x256xi32>
        %or3A_2286 = arith.ori %shift_left3A_2282, %shift_right_logical3A_2285 : vector<40x256xi32>
        %xor3A_2287 = arith.xori %add3A_2279, %or3A_2286 : vector<40x256xi32>
        %add3A_2288 = arith.addi %add3A_2279, %xor3A_2287 : vector<40x256xi32>
        %shift_left3A_2289 = arith.constant 15 : i32
        %shift_left3A_2290 = vector.broadcast %shift_left3A_2289 : i32 to vector<40x256xi32>
        %shift_left3A_2291 = arith.shli %xor3A_2287, %shift_left3A_2290 : vector<40x256xi32>
        %shift_right_logical3A_2292 = arith.constant 17 : i32
        %shift_right_logical3A_2293 = vector.broadcast %shift_right_logical3A_2292 : i32 to vector<40x256xi32>
        %shift_right_logical3A_2294 = arith.shrui %xor3A_2287, %shift_right_logical3A_2293 : vector<40x256xi32>
        %or3A_2295 = arith.ori %shift_left3A_2291, %shift_right_logical3A_2294 : vector<40x256xi32>
        %xor3A_2296 = arith.xori %add3A_2288, %or3A_2295 : vector<40x256xi32>
        %add3A_2297 = arith.addi %add3A_2288, %xor3A_2296 : vector<40x256xi32>
        %shift_left3A_2298 = arith.constant 26 : i32
        %shift_left3A_2299 = vector.broadcast %shift_left3A_2298 : i32 to vector<40x256xi32>
        %shift_left3A_2300 = arith.shli %xor3A_2296, %shift_left3A_2299 : vector<40x256xi32>
        %shift_right_logical3A_2301 = arith.constant 6 : i32
        %shift_right_logical3A_2302 = vector.broadcast %shift_right_logical3A_2301 : i32 to vector<40x256xi32>
        %shift_right_logical3A_2303 = arith.shrui %xor3A_2296, %shift_right_logical3A_2302 : vector<40x256xi32>
        %or3A_2304 = arith.ori %shift_left3A_2300, %shift_right_logical3A_2303 : vector<40x256xi32>
        %xor3A_2305 = arith.xori %add3A_2297, %or3A_2304 : vector<40x256xi32>
        %add3A_2306 = arith.addi %add3A_2297, %xor3A_2305 : vector<40x256xi32>
        %shift_left3A_2307 = arith.constant 6 : i32
        %shift_left3A_2308 = vector.broadcast %shift_left3A_2307 : i32 to vector<40x256xi32>
        %shift_left3A_2309 = arith.shli %xor3A_2305, %shift_left3A_2308 : vector<40x256xi32>
        %shift_right_logical3A_2310 = arith.constant 26 : i32
        %shift_right_logical3A_2311 = vector.broadcast %shift_right_logical3A_2310 : i32 to vector<40x256xi32>
        %shift_right_logical3A_2312 = arith.shrui %xor3A_2305, %shift_right_logical3A_2311 : vector<40x256xi32>
        %or3A_2313 = arith.ori %shift_left3A_2309, %shift_right_logical3A_2312 : vector<40x256xi32>
        %xor3A_2314 = arith.xori %add3A_2306, %or3A_2313 : vector<40x256xi32>
        %add3A_2315 = arith.addi %add3A_2306, %add3A_2267 : vector<40x256xi32>
        %add3A_2316 = arith.addi %xor3A_2314, %xor3A_2276 : vector<40x256xi32>
        %add3A_2317 = arith.constant 1 : i32
        %add3A_2318 = vector.broadcast %add3A_2317 : i32 to vector<40x256xi32>
        %add3A_2319 = arith.addi %add3A_2316, %add3A_2318 : vector<40x256xi32>
        %add3A_2320 = arith.addi %add3A_2315, %add3A_2319 : vector<40x256xi32>
        %shift_left3A_2321 = arith.constant 17 : i32
        %shift_left3A_2322 = vector.broadcast %shift_left3A_2321 : i32 to vector<40x256xi32>
        %shift_left3A_2323 = arith.shli %add3A_2319, %shift_left3A_2322 : vector<40x256xi32>
        %shift_right_logical3A_2324 = arith.constant 15 : i32
        %shift_right_logical3A_2325 = vector.broadcast %shift_right_logical3A_2324 : i32 to vector<40x256xi32>
        %shift_right_logical3A_2326 = arith.shrui %add3A_2319, %shift_right_logical3A_2325 : vector<40x256xi32>
        %or3A_2327 = arith.ori %shift_left3A_2323, %shift_right_logical3A_2326 : vector<40x256xi32>
        %xor3A_2328 = arith.xori %add3A_2320, %or3A_2327 : vector<40x256xi32>
        %add3A_2329 = arith.addi %add3A_2320, %xor3A_2328 : vector<40x256xi32>
        %shift_left3A_2330 = arith.constant 29 : i32
        %shift_left3A_2331 = vector.broadcast %shift_left3A_2330 : i32 to vector<40x256xi32>
        %shift_left3A_2332 = arith.shli %xor3A_2328, %shift_left3A_2331 : vector<40x256xi32>
        %shift_right_logical3A_2333 = arith.constant 3 : i32
        %shift_right_logical3A_2334 = vector.broadcast %shift_right_logical3A_2333 : i32 to vector<40x256xi32>
        %shift_right_logical3A_2335 = arith.shrui %xor3A_2328, %shift_right_logical3A_2334 : vector<40x256xi32>
        %or3A_2336 = arith.ori %shift_left3A_2332, %shift_right_logical3A_2335 : vector<40x256xi32>
        %xor3A_2337 = arith.xori %add3A_2329, %or3A_2336 : vector<40x256xi32>
        %add3A_2338 = arith.addi %add3A_2329, %xor3A_2337 : vector<40x256xi32>
        %shift_left3A_2339 = arith.constant 16 : i32
        %shift_left3A_2340 = vector.broadcast %shift_left3A_2339 : i32 to vector<40x256xi32>
        %shift_left3A_2341 = arith.shli %xor3A_2337, %shift_left3A_2340 : vector<40x256xi32>
        %shift_right_logical3A_2342 = arith.constant 16 : i32
        %shift_right_logical3A_2343 = vector.broadcast %shift_right_logical3A_2342 : i32 to vector<40x256xi32>
        %shift_right_logical3A_2344 = arith.shrui %xor3A_2337, %shift_right_logical3A_2343 : vector<40x256xi32>
        %or3A_2345 = arith.ori %shift_left3A_2341, %shift_right_logical3A_2344 : vector<40x256xi32>
        %xor3A_2346 = arith.xori %add3A_2338, %or3A_2345 : vector<40x256xi32>
        %add3A_2347 = arith.addi %add3A_2338, %xor3A_2346 : vector<40x256xi32>
        %shift_left3A_2348 = arith.constant 24 : i32
        %shift_left3A_2349 = vector.broadcast %shift_left3A_2348 : i32 to vector<40x256xi32>
        %shift_left3A_2350 = arith.shli %xor3A_2346, %shift_left3A_2349 : vector<40x256xi32>
        %shift_right_logical3A_2351 = arith.constant 8 : i32
        %shift_right_logical3A_2352 = vector.broadcast %shift_right_logical3A_2351 : i32 to vector<40x256xi32>
        %shift_right_logical3A_2353 = arith.shrui %xor3A_2346, %shift_right_logical3A_2352 : vector<40x256xi32>
        %or3A_2354 = arith.ori %shift_left3A_2350, %shift_right_logical3A_2353 : vector<40x256xi32>
        %xor3A_2355 = arith.xori %add3A_2347, %or3A_2354 : vector<40x256xi32>
        %add3A_2356 = arith.addi %add3A_2347, %xor3A_2276 : vector<40x256xi32>
        %add3A_2357 = arith.addi %xor3A_2355, %add3A_2263 : vector<40x256xi32>
        %add3A_2358 = arith.constant 2 : i32
        %add3A_2359 = vector.broadcast %add3A_2358 : i32 to vector<40x256xi32>
        %add3A_2360 = arith.addi %add3A_2357, %add3A_2359 : vector<40x256xi32>
        %add3A_2361 = arith.addi %add3A_2356, %add3A_2360 : vector<40x256xi32>
        %shift_left3A_2362 = arith.constant 13 : i32
        %shift_left3A_2363 = vector.broadcast %shift_left3A_2362 : i32 to vector<40x256xi32>
        %shift_left3A_2364 = arith.shli %add3A_2360, %shift_left3A_2363 : vector<40x256xi32>
        %shift_right_logical3A_2365 = arith.constant 19 : i32
        %shift_right_logical3A_2366 = vector.broadcast %shift_right_logical3A_2365 : i32 to vector<40x256xi32>
        %shift_right_logical3A_2367 = arith.shrui %add3A_2360, %shift_right_logical3A_2366 : vector<40x256xi32>
        %or3A_2368 = arith.ori %shift_left3A_2364, %shift_right_logical3A_2367 : vector<40x256xi32>
        %xor3A_2369 = arith.xori %add3A_2361, %or3A_2368 : vector<40x256xi32>
        %add3A_2370 = arith.addi %add3A_2361, %xor3A_2369 : vector<40x256xi32>
        %shift_left3A_2371 = arith.constant 15 : i32
        %shift_left3A_2372 = vector.broadcast %shift_left3A_2371 : i32 to vector<40x256xi32>
        %shift_left3A_2373 = arith.shli %xor3A_2369, %shift_left3A_2372 : vector<40x256xi32>
        %shift_right_logical3A_2374 = arith.constant 17 : i32
        %shift_right_logical3A_2375 = vector.broadcast %shift_right_logical3A_2374 : i32 to vector<40x256xi32>
        %shift_right_logical3A_2376 = arith.shrui %xor3A_2369, %shift_right_logical3A_2375 : vector<40x256xi32>
        %or3A_2377 = arith.ori %shift_left3A_2373, %shift_right_logical3A_2376 : vector<40x256xi32>
        %xor3A_2378 = arith.xori %add3A_2370, %or3A_2377 : vector<40x256xi32>
        %add3A_2379 = arith.addi %add3A_2370, %xor3A_2378 : vector<40x256xi32>
        %shift_left3A_2380 = arith.constant 26 : i32
        %shift_left3A_2381 = vector.broadcast %shift_left3A_2380 : i32 to vector<40x256xi32>
        %shift_left3A_2382 = arith.shli %xor3A_2378, %shift_left3A_2381 : vector<40x256xi32>
        %shift_right_logical3A_2383 = arith.constant 6 : i32
        %shift_right_logical3A_2384 = vector.broadcast %shift_right_logical3A_2383 : i32 to vector<40x256xi32>
        %shift_right_logical3A_2385 = arith.shrui %xor3A_2378, %shift_right_logical3A_2384 : vector<40x256xi32>
        %or3A_2386 = arith.ori %shift_left3A_2382, %shift_right_logical3A_2385 : vector<40x256xi32>
        %xor3A_2387 = arith.xori %add3A_2379, %or3A_2386 : vector<40x256xi32>
        %add3A_2388 = arith.addi %add3A_2379, %xor3A_2387 : vector<40x256xi32>
        %shift_left3A_2389 = arith.constant 6 : i32
        %shift_left3A_2390 = vector.broadcast %shift_left3A_2389 : i32 to vector<40x256xi32>
        %shift_left3A_2391 = arith.shli %xor3A_2387, %shift_left3A_2390 : vector<40x256xi32>
        %shift_right_logical3A_2392 = arith.constant 26 : i32
        %shift_right_logical3A_2393 = vector.broadcast %shift_right_logical3A_2392 : i32 to vector<40x256xi32>
        %shift_right_logical3A_2394 = arith.shrui %xor3A_2387, %shift_right_logical3A_2393 : vector<40x256xi32>
        %or3A_2395 = arith.ori %shift_left3A_2391, %shift_right_logical3A_2394 : vector<40x256xi32>
        %xor3A_2396 = arith.xori %add3A_2388, %or3A_2395 : vector<40x256xi32>
        %add3A_2397 = arith.addi %add3A_2388, %add3A_2263 : vector<40x256xi32>
        %add3A_2398 = arith.addi %xor3A_2396, %add3A_2267 : vector<40x256xi32>
        %add3A_2399 = arith.constant 3 : i32
        %add3A_2400 = vector.broadcast %add3A_2399 : i32 to vector<40x256xi32>
        %add3A_2401 = arith.addi %add3A_2398, %add3A_2400 : vector<40x256xi32>
        %add3A_2402 = arith.addi %add3A_2397, %add3A_2401 : vector<40x256xi32>
        %shift_left3A_2403 = arith.constant 17 : i32
        %shift_left3A_2404 = vector.broadcast %shift_left3A_2403 : i32 to vector<40x256xi32>
        %shift_left3A_2405 = arith.shli %add3A_2401, %shift_left3A_2404 : vector<40x256xi32>
        %shift_right_logical3A_2406 = arith.constant 15 : i32
        %shift_right_logical3A_2407 = vector.broadcast %shift_right_logical3A_2406 : i32 to vector<40x256xi32>
        %shift_right_logical3A_2408 = arith.shrui %add3A_2401, %shift_right_logical3A_2407 : vector<40x256xi32>
        %or3A_2409 = arith.ori %shift_left3A_2405, %shift_right_logical3A_2408 : vector<40x256xi32>
        %xor3A_2410 = arith.xori %add3A_2402, %or3A_2409 : vector<40x256xi32>
        %add3A_2411 = arith.addi %add3A_2402, %xor3A_2410 : vector<40x256xi32>
        %shift_left3A_2412 = arith.constant 29 : i32
        %shift_left3A_2413 = vector.broadcast %shift_left3A_2412 : i32 to vector<40x256xi32>
        %shift_left3A_2414 = arith.shli %xor3A_2410, %shift_left3A_2413 : vector<40x256xi32>
        %shift_right_logical3A_2415 = arith.constant 3 : i32
        %shift_right_logical3A_2416 = vector.broadcast %shift_right_logical3A_2415 : i32 to vector<40x256xi32>
        %shift_right_logical3A_2417 = arith.shrui %xor3A_2410, %shift_right_logical3A_2416 : vector<40x256xi32>
        %or3A_2418 = arith.ori %shift_left3A_2414, %shift_right_logical3A_2417 : vector<40x256xi32>
        %xor3A_2419 = arith.xori %add3A_2411, %or3A_2418 : vector<40x256xi32>
        %add3A_2420 = arith.addi %add3A_2411, %xor3A_2419 : vector<40x256xi32>
        %shift_left3A_2421 = arith.constant 16 : i32
        %shift_left3A_2422 = vector.broadcast %shift_left3A_2421 : i32 to vector<40x256xi32>
        %shift_left3A_2423 = arith.shli %xor3A_2419, %shift_left3A_2422 : vector<40x256xi32>
        %shift_right_logical3A_2424 = arith.constant 16 : i32
        %shift_right_logical3A_2425 = vector.broadcast %shift_right_logical3A_2424 : i32 to vector<40x256xi32>
        %shift_right_logical3A_2426 = arith.shrui %xor3A_2419, %shift_right_logical3A_2425 : vector<40x256xi32>
        %or3A_2427 = arith.ori %shift_left3A_2423, %shift_right_logical3A_2426 : vector<40x256xi32>
        %xor3A_2428 = arith.xori %add3A_2420, %or3A_2427 : vector<40x256xi32>
        %add3A_2429 = arith.addi %add3A_2420, %xor3A_2428 : vector<40x256xi32>
        %shift_left3A_2430 = arith.constant 24 : i32
        %shift_left3A_2431 = vector.broadcast %shift_left3A_2430 : i32 to vector<40x256xi32>
        %shift_left3A_2432 = arith.shli %xor3A_2428, %shift_left3A_2431 : vector<40x256xi32>
        %shift_right_logical3A_2433 = arith.constant 8 : i32
        %shift_right_logical3A_2434 = vector.broadcast %shift_right_logical3A_2433 : i32 to vector<40x256xi32>
        %shift_right_logical3A_2435 = arith.shrui %xor3A_2428, %shift_right_logical3A_2434 : vector<40x256xi32>
        %or3A_2436 = arith.ori %shift_left3A_2432, %shift_right_logical3A_2435 : vector<40x256xi32>
        %xor3A_2437 = arith.xori %add3A_2429, %or3A_2436 : vector<40x256xi32>
        %add3A_2438 = arith.addi %add3A_2429, %add3A_2267 : vector<40x256xi32>
        %add3A_2439 = arith.addi %xor3A_2437, %xor3A_2276 : vector<40x256xi32>
        %add3A_2440 = arith.constant 4 : i32
        %add3A_2441 = vector.broadcast %add3A_2440 : i32 to vector<40x256xi32>
        %add3A_2442 = arith.addi %add3A_2439, %add3A_2441 : vector<40x256xi32>
        %add3A_2443 = arith.addi %add3A_2438, %add3A_2442 : vector<40x256xi32>
        %shift_left3A_2444 = arith.constant 13 : i32
        %shift_left3A_2445 = vector.broadcast %shift_left3A_2444 : i32 to vector<40x256xi32>
        %shift_left3A_2446 = arith.shli %add3A_2442, %shift_left3A_2445 : vector<40x256xi32>
        %shift_right_logical3A_2447 = arith.constant 19 : i32
        %shift_right_logical3A_2448 = vector.broadcast %shift_right_logical3A_2447 : i32 to vector<40x256xi32>
        %shift_right_logical3A_2449 = arith.shrui %add3A_2442, %shift_right_logical3A_2448 : vector<40x256xi32>
        %or3A_2450 = arith.ori %shift_left3A_2446, %shift_right_logical3A_2449 : vector<40x256xi32>
        %xor3A_2451 = arith.xori %add3A_2443, %or3A_2450 : vector<40x256xi32>
        %add3A_2452 = arith.addi %add3A_2443, %xor3A_2451 : vector<40x256xi32>
        %shift_left3A_2453 = arith.constant 15 : i32
        %shift_left3A_2454 = vector.broadcast %shift_left3A_2453 : i32 to vector<40x256xi32>
        %shift_left3A_2455 = arith.shli %xor3A_2451, %shift_left3A_2454 : vector<40x256xi32>
        %shift_right_logical3A_2456 = arith.constant 17 : i32
        %shift_right_logical3A_2457 = vector.broadcast %shift_right_logical3A_2456 : i32 to vector<40x256xi32>
        %shift_right_logical3A_2458 = arith.shrui %xor3A_2451, %shift_right_logical3A_2457 : vector<40x256xi32>
        %or3A_2459 = arith.ori %shift_left3A_2455, %shift_right_logical3A_2458 : vector<40x256xi32>
        %xor3A_2460 = arith.xori %add3A_2452, %or3A_2459 : vector<40x256xi32>
        %add3A_2461 = arith.addi %add3A_2452, %xor3A_2460 : vector<40x256xi32>
        %shift_left3A_2462 = arith.constant 26 : i32
        %shift_left3A_2463 = vector.broadcast %shift_left3A_2462 : i32 to vector<40x256xi32>
        %shift_left3A_2464 = arith.shli %xor3A_2460, %shift_left3A_2463 : vector<40x256xi32>
        %shift_right_logical3A_2465 = arith.constant 6 : i32
        %shift_right_logical3A_2466 = vector.broadcast %shift_right_logical3A_2465 : i32 to vector<40x256xi32>
        %shift_right_logical3A_2467 = arith.shrui %xor3A_2460, %shift_right_logical3A_2466 : vector<40x256xi32>
        %or3A_2468 = arith.ori %shift_left3A_2464, %shift_right_logical3A_2467 : vector<40x256xi32>
        %xor3A_2469 = arith.xori %add3A_2461, %or3A_2468 : vector<40x256xi32>
        %add3A_2470 = arith.addi %add3A_2461, %xor3A_2469 : vector<40x256xi32>
        %shift_left3A_2471 = arith.constant 6 : i32
        %shift_left3A_2472 = vector.broadcast %shift_left3A_2471 : i32 to vector<40x256xi32>
        %shift_left3A_2473 = arith.shli %xor3A_2469, %shift_left3A_2472 : vector<40x256xi32>
        %shift_right_logical3A_2474 = arith.constant 26 : i32
        %shift_right_logical3A_2475 = vector.broadcast %shift_right_logical3A_2474 : i32 to vector<40x256xi32>
        %shift_right_logical3A_2476 = arith.shrui %xor3A_2469, %shift_right_logical3A_2475 : vector<40x256xi32>
        %or3A_2477 = arith.ori %shift_left3A_2473, %shift_right_logical3A_2476 : vector<40x256xi32>
        %xor3A_2478 = arith.xori %add3A_2470, %or3A_2477 : vector<40x256xi32>
        %add3A_2479 = arith.addi %add3A_2470, %xor3A_2276 : vector<40x256xi32>
        %add3A_2480 = arith.addi %xor3A_2478, %add3A_2263 : vector<40x256xi32>
        %add3A_2481 = arith.constant 5 : i32
        %add3A_2482 = vector.broadcast %add3A_2481 : i32 to vector<40x256xi32>
        %add3A_2483 = arith.addi %add3A_2480, %add3A_2482 : vector<40x256xi32>
        %xor3A_2484 = arith.xori %add3A_2479, %add3A_2483 : vector<40x256xi32>
        %shift_right_logical3A_2485 = arith.constant 9 : i32
        %shift_right_logical3A_2486 = vector.broadcast %shift_right_logical3A_2485 : i32 to vector<40x256xi32>
        %shift_right_logical3A_2487 = arith.shrui %xor3A_2484, %shift_right_logical3A_2486 : vector<40x256xi32>
        %or3A_2488 = arith.constant 1065353216 : i32
        %or3A_2489 = vector.broadcast %or3A_2488 : i32 to vector<40x256xi32>
        %or3A_2490 = arith.ori %shift_right_logical3A_2487, %or3A_2489 : vector<40x256xi32>
        %bitcast_convert_type3A_2491 = tpu.bitcast %or3A_2490 : vector<40x256xi32> -> vector<40x256xf32>
        %sub3A_2492 = arith.constant 1.000000e+00 : f32
        %sub3A_2493 = vector.broadcast %sub3A_2492 : f32 to vector<40x256xf32>
        %sub3A_2494 = arith.subf %bitcast_convert_type3A_2491, %sub3A_2493 : vector<40x256xf32>
        %mul3A_2495 = arith.constant 2.000000e+00 : f32
        %mul3A_2496 = vector.broadcast %mul3A_2495 : f32 to vector<40x256xf32>
        %mul3A_2497 = arith.mulf %sub3A_2494, %mul3A_2496 : vector<40x256xf32>
        %add3A_2498 = arith.constant -0.99999994 : f32
        %add3A_2499 = vector.broadcast %add3A_2498 : f32 to vector<40x256xf32>
        %add3A_2500 = arith.addf %mul3A_2497, %add3A_2499 : vector<40x256xf32>
        %max3A = arith.constant -0.99999994 : f32
        %max3A_2501 = vector.broadcast %max3A : f32 to vector<40x256xf32>
        %max3A_2502 = arith.maximumf %max3A_2501, %add3A_2500 : vector<40x256xf32>
        %erf_inv3A = arith.constant 0.000000e+00 : f32
        %erf_inv3A_2503 = vector.broadcast %erf_inv3A : f32 to vector<40x256xf32>
        %erf_inv3A_2504 = arith.subf %erf_inv3A_2503, %max3A_2502 : vector<40x256xf32>
        %erf_inv3A_2505 = arith.mulf %max3A_2502, %erf_inv3A_2504 : vector<40x256xf32>
        %erf_inv3A_2506 = math.log1p %erf_inv3A_2505 : vector<40x256xf32>
        %erf_inv3A_2507 = arith.constant 0.000000e+00 : f32
        %erf_inv3A_2508 = vector.broadcast %erf_inv3A_2507 : f32 to vector<40x256xf32>
        %erf_inv3A_2509 = arith.subf %erf_inv3A_2508, %erf_inv3A_2506 : vector<40x256xf32>
        %erf_inv3A_2510 = arith.constant 5.000000e+00 : f32
        %erf_inv3A_2511 = vector.broadcast %erf_inv3A_2510 : f32 to vector<40x256xf32>
        %erf_inv3A_2512 = arith.cmpf olt, %erf_inv3A_2509, %erf_inv3A_2511 : vector<40x256xf32>
        %erf_inv3A_2513 = arith.constant 2.500000e+00 : f32
        %erf_inv3A_2514 = vector.broadcast %erf_inv3A_2513 : f32 to vector<40x256xf32>
        %erf_inv3A_2515 = arith.subf %erf_inv3A_2509, %erf_inv3A_2514 : vector<40x256xf32>
        %erf_inv3A_2516 = math.sqrt %erf_inv3A_2509 : vector<40x256xf32>
        %erf_inv3A_2517 = arith.constant 3.000000e+00 : f32
        %erf_inv3A_2518 = vector.broadcast %erf_inv3A_2517 : f32 to vector<40x256xf32>
        %erf_inv3A_2519 = arith.subf %erf_inv3A_2516, %erf_inv3A_2518 : vector<40x256xf32>
        %erf_inv3A_2520 = arith.select %erf_inv3A_2512, %erf_inv3A_2515, %erf_inv3A_2519 : vector<40x256xi1>, vector<40x256xf32>
        %erf_inv3A_2521 = arith.constant 2.81022636E-8 : f32
        %erf_inv3A_2522 = arith.constant -2.00214257E-4 : f32
        %erf_inv3A_2523 = vector.broadcast %erf_inv3A_2521 : f32 to vector<40x256xf32>
        %erf_inv3A_2524 = vector.broadcast %erf_inv3A_2522 : f32 to vector<40x256xf32>
        %erf_inv3A_2525 = arith.select %erf_inv3A_2512, %erf_inv3A_2523, %erf_inv3A_2524 : vector<40x256xi1>, vector<40x256xf32>
        %erf_inv3A_2526 = arith.constant 3.43273939E-7 : f32
        %erf_inv3A_2527 = arith.constant 1.00950558E-4 : f32
        %erf_inv3A_2528 = vector.broadcast %erf_inv3A_2526 : f32 to vector<40x256xf32>
        %erf_inv3A_2529 = vector.broadcast %erf_inv3A_2527 : f32 to vector<40x256xf32>
        %erf_inv3A_2530 = arith.select %erf_inv3A_2512, %erf_inv3A_2528, %erf_inv3A_2529 : vector<40x256xi1>, vector<40x256xf32>
        %erf_inv3A_2531 = arith.mulf %erf_inv3A_2525, %erf_inv3A_2520 : vector<40x256xf32>
        %erf_inv3A_2532 = arith.addf %erf_inv3A_2530, %erf_inv3A_2531 : vector<40x256xf32>
        %erf_inv3A_2533 = arith.constant -3.5233877E-6 : f32
        %erf_inv3A_2534 = arith.constant 0.00134934322 : f32
        %erf_inv3A_2535 = vector.broadcast %erf_inv3A_2533 : f32 to vector<40x256xf32>
        %erf_inv3A_2536 = vector.broadcast %erf_inv3A_2534 : f32 to vector<40x256xf32>
        %erf_inv3A_2537 = arith.select %erf_inv3A_2512, %erf_inv3A_2535, %erf_inv3A_2536 : vector<40x256xi1>, vector<40x256xf32>
        %erf_inv3A_2538 = arith.mulf %erf_inv3A_2532, %erf_inv3A_2520 : vector<40x256xf32>
        %erf_inv3A_2539 = arith.addf %erf_inv3A_2537, %erf_inv3A_2538 : vector<40x256xf32>
        %erf_inv3A_2540 = arith.constant -4.39150654E-6 : f32
        %erf_inv3A_2541 = arith.constant -0.00367342844 : f32
        %erf_inv3A_2542 = vector.broadcast %erf_inv3A_2540 : f32 to vector<40x256xf32>
        %erf_inv3A_2543 = vector.broadcast %erf_inv3A_2541 : f32 to vector<40x256xf32>
        %erf_inv3A_2544 = arith.select %erf_inv3A_2512, %erf_inv3A_2542, %erf_inv3A_2543 : vector<40x256xi1>, vector<40x256xf32>
        %erf_inv3A_2545 = arith.mulf %erf_inv3A_2539, %erf_inv3A_2520 : vector<40x256xf32>
        %erf_inv3A_2546 = arith.addf %erf_inv3A_2544, %erf_inv3A_2545 : vector<40x256xf32>
        %erf_inv3A_2547 = arith.constant 2.1858087E-4 : f32
        %erf_inv3A_2548 = arith.constant 0.00573950773 : f32
        %erf_inv3A_2549 = vector.broadcast %erf_inv3A_2547 : f32 to vector<40x256xf32>
        %erf_inv3A_2550 = vector.broadcast %erf_inv3A_2548 : f32 to vector<40x256xf32>
        %erf_inv3A_2551 = arith.select %erf_inv3A_2512, %erf_inv3A_2549, %erf_inv3A_2550 : vector<40x256xi1>, vector<40x256xf32>
        %erf_inv3A_2552 = arith.mulf %erf_inv3A_2546, %erf_inv3A_2520 : vector<40x256xf32>
        %erf_inv3A_2553 = arith.addf %erf_inv3A_2551, %erf_inv3A_2552 : vector<40x256xf32>
        %erf_inv3A_2554 = arith.constant -0.00125372503 : f32
        %erf_inv3A_2555 = arith.constant -0.0076224613 : f32
        %erf_inv3A_2556 = vector.broadcast %erf_inv3A_2554 : f32 to vector<40x256xf32>
        %erf_inv3A_2557 = vector.broadcast %erf_inv3A_2555 : f32 to vector<40x256xf32>
        %erf_inv3A_2558 = arith.select %erf_inv3A_2512, %erf_inv3A_2556, %erf_inv3A_2557 : vector<40x256xi1>, vector<40x256xf32>
        %erf_inv3A_2559 = arith.mulf %erf_inv3A_2553, %erf_inv3A_2520 : vector<40x256xf32>
        %erf_inv3A_2560 = arith.addf %erf_inv3A_2558, %erf_inv3A_2559 : vector<40x256xf32>
        %erf_inv3A_2561 = arith.constant -0.00417768164 : f32
        %erf_inv3A_2562 = arith.constant 0.00943887047 : f32
        %erf_inv3A_2563 = vector.broadcast %erf_inv3A_2561 : f32 to vector<40x256xf32>
        %erf_inv3A_2564 = vector.broadcast %erf_inv3A_2562 : f32 to vector<40x256xf32>
        %erf_inv3A_2565 = arith.select %erf_inv3A_2512, %erf_inv3A_2563, %erf_inv3A_2564 : vector<40x256xi1>, vector<40x256xf32>
        %erf_inv3A_2566 = arith.mulf %erf_inv3A_2560, %erf_inv3A_2520 : vector<40x256xf32>
        %erf_inv3A_2567 = arith.addf %erf_inv3A_2565, %erf_inv3A_2566 : vector<40x256xf32>
        %erf_inv3A_2568 = arith.constant 0.246640727 : f32
        %erf_inv3A_2569 = arith.constant 1.00167406 : f32
        %erf_inv3A_2570 = vector.broadcast %erf_inv3A_2568 : f32 to vector<40x256xf32>
        %erf_inv3A_2571 = vector.broadcast %erf_inv3A_2569 : f32 to vector<40x256xf32>
        %erf_inv3A_2572 = arith.select %erf_inv3A_2512, %erf_inv3A_2570, %erf_inv3A_2571 : vector<40x256xi1>, vector<40x256xf32>
        %erf_inv3A_2573 = arith.mulf %erf_inv3A_2567, %erf_inv3A_2520 : vector<40x256xf32>
        %erf_inv3A_2574 = arith.addf %erf_inv3A_2572, %erf_inv3A_2573 : vector<40x256xf32>
        %erf_inv3A_2575 = arith.constant 1.50140941 : f32
        %erf_inv3A_2576 = arith.constant 2.83297682 : f32
        %erf_inv3A_2577 = vector.broadcast %erf_inv3A_2575 : f32 to vector<40x256xf32>
        %erf_inv3A_2578 = vector.broadcast %erf_inv3A_2576 : f32 to vector<40x256xf32>
        %erf_inv3A_2579 = arith.select %erf_inv3A_2512, %erf_inv3A_2577, %erf_inv3A_2578 : vector<40x256xi1>, vector<40x256xf32>
        %erf_inv3A_2580 = arith.mulf %erf_inv3A_2574, %erf_inv3A_2520 : vector<40x256xf32>
        %erf_inv3A_2581 = arith.addf %erf_inv3A_2579, %erf_inv3A_2580 : vector<40x256xf32>
        %erf_inv3A_2582 = math.absf %max3A_2502 : vector<40x256xf32>
        %erf_inv3A_2583 = arith.constant 1.000000e+00 : f32
        %erf_inv3A_2584 = vector.broadcast %erf_inv3A_2583 : f32 to vector<40x256xf32>
        %erf_inv3A_2585 = arith.cmpf oeq, %erf_inv3A_2582, %erf_inv3A_2584 : vector<40x256xf32>
        %erf_inv3A_2586 = arith.constant 0x7F800000 : f32
        %erf_inv3A_2587 = vector.broadcast %erf_inv3A_2586 : f32 to vector<40x256xf32>
        %erf_inv3A_2588 = arith.mulf %erf_inv3A_2587, %max3A_2502 : vector<40x256xf32>
        %erf_inv3A_2589 = arith.mulf %erf_inv3A_2581, %max3A_2502 : vector<40x256xf32>
        %erf_inv3A_2590 = arith.select %erf_inv3A_2585, %erf_inv3A_2588, %erf_inv3A_2589 : vector<40x256xi1>, vector<40x256xf32>
        %mul3A_2591 = arith.constant 1.41421354 : f32
        %mul3A_2592 = vector.broadcast %mul3A_2591 : f32 to vector<40x256xf32>
        %mul3A_2593 = arith.mulf %mul3A_2592, %erf_inv3A_2590 : vector<40x256xf32>
        %mul3A_2594 = arith.mulf %mul3A_2593, %mul3A_231 : vector<40x256xf32>
        %add3A_2595 = arith.constant 1.000000e+00 : f32
        %add3A_2596 = vector.broadcast %add3A_2595 : f32 to vector<40x256xf32>
        %add3A_2597 = arith.addf %add3A_2596, %mul3A_2594 : vector<40x256xf32>
        %select_n3A_2598 = arith.select %and3A_1835, %mul3A_2593, %while3A_1827 : vector<40x256xi1>, vector<40x256xf32>
        %select_n3A_2599 = arith.select %and3A_1835, %add3A_2597, %while3A_1828 : vector<40x256xi1>, vector<40x256xf32>
        %select_n3A_2600 = arith.select %and3A_1835, %add3A_2047, %while3A_1829 : vector<40x256xi1>, vector<40x256xi32>
        %select_n3A_2601 = arith.select %and3A_1835, %add3A_2051, %while3A_1830 : vector<40x256xi1>, vector<40x256xi32>
        scf.yield %select_n3A_2598, %select_n3A_2599, %select_n3A_2600, %select_n3A_2601 : vector<40x256xf32>, vector<40x256xf32>, vector<40x256xi32>, vector<40x256xi32>
      }
      %mul3A_1567 = arith.mulf %while3A_1566#0, %while3A_1566#0 : vector<40x256xf32>
      %mul3A_1568 = arith.mulf %while3A_1566#1, %while3A_1566#1 : vector<40x256xf32>
      %mul3A_1569 = arith.mulf %mul3A_1568, %while3A_1566#1 : vector<40x256xf32>
      %broadcast_in_dim3A_1570 = arith.constant 0 : i32
      %broadcast_in_dim3A_1571 = vector.broadcast %broadcast_in_dim3A_1570 : i32 to vector<40x256xi32>
      %add3A_1572 = arith.constant 0 : i32
      %add3A_1573 = vector.broadcast %add3A_1572 : i32 to vector<40x256xi32>
      %add3A_1574 = arith.addi %broadcast_in_dim3A_1571, %add3A_1573 : vector<40x256xi32>
      %xor3A_1575 = arith.xori %add3A_1557, %add3A_1561 : vector<40x256xi32>
      %xor3A_1576 = arith.constant 466688986 : i32
      %xor3A_1577 = vector.broadcast %xor3A_1576 : i32 to vector<40x256xi32>
      %xor3A_1578 = arith.xori %xor3A_1575, %xor3A_1577 : vector<40x256xi32>
      %add3A_1579 = arith.addi %broadcast_in_dim3A_1571, %add3A_1557 : vector<40x256xi32>
      %add3A_1580 = arith.addi %add3A_1574, %add3A_1561 : vector<40x256xi32>
      %add3A_1581 = arith.addi %add3A_1579, %add3A_1580 : vector<40x256xi32>
      %shift_left3A_1582 = arith.constant 13 : i32
      %shift_left3A_1583 = vector.broadcast %shift_left3A_1582 : i32 to vector<40x256xi32>
      %shift_left3A_1584 = arith.shli %add3A_1580, %shift_left3A_1583 : vector<40x256xi32>
      %shift_right_logical3A_1585 = arith.constant 19 : i32
      %shift_right_logical3A_1586 = vector.broadcast %shift_right_logical3A_1585 : i32 to vector<40x256xi32>
      %shift_right_logical3A_1587 = arith.shrui %add3A_1580, %shift_right_logical3A_1586 : vector<40x256xi32>
      %or3A_1588 = arith.ori %shift_left3A_1584, %shift_right_logical3A_1587 : vector<40x256xi32>
      %xor3A_1589 = arith.xori %add3A_1581, %or3A_1588 : vector<40x256xi32>
      %add3A_1590 = arith.addi %add3A_1581, %xor3A_1589 : vector<40x256xi32>
      %shift_left3A_1591 = arith.constant 15 : i32
      %shift_left3A_1592 = vector.broadcast %shift_left3A_1591 : i32 to vector<40x256xi32>
      %shift_left3A_1593 = arith.shli %xor3A_1589, %shift_left3A_1592 : vector<40x256xi32>
      %shift_right_logical3A_1594 = arith.constant 17 : i32
      %shift_right_logical3A_1595 = vector.broadcast %shift_right_logical3A_1594 : i32 to vector<40x256xi32>
      %shift_right_logical3A_1596 = arith.shrui %xor3A_1589, %shift_right_logical3A_1595 : vector<40x256xi32>
      %or3A_1597 = arith.ori %shift_left3A_1593, %shift_right_logical3A_1596 : vector<40x256xi32>
      %xor3A_1598 = arith.xori %add3A_1590, %or3A_1597 : vector<40x256xi32>
      %add3A_1599 = arith.addi %add3A_1590, %xor3A_1598 : vector<40x256xi32>
      %shift_left3A_1600 = arith.constant 26 : i32
      %shift_left3A_1601 = vector.broadcast %shift_left3A_1600 : i32 to vector<40x256xi32>
      %shift_left3A_1602 = arith.shli %xor3A_1598, %shift_left3A_1601 : vector<40x256xi32>
      %shift_right_logical3A_1603 = arith.constant 6 : i32
      %shift_right_logical3A_1604 = vector.broadcast %shift_right_logical3A_1603 : i32 to vector<40x256xi32>
      %shift_right_logical3A_1605 = arith.shrui %xor3A_1598, %shift_right_logical3A_1604 : vector<40x256xi32>
      %or3A_1606 = arith.ori %shift_left3A_1602, %shift_right_logical3A_1605 : vector<40x256xi32>
      %xor3A_1607 = arith.xori %add3A_1599, %or3A_1606 : vector<40x256xi32>
      %add3A_1608 = arith.addi %add3A_1599, %xor3A_1607 : vector<40x256xi32>
      %shift_left3A_1609 = arith.constant 6 : i32
      %shift_left3A_1610 = vector.broadcast %shift_left3A_1609 : i32 to vector<40x256xi32>
      %shift_left3A_1611 = arith.shli %xor3A_1607, %shift_left3A_1610 : vector<40x256xi32>
      %shift_right_logical3A_1612 = arith.constant 26 : i32
      %shift_right_logical3A_1613 = vector.broadcast %shift_right_logical3A_1612 : i32 to vector<40x256xi32>
      %shift_right_logical3A_1614 = arith.shrui %xor3A_1607, %shift_right_logical3A_1613 : vector<40x256xi32>
      %or3A_1615 = arith.ori %shift_left3A_1611, %shift_right_logical3A_1614 : vector<40x256xi32>
      %xor3A_1616 = arith.xori %add3A_1608, %or3A_1615 : vector<40x256xi32>
      %add3A_1617 = arith.addi %add3A_1608, %add3A_1561 : vector<40x256xi32>
      %add3A_1618 = arith.addi %xor3A_1616, %xor3A_1578 : vector<40x256xi32>
      %add3A_1619 = arith.constant 1 : i32
      %add3A_1620 = vector.broadcast %add3A_1619 : i32 to vector<40x256xi32>
      %add3A_1621 = arith.addi %add3A_1618, %add3A_1620 : vector<40x256xi32>
      %add3A_1622 = arith.addi %add3A_1617, %add3A_1621 : vector<40x256xi32>
      %shift_left3A_1623 = arith.constant 17 : i32
      %shift_left3A_1624 = vector.broadcast %shift_left3A_1623 : i32 to vector<40x256xi32>
      %shift_left3A_1625 = arith.shli %add3A_1621, %shift_left3A_1624 : vector<40x256xi32>
      %shift_right_logical3A_1626 = arith.constant 15 : i32
      %shift_right_logical3A_1627 = vector.broadcast %shift_right_logical3A_1626 : i32 to vector<40x256xi32>
      %shift_right_logical3A_1628 = arith.shrui %add3A_1621, %shift_right_logical3A_1627 : vector<40x256xi32>
      %or3A_1629 = arith.ori %shift_left3A_1625, %shift_right_logical3A_1628 : vector<40x256xi32>
      %xor3A_1630 = arith.xori %add3A_1622, %or3A_1629 : vector<40x256xi32>
      %add3A_1631 = arith.addi %add3A_1622, %xor3A_1630 : vector<40x256xi32>
      %shift_left3A_1632 = arith.constant 29 : i32
      %shift_left3A_1633 = vector.broadcast %shift_left3A_1632 : i32 to vector<40x256xi32>
      %shift_left3A_1634 = arith.shli %xor3A_1630, %shift_left3A_1633 : vector<40x256xi32>
      %shift_right_logical3A_1635 = arith.constant 3 : i32
      %shift_right_logical3A_1636 = vector.broadcast %shift_right_logical3A_1635 : i32 to vector<40x256xi32>
      %shift_right_logical3A_1637 = arith.shrui %xor3A_1630, %shift_right_logical3A_1636 : vector<40x256xi32>
      %or3A_1638 = arith.ori %shift_left3A_1634, %shift_right_logical3A_1637 : vector<40x256xi32>
      %xor3A_1639 = arith.xori %add3A_1631, %or3A_1638 : vector<40x256xi32>
      %add3A_1640 = arith.addi %add3A_1631, %xor3A_1639 : vector<40x256xi32>
      %shift_left3A_1641 = arith.constant 16 : i32
      %shift_left3A_1642 = vector.broadcast %shift_left3A_1641 : i32 to vector<40x256xi32>
      %shift_left3A_1643 = arith.shli %xor3A_1639, %shift_left3A_1642 : vector<40x256xi32>
      %shift_right_logical3A_1644 = arith.constant 16 : i32
      %shift_right_logical3A_1645 = vector.broadcast %shift_right_logical3A_1644 : i32 to vector<40x256xi32>
      %shift_right_logical3A_1646 = arith.shrui %xor3A_1639, %shift_right_logical3A_1645 : vector<40x256xi32>
      %or3A_1647 = arith.ori %shift_left3A_1643, %shift_right_logical3A_1646 : vector<40x256xi32>
      %xor3A_1648 = arith.xori %add3A_1640, %or3A_1647 : vector<40x256xi32>
      %add3A_1649 = arith.addi %add3A_1640, %xor3A_1648 : vector<40x256xi32>
      %shift_left3A_1650 = arith.constant 24 : i32
      %shift_left3A_1651 = vector.broadcast %shift_left3A_1650 : i32 to vector<40x256xi32>
      %shift_left3A_1652 = arith.shli %xor3A_1648, %shift_left3A_1651 : vector<40x256xi32>
      %shift_right_logical3A_1653 = arith.constant 8 : i32
      %shift_right_logical3A_1654 = vector.broadcast %shift_right_logical3A_1653 : i32 to vector<40x256xi32>
      %shift_right_logical3A_1655 = arith.shrui %xor3A_1648, %shift_right_logical3A_1654 : vector<40x256xi32>
      %or3A_1656 = arith.ori %shift_left3A_1652, %shift_right_logical3A_1655 : vector<40x256xi32>
      %xor3A_1657 = arith.xori %add3A_1649, %or3A_1656 : vector<40x256xi32>
      %add3A_1658 = arith.addi %add3A_1649, %xor3A_1578 : vector<40x256xi32>
      %add3A_1659 = arith.addi %xor3A_1657, %add3A_1557 : vector<40x256xi32>
      %add3A_1660 = arith.constant 2 : i32
      %add3A_1661 = vector.broadcast %add3A_1660 : i32 to vector<40x256xi32>
      %add3A_1662 = arith.addi %add3A_1659, %add3A_1661 : vector<40x256xi32>
      %add3A_1663 = arith.addi %add3A_1658, %add3A_1662 : vector<40x256xi32>
      %shift_left3A_1664 = arith.constant 13 : i32
      %shift_left3A_1665 = vector.broadcast %shift_left3A_1664 : i32 to vector<40x256xi32>
      %shift_left3A_1666 = arith.shli %add3A_1662, %shift_left3A_1665 : vector<40x256xi32>
      %shift_right_logical3A_1667 = arith.constant 19 : i32
      %shift_right_logical3A_1668 = vector.broadcast %shift_right_logical3A_1667 : i32 to vector<40x256xi32>
      %shift_right_logical3A_1669 = arith.shrui %add3A_1662, %shift_right_logical3A_1668 : vector<40x256xi32>
      %or3A_1670 = arith.ori %shift_left3A_1666, %shift_right_logical3A_1669 : vector<40x256xi32>
      %xor3A_1671 = arith.xori %add3A_1663, %or3A_1670 : vector<40x256xi32>
      %add3A_1672 = arith.addi %add3A_1663, %xor3A_1671 : vector<40x256xi32>
      %shift_left3A_1673 = arith.constant 15 : i32
      %shift_left3A_1674 = vector.broadcast %shift_left3A_1673 : i32 to vector<40x256xi32>
      %shift_left3A_1675 = arith.shli %xor3A_1671, %shift_left3A_1674 : vector<40x256xi32>
      %shift_right_logical3A_1676 = arith.constant 17 : i32
      %shift_right_logical3A_1677 = vector.broadcast %shift_right_logical3A_1676 : i32 to vector<40x256xi32>
      %shift_right_logical3A_1678 = arith.shrui %xor3A_1671, %shift_right_logical3A_1677 : vector<40x256xi32>
      %or3A_1679 = arith.ori %shift_left3A_1675, %shift_right_logical3A_1678 : vector<40x256xi32>
      %xor3A_1680 = arith.xori %add3A_1672, %or3A_1679 : vector<40x256xi32>
      %add3A_1681 = arith.addi %add3A_1672, %xor3A_1680 : vector<40x256xi32>
      %shift_left3A_1682 = arith.constant 26 : i32
      %shift_left3A_1683 = vector.broadcast %shift_left3A_1682 : i32 to vector<40x256xi32>
      %shift_left3A_1684 = arith.shli %xor3A_1680, %shift_left3A_1683 : vector<40x256xi32>
      %shift_right_logical3A_1685 = arith.constant 6 : i32
      %shift_right_logical3A_1686 = vector.broadcast %shift_right_logical3A_1685 : i32 to vector<40x256xi32>
      %shift_right_logical3A_1687 = arith.shrui %xor3A_1680, %shift_right_logical3A_1686 : vector<40x256xi32>
      %or3A_1688 = arith.ori %shift_left3A_1684, %shift_right_logical3A_1687 : vector<40x256xi32>
      %xor3A_1689 = arith.xori %add3A_1681, %or3A_1688 : vector<40x256xi32>
      %add3A_1690 = arith.addi %add3A_1681, %xor3A_1689 : vector<40x256xi32>
      %shift_left3A_1691 = arith.constant 6 : i32
      %shift_left3A_1692 = vector.broadcast %shift_left3A_1691 : i32 to vector<40x256xi32>
      %shift_left3A_1693 = arith.shli %xor3A_1689, %shift_left3A_1692 : vector<40x256xi32>
      %shift_right_logical3A_1694 = arith.constant 26 : i32
      %shift_right_logical3A_1695 = vector.broadcast %shift_right_logical3A_1694 : i32 to vector<40x256xi32>
      %shift_right_logical3A_1696 = arith.shrui %xor3A_1689, %shift_right_logical3A_1695 : vector<40x256xi32>
      %or3A_1697 = arith.ori %shift_left3A_1693, %shift_right_logical3A_1696 : vector<40x256xi32>
      %xor3A_1698 = arith.xori %add3A_1690, %or3A_1697 : vector<40x256xi32>
      %add3A_1699 = arith.addi %add3A_1690, %add3A_1557 : vector<40x256xi32>
      %add3A_1700 = arith.addi %xor3A_1698, %add3A_1561 : vector<40x256xi32>
      %add3A_1701 = arith.constant 3 : i32
      %add3A_1702 = vector.broadcast %add3A_1701 : i32 to vector<40x256xi32>
      %add3A_1703 = arith.addi %add3A_1700, %add3A_1702 : vector<40x256xi32>
      %add3A_1704 = arith.addi %add3A_1699, %add3A_1703 : vector<40x256xi32>
      %shift_left3A_1705 = arith.constant 17 : i32
      %shift_left3A_1706 = vector.broadcast %shift_left3A_1705 : i32 to vector<40x256xi32>
      %shift_left3A_1707 = arith.shli %add3A_1703, %shift_left3A_1706 : vector<40x256xi32>
      %shift_right_logical3A_1708 = arith.constant 15 : i32
      %shift_right_logical3A_1709 = vector.broadcast %shift_right_logical3A_1708 : i32 to vector<40x256xi32>
      %shift_right_logical3A_1710 = arith.shrui %add3A_1703, %shift_right_logical3A_1709 : vector<40x256xi32>
      %or3A_1711 = arith.ori %shift_left3A_1707, %shift_right_logical3A_1710 : vector<40x256xi32>
      %xor3A_1712 = arith.xori %add3A_1704, %or3A_1711 : vector<40x256xi32>
      %add3A_1713 = arith.addi %add3A_1704, %xor3A_1712 : vector<40x256xi32>
      %shift_left3A_1714 = arith.constant 29 : i32
      %shift_left3A_1715 = vector.broadcast %shift_left3A_1714 : i32 to vector<40x256xi32>
      %shift_left3A_1716 = arith.shli %xor3A_1712, %shift_left3A_1715 : vector<40x256xi32>
      %shift_right_logical3A_1717 = arith.constant 3 : i32
      %shift_right_logical3A_1718 = vector.broadcast %shift_right_logical3A_1717 : i32 to vector<40x256xi32>
      %shift_right_logical3A_1719 = arith.shrui %xor3A_1712, %shift_right_logical3A_1718 : vector<40x256xi32>
      %or3A_1720 = arith.ori %shift_left3A_1716, %shift_right_logical3A_1719 : vector<40x256xi32>
      %xor3A_1721 = arith.xori %add3A_1713, %or3A_1720 : vector<40x256xi32>
      %add3A_1722 = arith.addi %add3A_1713, %xor3A_1721 : vector<40x256xi32>
      %shift_left3A_1723 = arith.constant 16 : i32
      %shift_left3A_1724 = vector.broadcast %shift_left3A_1723 : i32 to vector<40x256xi32>
      %shift_left3A_1725 = arith.shli %xor3A_1721, %shift_left3A_1724 : vector<40x256xi32>
      %shift_right_logical3A_1726 = arith.constant 16 : i32
      %shift_right_logical3A_1727 = vector.broadcast %shift_right_logical3A_1726 : i32 to vector<40x256xi32>
      %shift_right_logical3A_1728 = arith.shrui %xor3A_1721, %shift_right_logical3A_1727 : vector<40x256xi32>
      %or3A_1729 = arith.ori %shift_left3A_1725, %shift_right_logical3A_1728 : vector<40x256xi32>
      %xor3A_1730 = arith.xori %add3A_1722, %or3A_1729 : vector<40x256xi32>
      %add3A_1731 = arith.addi %add3A_1722, %xor3A_1730 : vector<40x256xi32>
      %shift_left3A_1732 = arith.constant 24 : i32
      %shift_left3A_1733 = vector.broadcast %shift_left3A_1732 : i32 to vector<40x256xi32>
      %shift_left3A_1734 = arith.shli %xor3A_1730, %shift_left3A_1733 : vector<40x256xi32>
      %shift_right_logical3A_1735 = arith.constant 8 : i32
      %shift_right_logical3A_1736 = vector.broadcast %shift_right_logical3A_1735 : i32 to vector<40x256xi32>
      %shift_right_logical3A_1737 = arith.shrui %xor3A_1730, %shift_right_logical3A_1736 : vector<40x256xi32>
      %or3A_1738 = arith.ori %shift_left3A_1734, %shift_right_logical3A_1737 : vector<40x256xi32>
      %xor3A_1739 = arith.xori %add3A_1731, %or3A_1738 : vector<40x256xi32>
      %add3A_1740 = arith.addi %add3A_1731, %add3A_1561 : vector<40x256xi32>
      %add3A_1741 = arith.addi %xor3A_1739, %xor3A_1578 : vector<40x256xi32>
      %add3A_1742 = arith.constant 4 : i32
      %add3A_1743 = vector.broadcast %add3A_1742 : i32 to vector<40x256xi32>
      %add3A_1744 = arith.addi %add3A_1741, %add3A_1743 : vector<40x256xi32>
      %add3A_1745 = arith.addi %add3A_1740, %add3A_1744 : vector<40x256xi32>
      %shift_left3A_1746 = arith.constant 13 : i32
      %shift_left3A_1747 = vector.broadcast %shift_left3A_1746 : i32 to vector<40x256xi32>
      %shift_left3A_1748 = arith.shli %add3A_1744, %shift_left3A_1747 : vector<40x256xi32>
      %shift_right_logical3A_1749 = arith.constant 19 : i32
      %shift_right_logical3A_1750 = vector.broadcast %shift_right_logical3A_1749 : i32 to vector<40x256xi32>
      %shift_right_logical3A_1751 = arith.shrui %add3A_1744, %shift_right_logical3A_1750 : vector<40x256xi32>
      %or3A_1752 = arith.ori %shift_left3A_1748, %shift_right_logical3A_1751 : vector<40x256xi32>
      %xor3A_1753 = arith.xori %add3A_1745, %or3A_1752 : vector<40x256xi32>
      %add3A_1754 = arith.addi %add3A_1745, %xor3A_1753 : vector<40x256xi32>
      %shift_left3A_1755 = arith.constant 15 : i32
      %shift_left3A_1756 = vector.broadcast %shift_left3A_1755 : i32 to vector<40x256xi32>
      %shift_left3A_1757 = arith.shli %xor3A_1753, %shift_left3A_1756 : vector<40x256xi32>
      %shift_right_logical3A_1758 = arith.constant 17 : i32
      %shift_right_logical3A_1759 = vector.broadcast %shift_right_logical3A_1758 : i32 to vector<40x256xi32>
      %shift_right_logical3A_1760 = arith.shrui %xor3A_1753, %shift_right_logical3A_1759 : vector<40x256xi32>
      %or3A_1761 = arith.ori %shift_left3A_1757, %shift_right_logical3A_1760 : vector<40x256xi32>
      %xor3A_1762 = arith.xori %add3A_1754, %or3A_1761 : vector<40x256xi32>
      %add3A_1763 = arith.addi %add3A_1754, %xor3A_1762 : vector<40x256xi32>
      %shift_left3A_1764 = arith.constant 26 : i32
      %shift_left3A_1765 = vector.broadcast %shift_left3A_1764 : i32 to vector<40x256xi32>
      %shift_left3A_1766 = arith.shli %xor3A_1762, %shift_left3A_1765 : vector<40x256xi32>
      %shift_right_logical3A_1767 = arith.constant 6 : i32
      %shift_right_logical3A_1768 = vector.broadcast %shift_right_logical3A_1767 : i32 to vector<40x256xi32>
      %shift_right_logical3A_1769 = arith.shrui %xor3A_1762, %shift_right_logical3A_1768 : vector<40x256xi32>
      %or3A_1770 = arith.ori %shift_left3A_1766, %shift_right_logical3A_1769 : vector<40x256xi32>
      %xor3A_1771 = arith.xori %add3A_1763, %or3A_1770 : vector<40x256xi32>
      %add3A_1772 = arith.addi %add3A_1763, %xor3A_1771 : vector<40x256xi32>
      %shift_left3A_1773 = arith.constant 6 : i32
      %shift_left3A_1774 = vector.broadcast %shift_left3A_1773 : i32 to vector<40x256xi32>
      %shift_left3A_1775 = arith.shli %xor3A_1771, %shift_left3A_1774 : vector<40x256xi32>
      %shift_right_logical3A_1776 = arith.constant 26 : i32
      %shift_right_logical3A_1777 = vector.broadcast %shift_right_logical3A_1776 : i32 to vector<40x256xi32>
      %shift_right_logical3A_1778 = arith.shrui %xor3A_1771, %shift_right_logical3A_1777 : vector<40x256xi32>
      %or3A_1779 = arith.ori %shift_left3A_1775, %shift_right_logical3A_1778 : vector<40x256xi32>
      %xor3A_1780 = arith.xori %add3A_1772, %or3A_1779 : vector<40x256xi32>
      %add3A_1781 = arith.addi %add3A_1772, %xor3A_1578 : vector<40x256xi32>
      %add3A_1782 = arith.addi %xor3A_1780, %add3A_1557 : vector<40x256xi32>
      %add3A_1783 = arith.constant 5 : i32
      %add3A_1784 = vector.broadcast %add3A_1783 : i32 to vector<40x256xi32>
      %add3A_1785 = arith.addi %add3A_1782, %add3A_1784 : vector<40x256xi32>
      %xor3A_1786 = arith.xori %add3A_1781, %add3A_1785 : vector<40x256xi32>
      %shift_right_logical3A_1787 = arith.constant 9 : i32
      %shift_right_logical3A_1788 = vector.broadcast %shift_right_logical3A_1787 : i32 to vector<40x256xi32>
      %shift_right_logical3A_1789 = arith.shrui %xor3A_1786, %shift_right_logical3A_1788 : vector<40x256xi32>
      %or3A_1790 = arith.constant 1065353216 : i32
      %or3A_1791 = vector.broadcast %or3A_1790 : i32 to vector<40x256xi32>
      %or3A_1792 = arith.ori %shift_right_logical3A_1789, %or3A_1791 : vector<40x256xi32>
      %bitcast_convert_type3A_1793 = tpu.bitcast %or3A_1792 : vector<40x256xi32> -> vector<40x256xf32>
      %sub3A_1794 = arith.constant 1.000000e+00 : f32
      %sub3A_1795 = vector.broadcast %sub3A_1794 : f32 to vector<40x256xf32>
      %sub3A_1796 = arith.subf %bitcast_convert_type3A_1793, %sub3A_1795 : vector<40x256xf32>
      %mul3A_1797 = arith.mulf %mul3A_1567, %mul3A_1567 : vector<40x256xf32>
      %mul3A_1798 = arith.constant 3.310000e-02 : f32
      %mul3A_1799 = vector.broadcast %mul3A_1798 : f32 to vector<40x256xf32>
      %mul3A_1800 = arith.mulf %mul3A_1799, %mul3A_1797 : vector<40x256xf32>
      %sub3A_1801 = arith.constant 1.000000e+00 : f32
      %sub3A_1802 = vector.broadcast %sub3A_1801 : f32 to vector<40x256xf32>
      %sub3A_1803 = arith.subf %sub3A_1802, %mul3A_1800 : vector<40x256xf32>
      %ge3A_1804 = arith.cmpf oge, %sub3A_1796, %sub3A_1803 : vector<40x256xf32>
      %log3A = math.log %sub3A_1796 : vector<40x256xf32>
      %mul3A_1805 = arith.constant 5.000000e-01 : f32
      %mul3A_1806 = vector.broadcast %mul3A_1805 : f32 to vector<40x256xf32>
      %mul3A_1807 = arith.mulf %mul3A_1567, %mul3A_1806 : vector<40x256xf32>
      %sub3A_1808 = arith.constant 1.000000e+00 : f32
      %sub3A_1809 = vector.broadcast %sub3A_1808 : f32 to vector<40x256xf32>
      %sub3A_1810 = arith.subf %sub3A_1809, %mul3A_1569 : vector<40x256xf32>
      %log3A_1811 = math.log %mul3A_1569 : vector<40x256xf32>
      %add3A_1812 = arith.addf %sub3A_1810, %log3A_1811 : vector<40x256xf32>
      %mul3A_1813 = arith.mulf %sub3A_228, %add3A_1812 : vector<40x256xf32>
      %add3A_1814 = arith.addf %mul3A_1807, %mul3A_1813 : vector<40x256xf32>
      %ge3A_1815 = arith.cmpf oge, %log3A, %add3A_1814 : vector<40x256xf32>
      %and3A = arith.andi %ge3A_1804, %ge3A_1815 : vector<40x256xi1>
      %select_n3A_1816 = arith.select %ne3A_913, %while3A_910, %mul3A_1567 : vector<40x256xi1>, vector<40x256xf32>
      %select_n3A_1817 = arith.select %ne3A_913, %while3A_911, %mul3A_1569 : vector<40x256xi1>, vector<40x256xf32>
      %select_n3A_1818 = arith.select %ne3A_913, %while3A_908, %add3A_1125 : vector<40x256xi1>, vector<40x256xi32>
      %select_n3A_1819 = arith.select %ne3A_913, %while3A_909, %add3A_1129 : vector<40x256xi1>, vector<40x256xi32>
      %not3A = arith.constant dense<true> : vector<40x256xi1>
      %not3A_1820 = arith.xori %and3A, %not3A : vector<40x256xi1>
      %or3A_1821 = arith.ori %ne3A_913, %not3A_1820 : vector<40x256xi1>
      %jit3A_1822 = arith.constant 1 : i32
      %jit3A_1823 = arith.constant 0 : i32
      %broadcast_in_dim3A_1824 = vector.broadcast %jit3A_1822 : i32 to vector<40x256xi32>
      %broadcast_in_dim3A_1825 = vector.broadcast %jit3A_1823 : i32 to vector<40x256xi32>
      %select_n3A_1826 = arith.select %or3A_1821, %broadcast_in_dim3A_1824, %broadcast_in_dim3A_1825 : vector<40x256xi1>, vector<40x256xi32>
      scf.yield %select_n3A_1826, %select_n3A_1818, %select_n3A_1819, %select_n3A_1816, %select_n3A_1817 : vector<40x256xi32>, vector<40x256xi32>, vector<40x256xi32>, vector<40x256xf32>, vector<40x256xf32>
    }
    %broadcast_in_dim3A_670 = arith.constant 0 : i32
    %broadcast_in_dim3A_671 = vector.broadcast %broadcast_in_dim3A_670 : i32 to vector<40x256xi32>
    %add3A_672 = arith.constant 0 : i32
    %add3A_673 = vector.broadcast %add3A_672 : i32 to vector<40x256xi32>
    %add3A_674 = arith.addi %broadcast_in_dim3A_671, %add3A_673 : vector<40x256xi32>
    %xor3A_675 = arith.xori %add3A_443, %add3A_447 : vector<40x256xi32>
    %xor3A_676 = arith.constant 466688986 : i32
    %xor3A_677 = vector.broadcast %xor3A_676 : i32 to vector<40x256xi32>
    %xor3A_678 = arith.xori %xor3A_675, %xor3A_677 : vector<40x256xi32>
    %add3A_679 = arith.addi %broadcast_in_dim3A_671, %add3A_443 : vector<40x256xi32>
    %add3A_680 = arith.addi %add3A_674, %add3A_447 : vector<40x256xi32>
    %add3A_681 = arith.addi %add3A_679, %add3A_680 : vector<40x256xi32>
    %shift_left3A_682 = arith.constant 13 : i32
    %shift_left3A_683 = vector.broadcast %shift_left3A_682 : i32 to vector<40x256xi32>
    %shift_left3A_684 = arith.shli %add3A_680, %shift_left3A_683 : vector<40x256xi32>
    %shift_right_logical3A_685 = arith.constant 19 : i32
    %shift_right_logical3A_686 = vector.broadcast %shift_right_logical3A_685 : i32 to vector<40x256xi32>
    %shift_right_logical3A_687 = arith.shrui %add3A_680, %shift_right_logical3A_686 : vector<40x256xi32>
    %or3A_688 = arith.ori %shift_left3A_684, %shift_right_logical3A_687 : vector<40x256xi32>
    %xor3A_689 = arith.xori %add3A_681, %or3A_688 : vector<40x256xi32>
    %add3A_690 = arith.addi %add3A_681, %xor3A_689 : vector<40x256xi32>
    %shift_left3A_691 = arith.constant 15 : i32
    %shift_left3A_692 = vector.broadcast %shift_left3A_691 : i32 to vector<40x256xi32>
    %shift_left3A_693 = arith.shli %xor3A_689, %shift_left3A_692 : vector<40x256xi32>
    %shift_right_logical3A_694 = arith.constant 17 : i32
    %shift_right_logical3A_695 = vector.broadcast %shift_right_logical3A_694 : i32 to vector<40x256xi32>
    %shift_right_logical3A_696 = arith.shrui %xor3A_689, %shift_right_logical3A_695 : vector<40x256xi32>
    %or3A_697 = arith.ori %shift_left3A_693, %shift_right_logical3A_696 : vector<40x256xi32>
    %xor3A_698 = arith.xori %add3A_690, %or3A_697 : vector<40x256xi32>
    %add3A_699 = arith.addi %add3A_690, %xor3A_698 : vector<40x256xi32>
    %shift_left3A_700 = arith.constant 26 : i32
    %shift_left3A_701 = vector.broadcast %shift_left3A_700 : i32 to vector<40x256xi32>
    %shift_left3A_702 = arith.shli %xor3A_698, %shift_left3A_701 : vector<40x256xi32>
    %shift_right_logical3A_703 = arith.constant 6 : i32
    %shift_right_logical3A_704 = vector.broadcast %shift_right_logical3A_703 : i32 to vector<40x256xi32>
    %shift_right_logical3A_705 = arith.shrui %xor3A_698, %shift_right_logical3A_704 : vector<40x256xi32>
    %or3A_706 = arith.ori %shift_left3A_702, %shift_right_logical3A_705 : vector<40x256xi32>
    %xor3A_707 = arith.xori %add3A_699, %or3A_706 : vector<40x256xi32>
    %add3A_708 = arith.addi %add3A_699, %xor3A_707 : vector<40x256xi32>
    %shift_left3A_709 = arith.constant 6 : i32
    %shift_left3A_710 = vector.broadcast %shift_left3A_709 : i32 to vector<40x256xi32>
    %shift_left3A_711 = arith.shli %xor3A_707, %shift_left3A_710 : vector<40x256xi32>
    %shift_right_logical3A_712 = arith.constant 26 : i32
    %shift_right_logical3A_713 = vector.broadcast %shift_right_logical3A_712 : i32 to vector<40x256xi32>
    %shift_right_logical3A_714 = arith.shrui %xor3A_707, %shift_right_logical3A_713 : vector<40x256xi32>
    %or3A_715 = arith.ori %shift_left3A_711, %shift_right_logical3A_714 : vector<40x256xi32>
    %xor3A_716 = arith.xori %add3A_708, %or3A_715 : vector<40x256xi32>
    %add3A_717 = arith.addi %add3A_708, %add3A_447 : vector<40x256xi32>
    %add3A_718 = arith.addi %xor3A_716, %xor3A_678 : vector<40x256xi32>
    %add3A_719 = arith.constant 1 : i32
    %add3A_720 = vector.broadcast %add3A_719 : i32 to vector<40x256xi32>
    %add3A_721 = arith.addi %add3A_718, %add3A_720 : vector<40x256xi32>
    %add3A_722 = arith.addi %add3A_717, %add3A_721 : vector<40x256xi32>
    %shift_left3A_723 = arith.constant 17 : i32
    %shift_left3A_724 = vector.broadcast %shift_left3A_723 : i32 to vector<40x256xi32>
    %shift_left3A_725 = arith.shli %add3A_721, %shift_left3A_724 : vector<40x256xi32>
    %shift_right_logical3A_726 = arith.constant 15 : i32
    %shift_right_logical3A_727 = vector.broadcast %shift_right_logical3A_726 : i32 to vector<40x256xi32>
    %shift_right_logical3A_728 = arith.shrui %add3A_721, %shift_right_logical3A_727 : vector<40x256xi32>
    %or3A_729 = arith.ori %shift_left3A_725, %shift_right_logical3A_728 : vector<40x256xi32>
    %xor3A_730 = arith.xori %add3A_722, %or3A_729 : vector<40x256xi32>
    %add3A_731 = arith.addi %add3A_722, %xor3A_730 : vector<40x256xi32>
    %shift_left3A_732 = arith.constant 29 : i32
    %shift_left3A_733 = vector.broadcast %shift_left3A_732 : i32 to vector<40x256xi32>
    %shift_left3A_734 = arith.shli %xor3A_730, %shift_left3A_733 : vector<40x256xi32>
    %shift_right_logical3A_735 = arith.constant 3 : i32
    %shift_right_logical3A_736 = vector.broadcast %shift_right_logical3A_735 : i32 to vector<40x256xi32>
    %shift_right_logical3A_737 = arith.shrui %xor3A_730, %shift_right_logical3A_736 : vector<40x256xi32>
    %or3A_738 = arith.ori %shift_left3A_734, %shift_right_logical3A_737 : vector<40x256xi32>
    %xor3A_739 = arith.xori %add3A_731, %or3A_738 : vector<40x256xi32>
    %add3A_740 = arith.addi %add3A_731, %xor3A_739 : vector<40x256xi32>
    %shift_left3A_741 = arith.constant 16 : i32
    %shift_left3A_742 = vector.broadcast %shift_left3A_741 : i32 to vector<40x256xi32>
    %shift_left3A_743 = arith.shli %xor3A_739, %shift_left3A_742 : vector<40x256xi32>
    %shift_right_logical3A_744 = arith.constant 16 : i32
    %shift_right_logical3A_745 = vector.broadcast %shift_right_logical3A_744 : i32 to vector<40x256xi32>
    %shift_right_logical3A_746 = arith.shrui %xor3A_739, %shift_right_logical3A_745 : vector<40x256xi32>
    %or3A_747 = arith.ori %shift_left3A_743, %shift_right_logical3A_746 : vector<40x256xi32>
    %xor3A_748 = arith.xori %add3A_740, %or3A_747 : vector<40x256xi32>
    %add3A_749 = arith.addi %add3A_740, %xor3A_748 : vector<40x256xi32>
    %shift_left3A_750 = arith.constant 24 : i32
    %shift_left3A_751 = vector.broadcast %shift_left3A_750 : i32 to vector<40x256xi32>
    %shift_left3A_752 = arith.shli %xor3A_748, %shift_left3A_751 : vector<40x256xi32>
    %shift_right_logical3A_753 = arith.constant 8 : i32
    %shift_right_logical3A_754 = vector.broadcast %shift_right_logical3A_753 : i32 to vector<40x256xi32>
    %shift_right_logical3A_755 = arith.shrui %xor3A_748, %shift_right_logical3A_754 : vector<40x256xi32>
    %or3A_756 = arith.ori %shift_left3A_752, %shift_right_logical3A_755 : vector<40x256xi32>
    %xor3A_757 = arith.xori %add3A_749, %or3A_756 : vector<40x256xi32>
    %add3A_758 = arith.addi %add3A_749, %xor3A_678 : vector<40x256xi32>
    %add3A_759 = arith.addi %xor3A_757, %add3A_443 : vector<40x256xi32>
    %add3A_760 = arith.constant 2 : i32
    %add3A_761 = vector.broadcast %add3A_760 : i32 to vector<40x256xi32>
    %add3A_762 = arith.addi %add3A_759, %add3A_761 : vector<40x256xi32>
    %add3A_763 = arith.addi %add3A_758, %add3A_762 : vector<40x256xi32>
    %shift_left3A_764 = arith.constant 13 : i32
    %shift_left3A_765 = vector.broadcast %shift_left3A_764 : i32 to vector<40x256xi32>
    %shift_left3A_766 = arith.shli %add3A_762, %shift_left3A_765 : vector<40x256xi32>
    %shift_right_logical3A_767 = arith.constant 19 : i32
    %shift_right_logical3A_768 = vector.broadcast %shift_right_logical3A_767 : i32 to vector<40x256xi32>
    %shift_right_logical3A_769 = arith.shrui %add3A_762, %shift_right_logical3A_768 : vector<40x256xi32>
    %or3A_770 = arith.ori %shift_left3A_766, %shift_right_logical3A_769 : vector<40x256xi32>
    %xor3A_771 = arith.xori %add3A_763, %or3A_770 : vector<40x256xi32>
    %add3A_772 = arith.addi %add3A_763, %xor3A_771 : vector<40x256xi32>
    %shift_left3A_773 = arith.constant 15 : i32
    %shift_left3A_774 = vector.broadcast %shift_left3A_773 : i32 to vector<40x256xi32>
    %shift_left3A_775 = arith.shli %xor3A_771, %shift_left3A_774 : vector<40x256xi32>
    %shift_right_logical3A_776 = arith.constant 17 : i32
    %shift_right_logical3A_777 = vector.broadcast %shift_right_logical3A_776 : i32 to vector<40x256xi32>
    %shift_right_logical3A_778 = arith.shrui %xor3A_771, %shift_right_logical3A_777 : vector<40x256xi32>
    %or3A_779 = arith.ori %shift_left3A_775, %shift_right_logical3A_778 : vector<40x256xi32>
    %xor3A_780 = arith.xori %add3A_772, %or3A_779 : vector<40x256xi32>
    %add3A_781 = arith.addi %add3A_772, %xor3A_780 : vector<40x256xi32>
    %shift_left3A_782 = arith.constant 26 : i32
    %shift_left3A_783 = vector.broadcast %shift_left3A_782 : i32 to vector<40x256xi32>
    %shift_left3A_784 = arith.shli %xor3A_780, %shift_left3A_783 : vector<40x256xi32>
    %shift_right_logical3A_785 = arith.constant 6 : i32
    %shift_right_logical3A_786 = vector.broadcast %shift_right_logical3A_785 : i32 to vector<40x256xi32>
    %shift_right_logical3A_787 = arith.shrui %xor3A_780, %shift_right_logical3A_786 : vector<40x256xi32>
    %or3A_788 = arith.ori %shift_left3A_784, %shift_right_logical3A_787 : vector<40x256xi32>
    %xor3A_789 = arith.xori %add3A_781, %or3A_788 : vector<40x256xi32>
    %add3A_790 = arith.addi %add3A_781, %xor3A_789 : vector<40x256xi32>
    %shift_left3A_791 = arith.constant 6 : i32
    %shift_left3A_792 = vector.broadcast %shift_left3A_791 : i32 to vector<40x256xi32>
    %shift_left3A_793 = arith.shli %xor3A_789, %shift_left3A_792 : vector<40x256xi32>
    %shift_right_logical3A_794 = arith.constant 26 : i32
    %shift_right_logical3A_795 = vector.broadcast %shift_right_logical3A_794 : i32 to vector<40x256xi32>
    %shift_right_logical3A_796 = arith.shrui %xor3A_789, %shift_right_logical3A_795 : vector<40x256xi32>
    %or3A_797 = arith.ori %shift_left3A_793, %shift_right_logical3A_796 : vector<40x256xi32>
    %xor3A_798 = arith.xori %add3A_790, %or3A_797 : vector<40x256xi32>
    %add3A_799 = arith.addi %add3A_790, %add3A_443 : vector<40x256xi32>
    %add3A_800 = arith.addi %xor3A_798, %add3A_447 : vector<40x256xi32>
    %add3A_801 = arith.constant 3 : i32
    %add3A_802 = vector.broadcast %add3A_801 : i32 to vector<40x256xi32>
    %add3A_803 = arith.addi %add3A_800, %add3A_802 : vector<40x256xi32>
    %add3A_804 = arith.addi %add3A_799, %add3A_803 : vector<40x256xi32>
    %shift_left3A_805 = arith.constant 17 : i32
    %shift_left3A_806 = vector.broadcast %shift_left3A_805 : i32 to vector<40x256xi32>
    %shift_left3A_807 = arith.shli %add3A_803, %shift_left3A_806 : vector<40x256xi32>
    %shift_right_logical3A_808 = arith.constant 15 : i32
    %shift_right_logical3A_809 = vector.broadcast %shift_right_logical3A_808 : i32 to vector<40x256xi32>
    %shift_right_logical3A_810 = arith.shrui %add3A_803, %shift_right_logical3A_809 : vector<40x256xi32>
    %or3A_811 = arith.ori %shift_left3A_807, %shift_right_logical3A_810 : vector<40x256xi32>
    %xor3A_812 = arith.xori %add3A_804, %or3A_811 : vector<40x256xi32>
    %add3A_813 = arith.addi %add3A_804, %xor3A_812 : vector<40x256xi32>
    %shift_left3A_814 = arith.constant 29 : i32
    %shift_left3A_815 = vector.broadcast %shift_left3A_814 : i32 to vector<40x256xi32>
    %shift_left3A_816 = arith.shli %xor3A_812, %shift_left3A_815 : vector<40x256xi32>
    %shift_right_logical3A_817 = arith.constant 3 : i32
    %shift_right_logical3A_818 = vector.broadcast %shift_right_logical3A_817 : i32 to vector<40x256xi32>
    %shift_right_logical3A_819 = arith.shrui %xor3A_812, %shift_right_logical3A_818 : vector<40x256xi32>
    %or3A_820 = arith.ori %shift_left3A_816, %shift_right_logical3A_819 : vector<40x256xi32>
    %xor3A_821 = arith.xori %add3A_813, %or3A_820 : vector<40x256xi32>
    %add3A_822 = arith.addi %add3A_813, %xor3A_821 : vector<40x256xi32>
    %shift_left3A_823 = arith.constant 16 : i32
    %shift_left3A_824 = vector.broadcast %shift_left3A_823 : i32 to vector<40x256xi32>
    %shift_left3A_825 = arith.shli %xor3A_821, %shift_left3A_824 : vector<40x256xi32>
    %shift_right_logical3A_826 = arith.constant 16 : i32
    %shift_right_logical3A_827 = vector.broadcast %shift_right_logical3A_826 : i32 to vector<40x256xi32>
    %shift_right_logical3A_828 = arith.shrui %xor3A_821, %shift_right_logical3A_827 : vector<40x256xi32>
    %or3A_829 = arith.ori %shift_left3A_825, %shift_right_logical3A_828 : vector<40x256xi32>
    %xor3A_830 = arith.xori %add3A_822, %or3A_829 : vector<40x256xi32>
    %add3A_831 = arith.addi %add3A_822, %xor3A_830 : vector<40x256xi32>
    %shift_left3A_832 = arith.constant 24 : i32
    %shift_left3A_833 = vector.broadcast %shift_left3A_832 : i32 to vector<40x256xi32>
    %shift_left3A_834 = arith.shli %xor3A_830, %shift_left3A_833 : vector<40x256xi32>
    %shift_right_logical3A_835 = arith.constant 8 : i32
    %shift_right_logical3A_836 = vector.broadcast %shift_right_logical3A_835 : i32 to vector<40x256xi32>
    %shift_right_logical3A_837 = arith.shrui %xor3A_830, %shift_right_logical3A_836 : vector<40x256xi32>
    %or3A_838 = arith.ori %shift_left3A_834, %shift_right_logical3A_837 : vector<40x256xi32>
    %xor3A_839 = arith.xori %add3A_831, %or3A_838 : vector<40x256xi32>
    %add3A_840 = arith.addi %add3A_831, %add3A_447 : vector<40x256xi32>
    %add3A_841 = arith.addi %xor3A_839, %xor3A_678 : vector<40x256xi32>
    %add3A_842 = arith.constant 4 : i32
    %add3A_843 = vector.broadcast %add3A_842 : i32 to vector<40x256xi32>
    %add3A_844 = arith.addi %add3A_841, %add3A_843 : vector<40x256xi32>
    %add3A_845 = arith.addi %add3A_840, %add3A_844 : vector<40x256xi32>
    %shift_left3A_846 = arith.constant 13 : i32
    %shift_left3A_847 = vector.broadcast %shift_left3A_846 : i32 to vector<40x256xi32>
    %shift_left3A_848 = arith.shli %add3A_844, %shift_left3A_847 : vector<40x256xi32>
    %shift_right_logical3A_849 = arith.constant 19 : i32
    %shift_right_logical3A_850 = vector.broadcast %shift_right_logical3A_849 : i32 to vector<40x256xi32>
    %shift_right_logical3A_851 = arith.shrui %add3A_844, %shift_right_logical3A_850 : vector<40x256xi32>
    %or3A_852 = arith.ori %shift_left3A_848, %shift_right_logical3A_851 : vector<40x256xi32>
    %xor3A_853 = arith.xori %add3A_845, %or3A_852 : vector<40x256xi32>
    %add3A_854 = arith.addi %add3A_845, %xor3A_853 : vector<40x256xi32>
    %shift_left3A_855 = arith.constant 15 : i32
    %shift_left3A_856 = vector.broadcast %shift_left3A_855 : i32 to vector<40x256xi32>
    %shift_left3A_857 = arith.shli %xor3A_853, %shift_left3A_856 : vector<40x256xi32>
    %shift_right_logical3A_858 = arith.constant 17 : i32
    %shift_right_logical3A_859 = vector.broadcast %shift_right_logical3A_858 : i32 to vector<40x256xi32>
    %shift_right_logical3A_860 = arith.shrui %xor3A_853, %shift_right_logical3A_859 : vector<40x256xi32>
    %or3A_861 = arith.ori %shift_left3A_857, %shift_right_logical3A_860 : vector<40x256xi32>
    %xor3A_862 = arith.xori %add3A_854, %or3A_861 : vector<40x256xi32>
    %add3A_863 = arith.addi %add3A_854, %xor3A_862 : vector<40x256xi32>
    %shift_left3A_864 = arith.constant 26 : i32
    %shift_left3A_865 = vector.broadcast %shift_left3A_864 : i32 to vector<40x256xi32>
    %shift_left3A_866 = arith.shli %xor3A_862, %shift_left3A_865 : vector<40x256xi32>
    %shift_right_logical3A_867 = arith.constant 6 : i32
    %shift_right_logical3A_868 = vector.broadcast %shift_right_logical3A_867 : i32 to vector<40x256xi32>
    %shift_right_logical3A_869 = arith.shrui %xor3A_862, %shift_right_logical3A_868 : vector<40x256xi32>
    %or3A_870 = arith.ori %shift_left3A_866, %shift_right_logical3A_869 : vector<40x256xi32>
    %xor3A_871 = arith.xori %add3A_863, %or3A_870 : vector<40x256xi32>
    %add3A_872 = arith.addi %add3A_863, %xor3A_871 : vector<40x256xi32>
    %shift_left3A_873 = arith.constant 6 : i32
    %shift_left3A_874 = vector.broadcast %shift_left3A_873 : i32 to vector<40x256xi32>
    %shift_left3A_875 = arith.shli %xor3A_871, %shift_left3A_874 : vector<40x256xi32>
    %shift_right_logical3A_876 = arith.constant 26 : i32
    %shift_right_logical3A_877 = vector.broadcast %shift_right_logical3A_876 : i32 to vector<40x256xi32>
    %shift_right_logical3A_878 = arith.shrui %xor3A_871, %shift_right_logical3A_877 : vector<40x256xi32>
    %or3A_879 = arith.ori %shift_left3A_875, %shift_right_logical3A_878 : vector<40x256xi32>
    %xor3A_880 = arith.xori %add3A_872, %or3A_879 : vector<40x256xi32>
    %add3A_881 = arith.addi %add3A_872, %xor3A_678 : vector<40x256xi32>
    %add3A_882 = arith.addi %xor3A_880, %add3A_443 : vector<40x256xi32>
    %add3A_883 = arith.constant 5 : i32
    %add3A_884 = vector.broadcast %add3A_883 : i32 to vector<40x256xi32>
    %add3A_885 = arith.addi %add3A_882, %add3A_884 : vector<40x256xi32>
    %xor3A_886 = arith.xori %add3A_881, %add3A_885 : vector<40x256xi32>
    %shift_right_logical3A_887 = arith.constant 9 : i32
    %shift_right_logical3A_888 = vector.broadcast %shift_right_logical3A_887 : i32 to vector<40x256xi32>
    %shift_right_logical3A_889 = arith.shrui %xor3A_886, %shift_right_logical3A_888 : vector<40x256xi32>
    %or3A_890 = arith.constant 1065353216 : i32
    %or3A_891 = vector.broadcast %or3A_890 : i32 to vector<40x256xi32>
    %or3A_892 = arith.ori %shift_right_logical3A_889, %or3A_891 : vector<40x256xi32>
    %bitcast_convert_type3A = tpu.bitcast %or3A_892 : vector<40x256xi32> -> vector<40x256xf32>
    %sub3A_893 = arith.constant 1.000000e+00 : f32
    %sub3A_894 = vector.broadcast %sub3A_893 : f32 to vector<40x256xf32>
    %sub3A_895 = arith.subf %bitcast_convert_type3A, %sub3A_894 : vector<40x256xf32>
    %sub3A_896 = arith.constant 1.000000e+00 : f32
    %sub3A_897 = vector.broadcast %sub3A_896 : f32 to vector<40x256xf32>
    %sub3A_898 = arith.subf %sub3A_897, %sub3A_895 : vector<40x256xf32>
    %div3A = arith.constant 1.000000e+00 : f32
    %div3A_899 = vector.broadcast %div3A : f32 to vector<40x256xf32>
    %div3A_900 = arith.divf %div3A_899, %get3A_8 : vector<40x256xf32>
    %pow3A = math.powf %sub3A_898, %div3A_900 : vector<40x256xf32>
    %jit3A = arith.constant 1.000000e+00 : f32
    %broadcast_in_dim3A_901 = vector.broadcast %jit3A : f32 to vector<40x256xf32>
    %select_n3A_902 = arith.select %ge3A_223, %broadcast_in_dim3A_901, %pow3A : vector<40x256xi1>, vector<40x256xf32>
    %mul3A_903 = arith.mulf %sub3A_228, %while3A#4 : vector<40x256xf32>
    %mul3A_904 = arith.mulf %mul3A_903, %select_n3A_902 : vector<40x256xf32>
    %swap3A = arith.constant 0 : index
    %swap3A_905 = arith.constant 0 : index
    %swap3A_906 = vector.load %arg2[%swap3A, %swap3A_905] : memref<40x256xf32, #tpu.memory_space<vmem>>, vector<40x256xf32>
    tpu.vector_store %arg2[%swap3A, %swap3A_905], %mul3A_904 {strides = array<i32>} : memref<40x256xf32, #tpu.memory_space<vmem>>, vector<40x256xf32>,
    return
  }
  func.func @transform_0(%arg0: i32) -> (i32, i32) {
    %c0_i32 = arith.constant 0 : i32
    %c0_i32_0 = arith.constant 0 : i32
    return %arg0, %c0_i32 : i32, i32
  }
  func.func @transform_1(%arg0: i32) -> (i32, i32) {
    %c0_i32 = arith.constant 0 : i32
    %c0_i32_0 = arith.constant 0 : i32
    return %arg0, %c0_i32 : i32, i32
  }
}

module attributes {stable_mosaic.version = 14 : i64} {
  func.func @_lambda_(%arg0: memref<128x512xf32, #tpu.memory_space<vmem>>) attributes {dimension_semantics = [], scalar_prefetch = 0 : i64, scratch_operands = 0 : i64, tpu.core_type = #tpu.core_type<tc>} {
    %iota3A = tpu.iota {dimensions = array<i32: 0>} : vector<128x512xi32>
    %mul3A = arith.constant 500 : i32
    %mul3A_0 = vector.broadcast %mul3A : i32 to vector<128x512xi32>
    %mul3A_1 = arith.muli %iota3A, %mul3A_0 : vector<128x512xi32>
    %iota3A_2 = tpu.iota {dimensions = array<i32: 1>} : vector<128x512xi32>
    %add3A = arith.addi %mul3A_1, %iota3A_2 : vector<128x512xi32>
    %broadcast_in_dim3A = arith.constant 0 : i32
    %broadcast_in_dim3A_3 = vector.broadcast %broadcast_in_dim3A : i32 to vector<128x512xi32>
    %add3A_4 = arith.constant 64467757 : i32
    %add3A_5 = vector.broadcast %add3A_4 : i32 to vector<128x512xi32>
    %add3A_6 = arith.addi %broadcast_in_dim3A_3, %add3A_5 : vector<128x512xi32>
    %add3A_7 = arith.constant -1378843660 : i32
    %add3A_8 = vector.broadcast %add3A_7 : i32 to vector<128x512xi32>
    %add3A_9 = arith.addi %add3A, %add3A_8 : vector<128x512xi32>
    %add3A_10 = arith.addi %add3A_6, %add3A_9 : vector<128x512xi32>
    %shift_left3A = arith.constant 13 : i32
    %shift_left3A_11 = vector.broadcast %shift_left3A : i32 to vector<128x512xi32>
    %shift_left3A_12 = arith.shli %add3A_9, %shift_left3A_11 : vector<128x512xi32>
    %shift_right_logical3A = arith.constant 19 : i32
    %shift_right_logical3A_13 = vector.broadcast %shift_right_logical3A : i32 to vector<128x512xi32>
    %shift_right_logical3A_14 = arith.shrui %add3A_9, %shift_right_logical3A_13 : vector<128x512xi32>
    %or3A = arith.ori %shift_left3A_12, %shift_right_logical3A_14 : vector<128x512xi32>
    %xor3A = arith.xori %add3A_10, %or3A : vector<128x512xi32>
    %add3A_15 = arith.addi %add3A_10, %xor3A : vector<128x512xi32>
    %shift_left3A_16 = arith.constant 15 : i32
    %shift_left3A_17 = vector.broadcast %shift_left3A_16 : i32 to vector<128x512xi32>
    %shift_left3A_18 = arith.shli %xor3A, %shift_left3A_17 : vector<128x512xi32>
    %shift_right_logical3A_19 = arith.constant 17 : i32
    %shift_right_logical3A_20 = vector.broadcast %shift_right_logical3A_19 : i32 to vector<128x512xi32>
    %shift_right_logical3A_21 = arith.shrui %xor3A, %shift_right_logical3A_20 : vector<128x512xi32>
    %or3A_22 = arith.ori %shift_left3A_18, %shift_right_logical3A_21 : vector<128x512xi32>
    %xor3A_23 = arith.xori %add3A_15, %or3A_22 : vector<128x512xi32>
    %add3A_24 = arith.addi %add3A_15, %xor3A_23 : vector<128x512xi32>
    %shift_left3A_25 = arith.constant 26 : i32
    %shift_left3A_26 = vector.broadcast %shift_left3A_25 : i32 to vector<128x512xi32>
    %shift_left3A_27 = arith.shli %xor3A_23, %shift_left3A_26 : vector<128x512xi32>
    %shift_right_logical3A_28 = arith.constant 6 : i32
    %shift_right_logical3A_29 = vector.broadcast %shift_right_logical3A_28 : i32 to vector<128x512xi32>
    %shift_right_logical3A_30 = arith.shrui %xor3A_23, %shift_right_logical3A_29 : vector<128x512xi32>
    %or3A_31 = arith.ori %shift_left3A_27, %shift_right_logical3A_30 : vector<128x512xi32>
    %xor3A_32 = arith.xori %add3A_24, %or3A_31 : vector<128x512xi32>
    %add3A_33 = arith.addi %add3A_24, %xor3A_32 : vector<128x512xi32>
    %shift_left3A_34 = arith.constant 6 : i32
    %shift_left3A_35 = vector.broadcast %shift_left3A_34 : i32 to vector<128x512xi32>
    %shift_left3A_36 = arith.shli %xor3A_32, %shift_left3A_35 : vector<128x512xi32>
    %shift_right_logical3A_37 = arith.constant 26 : i32
    %shift_right_logical3A_38 = vector.broadcast %shift_right_logical3A_37 : i32 to vector<128x512xi32>
    %shift_right_logical3A_39 = arith.shrui %xor3A_32, %shift_right_logical3A_38 : vector<128x512xi32>
    %or3A_40 = arith.ori %shift_left3A_36, %shift_right_logical3A_39 : vector<128x512xi32>
    %xor3A_41 = arith.xori %add3A_33, %or3A_40 : vector<128x512xi32>
    %add3A_42 = arith.constant -1378843660 : i32
    %add3A_43 = vector.broadcast %add3A_42 : i32 to vector<128x512xi32>
    %add3A_44 = arith.addi %add3A_33, %add3A_43 : vector<128x512xi32>
    %add3A_45 = arith.constant -1244255484 : i32
    %add3A_46 = vector.broadcast %add3A_45 : i32 to vector<128x512xi32>
    %add3A_47 = arith.addi %xor3A_41, %add3A_46 : vector<128x512xi32>
    %add3A_48 = arith.addi %add3A_44, %add3A_47 : vector<128x512xi32>
    %shift_left3A_49 = arith.constant 17 : i32
    %shift_left3A_50 = vector.broadcast %shift_left3A_49 : i32 to vector<128x512xi32>
    %shift_left3A_51 = arith.shli %add3A_47, %shift_left3A_50 : vector<128x512xi32>
    %shift_right_logical3A_52 = arith.constant 15 : i32
    %shift_right_logical3A_53 = vector.broadcast %shift_right_logical3A_52 : i32 to vector<128x512xi32>
    %shift_right_logical3A_54 = arith.shrui %add3A_47, %shift_right_logical3A_53 : vector<128x512xi32>
    %or3A_55 = arith.ori %shift_left3A_51, %shift_right_logical3A_54 : vector<128x512xi32>
    %xor3A_56 = arith.xori %add3A_48, %or3A_55 : vector<128x512xi32>
    %add3A_57 = arith.addi %add3A_48, %xor3A_56 : vector<128x512xi32>
    %shift_left3A_58 = arith.constant 29 : i32
    %shift_left3A_59 = vector.broadcast %shift_left3A_58 : i32 to vector<128x512xi32>
    %shift_left3A_60 = arith.shli %xor3A_56, %shift_left3A_59 : vector<128x512xi32>
    %shift_right_logical3A_61 = arith.constant 3 : i32
    %shift_right_logical3A_62 = vector.broadcast %shift_right_logical3A_61 : i32 to vector<128x512xi32>
    %shift_right_logical3A_63 = arith.shrui %xor3A_56, %shift_right_logical3A_62 : vector<128x512xi32>
    %or3A_64 = arith.ori %shift_left3A_60, %shift_right_logical3A_63 : vector<128x512xi32>
    %xor3A_65 = arith.xori %add3A_57, %or3A_64 : vector<128x512xi32>
    %add3A_66 = arith.addi %add3A_57, %xor3A_65 : vector<128x512xi32>
    %shift_left3A_67 = arith.constant 16 : i32
    %shift_left3A_68 = vector.broadcast %shift_left3A_67 : i32 to vector<128x512xi32>
    %shift_left3A_69 = arith.shli %xor3A_65, %shift_left3A_68 : vector<128x512xi32>
    %shift_right_logical3A_70 = arith.constant 16 : i32
    %shift_right_logical3A_71 = vector.broadcast %shift_right_logical3A_70 : i32 to vector<128x512xi32>
    %shift_right_logical3A_72 = arith.shrui %xor3A_65, %shift_right_logical3A_71 : vector<128x512xi32>
    %or3A_73 = arith.ori %shift_left3A_69, %shift_right_logical3A_72 : vector<128x512xi32>
    %xor3A_74 = arith.xori %add3A_66, %or3A_73 : vector<128x512xi32>
    %add3A_75 = arith.addi %add3A_66, %xor3A_74 : vector<128x512xi32>
    %shift_left3A_76 = arith.constant 24 : i32
    %shift_left3A_77 = vector.broadcast %shift_left3A_76 : i32 to vector<128x512xi32>
    %shift_left3A_78 = arith.shli %xor3A_74, %shift_left3A_77 : vector<128x512xi32>
    %shift_right_logical3A_79 = arith.constant 8 : i32
    %shift_right_logical3A_80 = vector.broadcast %shift_right_logical3A_79 : i32 to vector<128x512xi32>
    %shift_right_logical3A_81 = arith.shrui %xor3A_74, %shift_right_logical3A_80 : vector<128x512xi32>
    %or3A_82 = arith.ori %shift_left3A_78, %shift_right_logical3A_81 : vector<128x512xi32>
    %xor3A_83 = arith.xori %add3A_75, %or3A_82 : vector<128x512xi32>
    %add3A_84 = arith.constant -1244255485 : i32
    %add3A_85 = vector.broadcast %add3A_84 : i32 to vector<128x512xi32>
    %add3A_86 = arith.addi %add3A_75, %add3A_85 : vector<128x512xi32>
    %add3A_87 = arith.constant 64467759 : i32
    %add3A_88 = vector.broadcast %add3A_87 : i32 to vector<128x512xi32>
    %add3A_89 = arith.addi %xor3A_83, %add3A_88 : vector<128x512xi32>
    %add3A_90 = arith.addi %add3A_86, %add3A_89 : vector<128x512xi32>
    %shift_left3A_91 = arith.constant 13 : i32
    %shift_left3A_92 = vector.broadcast %shift_left3A_91 : i32 to vector<128x512xi32>
    %shift_left3A_93 = arith.shli %add3A_89, %shift_left3A_92 : vector<128x512xi32>
    %shift_right_logical3A_94 = arith.constant 19 : i32
    %shift_right_logical3A_95 = vector.broadcast %shift_right_logical3A_94 : i32 to vector<128x512xi32>
    %shift_right_logical3A_96 = arith.shrui %add3A_89, %shift_right_logical3A_95 : vector<128x512xi32>
    %or3A_97 = arith.ori %shift_left3A_93, %shift_right_logical3A_96 : vector<128x512xi32>
    %xor3A_98 = arith.xori %add3A_90, %or3A_97 : vector<128x512xi32>
    %add3A_99 = arith.addi %add3A_90, %xor3A_98 : vector<128x512xi32>
    %shift_left3A_100 = arith.constant 15 : i32
    %shift_left3A_101 = vector.broadcast %shift_left3A_100 : i32 to vector<128x512xi32>
    %shift_left3A_102 = arith.shli %xor3A_98, %shift_left3A_101 : vector<128x512xi32>
    %shift_right_logical3A_103 = arith.constant 17 : i32
    %shift_right_logical3A_104 = vector.broadcast %shift_right_logical3A_103 : i32 to vector<128x512xi32>
    %shift_right_logical3A_105 = arith.shrui %xor3A_98, %shift_right_logical3A_104 : vector<128x512xi32>
    %or3A_106 = arith.ori %shift_left3A_102, %shift_right_logical3A_105 : vector<128x512xi32>
    %xor3A_107 = arith.xori %add3A_99, %or3A_106 : vector<128x512xi32>
    %add3A_108 = arith.addi %add3A_99, %xor3A_107 : vector<128x512xi32>
    %shift_left3A_109 = arith.constant 26 : i32
    %shift_left3A_110 = vector.broadcast %shift_left3A_109 : i32 to vector<128x512xi32>
    %shift_left3A_111 = arith.shli %xor3A_107, %shift_left3A_110 : vector<128x512xi32>
    %shift_right_logical3A_112 = arith.constant 6 : i32
    %shift_right_logical3A_113 = vector.broadcast %shift_right_logical3A_112 : i32 to vector<128x512xi32>
    %shift_right_logical3A_114 = arith.shrui %xor3A_107, %shift_right_logical3A_113 : vector<128x512xi32>
    %or3A_115 = arith.ori %shift_left3A_111, %shift_right_logical3A_114 : vector<128x512xi32>
    %xor3A_116 = arith.xori %add3A_108, %or3A_115 : vector<128x512xi32>
    %add3A_117 = arith.addi %add3A_108, %xor3A_116 : vector<128x512xi32>
    %shift_left3A_118 = arith.constant 6 : i32
    %shift_left3A_119 = vector.broadcast %shift_left3A_118 : i32 to vector<128x512xi32>
    %shift_left3A_120 = arith.shli %xor3A_116, %shift_left3A_119 : vector<128x512xi32>
    %shift_right_logical3A_121 = arith.constant 26 : i32
    %shift_right_logical3A_122 = vector.broadcast %shift_right_logical3A_121 : i32 to vector<128x512xi32>
    %shift_right_logical3A_123 = arith.shrui %xor3A_116, %shift_right_logical3A_122 : vector<128x512xi32>
    %or3A_124 = arith.ori %shift_left3A_120, %shift_right_logical3A_123 : vector<128x512xi32>
    %xor3A_125 = arith.xori %add3A_117, %or3A_124 : vector<128x512xi32>
    %add3A_126 = arith.constant 64467757 : i32
    %add3A_127 = vector.broadcast %add3A_126 : i32 to vector<128x512xi32>
    %add3A_128 = arith.addi %add3A_117, %add3A_127 : vector<128x512xi32>
    %add3A_129 = arith.constant -1378843657 : i32
    %add3A_130 = vector.broadcast %add3A_129 : i32 to vector<128x512xi32>
    %add3A_131 = arith.addi %xor3A_125, %add3A_130 : vector<128x512xi32>
    %add3A_132 = arith.addi %add3A_128, %add3A_131 : vector<128x512xi32>
    %shift_left3A_133 = arith.constant 17 : i32
    %shift_left3A_134 = vector.broadcast %shift_left3A_133 : i32 to vector<128x512xi32>
    %shift_left3A_135 = arith.shli %add3A_131, %shift_left3A_134 : vector<128x512xi32>
    %shift_right_logical3A_136 = arith.constant 15 : i32
    %shift_right_logical3A_137 = vector.broadcast %shift_right_logical3A_136 : i32 to vector<128x512xi32>
    %shift_right_logical3A_138 = arith.shrui %add3A_131, %shift_right_logical3A_137 : vector<128x512xi32>
    %or3A_139 = arith.ori %shift_left3A_135, %shift_right_logical3A_138 : vector<128x512xi32>
    %xor3A_140 = arith.xori %add3A_132, %or3A_139 : vector<128x512xi32>
    %add3A_141 = arith.addi %add3A_132, %xor3A_140 : vector<128x512xi32>
    %shift_left3A_142 = arith.constant 29 : i32
    %shift_left3A_143 = vector.broadcast %shift_left3A_142 : i32 to vector<128x512xi32>
    %shift_left3A_144 = arith.shli %xor3A_140, %shift_left3A_143 : vector<128x512xi32>
    %shift_right_logical3A_145 = arith.constant 3 : i32
    %shift_right_logical3A_146 = vector.broadcast %shift_right_logical3A_145 : i32 to vector<128x512xi32>
    %shift_right_logical3A_147 = arith.shrui %xor3A_140, %shift_right_logical3A_146 : vector<128x512xi32>
    %or3A_148 = arith.ori %shift_left3A_144, %shift_right_logical3A_147 : vector<128x512xi32>
    %xor3A_149 = arith.xori %add3A_141, %or3A_148 : vector<128x512xi32>
    %add3A_150 = arith.addi %add3A_141, %xor3A_149 : vector<128x512xi32>
    %shift_left3A_151 = arith.constant 16 : i32
    %shift_left3A_152 = vector.broadcast %shift_left3A_151 : i32 to vector<128x512xi32>
    %shift_left3A_153 = arith.shli %xor3A_149, %shift_left3A_152 : vector<128x512xi32>
    %shift_right_logical3A_154 = arith.constant 16 : i32
    %shift_right_logical3A_155 = vector.broadcast %shift_right_logical3A_154 : i32 to vector<128x512xi32>
    %shift_right_logical3A_156 = arith.shrui %xor3A_149, %shift_right_logical3A_155 : vector<128x512xi32>
    %or3A_157 = arith.ori %shift_left3A_153, %shift_right_logical3A_156 : vector<128x512xi32>
    %xor3A_158 = arith.xori %add3A_150, %or3A_157 : vector<128x512xi32>
    %add3A_159 = arith.addi %add3A_150, %xor3A_158 : vector<128x512xi32>
    %shift_left3A_160 = arith.constant 24 : i32
    %shift_left3A_161 = vector.broadcast %shift_left3A_160 : i32 to vector<128x512xi32>
    %shift_left3A_162 = arith.shli %xor3A_158, %shift_left3A_161 : vector<128x512xi32>
    %shift_right_logical3A_163 = arith.constant 8 : i32
    %shift_right_logical3A_164 = vector.broadcast %shift_right_logical3A_163 : i32 to vector<128x512xi32>
    %shift_right_logical3A_165 = arith.shrui %xor3A_158, %shift_right_logical3A_164 : vector<128x512xi32>
    %or3A_166 = arith.ori %shift_left3A_162, %shift_right_logical3A_165 : vector<128x512xi32>
    %xor3A_167 = arith.xori %add3A_159, %or3A_166 : vector<128x512xi32>
    %add3A_168 = arith.constant -1378843660 : i32
    %add3A_169 = vector.broadcast %add3A_168 : i32 to vector<128x512xi32>
    %add3A_170 = arith.addi %add3A_159, %add3A_169 : vector<128x512xi32>
    %add3A_171 = arith.constant -1244255481 : i32
    %add3A_172 = vector.broadcast %add3A_171 : i32 to vector<128x512xi32>
    %add3A_173 = arith.addi %xor3A_167, %add3A_172 : vector<128x512xi32>
    %add3A_174 = arith.addi %add3A_170, %add3A_173 : vector<128x512xi32>
    %shift_left3A_175 = arith.constant 13 : i32
    %shift_left3A_176 = vector.broadcast %shift_left3A_175 : i32 to vector<128x512xi32>
    %shift_left3A_177 = arith.shli %add3A_173, %shift_left3A_176 : vector<128x512xi32>
    %shift_right_logical3A_178 = arith.constant 19 : i32
    %shift_right_logical3A_179 = vector.broadcast %shift_right_logical3A_178 : i32 to vector<128x512xi32>
    %shift_right_logical3A_180 = arith.shrui %add3A_173, %shift_right_logical3A_179 : vector<128x512xi32>
    %or3A_181 = arith.ori %shift_left3A_177, %shift_right_logical3A_180 : vector<128x512xi32>
    %xor3A_182 = arith.xori %add3A_174, %or3A_181 : vector<128x512xi32>
    %add3A_183 = arith.addi %add3A_174, %xor3A_182 : vector<128x512xi32>
    %shift_left3A_184 = arith.constant 15 : i32
    %shift_left3A_185 = vector.broadcast %shift_left3A_184 : i32 to vector<128x512xi32>
    %shift_left3A_186 = arith.shli %xor3A_182, %shift_left3A_185 : vector<128x512xi32>
    %shift_right_logical3A_187 = arith.constant 17 : i32
    %shift_right_logical3A_188 = vector.broadcast %shift_right_logical3A_187 : i32 to vector<128x512xi32>
    %shift_right_logical3A_189 = arith.shrui %xor3A_182, %shift_right_logical3A_188 : vector<128x512xi32>
    %or3A_190 = arith.ori %shift_left3A_186, %shift_right_logical3A_189 : vector<128x512xi32>
    %xor3A_191 = arith.xori %add3A_183, %or3A_190 : vector<128x512xi32>
    %add3A_192 = arith.addi %add3A_183, %xor3A_191 : vector<128x512xi32>
    %shift_left3A_193 = arith.constant 26 : i32
    %shift_left3A_194 = vector.broadcast %shift_left3A_193 : i32 to vector<128x512xi32>
    %shift_left3A_195 = arith.shli %xor3A_191, %shift_left3A_194 : vector<128x512xi32>
    %shift_right_logical3A_196 = arith.constant 6 : i32
    %shift_right_logical3A_197 = vector.broadcast %shift_right_logical3A_196 : i32 to vector<128x512xi32>
    %shift_right_logical3A_198 = arith.shrui %xor3A_191, %shift_right_logical3A_197 : vector<128x512xi32>
    %or3A_199 = arith.ori %shift_left3A_195, %shift_right_logical3A_198 : vector<128x512xi32>
    %xor3A_200 = arith.xori %add3A_192, %or3A_199 : vector<128x512xi32>
    %add3A_201 = arith.addi %add3A_192, %xor3A_200 : vector<128x512xi32>
    %shift_left3A_202 = arith.constant 6 : i32
    %shift_left3A_203 = vector.broadcast %shift_left3A_202 : i32 to vector<128x512xi32>
    %shift_left3A_204 = arith.shli %xor3A_200, %shift_left3A_203 : vector<128x512xi32>
    %shift_right_logical3A_205 = arith.constant 26 : i32
    %shift_right_logical3A_206 = vector.broadcast %shift_right_logical3A_205 : i32 to vector<128x512xi32>
    %shift_right_logical3A_207 = arith.shrui %xor3A_200, %shift_right_logical3A_206 : vector<128x512xi32>
    %or3A_208 = arith.ori %shift_left3A_204, %shift_right_logical3A_207 : vector<128x512xi32>
    %xor3A_209 = arith.xori %add3A_201, %or3A_208 : vector<128x512xi32>
    %add3A_210 = arith.constant -1244255485 : i32
    %add3A_211 = vector.broadcast %add3A_210 : i32 to vector<128x512xi32>
    %add3A_212 = arith.addi %add3A_201, %add3A_211 : vector<128x512xi32>
    %add3A_213 = arith.constant 64467762 : i32
    %add3A_214 = vector.broadcast %add3A_213 : i32 to vector<128x512xi32>
    %add3A_215 = arith.addi %xor3A_209, %add3A_214 : vector<128x512xi32>
    %xor3A_216 = arith.xori %add3A_212, %add3A_215 : vector<128x512xi32>
    %shift_right_logical3A_217 = arith.constant 9 : i32
    %shift_right_logical3A_218 = vector.broadcast %shift_right_logical3A_217 : i32 to vector<128x512xi32>
    %shift_right_logical3A_219 = arith.shrui %xor3A_216, %shift_right_logical3A_218 : vector<128x512xi32>
    %or3A_220 = arith.constant 1065353216 : i32
    %or3A_221 = vector.broadcast %or3A_220 : i32 to vector<128x512xi32>
    %or3A_222 = arith.ori %shift_right_logical3A_219, %or3A_221 : vector<128x512xi32>
    %bitcast_convert_type3A = tpu.bitcast %or3A_222 : vector<128x512xi32> -> vector<128x512xf32>
    %sub3A = arith.constant 1.000000e+00 : f32
    %sub3A_223 = vector.broadcast %sub3A : f32 to vector<128x512xf32>
    %sub3A_224 = arith.subf %bitcast_convert_type3A, %sub3A_223 : vector<128x512xf32>
    %swap3A = arith.constant 0 : index
    %swap3A_225 = arith.constant 0 : index
    %swap3A_226 = vector.load %arg0[%swap3A, %swap3A_225] : memref<128x512xf32, #tpu.memory_space<vmem>>, vector<128x512xf32>
    tpu.vector_store %arg0[%swap3A, %swap3A_225], %sub3A_224 {strides = array<i32>} : memref<128x512xf32, #tpu.memory_space<vmem>>, vector<128x512xf32>,
    return
  }
}

</mosaic_0001>

<sc_bundles>
// kernel: kernel.5.cloned.1.call-start
scs
__scs_entry_jumppad:
0x0: {  	(pc) =	sbr.rel $0x88, $3  }
0x1: {  	(tag) =	ssettag $0x0;
	lr =	simm.s32 $0x1  }
0x2: {  	[smem:$0x3FA0] =	sst lr;
	_ =	strace $0xD0000000  }
0x3: {  	_ = 	snop  }
0x4: {  	_ = 	snop  }
0x5: {  	_ = 	snop  }
0x6: {  	_ = 	snop  }
0x7: {  	_ = 	snop  }
__scs_overlays_trampoline_lowered:
0x8: {  	[smem:$0x3FAF] =	sst s0  }
0x9: {  	[smem:$0x3FB0] =	sst s1  }
0xa: {  	[smem:$0x3FB1] =	sst s2  }
0xb: {  	[smem:$0x3FB2] =	sst s3  }
0xc: {  	[smem:$0x3FB3] =	sst s4  }
0xd: {  	[smem:$0x3FB4] =	sst s5  }
0xe: {  	[smem:$0x3FB5] =	sst s6  }
0xf: {  	[smem:$0x3FB6] =	sst s7  }
0x10: {  	[smem:$0x3FB7] =	sst s8  }
0x11: {  	[smem:$0x3FB8] =	sst s9;
	s0 =	simm.s32 @!p0 $0x0  }
0x12: {  	s1 =	sld [smem:$0x3F9E];
	s0 =	simm.s32 @p0 $0x1  }
0x13: {  	[smem:$0x3FB9] =	sst s0;
	s0 =	simm.s32 @!p1 $0x0  }
0x14: {  	s2 =	sld [smem:$0x3F9D];
	s0 =	simm.s32 @p1 $0x1  }
0x15: {  	[smem:$0x3FBA] =	sst s0;
	s0 =	simm.s32 @!p2 $0x0  }
0x16: {  	s3 =	sld [smem:$0x3FDB];
	s0 =	simm.s32 @p2 $0x1  }
0x17: {  	s4 =	simm.s32 $0x1BF5;
	[smem:$0x3FBC] =	sst s0  }
0x18: {  	s0 =	sld [smem:$0x3F9F];
	_ =	swait.ge [sflag:s4], $0x0  }
0x19: {  	s7 =	sld [smem:$0x3FA0]  }
0x1a: {  	s8 =	sadd.s32 $0xFFFFE003, lr  }
0x1b: {  	s9 =	sadd.s32 $0xFFFFFEF7, lr;
	s5 =	simm.s32 $0xFFFFFFFF;
	p2 =	slt.u32 s8, $0xFFFFF086  }
0x1c: {  	p1 =	slt.u32 s9, $0xF7A;
	s5 =	simm.s32 @!p2 $0x0  }
0x1d: {  	s5 =	simm.s32 @p1 $0x1;
	p0 =	seq.s32 s7, s2  }
0x1e: {  	s7 =	smul.u32 @!p0 $0xF7A, s2;
	p2 =	seq.s32 @!p0 s5, $0x0  }
0x1f: {  	s9 =	smul.u32 $0xF7A, s1;
	s8 =	simm.s32 @!p0 $0x1BF5;
	p2 =	por !p2, p0  }
0x20: {  	[sflag:s8] =	ssyncset.s32 @!p0 $0xFFFFF086;
	s6 =	sadd.s32 @!p0 s3, s7;
	s7 =	simm.s32 @!p0 $0x108  }
0x21: {  	s3 =	sadd.s32 s3, s9;
	s6 =	sadd.s32 @!p0 $0x88, s6;
	s7 =	simm.s32 @p2 $0x1082  }
0x22: {  	[simem:s7], [sflag:s8] =	dma.local @!p0 [hbm:s6], $0xF7A  }
0x23: {  	s9 =	sor.u32 $0xD0000000, s2;
	s6 =	simm.s32 $0x108;
	_ =	swait.ge @!p0 [sflag:s8], $0x0  }
0x24: {  	s3 =	sadd.s32 $0x88, s3;
	s6 =	simm.s32 @!p1 $0x1082;
	[sflag:s4] =	ssyncset.s32 $0xFFFFF086  }
0x25: {  	[simem:s6], [sflag:s4] =	dma.local [hbm:s3], $0xF7A  }
0x26: {  	[smem:$0x3FA0] =	sst s1;
	(tag) =	ssettag s2;
	_ =	strace s9  }
0x27: {  	s1 =	sld [smem:$0x3FB0]  }
0x28: {  	s2 =	sld [smem:$0x3FB1]  }
0x29: {  	s4 =	sld [smem:$0x3FB3]  }
0x2a: {  	p0 =	seq.s32 s5, $0x0;
	s5 =	sld [smem:$0x3FB4]  }
0x2b: {  	s6 =	sld [smem:$0x3FB5]  }
0x2c: {  	s7 =	sld [smem:$0x3FB6]  }
0x2d: {  	s3 =	simm.s32 $0x108;
	s8 =	sld [smem:$0x3FB7]  }
0x2e: {  	s3 =	simm.s32 @!p0 $0x1082;
	s9 =	sld [smem:$0x3FB8]  }
0x2f: {  	lr =	sadd.s32 s0, s3;
	s0 =	sld [smem:$0x3FAF]  }
0x30: {  	s3 =	sld [smem:$0x3FB2]  }
0x31: {  	[smem:$0x3FBB] =	sst s10  }
0x32: {  	s10 =	sld [smem:$0x3FB9];
	_ =	sdelay $0x3  }
0x33: {  	p0 =	seq.s32 s10, $0x1;
	s10 =	sld [smem:$0x3FBB];
	_ =	sdelay $0x3  }
0x34: {  	[smem:$0x3FBB] =	sst s10  }
0x35: {  	s10 =	sld [smem:$0x3FBA];
	_ =	sdelay $0x3  }
0x36: {  	p1 =	seq.s32 s10, $0x1;
	s10 =	sld [smem:$0x3FBB];
	_ =	sdelay $0x3  }
0x37: {  	[smem:$0x3FBB] =	sst s10  }
0x38: {  	s10 =	sld [smem:$0x3FBC]  }
0x39: {  	_ = 	snop;
	(pc) =	sbr.ind lr, $3  }
0x3a: {  	_ = 	snop  }
0x3b: {  	_ = 	snop  }
0x3c: {  	p2 =	seq.s32 s10, $0x1;
	s10 =	sld [smem:$0x3FBB]  }
0x3d: {  	_ =	shalt  }
0x3e: {  	_ =	shalt  }
0x3f: {  	_ =	shalt  }
0x40: {  	_ =	shalt  }
0x41: {  	_ =	shalt  }
0x42: {  	_ =	shalt  }
0x43: {  	_ =	shalt  }
0x44: {  	_ =	shalt  }
0x45: {  	_ =	shalt  }
0x46: {  	_ =	shalt  }
0x47: {  	_ =	shalt  }
0x48: {  	_ =	shalt  }
0x49: {  	_ =	shalt  }
0x4a: {  	_ =	shalt  }
0x4b: {  	_ =	shalt  }
0x4c: {  	_ =	shalt  }
0x4d: {  	_ =	shalt  }
0x4e: {  	_ =	shalt  }
0x4f: {  	_ =	shalt  }
0x50: {  	_ =	shalt  }
0x51: {  	_ =	shalt  }
0x52: {  	_ =	shalt  }
0x53: {  	_ =	shalt  }
0x54: {  	_ =	shalt  }
0x55: {  	_ =	shalt  }
0x56: {  	_ =	shalt  }
0x57: {  	_ =	shalt  }
0x58: {  	_ =	shalt  }
0x59: {  	_ =	shalt  }
0x5a: {  	_ =	shalt  }
0x5b: {  	_ =	shalt  }
0x5c: {  	_ =	shalt  }
0x5d: {  	_ =	shalt  }
0x5e: {  	_ =	shalt  }
0x5f: {  	_ =	shalt  }
0x60: {  	_ =	shalt  }
0x61: {  	_ =	shalt  }
0x62: {  	_ =	shalt  }
0x63: {  	_ =	shalt  }
0x64: {  	_ =	shalt  }
0x65: {  	_ =	shalt  }
0x66: {  	_ =	shalt  }
0x67: {  	_ =	shalt  }
0x68: {  	_ =	shalt  }
0x69: {  	_ =	shalt  }
0x6a: {  	_ =	shalt  }
0x6b: {  	_ =	shalt  }
0x6c: {  	_ =	shalt  }
0x6d: {  	_ =	shalt  }
0x6e: {  	_ =	shalt  }
0x6f: {  	_ =	shalt  }
0x70: {  	_ =	shalt  }
0x71: {  	_ =	shalt  }
0x72: {  	_ =	shalt  }
0x73: {  	_ =	shalt  }
0x74: {  	_ =	shalt  }
0x75: {  	_ =	shalt  }
0x76: {  	_ =	shalt  }
0x77: {  	_ =	shalt  }
0x78: {  	_ =	shalt  }
0x79: {  	_ =	shalt  }
0x7a: {  	_ =	shalt  }
0x7b: {  	_ =	shalt  }
0x7c: {  	_ =	shalt  }
0x7d: {  	_ =	shalt  }
0x7e: {  	_ =	shalt  }
0x7f: {  	_ =	shalt  }
0x80: {  	_ =	shalt  }
0x81: {  	_ =	shalt  }
0x82: {  	_ =	shalt  }
0x83: {  	_ =	shalt  }
0x84: {  	_ =	shalt  }
0x85: {  	_ =	shalt  }
0x86: {  	_ =	shalt  }
0x87: {  	_ =	shalt  }
.Lfunc_end0:
.L_simem_size_0:
called_computation.4_lowered:
.L_overlay_start_0:
0x88: {  	s2 =	sld [smem:$0x3FD9]  }
0x89: {  	s3 =	sld [smem:$0x3FFE];
	_ =	sdelay $0x1  }
0x8a: {  	s1 =	srdreg.scid  }
0x8b: {  	s0 =	sand.u32 $0x1, s1  }
0x8c: {  	s16 =	sshll.u32 s0, $0xA;
	s2 =	sadd.s32 s3, s2  }
0x8d: {  	s2 =	sadd.s32 s2, s16  }
0x8e: {  	[smem:$0x3FC7] =	sst s2  }
0x8f: {  	_ = 	snop  }
0x90: {  	(tm) =	ssettm $0x1  }
0x91: {  	s17 =	sld [smem:$0x3FFB];
	_ =	sdelay $0x3  }
0x92: {  	_ =	strace s17  }
0x93: {  	s2 =	sld [smem:$0x3FFC];
	_ =	sdelay $0x3  }
0x94: {  	_ =	strace s2  }
0x95: {  	s2 =	sld [smem:$0x3FFD];
	_ =	sdelay $0x3  }
0x96: {  	_ =	strace s2  }
0x97: {  	_ =	strace $0x8FFFFFFF  }
0x98: {  	s18 =	sld [smem:$0x3FDB];
	_ =	sdelay $0x1  }
0x99: {  	s19 =	simm.s32 $_scs_section_size  }
0x9a: {  	s4 =	simm.s32 $_size__tile_overlayer_lowered;
	s5 =	simm.s32 $_tile_overlayer_lowered  }
0x9b: {  	s22 =	simm.s32 $0x1BFF;
	s21 =	sshll.u32 s5, $0x1;
	s2 =	sadd.s32 s19, s18  }
0x9c: {  	s6 =	simm.s32 $0x0;
	s20 =	sshll.u32 s4, $0x1;
	s4 =	sadd.s32 s21, s2  }
0x9d: {  	[timem:s6], [sflag:s22] =	dma.local [hbm:s4], s20  }
0x9e: {  	_ =	swait.ge [sflag:s22], s20  }
0x9f: {  	s3 =	ssub.s32 $0x0, s20;
	[sflag:s22] =	ssyncset.done $0x0  }
0xa0: {  	[sflag:s22] =	ssyncadd.s32 s3;
	_ =	sdelay $0x1  }
0xa1: {  	s23 =	simm.s32 $0x1B8B  }
0xa2: {  	_ =	swait.ge [sflag:s23], $0x1  }
0xa3: {  	[sflag:s23] =	ssyncset.done $0x0  }
0xa4: {  	s25 =	simm.s32 $0x1B8E;
	s24 =	sld [smem:$0x3FFE];
	[sflag:s23] =	ssyncadd.s32 $0xFFFFFFFF  }
0xa5: {  	s26 =	simm.s32 $execute0_lowered;
	[smem:$0x3FD2] =	sst s25  }
0xa6: {  	s4 =	sshll.u32 s26, $0x1;
	_ =	strace $0x8000004F;
	[dreg:$0x1] =	wrdreg $0xFFFFFFFF  }
0xa7: {  	s28 =	simm.s32 $_size_execute0_lowered;
	s2 =	sadd.s32 s2, s4;
	[dreg:$0x0] =	wrdreg $0x0  }
0xa8: {  	s4 =	sshll.u32 s28, $0x1;
	[dreg:$0x2] =	wrdreg s2  }
0xa9: {  	[dreg:$0x3] =	wrdreg s4  }
0xaa: {  	[dreg:$0x4] =	wrdreg $0xC0  }
0xab: {  	_ =	task [dreg:s6], $0x5FFFF  }
0xac: {  	[dreg:$0x1] =	wrdreg $0xFFFFFFFF  }
0xad: {  	[dreg:$0x0] =	wrdreg $0x60  }
0xae: {  	[dreg:$0x2] =	wrdreg s24  }
0xaf: {  	[dreg:$0x3] =	wrdreg $0x9  }
0xb0: {  	_ =	task.clear_ibuf [dreg:s6], $0x4FFFF;
	_ =	strace $0x9000004F  }
0xb1: {  	s29 =	simm.s32 $0x9;
	_ =	strace $0x80000051  }
0xb2: {  	_ =	swait.ge [sflag:s29], $0x1  }
0xb3: {  	[sflag:s29] =	ssyncadd.s32 $0xFFFFFFFF  }
0xb4: {  	_ =	strace $0x90000051  }
0xb5: {  	_ =	sfence  }
0xb6: {  	s30 =	sld [smem:$0x0];
	_ =	sdelay $0x2  }
0xb7: {  	s31 =	sshll.u32 s1, $0xD;
	s1 =	sshrl.u32 s1, $0x2  }
0xb8: {  	s3 =	sand.u32 $0x4000, s31;
	s1 =	sadd.s32 s1, s30  }
0xb9: {  	s0 =	sor.u32 s3, s0;
	s1 =	sshll.u32 s1, $0x11  }
0xba: {  	s0 =	sor.u32 s1, s0  }
0xbb: {  	s0 =	sadd.s32 $0x8F2B, s0  }
0xbc: {  	[sflag:s0] =	ssyncadd.remote.s32 $0x1  }
0xbd: {  	_ =	sfence.sel $0xFFFF  }
0xbe: {  	[dreg:$0x0] =	wrdreg $0xFFFFFFFF;
	(pc) =	sbr.abs _section_cstart, $3  }
0xbf: {  	[dreg:$0x1] =	wrdreg $0xFFFFFFFF  }
0xc0: {  	_ =	task.clear_ibuf [dreg:s6], $0x2FFFF;
	_ =	strace $0x9FFFFFFF  }
0xc1: {  	(tm) =	ssettm $0x7FFFFFFF  }
tec
execute0_lowered:
.L_overlay_start_1:
0x0: {  	(tag) =	ssettag $0x1  }
0x1: {  	s12 =	rddreg [dreg:$0x0]  }
0x2: {  	s0 =	rddreg [dreg:$0x1]  }
0x3: {  	s1 =	simm.s32 $0x0;
	s3 =	srdreg.scid;
	s2 =	stileid.u32  }
0x4: {  	s20 =	simm.s32 $0x0;
	[smem:$0x7FF] =	sst s1;
	s13 =	sadd.s32 $0x187000, s12  }
0x5: {  	s14 =	sadd.s32 $0x189000, s12;
	s3 =	sand.u32 $0x1, s3;
	s11 =	smul.u32 $0xC3800, s2  }
0x6: {  	s15 =	sshll.u32 s2, $0xC;
	s4 =	ssub.s32 $0x2, s3;
	s10 =	sshll.u32 s3, $0x9  }
0x7: {  	_ =	strace $0x80000050;
	s25 =	sshrl.u32 s4, $0x1;
	s5 =	sor.u32 s10, s11  }
0x8: {  	s6 =	sor.u32 s10, s15;
	s28 =	sor.u32 $0x80, s10;
	s9 =	sor.u32 $0x100, s10  }
0x9: {  	s19 =	sor.u32 $0x180, s10;
	s16 =	ssub.s32 s4, s25;
	s5 =	sshrl.u32 s5, $0x3  }
0xa: {  	s26 =	sshrl.u32 s6, $0x3;
	s7 =	sor.u32 s11, s28;
	s6 =	sor.u32 s15, s28  }
0xb: {  	s17 =	sor.u32 s11, s9;
	s18 =	sor.u32 s15, s9;
	s30 =	sor.u32 s11, s19  }
0xc: {  	s15 =	sor.u32 s15, s19;
	s19 =	simm.s32 $0x18700;
	s3 =	sadd.s32 s12, s5  }
0xd: {  	s4 =	sadd.s32 s13, s26;
	s5 =	sadd.s32 s14, s5;
	s8 =	sshrl.u32 s7, $0x3  }
0xe: {  	v0 =	vlaneseq.u32;
	s29 =	sshrl.u32 s6, $0x3;
	s17 =	sshrl.u32 s17, $0x3;
	s18 =	sshrl.u32 s18, $0x3  }
0xf: {  	v3 =	vmul.u32 $0xFFFFFFFF, v0;
	v0 =	vimm.s32 $0xFFFF;
	s31 =	sshrl.u32 s30, $0x3;
	s15 =	sshrl.u32 s15, $0x3;
	s6 =	sadd.s32 s12, s8  }
0x10: {  	s7 =	sadd.s32 s13, s29;
	s8 =	sadd.s32 s14, s8;
	s9 =	sadd.s32 s12, s17  }
0x11: {  	s10 =	sadd.s32 s13, s18;
	s11 =	sadd.s32 s14, s17;
	s12 =	sadd.s32 s12, s31  }
0x12: {  	v1 =	vimm.s32 $0x0;
	s13 =	sadd.s32 s13, s15;
	s14 =	sadd.s32 s14, s31;
	s15 =	smax.u32 s16, $0x1  }
0x13: {  	v2 =	vimm.f32 $0.0e+00;
	v4 =	vimm.f32 $1.000000000e+00;
	v3 =	vadd.s32 $0x1F4, v3;
	s16 =	simm.s32 $0x80;
	s17 =	simm.s32 $0x400;
	s18 =	simm.s32 $0x1  }
.LBB2_1:
0x14: {  	[tilespmem:s1], [sflag:$0x1] =	stream.strided.gather [hbm4b:s3+s16], $0x18700, s17, s16, $0x38;
	[tilespmem:$0x18B00] =	vst v63  }
0x15: {  	_ =	swait.ge [sflag:s18], $0x18700  }
0x16: {  	[sflag:s18] =	ssyncset.done $0x0  }
0x17: {  	[sflag:s18] =	ssyncadd.s32 $0xFFFE7900  }
0x18: {  	[tilespmem:s19], [sflag:$0x1] =	stream.strided.gather [hbm4b:s4+s16], $0x200, s17, s16, $0x38;
	[tilespmem:$0x18B00] =	vst v63  }
0x19: {  	_ =	swait.ge [sflag:s18], $0x200  }
0x1a: {  	[sflag:s18] =	ssyncset.done $0x0  }
0x1b: {  	s22 =	simm.s32 $0x0;
	[sflag:s18] =	ssyncadd.s32 $0xFFFFFE00  }
.LBB2_2:
0x1c: {  	s23 =	sshra.s32 s22, $0x2  }
0x1d: {  	s21 =	simm.s32 $0x0;
	v5 =	vld [tilespmem:s23+$0x18700]  }
0x1e: {  	v6 =	vld.idx.msk [tilespmem:v0+s21+$0x0], $0xffff;
	_ =	sdelay $0x4  }
0x1f: {  	vm0 =	vlt.f32 v6, v5  }
0x20: {  	v6 =	vsel vm0, $0x10000, v1  }
0x21: {  	v7 =	vor.u32 $0x7FFF, v6;
	_ =	sdelay $0x4  }
0x22: {  	v7 =	vld.idx.msk [tilespmem:v7+s21+$0x0], $0xffff;
	_ =	sdelay $0x4  }
0x23: {  	v8 =	vor.u32 $0x8000, v6;
	vm11 =	vlt.f32 v7, v5  }
0x24: {  	v6 =	vsel vm11, v8, v6  }
0x25: {  	v7 =	vor.u32 $0x4000, v6  }
0x26: {  	v49 =	vmin.u32 v7, $0x186A0  }
0x27: {  	v8 =	vadd.s32 $0xFFFFFFFF, v49;
	_ =	sdelay $0x4  }
0x28: {  	v8 =	vld.idx.msk [tilespmem:v8+s21+$0x0], $0xffff;
	_ =	sdelay $0x4  }
0x29: {  	vm12 =	vlt.u32 v7, $0x186A1;
	vm1 =	vlt.f32 v8, v5  }
0x2a: {  	vm0 =	vmand vm1, vm12  }
0x2b: {  	v6 =	vsel vm0, v7, v6  }
0x2c: {  	v7 =	vor.u32 $0x2000, v6  }
0x2d: {  	v50 =	vmin.u32 v7, $0x186A0  }
0x2e: {  	v8 =	vadd.s32 $0xFFFFFFFF, v50;
	_ =	sdelay $0x4  }
0x2f: {  	v8 =	vld.idx.msk [tilespmem:v8+s21+$0x0], $0xffff;
	_ =	sdelay $0x4  }
0x30: {  	vm13 =	vlt.u32 v7, $0x186A1;
	vm14 =	vlt.f32 v8, v5  }
0x31: {  	vm0 =	vmand vm14, vm13  }
0x32: {  	v6 =	vsel vm0, v7, v6  }
0x33: {  	v7 =	vadd.s32 $0x1000, v6  }
0x34: {  	v51 =	vmin.u32 v7, $0x186A0  }
0x35: {  	v8 =	vadd.s32 $0xFFFFFFFF, v51;
	_ =	sdelay $0x4  }
0x36: {  	v8 =	vld.idx.msk [tilespmem:v8+s21+$0x0], $0xffff;
	_ =	sdelay $0x4  }
0x37: {  	vm0 =	vlt.u32 v6, $0x176A1;
	vm15 =	vlt.f32 v8, v5  }
0x38: {  	vm0 =	vmand vm15, vm0  }
0x39: {  	v6 =	vsel vm0, v7, v6  }
0x3a: {  	v7 =	vadd.s32 $0x800, v6  }
0x3b: {  	v52 =	vmin.u32 v7, $0x186A0  }
0x3c: {  	v8 =	vadd.s32 $0xFFFFFFFF, v52;
	_ =	sdelay $0x4  }
0x3d: {  	v8 =	vld.idx.msk [tilespmem:v8+s21+$0x0], $0xffff;
	_ =	sdelay $0x4  }
0x3e: {  	vm0 =	vlt.u32 v6, $0x17EA1;
	vm4 =	vlt.f32 v8, v5  }
0x3f: {  	vm0 =	vmand vm4, vm0  }
0x40: {  	v6 =	vsel vm0, v7, v6  }
0x41: {  	v7 =	vadd.s32 $0x400, v6  }
0x42: {  	v53 =	vmin.u32 v7, $0x186A0  }
0x43: {  	v8 =	vadd.s32 $0xFFFFFFFF, v53;
	_ =	sdelay $0x4  }
0x44: {  	v8 =	vld.idx.msk [tilespmem:v8+s21+$0x0], $0xffff;
	_ =	sdelay $0x4  }
0x45: {  	vm0 =	vlt.u32 v6, $0x182A1;
	vm5 =	vlt.f32 v8, v5  }
0x46: {  	vm0 =	vmand vm5, vm0  }
0x47: {  	v6 =	vsel vm0, v7, v6  }
0x48: {  	v7 =	vadd.s32 $0x200, v6  }
0x49: {  	v54 =	vmin.u32 v7, $0x186A0  }
0x4a: {  	v8 =	vadd.s32 $0xFFFFFFFF, v54;
	_ =	sdelay $0x4  }
0x4b: {  	v8 =	vld.idx.msk [tilespmem:v8+s21+$0x0], $0xffff;
	_ =	sdelay $0x4  }
0x4c: {  	vm0 =	vlt.u32 v6, $0x184A1;
	vm6 =	vlt.f32 v8, v5  }
0x4d: {  	vm0 =	vmand vm6, vm0  }
0x4e: {  	v6 =	vsel vm0, v7, v6  }
0x4f: {  	v7 =	vadd.s32 $0x100, v6  }
0x50: {  	v55 =	vmin.u32 v7, $0x186A0  }
0x51: {  	v8 =	vadd.s32 $0xFFFFFFFF, v55;
	_ =	sdelay $0x4  }
0x52: {  	v8 =	vld.idx.msk [tilespmem:v8+s21+$0x0], $0xffff;
	_ =	sdelay $0x4  }
0x53: {  	vm0 =	vlt.u32 v6, $0x185A1;
	vm7 =	vlt.f32 v8, v5  }
0x54: {  	vm0 =	vmand vm7, vm0  }
0x55: {  	v6 =	vsel vm0, v7, v6  }
0x56: {  	v7 =	vadd.s32 $0x80, v6  }
0x57: {  	v56 =	vmin.u32 v7, $0x186A0  }
0x58: {  	v8 =	vadd.s32 $0xFFFFFFFF, v56;
	_ =	sdelay $0x4  }
0x59: {  	v8 =	vld.idx.msk [tilespmem:v8+s21+$0x0], $0xffff;
	_ =	sdelay $0x4  }
0x5a: {  	vm0 =	vlt.u32 v6, $0x18621;
	vm8 =	vlt.f32 v8, v5  }
0x5b: {  	vm0 =	vmand vm8, vm0  }
0x5c: {  	v6 =	vsel vm0, v7, v6  }
0x5d: {  	v7 =	vadd.s32 $0x40, v6  }
0x5e: {  	v57 =	vmin.u32 v7, $0x186A0  }
0x5f: {  	v8 =	vadd.s32 $0xFFFFFFFF, v57;
	_ =	sdelay $0x4  }
0x60: {  	v8 =	vld.idx.msk [tilespmem:v8+s21+$0x0], $0xffff;
	_ =	sdelay $0x4  }
0x61: {  	vm0 =	vlt.u32 v6, $0x18661;
	vm9 =	vlt.f32 v8, v5  }
0x62: {  	vm0 =	vmand vm9, vm0  }
0x63: {  	v6 =	vsel vm0, v7, v6  }
0x64: {  	v7 =	vadd.s32 $0x20, v6  }
0x65: {  	v58 =	vmin.u32 v7, $0x186A0  }
0x66: {  	v8 =	vadd.s32 $0xFFFFFFFF, v58;
	_ =	sdelay $0x4  }
0x67: {  	v8 =	vld.idx.msk [tilespmem:v8+s21+$0x0], $0xffff;
	_ =	sdelay $0x4  }
0x68: {  	vm0 =	vlt.u32 v6, $0x18681;
	vm10 =	vlt.f32 v8, v5  }
0x69: {  	vm0 =	vmand vm10, vm0  }
0x6a: {  	v6 =	vsel vm0, v7, v6  }
0x6b: {  	v7 =	vadd.s32 $0x10, v6  }
0x6c: {  	v59 =	vmin.u32 v7, $0x186A0  }
0x6d: {  	v8 =	vadd.s32 $0xFFFFFFFF, v59;
	_ =	sdelay $0x4  }
0x6e: {  	v8 =	vld.idx.msk [tilespmem:v8+s21+$0x0], $0xffff;
	_ =	sdelay $0x4  }
0x6f: {  	vm0 =	vlt.u32 v6, $0x18691;
	vm11 =	vlt.f32 v8, v5  }
0x70: {  	vm0 =	vmand vm11, vm0  }
0x71: {  	v6 =	vsel vm0, v7, v6  }
0x72: {  	v7 =	vadd.s32 $0x8, v6  }
0x73: {  	v60 =	vmin.u32 v7, $0x186A0  }
0x74: {  	v8 =	vadd.s32 $0xFFFFFFFF, v60;
	_ =	sdelay $0x4  }
0x75: {  	v8 =	vld.idx.msk [tilespmem:v8+s21+$0x0], $0xffff;
	_ =	sdelay $0x4  }
0x76: {  	vm0 =	vlt.u32 v6, $0x18699;
	vm12 =	vlt.f32 v8, v5  }
0x77: {  	vm0 =	vmand vm12, vm0  }
0x78: {  	v6 =	vsel vm0, v7, v6  }
0x79: {  	v7 =	vadd.s32 $0x4, v6  }
0x7a: {  	v61 =	vmin.u32 v7, $0x186A0  }
0x7b: {  	v8 =	vadd.s32 $0xFFFFFFFF, v61;
	_ =	sdelay $0x4  }
0x7c: {  	v8 =	vld.idx.msk [tilespmem:v8+s21+$0x0], $0xffff;
	_ =	sdelay $0x4  }
0x7d: {  	vm0 =	vlt.u32 v6, $0x1869D;
	vm13 =	vlt.f32 v8, v5  }
0x7e: {  	vm0 =	vmand vm13, vm0  }
0x7f: {  	v6 =	vsel vm0, v7, v6  }
0x80: {  	v7 =	vadd.s32 $0x2, v6  }
0x81: {  	v62 =	vmin.u32 v7, $0x186A0  }
0x82: {  	v8 =	vadd.s32 $0xFFFFFFFF, v62;
	_ =	sdelay $0x4  }
0x83: {  	v8 =	vld.idx.msk [tilespmem:v8+s21+$0x0], $0xffff;
	_ =	sdelay $0x4  }
0x84: {  	vm0 =	vlt.u32 v6, $0x1869F;
	vm14 =	vlt.f32 v8, v5  }
0x85: {  	vm0 =	vmand vm14, vm0  }
0x86: {  	v6 =	vsel vm0, v7, v6  }
0x87: {  	v7 =	vadd.s32 $0x1, v6  }
0x88: {  	v63 =	vmin.u32 v7, $0x186A0  }
0x89: {  	v8 =	vadd.s32 $0xFFFFFFFF, v63;
	_ =	sdelay $0x4  }
0x8a: {  	v8 =	vld.idx.msk [tilespmem:v8+s21+$0x0], $0xffff;
	_ =	sdelay $0x3  }
0x8b: {  	p0 =	sne.s32 s22, $0x7C0  }
.Ltmp0:
0x8c: {  	vm0 =	vlt.u32 v6, $0x186A0;
	vm15 =	vlt.f32 v8, v5;
	(pc) =	sbr.rel @p0 .LBB2_2-.Ltmp0, $4  }
0x8d: {  	vm0 =	vmand vm15, vm0  }
0x8e: {  	v5 =	vsel vm0, v7, v6  }
0x8f: {  	v5 =	vmin.u32 v5, $0x1869F  }
0x90: {  	s22 =	sadd.s32 $0x40, s22;
	[tilespmem:s23+$0x18900] =	vst v5  }
0x91: {  	s22 =	simm.s32 $0x0  }
.LBB2_4:
0x92: {  	p0 =	sne.s32 s22, $0x61A40  }
.Ltmp1:
0x93: {  	_ = 	snop;
	(pc) =	sbr.rel @p0 .LBB2_4-.Ltmp1, $3  }
0x94: {  	_ =	sdelay $0x1  }
0x95: {  	s23 =	sshra.s32 s22, $0x2  }
0x96: {  	s22 =	sadd.s32 $0x40, s22;
	[tilespmem:s23+$0x0] =	vst v2  }
0x97: {  	s22 =	simm.s32 $0x18900  }
0x98: {  	s23 =	simm.s32 $0x10;
	v5 =	vld [tilespmem:s22+$0x0]  }
.LBB2_6:
0x99: {  	p0 =	sne.s32 s23, $0x1F0;
	v6 =	vmov s21;
	s21 =	smov.u32 s23  }
0x9a: {  	vm0 =	vlt.u32 v6, v3;
	_ =	sdelay $0x2  }
.Ltmp2:
0x9b: {  	(pc) =	sbr.rel @p0 .LBB2_6-.Ltmp2, $3  }
0x9c: {  	_ =	sdelay $0x1  }
0x9d: {  	s22 =	sadd.s32 $0x10, s22;
	[tilespmem:v5+s1+$0x0] =	vst.idx.add.f32.msk vm0, v4  }
0x9e: {  	s23 =	sadd.s32 $0x10, s23;
	v5 =	vld [tilespmem:s22+$0x0]  }
0x9f: {  	_ = 	snop  }
0xa0: {  	v6 =	vmov s21  }
0xa1: {  	vm0 =	vlt.u32 v6, v3;
	_ =	sdelay $0x5  }
0xa2: {  	s21 =	simm.s32 $0x0;
	[tilespmem:v5+s1+$0x0] =	vst.idx.add.f32.msk vm0, v4  }
0xa3: {  	[hbm4b:s5+s16] =	stream.strided.scatter [tilespmem:s21], [sflag:$0x1], $0x18700, s17, s16, $0x38;
	[tilespmem:$0x18B00] =	vst v63  }
0xa4: {  	_ =	swait.ge [sflag:s18], $0x18700  }
0xa5: {  	[sflag:s18] =	ssyncset.done $0x0  }
0xa6: {  	[sflag:s18] =	ssyncadd.s32 $0xFFFE7900  }
0xa7: {  	[tilespmem:s21], [sflag:$0x1] =	stream.strided.gather [hbm4b:s6+s16], $0x18700, s17, s16, $0x38;
	[tilespmem:$0x18B00] =	vst v63  }
0xa8: {  	_ =	swait.ge [sflag:s18], $0x18700  }
0xa9: {  	[sflag:s18] =	ssyncset.done $0x0  }
0xaa: {  	[sflag:s18] =	ssyncadd.s32 $0xFFFE7900  }
0xab: {  	[tilespmem:s19], [sflag:$0x1] =	stream.strided.gather [hbm4b:s7+s16], $0x200, s17, s16, $0x38;
	[tilespmem:$0x18B00] =	vst v63  }
0xac: {  	_ =	swait.ge [sflag:s18], $0x200  }
0xad: {  	[sflag:s18] =	ssyncset.done $0x0  }
0xae: {  	s22 =	simm.s32 $0x0;
	[sflag:s18] =	ssyncadd.s32 $0xFFFFFE00  }
.LBB2_8:
0xaf: {  	s23 =	sshra.s32 s22, $0x2;
	v6 =	vld.idx.msk [tilespmem:v0+s21+$0x0], $0xffff  }
0xb0: {  	v5 =	vld [tilespmem:s23+$0x18700];
	_ =	sdelay $0x4  }
0xb1: {  	vm0 =	vlt.f32 v6, v5  }
0xb2: {  	v6 =	vsel vm0, $0x10000, v1  }
0xb3: {  	v7 =	vor.u32 $0x7FFF, v6;
	_ =	sdelay $0x4  }
0xb4: {  	v7 =	vld.idx.msk [tilespmem:v7+s21+$0x0], $0xffff;
	_ =	sdelay $0x4  }
0xb5: {  	v8 =	vor.u32 $0x8000, v6;
	vm11 =	vlt.f32 v7, v5  }
0xb6: {  	v6 =	vsel vm11, v8, v6  }
0xb7: {  	v7 =	vor.u32 $0x4000, v6  }
0xb8: {  	v49 =	vmin.u32 v7, $0x186A0  }
0xb9: {  	v8 =	vadd.s32 $0xFFFFFFFF, v49;
	_ =	sdelay $0x4  }
0xba: {  	v8 =	vld.idx.msk [tilespmem:v8+s21+$0x0], $0xffff;
	_ =	sdelay $0x4  }
0xbb: {  	vm12 =	vlt.u32 v7, $0x186A1;
	vm1 =	vlt.f32 v8, v5  }
0xbc: {  	vm0 =	vmand vm1, vm12  }
0xbd: {  	v6 =	vsel vm0, v7, v6  }
0xbe: {  	v7 =	vor.u32 $0x2000, v6  }
0xbf: {  	v50 =	vmin.u32 v7, $0x186A0  }
0xc0: {  	v8 =	vadd.s32 $0xFFFFFFFF, v50;
	_ =	sdelay $0x4  }
0xc1: {  	v8 =	vld.idx.msk [tilespmem:v8+s21+$0x0], $0xffff;
	_ =	sdelay $0x4  }
0xc2: {  	vm13 =	vlt.u32 v7, $0x186A1;
	vm14 =	vlt.f32 v8, v5  }
0xc3: {  	vm0 =	vmand vm14, vm13  }
0xc4: {  	v6 =	vsel vm0, v7, v6  }
0xc5: {  	v7 =	vadd.s32 $0x1000, v6  }
0xc6: {  	v51 =	vmin.u32 v7, $0x186A0  }
0xc7: {  	v8 =	vadd.s32 $0xFFFFFFFF, v51;
	_ =	sdelay $0x4  }
0xc8: {  	v8 =	vld.idx.msk [tilespmem:v8+s21+$0x0], $0xffff;
	_ =	sdelay $0x4  }
0xc9: {  	vm0 =	vlt.u32 v6, $0x176A1;
	vm15 =	vlt.f32 v8, v5  }
0xca: {  	vm0 =	vmand vm15, vm0  }
0xcb: {  	v6 =	vsel vm0, v7, v6  }
0xcc: {  	v7 =	vadd.s32 $0x800, v6  }
0xcd: {  	v52 =	vmin.u32 v7, $0x186A0  }
0xce: {  	v8 =	vadd.s32 $0xFFFFFFFF, v52;
	_ =	sdelay $0x4  }
0xcf: {  	v8 =	vld.idx.msk [tilespmem:v8+s21+$0x0], $0xffff;
	_ =	sdelay $0x4  }
0xd0: {  	vm0 =	vlt.u32 v6, $0x17EA1;
	vm4 =	vlt.f32 v8, v5  }
0xd1: {  	vm0 =	vmand vm4, vm0  }
0xd2: {  	v6 =	vsel vm0, v7, v6  }
0xd3: {  	v7 =	vadd.s32 $0x400, v6  }
0xd4: {  	v53 =	vmin.u32 v7, $0x186A0  }
0xd5: {  	v8 =	vadd.s32 $0xFFFFFFFF, v53;
	_ =	sdelay $0x4  }
0xd6: {  	v8 =	vld.idx.msk [tilespmem:v8+s21+$0x0], $0xffff;
	_ =	sdelay $0x4  }
0xd7: {  	vm0 =	vlt.u32 v6, $0x182A1;
	vm5 =	vlt.f32 v8, v5  }
0xd8: {  	vm0 =	vmand vm5, vm0  }
0xd9: {  	v6 =	vsel vm0, v7, v6  }
0xda: {  	v7 =	vadd.s32 $0x200, v6  }
0xdb: {  	v54 =	vmin.u32 v7, $0x186A0  }
0xdc: {  	v8 =	vadd.s32 $0xFFFFFFFF, v54;
	_ =	sdelay $0x4  }
0xdd: {  	v8 =	vld.idx.msk [tilespmem:v8+s21+$0x0], $0xffff;
	_ =	sdelay $0x4  }
0xde: {  	vm0 =	vlt.u32 v6, $0x184A1;
	vm6 =	vlt.f32 v8, v5  }
0xdf: {  	vm0 =	vmand vm6, vm0  }
0xe0: {  	v6 =	vsel vm0, v7, v6  }
0xe1: {  	v7 =	vadd.s32 $0x100, v6  }
0xe2: {  	v55 =	vmin.u32 v7, $0x186A0  }
0xe3: {  	v8 =	vadd.s32 $0xFFFFFFFF, v55;
	_ =	sdelay $0x4  }
0xe4: {  	v8 =	vld.idx.msk [tilespmem:v8+s21+$0x0], $0xffff;
	_ =	sdelay $0x4  }
0xe5: {  	vm0 =	vlt.u32 v6, $0x185A1;
	vm7 =	vlt.f32 v8, v5  }
0xe6: {  	vm0 =	vmand vm7, vm0  }
0xe7: {  	v6 =	vsel vm0, v7, v6  }
0xe8: {  	v7 =	vadd.s32 $0x80, v6  }
0xe9: {  	v56 =	vmin.u32 v7, $0x186A0  }
0xea: {  	v8 =	vadd.s32 $0xFFFFFFFF, v56;
	_ =	sdelay $0x4  }
0xeb: {  	v8 =	vld.idx.msk [tilespmem:v8+s21+$0x0], $0xffff;
	_ =	sdelay $0x4  }
0xec: {  	vm0 =	vlt.u32 v6, $0x18621;
	vm8 =	vlt.f32 v8, v5  }
0xed: {  	vm0 =	vmand vm8, vm0  }
0xee: {  	v6 =	vsel vm0, v7, v6  }
0xef: {  	v7 =	vadd.s32 $0x40, v6  }
0xf0: {  	v57 =	vmin.u32 v7, $0x186A0  }
0xf1: {  	v8 =	vadd.s32 $0xFFFFFFFF, v57;
	_ =	sdelay $0x4  }
0xf2: {  	v8 =	vld.idx.msk [tilespmem:v8+s21+$0x0], $0xffff;
	_ =	sdelay $0x4  }
0xf3: {  	vm0 =	vlt.u32 v6, $0x18661;
	vm9 =	vlt.f32 v8, v5  }
0xf4: {  	vm0 =	vmand vm9, vm0  }
0xf5: {  	v6 =	vsel vm0, v7, v6  }
0xf6: {  	v7 =	vadd.s32 $0x20, v6  }
0xf7: {  	v58 =	vmin.u32 v7, $0x186A0  }
0xf8: {  	v8 =	vadd.s32 $0xFFFFFFFF, v58;
	_ =	sdelay $0x4  }
0xf9: {  	v8 =	vld.idx.msk [tilespmem:v8+s21+$0x0], $0xffff;
	_ =	sdelay $0x4  }
0xfa: {  	vm0 =	vlt.u32 v6, $0x18681;
	vm10 =	vlt.f32 v8, v5  }
0xfb: {  	vm0 =	vmand vm10, vm0  }
0xfc: {  	v6 =	vsel vm0, v7, v6  }
0xfd: {  	v7 =	vadd.s32 $0x10, v6  }
0xfe: {  	v59 =	vmin.u32 v7, $0x186A0  }
0xff: {  	v8 =	vadd.s32 $0xFFFFFFFF, v59;
	_ =	sdelay $0x4  }
0x100: {  	v8 =	vld.idx.msk [tilespmem:v8+s21+$0x0], $0xffff;
	_ =	sdelay $0x4  }
0x101: {  	vm0 =	vlt.u32 v6, $0x18691;
	vm11 =	vlt.f32 v8, v5  }
0x102: {  	vm0 =	vmand vm11, vm0  }
0x103: {  	v6 =	vsel vm0, v7, v6  }
0x104: {  	v7 =	vadd.s32 $0x8, v6  }
0x105: {  	v60 =	vmin.u32 v7, $0x186A0  }
0x106: {  	v8 =	vadd.s32 $0xFFFFFFFF, v60;
	_ =	sdelay $0x4  }
0x107: {  	v8 =	vld.idx.msk [tilespmem:v8+s21+$0x0], $0xffff;
	_ =	sdelay $0x4  }
0x108: {  	vm0 =	vlt.u32 v6, $0x18699;
	vm12 =	vlt.f32 v8, v5  }
0x109: {  	vm0 =	vmand vm12, vm0  }
0x10a: {  	v6 =	vsel vm0, v7, v6  }
0x10b: {  	v7 =	vadd.s32 $0x4, v6  }
0x10c: {  	v61 =	vmin.u32 v7, $0x186A0  }
0x10d: {  	v8 =	vadd.s32 $0xFFFFFFFF, v61;
	_ =	sdelay $0x4  }
0x10e: {  	v8 =	vld.idx.msk [tilespmem:v8+s21+$0x0], $0xffff;
	_ =	sdelay $0x4  }
0x10f: {  	vm0 =	vlt.u32 v6, $0x1869D;
	vm13 =	vlt.f32 v8, v5  }
0x110: {  	vm0 =	vmand vm13, vm0  }
0x111: {  	v6 =	vsel vm0, v7, v6  }
0x112: {  	v7 =	vadd.s32 $0x2, v6  }
0x113: {  	v62 =	vmin.u32 v7, $0x186A0  }
0x114: {  	v8 =	vadd.s32 $0xFFFFFFFF, v62;
	_ =	sdelay $0x4  }
0x115: {  	v8 =	vld.idx.msk [tilespmem:v8+s21+$0x0], $0xffff;
	_ =	sdelay $0x4  }
0x116: {  	vm0 =	vlt.u32 v6, $0x1869F;
	vm14 =	vlt.f32 v8, v5  }
0x117: {  	vm0 =	vmand vm14, vm0  }
0x118: {  	v6 =	vsel vm0, v7, v6  }
0x119: {  	v7 =	vadd.s32 $0x1, v6  }
0x11a: {  	v63 =	vmin.u32 v7, $0x186A0  }
0x11b: {  	v8 =	vadd.s32 $0xFFFFFFFF, v63;
	_ =	sdelay $0x4  }
0x11c: {  	v8 =	vld.idx.msk [tilespmem:v8+s21+$0x0], $0xffff;
	_ =	sdelay $0x3  }
0x11d: {  	p0 =	sne.s32 s22, $0x7C0  }
.Ltmp3:
0x11e: {  	vm0 =	vlt.u32 v6, $0x186A0;
	vm15 =	vlt.f32 v8, v5;
	(pc) =	sbr.rel @p0 .LBB2_8-.Ltmp3, $4  }
0x11f: {  	vm0 =	vmand vm15, vm0  }
0x120: {  	v5 =	vsel vm0, v7, v6  }
0x121: {  	v5 =	vmin.u32 v5, $0x1869F  }
0x122: {  	s22 =	sadd.s32 $0x40, s22;
	[tilespmem:s23+$0x18900] =	vst v5  }
.LBB2_9:
0x123: {  	p0 =	sne.s32 s21, $0x61A40  }
.Ltmp4:
0x124: {  	_ = 	snop;
	(pc) =	sbr.rel @p0 .LBB2_9-.Ltmp4, $3  }
0x125: {  	_ =	sdelay $0x1  }
0x126: {  	s22 =	sshra.s32 s21, $0x2  }
0x127: {  	s21 =	sadd.s32 $0x40, s21;
	[tilespmem:s22+$0x0] =	vst v2  }
0x128: {  	s21 =	simm.s32 $0x18900  }
0x129: {  	s22 =	simm.s32 $0x0;
	s23 =	simm.s32 $0x10;
	v5 =	vld [tilespmem:s21+$0x0]  }
.LBB2_11:
0x12a: {  	p0 =	sne.s32 s23, $0x1F0;
	v6 =	vmov s22;
	s22 =	smov.u32 s23  }
0x12b: {  	vm0 =	vlt.u32 v6, v3;
	_ =	sdelay $0x2  }
.Ltmp5:
0x12c: {  	(pc) =	sbr.rel @p0 .LBB2_11-.Ltmp5, $3  }
0x12d: {  	_ =	sdelay $0x1  }
0x12e: {  	s21 =	sadd.s32 $0x10, s21;
	[tilespmem:v5+s1+$0x0] =	vst.idx.add.f32.msk vm0, v4  }
0x12f: {  	s23 =	sadd.s32 $0x10, s23;
	v5 =	vld [tilespmem:s21+$0x0]  }
0x130: {  	_ = 	snop  }
0x131: {  	v6 =	vmov s22  }
0x132: {  	vm0 =	vlt.u32 v6, v3;
	_ =	sdelay $0x5  }
0x133: {  	s21 =	simm.s32 $0x0;
	[tilespmem:v5+s1+$0x0] =	vst.idx.add.f32.msk vm0, v4  }
0x134: {  	[hbm4b:s8+s16] =	stream.strided.scatter [tilespmem:s21], [sflag:$0x1], $0x18700, s17, s16, $0x38;
	[tilespmem:$0x18B00] =	vst v63  }
0x135: {  	_ =	swait.ge [sflag:s18], $0x18700  }
0x136: {  	[sflag:s18] =	ssyncset.done $0x0  }
0x137: {  	[sflag:s18] =	ssyncadd.s32 $0xFFFE7900  }
0x138: {  	[tilespmem:s21], [sflag:$0x1] =	stream.strided.gather [hbm4b:s9+s16], $0x18700, s17, s16, $0x38;
	[tilespmem:$0x18B00] =	vst v63  }
0x139: {  	_ =	swait.ge [sflag:s18], $0x18700  }
0x13a: {  	[sflag:s18] =	ssyncset.done $0x0  }
0x13b: {  	[sflag:s18] =	ssyncadd.s32 $0xFFFE7900  }
0x13c: {  	[tilespmem:s19], [sflag:$0x1] =	stream.strided.gather [hbm4b:s10+s16], $0x200, s17, s16, $0x38;
	[tilespmem:$0x18B00] =	vst v63  }
0x13d: {  	_ =	swait.ge [sflag:s18], $0x200  }
0x13e: {  	[sflag:s18] =	ssyncset.done $0x0  }
0x13f: {  	s22 =	simm.s32 $0x0;
	[sflag:s18] =	ssyncadd.s32 $0xFFFFFE00  }
.LBB2_13:
0x140: {  	s23 =	sshra.s32 s22, $0x2;
	v6 =	vld.idx.msk [tilespmem:v0+s21+$0x0], $0xffff  }
0x141: {  	v5 =	vld [tilespmem:s23+$0x18700];
	_ =	sdelay $0x4  }
0x142: {  	vm0 =	vlt.f32 v6, v5  }
0x143: {  	v6 =	vsel vm0, $0x10000, v1  }
0x144: {  	v7 =	vor.u32 $0x7FFF, v6;
	_ =	sdelay $0x4  }
0x145: {  	v7 =	vld.idx.msk [tilespmem:v7+s21+$0x0], $0xffff;
	_ =	sdelay $0x4  }
0x146: {  	v8 =	vor.u32 $0x8000, v6;
	vm11 =	vlt.f32 v7, v5  }
0x147: {  	v6 =	vsel vm11, v8, v6  }
0x148: {  	v7 =	vor.u32 $0x4000, v6  }
0x149: {  	v49 =	vmin.u32 v7, $0x186A0  }
0x14a: {  	v8 =	vadd.s32 $0xFFFFFFFF, v49;
	_ =	sdelay $0x4  }
0x14b: {  	v8 =	vld.idx.msk [tilespmem:v8+s21+$0x0], $0xffff;
	_ =	sdelay $0x4  }
0x14c: {  	vm12 =	vlt.u32 v7, $0x186A1;
	vm1 =	vlt.f32 v8, v5  }
0x14d: {  	vm0 =	vmand vm1, vm12  }
0x14e: {  	v6 =	vsel vm0, v7, v6  }
0x14f: {  	v7 =	vor.u32 $0x2000, v6  }
0x150: {  	v50 =	vmin.u32 v7, $0x186A0  }
0x151: {  	v8 =	vadd.s32 $0xFFFFFFFF, v50;
	_ =	sdelay $0x4  }
0x152: {  	v8 =	vld.idx.msk [tilespmem:v8+s21+$0x0], $0xffff;
	_ =	sdelay $0x4  }
0x153: {  	vm13 =	vlt.u32 v7, $0x186A1;
	vm14 =	vlt.f32 v8, v5  }
0x154: {  	vm0 =	vmand vm14, vm13  }
0x155: {  	v6 =	vsel vm0, v7, v6  }
0x156: {  	v7 =	vadd.s32 $0x1000, v6  }
0x157: {  	v51 =	vmin.u32 v7, $0x186A0  }
0x158: {  	v8 =	vadd.s32 $0xFFFFFFFF, v51;
	_ =	sdelay $0x4  }
0x159: {  	v8 =	vld.idx.msk [tilespmem:v8+s21+$0x0], $0xffff;
	_ =	sdelay $0x4  }
0x15a: {  	vm0 =	vlt.u32 v6, $0x176A1;
	vm15 =	vlt.f32 v8, v5  }
0x15b: {  	vm0 =	vmand vm15, vm0  }
0x15c: {  	v6 =	vsel vm0, v7, v6  }
0x15d: {  	v7 =	vadd.s32 $0x800, v6  }
0x15e: {  	v52 =	vmin.u32 v7, $0x186A0  }
0x15f: {  	v8 =	vadd.s32 $0xFFFFFFFF, v52;
	_ =	sdelay $0x4  }
0x160: {  	v8 =	vld.idx.msk [tilespmem:v8+s21+$0x0], $0xffff;
	_ =	sdelay $0x4  }
0x161: {  	vm0 =	vlt.u32 v6, $0x17EA1;
	vm4 =	vlt.f32 v8, v5  }
0x162: {  	vm0 =	vmand vm4, vm0  }
0x163: {  	v6 =	vsel vm0, v7, v6  }
0x164: {  	v7 =	vadd.s32 $0x400, v6  }
0x165: {  	v53 =	vmin.u32 v7, $0x186A0  }
0x166: {  	v8 =	vadd.s32 $0xFFFFFFFF, v53;
	_ =	sdelay $0x4  }
0x167: {  	v8 =	vld.idx.msk [tilespmem:v8+s21+$0x0], $0xffff;
	_ =	sdelay $0x4  }
0x168: {  	vm0 =	vlt.u32 v6, $0x182A1;
	vm5 =	vlt.f32 v8, v5  }
0x169: {  	vm0 =	vmand vm5, vm0  }
0x16a: {  	v6 =	vsel vm0, v7, v6  }
0x16b: {  	v7 =	vadd.s32 $0x200, v6  }
0x16c: {  	v54 =	vmin.u32 v7, $0x186A0  }
0x16d: {  	v8 =	vadd.s32 $0xFFFFFFFF, v54;
	_ =	sdelay $0x4  }
0x16e: {  	v8 =	vld.idx.msk [tilespmem:v8+s21+$0x0], $0xffff;
	_ =	sdelay $0x4  }
0x16f: {  	vm0 =	vlt.u32 v6, $0x184A1;
	vm6 =	vlt.f32 v8, v5  }
0x170: {  	vm0 =	vmand vm6, vm0  }
0x171: {  	v6 =	vsel vm0, v7, v6  }
0x172: {  	v7 =	vadd.s32 $0x100, v6  }
0x173: {  	v55 =	vmin.u32 v7, $0x186A0  }
0x174: {  	v8 =	vadd.s32 $0xFFFFFFFF, v55;
	_ =	sdelay $0x4  }
0x175: {  	v8 =	vld.idx.msk [tilespmem:v8+s21+$0x0], $0xffff;
	_ =	sdelay $0x4  }
0x176: {  	vm0 =	vlt.u32 v6, $0x185A1;
	vm7 =	vlt.f32 v8, v5  }
0x177: {  	vm0 =	vmand vm7, vm0  }
0x178: {  	v6 =	vsel vm0, v7, v6  }
0x179: {  	v7 =	vadd.s32 $0x80, v6  }
0x17a: {  	v56 =	vmin.u32 v7, $0x186A0  }
0x17b: {  	v8 =	vadd.s32 $0xFFFFFFFF, v56;
	_ =	sdelay $0x4  }
0x17c: {  	v8 =	vld.idx.msk [tilespmem:v8+s21+$0x0], $0xffff;
	_ =	sdelay $0x4  }
0x17d: {  	vm0 =	vlt.u32 v6, $0x18621;
	vm8 =	vlt.f32 v8, v5  }
0x17e: {  	vm0 =	vmand vm8, vm0  }
0x17f: {  	v6 =	vsel vm0, v7, v6  }
0x180: {  	v7 =	vadd.s32 $0x40, v6  }
0x181: {  	v57 =	vmin.u32 v7, $0x186A0  }
0x182: {  	v8 =	vadd.s32 $0xFFFFFFFF, v57;
	_ =	sdelay $0x4  }
0x183: {  	v8 =	vld.idx.msk [tilespmem:v8+s21+$0x0], $0xffff;
	_ =	sdelay $0x4  }
0x184: {  	vm0 =	vlt.u32 v6, $0x18661;
	vm9 =	vlt.f32 v8, v5  }
0x185: {  	vm0 =	vmand vm9, vm0  }
0x186: {  	v6 =	vsel vm0, v7, v6  }
0x187: {  	v7 =	vadd.s32 $0x20, v6  }
0x188: {  	v58 =	vmin.u32 v7, $0x186A0  }
0x189: {  	v8 =	vadd.s32 $0xFFFFFFFF, v58;
	_ =	sdelay $0x4  }
0x18a: {  	v8 =	vld.idx.msk [tilespmem:v8+s21+$0x0], $0xffff;
	_ =	sdelay $0x4  }
0x18b: {  	vm0 =	vlt.u32 v6, $0x18681;
	vm10 =	vlt.f32 v8, v5  }
0x18c: {  	vm0 =	vmand vm10, vm0  }
0x18d: {  	v6 =	vsel vm0, v7, v6  }
0x18e: {  	v7 =	vadd.s32 $0x10, v6  }
0x18f: {  	v59 =	vmin.u32 v7, $0x186A0  }
0x190: {  	v8 =	vadd.s32 $0xFFFFFFFF, v59;
	_ =	sdelay $0x4  }
0x191: {  	v8 =	vld.idx.msk [tilespmem:v8+s21+$0x0], $0xffff;
	_ =	sdelay $0x4  }
0x192: {  	vm0 =	vlt.u32 v6, $0x18691;
	vm11 =	vlt.f32 v8, v5  }
0x193: {  	vm0 =	vmand vm11, vm0  }
0x194: {  	v6 =	vsel vm0, v7, v6  }
0x195: {  	v7 =	vadd.s32 $0x8, v6  }
0x196: {  	v60 =	vmin.u32 v7, $0x186A0  }
0x197: {  	v8 =	vadd.s32 $0xFFFFFFFF, v60;
	_ =	sdelay $0x4  }
0x198: {  	v8 =	vld.idx.msk [tilespmem:v8+s21+$0x0], $0xffff;
	_ =	sdelay $0x4  }
0x199: {  	vm0 =	vlt.u32 v6, $0x18699;
	vm12 =	vlt.f32 v8, v5  }
0x19a: {  	vm0 =	vmand vm12, vm0  }
0x19b: {  	v6 =	vsel vm0, v7, v6  }
0x19c: {  	v7 =	vadd.s32 $0x4, v6  }
0x19d: {  	v61 =	vmin.u32 v7, $0x186A0  }
0x19e: {  	v8 =	vadd.s32 $0xFFFFFFFF, v61;
	_ =	sdelay $0x4  }
0x19f: {  	v8 =	vld.idx.msk [tilespmem:v8+s21+$0x0], $0xffff;
	_ =	sdelay $0x4  }
0x1a0: {  	vm0 =	vlt.u32 v6, $0x1869D;
	vm13 =	vlt.f32 v8, v5  }
0x1a1: {  	vm0 =	vmand vm13, vm0  }
0x1a2: {  	v6 =	vsel vm0, v7, v6  }
0x1a3: {  	v7 =	vadd.s32 $0x2, v6  }
0x1a4: {  	v62 =	vmin.u32 v7, $0x186A0  }
0x1a5: {  	v8 =	vadd.s32 $0xFFFFFFFF, v62;
	_ =	sdelay $0x4  }
0x1a6: {  	v8 =	vld.idx.msk [tilespmem:v8+s21+$0x0], $0xffff;
	_ =	sdelay $0x4  }
0x1a7: {  	vm0 =	vlt.u32 v6, $0x1869F;
	vm14 =	vlt.f32 v8, v5  }
0x1a8: {  	vm0 =	vmand vm14, vm0  }
0x1a9: {  	v6 =	vsel vm0, v7, v6  }
0x1aa: {  	v7 =	vadd.s32 $0x1, v6  }
0x1ab: {  	v63 =	vmin.u32 v7, $0x186A0  }
0x1ac: {  	v8 =	vadd.s32 $0xFFFFFFFF, v63;
	_ =	sdelay $0x4  }
0x1ad: {  	v8 =	vld.idx.msk [tilespmem:v8+s21+$0x0], $0xffff;
	_ =	sdelay $0x3  }
0x1ae: {  	p0 =	sne.s32 s22, $0x7C0  }
.Ltmp6:
0x1af: {  	vm0 =	vlt.u32 v6, $0x186A0;
	vm15 =	vlt.f32 v8, v5;
	(pc) =	sbr.rel @p0 .LBB2_13-.Ltmp6, $4  }
0x1b0: {  	vm0 =	vmand vm15, vm0  }
0x1b1: {  	v5 =	vsel vm0, v7, v6  }
0x1b2: {  	v5 =	vmin.u32 v5, $0x1869F  }
0x1b3: {  	s22 =	sadd.s32 $0x40, s22;
	[tilespmem:s23+$0x18900] =	vst v5  }
.LBB2_14:
0x1b4: {  	p0 =	sne.s32 s21, $0x61A40  }
.Ltmp7:
0x1b5: {  	_ = 	snop;
	(pc) =	sbr.rel @p0 .LBB2_14-.Ltmp7, $3  }
0x1b6: {  	_ =	sdelay $0x1  }
0x1b7: {  	s22 =	sshra.s32 s21, $0x2  }
0x1b8: {  	s21 =	sadd.s32 $0x40, s21;
	[tilespmem:s22+$0x0] =	vst v2  }
0x1b9: {  	s21 =	simm.s32 $0x18900  }
0x1ba: {  	s22 =	simm.s32 $0x0;
	s23 =	simm.s32 $0x10;
	v5 =	vld [tilespmem:s21+$0x0]  }
.LBB2_16:
0x1bb: {  	p0 =	sne.s32 s23, $0x1F0;
	v6 =	vmov s22;
	s22 =	smov.u32 s23  }
0x1bc: {  	vm0 =	vlt.u32 v6, v3;
	_ =	sdelay $0x2  }
.Ltmp8:
0x1bd: {  	(pc) =	sbr.rel @p0 .LBB2_16-.Ltmp8, $3  }
0x1be: {  	_ =	sdelay $0x1  }
0x1bf: {  	s21 =	sadd.s32 $0x10, s21;
	[tilespmem:v5+s1+$0x0] =	vst.idx.add.f32.msk vm0, v4  }
0x1c0: {  	s23 =	sadd.s32 $0x10, s23;
	v5 =	vld [tilespmem:s21+$0x0]  }
0x1c1: {  	_ = 	snop  }
0x1c2: {  	v6 =	vmov s22  }
0x1c3: {  	vm0 =	vlt.u32 v6, v3;
	_ =	sdelay $0x5  }
0x1c4: {  	s21 =	simm.s32 $0x0;
	[tilespmem:v5+s1+$0x0] =	vst.idx.add.f32.msk vm0, v4  }
0x1c5: {  	[hbm4b:s11+s16] =	stream.strided.scatter [tilespmem:s21], [sflag:$0x1], $0x18700, s17, s16, $0x38;
	[tilespmem:$0x18B00] =	vst v63  }
0x1c6: {  	_ =	swait.ge [sflag:s18], $0x18700  }
0x1c7: {  	[sflag:s18] =	ssyncset.done $0x0  }
0x1c8: {  	[sflag:s18] =	ssyncadd.s32 $0xFFFE7900  }
0x1c9: {  	[tilespmem:s21], [sflag:$0x1] =	stream.strided.gather [hbm4b:s12+s16], $0x18700, s17, s16, $0x38;
	[tilespmem:$0x18B00] =	vst v63  }
0x1ca: {  	_ =	swait.ge [sflag:s18], $0x18700  }
0x1cb: {  	[sflag:s18] =	ssyncset.done $0x0  }
0x1cc: {  	[sflag:s18] =	ssyncadd.s32 $0xFFFE7900  }
0x1cd: {  	[tilespmem:s19], [sflag:$0x1] =	stream.strided.gather [hbm4b:s13+s16], $0x200, s17, s16, $0x38;
	[tilespmem:$0x18B00] =	vst v63  }
0x1ce: {  	_ =	swait.ge [sflag:s18], $0x200  }
0x1cf: {  	[sflag:s18] =	ssyncset.done $0x0  }
0x1d0: {  	s22 =	simm.s32 $0x0;
	[sflag:s18] =	ssyncadd.s32 $0xFFFFFE00  }
.LBB2_18:
0x1d1: {  	s23 =	sshra.s32 s22, $0x2;
	v6 =	vld.idx.msk [tilespmem:v0+s21+$0x0], $0xffff  }
0x1d2: {  	v5 =	vld [tilespmem:s23+$0x18700];
	_ =	sdelay $0x4  }
0x1d3: {  	vm0 =	vlt.f32 v6, v5  }
0x1d4: {  	v6 =	vsel vm0, $0x10000, v1  }
0x1d5: {  	v7 =	vor.u32 $0x7FFF, v6;
	_ =	sdelay $0x4  }
0x1d6: {  	v7 =	vld.idx.msk [tilespmem:v7+s21+$0x0], $0xffff;
	_ =	sdelay $0x4  }
0x1d7: {  	v8 =	vor.u32 $0x8000, v6;
	vm11 =	vlt.f32 v7, v5  }
0x1d8: {  	v6 =	vsel vm11, v8, v6  }
0x1d9: {  	v7 =	vor.u32 $0x4000, v6  }
0x1da: {  	v49 =	vmin.u32 v7, $0x186A0  }
0x1db: {  	v8 =	vadd.s32 $0xFFFFFFFF, v49;
	_ =	sdelay $0x4  }
0x1dc: {  	v8 =	vld.idx.msk [tilespmem:v8+s21+$0x0], $0xffff;
	_ =	sdelay $0x4  }
0x1dd: {  	vm12 =	vlt.u32 v7, $0x186A1;
	vm1 =	vlt.f32 v8, v5  }
0x1de: {  	vm0 =	vmand vm1, vm12  }
0x1df: {  	v6 =	vsel vm0, v7, v6  }
0x1e0: {  	v7 =	vor.u32 $0x2000, v6  }
0x1e1: {  	v50 =	vmin.u32 v7, $0x186A0  }
0x1e2: {  	v8 =	vadd.s32 $0xFFFFFFFF, v50;
	_ =	sdelay $0x4  }
0x1e3: {  	v8 =	vld.idx.msk [tilespmem:v8+s21+$0x0], $0xffff;
	_ =	sdelay $0x4  }
0x1e4: {  	vm13 =	vlt.u32 v7, $0x186A1;
	vm14 =	vlt.f32 v8, v5  }
0x1e5: {  	vm0 =	vmand vm14, vm13  }
0x1e6: {  	v6 =	vsel vm0, v7, v6  }
0x1e7: {  	v7 =	vadd.s32 $0x1000, v6  }
0x1e8: {  	v51 =	vmin.u32 v7, $0x186A0  }
0x1e9: {  	v8 =	vadd.s32 $0xFFFFFFFF, v51;
	_ =	sdelay $0x4  }
0x1ea: {  	v8 =	vld.idx.msk [tilespmem:v8+s21+$0x0], $0xffff;
	_ =	sdelay $0x4  }
0x1eb: {  	vm0 =	vlt.u32 v6, $0x176A1;
	vm15 =	vlt.f32 v8, v5  }
0x1ec: {  	vm0 =	vmand vm15, vm0  }
0x1ed: {  	v6 =	vsel vm0, v7, v6  }
0x1ee: {  	v7 =	vadd.s32 $0x800, v6  }
0x1ef: {  	v52 =	vmin.u32 v7, $0x186A0  }
0x1f0: {  	v8 =	vadd.s32 $0xFFFFFFFF, v52;
	_ =	sdelay $0x4  }
0x1f1: {  	v8 =	vld.idx.msk [tilespmem:v8+s21+$0x0], $0xffff;
	_ =	sdelay $0x4  }
0x1f2: {  	vm0 =	vlt.u32 v6, $0x17EA1;
	vm4 =	vlt.f32 v8, v5  }
0x1f3: {  	vm0 =	vmand vm4, vm0  }
0x1f4: {  	v6 =	vsel vm0, v7, v6  }
0x1f5: {  	v7 =	vadd.s32 $0x400, v6  }
0x1f6: {  	v53 =	vmin.u32 v7, $0x186A0  }
0x1f7: {  	v8 =	vadd.s32 $0xFFFFFFFF, v53;
	_ =	sdelay $0x4  }
0x1f8: {  	v8 =	vld.idx.msk [tilespmem:v8+s21+$0x0], $0xffff;
	_ =	sdelay $0x4  }
0x1f9: {  	vm0 =	vlt.u32 v6, $0x182A1;
	vm5 =	vlt.f32 v8, v5  }
0x1fa: {  	vm0 =	vmand vm5, vm0  }
0x1fb: {  	v6 =	vsel vm0, v7, v6  }
0x1fc: {  	v7 =	vadd.s32 $0x200, v6  }
0x1fd: {  	v54 =	vmin.u32 v7, $0x186A0  }
0x1fe: {  	v8 =	vadd.s32 $0xFFFFFFFF, v54;
	_ =	sdelay $0x4  }
0x1ff: {  	v8 =	vld.idx.msk [tilespmem:v8+s21+$0x0], $0xffff;
	_ =	sdelay $0x4  }
0x200: {  	vm0 =	vlt.u32 v6, $0x184A1;
	vm6 =	vlt.f32 v8, v5  }
0x201: {  	vm0 =	vmand vm6, vm0  }
0x202: {  	v6 =	vsel vm0, v7, v6  }
0x203: {  	v7 =	vadd.s32 $0x100, v6  }
0x204: {  	v55 =	vmin.u32 v7, $0x186A0  }
0x205: {  	v8 =	vadd.s32 $0xFFFFFFFF, v55;
	_ =	sdelay $0x4  }
0x206: {  	v8 =	vld.idx.msk [tilespmem:v8+s21+$0x0], $0xffff;
	_ =	sdelay $0x4  }
0x207: {  	vm0 =	vlt.u32 v6, $0x185A1;
	vm7 =	vlt.f32 v8, v5  }
0x208: {  	vm0 =	vmand vm7, vm0  }
0x209: {  	v6 =	vsel vm0, v7, v6  }
0x20a: {  	v7 =	vadd.s32 $0x80, v6  }
0x20b: {  	v56 =	vmin.u32 v7, $0x186A0  }
0x20c: {  	v8 =	vadd.s32 $0xFFFFFFFF, v56;
	_ =	sdelay $0x4  }
0x20d: {  	v8 =	vld.idx.msk [tilespmem:v8+s21+$0x0], $0xffff;
	_ =	sdelay $0x4  }
0x20e: {  	vm0 =	vlt.u32 v6, $0x18621;
	vm8 =	vlt.f32 v8, v5  }
0x20f: {  	vm0 =	vmand vm8, vm0  }
0x210: {  	v6 =	vsel vm0, v7, v6  }
0x211: {  	v7 =	vadd.s32 $0x40, v6  }
0x212: {  	v57 =	vmin.u32 v7, $0x186A0  }
0x213: {  	v8 =	vadd.s32 $0xFFFFFFFF, v57;
	_ =	sdelay $0x4  }
0x214: {  	v8 =	vld.idx.msk [tilespmem:v8+s21+$0x0], $0xffff;
	_ =	sdelay $0x4  }
0x215: {  	vm0 =	vlt.u32 v6, $0x18661;
	vm9 =	vlt.f32 v8, v5  }
0x216: {  	vm0 =	vmand vm9, vm0  }
0x217: {  	v6 =	vsel vm0, v7, v6  }
0x218: {  	v7 =	vadd.s32 $0x20, v6  }
0x219: {  	v58 =	vmin.u32 v7, $0x186A0  }
0x21a: {  	v8 =	vadd.s32 $0xFFFFFFFF, v58;
	_ =	sdelay $0x4  }
0x21b: {  	v8 =	vld.idx.msk [tilespmem:v8+s21+$0x0], $0xffff;
	_ =	sdelay $0x4  }
0x21c: {  	vm0 =	vlt.u32 v6, $0x18681;
	vm10 =	vlt.f32 v8, v5  }
0x21d: {  	vm0 =	vmand vm10, vm0  }
0x21e: {  	v6 =	vsel vm0, v7, v6  }
0x21f: {  	v7 =	vadd.s32 $0x10, v6  }
0x220: {  	v59 =	vmin.u32 v7, $0x186A0  }
0x221: {  	v8 =	vadd.s32 $0xFFFFFFFF, v59;
	_ =	sdelay $0x4  }
0x222: {  	v8 =	vld.idx.msk [tilespmem:v8+s21+$0x0], $0xffff;
	_ =	sdelay $0x4  }
0x223: {  	vm0 =	vlt.u32 v6, $0x18691;
	vm11 =	vlt.f32 v8, v5  }
0x224: {  	vm0 =	vmand vm11, vm0  }
0x225: {  	v6 =	vsel vm0, v7, v6  }
0x226: {  	v7 =	vadd.s32 $0x8, v6  }
0x227: {  	v60 =	vmin.u32 v7, $0x186A0  }
0x228: {  	v8 =	vadd.s32 $0xFFFFFFFF, v60;
	_ =	sdelay $0x4  }
0x229: {  	v8 =	vld.idx.msk [tilespmem:v8+s21+$0x0], $0xffff;
	_ =	sdelay $0x4  }
0x22a: {  	vm0 =	vlt.u32 v6, $0x18699;
	vm12 =	vlt.f32 v8, v5  }
0x22b: {  	vm0 =	vmand vm12, vm0  }
0x22c: {  	v6 =	vsel vm0, v7, v6  }
0x22d: {  	v7 =	vadd.s32 $0x4, v6  }
0x22e: {  	v61 =	vmin.u32 v7, $0x186A0  }
0x22f: {  	v8 =	vadd.s32 $0xFFFFFFFF, v61;
	_ =	sdelay $0x4  }
0x230: {  	v8 =	vld.idx.msk [tilespmem:v8+s21+$0x0], $0xffff;
	_ =	sdelay $0x4  }
0x231: {  	vm0 =	vlt.u32 v6, $0x1869D;
	vm13 =	vlt.f32 v8, v5  }
0x232: {  	vm0 =	vmand vm13, vm0  }
0x233: {  	v6 =	vsel vm0, v7, v6  }
0x234: {  	v7 =	vadd.s32 $0x2, v6  }
0x235: {  	v62 =	vmin.u32 v7, $0x186A0  }
0x236: {  	v8 =	vadd.s32 $0xFFFFFFFF, v62;
	_ =	sdelay $0x4  }
0x237: {  	v8 =	vld.idx.msk [tilespmem:v8+s21+$0x0], $0xffff;
	_ =	sdelay $0x4  }
0x238: {  	vm0 =	vlt.u32 v6, $0x1869F;
	vm14 =	vlt.f32 v8, v5  }
0x239: {  	vm0 =	vmand vm14, vm0  }
0x23a: {  	v6 =	vsel vm0, v7, v6  }
0x23b: {  	v7 =	vadd.s32 $0x1, v6  }
0x23c: {  	v63 =	vmin.u32 v7, $0x186A0  }
0x23d: {  	v8 =	vadd.s32 $0xFFFFFFFF, v63;
	_ =	sdelay $0x4  }
0x23e: {  	v8 =	vld.idx.msk [tilespmem:v8+s21+$0x0], $0xffff;
	_ =	sdelay $0x3  }
0x23f: {  	p0 =	sne.s32 s22, $0x7C0  }
.Ltmp9:
0x240: {  	vm0 =	vlt.u32 v6, $0x186A0;
	vm15 =	vlt.f32 v8, v5;
	(pc) =	sbr.rel @p0 .LBB2_18-.Ltmp9, $4  }
0x241: {  	vm0 =	vmand vm15, vm0  }
0x242: {  	v5 =	vsel vm0, v7, v6  }
0x243: {  	v5 =	vmin.u32 v5, $0x1869F  }
0x244: {  	s22 =	sadd.s32 $0x40, s22;
	[tilespmem:s23+$0x18900] =	vst v5  }
.LBB2_19:
0x245: {  	p0 =	sne.s32 s21, $0x61A40  }
.Ltmp10:
0x246: {  	_ = 	snop;
	(pc) =	sbr.rel @p0 .LBB2_19-.Ltmp10, $3  }
0x247: {  	_ =	sdelay $0x1  }
0x248: {  	s22 =	sshra.s32 s21, $0x2  }
0x249: {  	s21 =	sadd.s32 $0x40, s21;
	[tilespmem:s22+$0x0] =	vst v2  }
0x24a: {  	s21 =	simm.s32 $0x18900  }
0x24b: {  	s22 =	simm.s32 $0x0;
	s23 =	simm.s32 $0x10;
	v5 =	vld [tilespmem:s21+$0x0]  }
.LBB2_21:
0x24c: {  	p0 =	sne.s32 s23, $0x1F0;
	v6 =	vmov s22;
	s22 =	smov.u32 s23  }
0x24d: {  	vm0 =	vlt.u32 v6, v3;
	_ =	sdelay $0x2  }
.Ltmp11:
0x24e: {  	(pc) =	sbr.rel @p0 .LBB2_21-.Ltmp11, $3  }
0x24f: {  	_ =	sdelay $0x1  }
0x250: {  	s21 =	sadd.s32 $0x10, s21;
	[tilespmem:v5+s1+$0x0] =	vst.idx.add.f32.msk vm0, v4  }
0x251: {  	s23 =	sadd.s32 $0x10, s23;
	v5 =	vld [tilespmem:s21+$0x0]  }
0x252: {  	_ = 	snop  }
0x253: {  	v6 =	vmov s22  }
0x254: {  	vm0 =	vlt.u32 v6, v3;
	_ =	sdelay $0x3  }
0x255: {  	s20 =	sadd.s32 $0x1, s20  }
0x256: {  	p0 =	sne.s32 s20, s15  }
.Ltmp12:
0x257: {  	[tilespmem:v5+s1+$0x0] =	vst.idx.add.f32.msk vm0, v4;
	(pc) =	sbr.rel @p0 .LBB2_1-.Ltmp12, $4  }
0x258: {  	[hbm4b:s14+s16] =	stream.strided.scatter [tilespmem:s1], [sflag:$0x1], $0x18700, s17, s16, $0x38;
	[tilespmem:$0x18B00] =	vst v63  }
0x259: {  	_ =	swait.ge [sflag:s18], $0x18700  }
0x25a: {  	[sflag:s18] =	ssyncset.done $0x0  }
0x25b: {  	[sflag:s18] =	ssyncadd.s32 $0xFFFE7900  }
0x25c: {  	_ =	sfence.sel $0x180000  }
0x25d: {  	[bflag:$0x0] =	sbarrier.arrive $0xFFFF  }
0x25e: {  	p0 =	sne.s32 s2, $0x0;
	_ =	strace $0x90000050  }
0x25f: {  	s0 =	sadd.s32 @!p0 $0x100000, s0;
	[bflag:$0x2] =	sbarrier.arrive $0xFFFF  }
0x260: {  	[sflag:s0] =	ssyncadd.tile.s32 @!p0 $0x1;
	_ =	shalt  }
.Lfunc_end2:
_tile_overlayer_lowered:
.L_overlay_start_2:
0x261: {  	(tag) =	ssettag $0x2  }
0x262: {  	s0 =	rddreg [dreg:$0x0];
	s2 =	stileid.u32  }
0x263: {  	s1 =	rddreg [dreg:$0x1];
	p0 =	sne.s32 s2, $0x0  }
0x264: {  	s3 =	rddreg [dreg:$0x2];
	[bflag:$0x3] =	sbarrier.arrive $0xFFFF;
	s2 =	simm.s32 @!p0 $0x1C01  }
0x265: {  	[timem:s3], [sflag:s2] =	dma.local @!p0 [hbm:s0], s1  }
0x266: {  	s0 =	simm.s32 @!p0 $0x1  }
0x267: {  	_ =	swait.ge @!p0 [sflag:s0], s1  }
0x268: {  	s1 =	ssub.s32 @!p0 $0x0, s1;
	[sflag:s0] =	ssyncset.done @!p0 $0x0  }
0x269: {  	[sflag:s0] =	ssyncadd.s32 @!p0 s1  }
0x26a: {  	[bflag:$0x3] =	sbarrier.arrive $0xFFFF  }
0x26b: {  	_ =	shalt  }

// kernel: sparse-core-data-format-call.1.cloned.1.call-start
scs
called_computation.1_lowered:
.L_overlay_start_0:
0x0: {  	s1 =	sld [smem:$0x3FD9]  }
0x1: {  	s2 =	sld [smem:$0x3FFE];
	_ =	sdelay $0x1  }
0x2: {  	s3 =	srdreg.scid  }
0x3: {  	s0 =	sand.u32 $0x1, s3  }
0x4: {  	s17 =	sshll.u32 s0, $0xA;
	s1 =	sadd.s32 s2, s1  }
0x5: {  	s1 =	sadd.s32 s1, s17  }
0x6: {  	[smem:$0x3FC7] =	sst s1  }
0x7: {  	_ = 	snop  }
0x8: {  	(tm) =	ssettm $0x1  }
0x9: {  	s18 =	sld [smem:$0x3FFB];
	_ =	sdelay $0x3  }
0xa: {  	_ =	strace s18  }
0xb: {  	s1 =	sld [smem:$0x3FFC];
	_ =	sdelay $0x3  }
0xc: {  	_ =	strace s1  }
0xd: {  	s1 =	sld [smem:$0x3FFD];
	_ =	sdelay $0x3  }
0xe: {  	_ =	strace s1  }
0xf: {  	_ =	strace $0x8FFFFFFF  }
0x10: {  	s19 =	sld [smem:$0x3FDB];
	_ =	sdelay $0x1  }
0x11: {  	s20 =	simm.s32 $_scs_section_size  }
0x12: {  	s4 =	simm.s32 $_size__tile_overlayer_lowered;
	s5 =	simm.s32 $_tile_overlayer_lowered  }
0x13: {  	s23 =	simm.s32 $0x1BFF;
	s22 =	sshll.u32 s5, $0x1;
	s1 =	sadd.s32 s20, s19  }
0x14: {  	s6 =	simm.s32 $0x0;
	s21 =	sshll.u32 s4, $0x1;
	s4 =	sadd.s32 s22, s1  }
0x15: {  	[timem:s6], [sflag:s23] =	dma.local [hbm:s4], s21  }
0x16: {  	_ =	swait.ge [sflag:s23], s21  }
0x17: {  	s2 =	ssub.s32 $0x0, s21;
	[sflag:s23] =	ssyncset.done $0x0  }
0x18: {  	[sflag:s23] =	ssyncadd.s32 s2;
	_ =	sdelay $0x1  }
0x19: {  	s24 =	simm.s32 $0x1B8B  }
0x1a: {  	_ =	swait.ge [sflag:s24], $0x1  }
0x1b: {  	[sflag:s24] =	ssyncset.done $0x0  }
0x1c: {  	s26 =	simm.s32 $0x1B8E;
	s25 =	sld [smem:$0x3FFE];
	[sflag:s24] =	ssyncadd.s32 $0xFFFFFFFF  }
0x1d: {  	s27 =	simm.s32 $execute0_lowered;
	[smem:$0x3FD2] =	sst s26  }
0x1e: {  	s4 =	sshll.u32 s27, $0x1;
	_ =	strace $0x8000004C;
	[dreg:$0x1] =	wrdreg $0xFFFFFFFF  }
0x1f: {  	s28 =	simm.s32 $_size_execute0_lowered;
	s1 =	sadd.s32 s1, s4;
	[dreg:$0x0] =	wrdreg $0x0  }
0x20: {  	s4 =	sshll.u32 s28, $0x1;
	[dreg:$0x2] =	wrdreg s1  }
0x21: {  	[dreg:$0x3] =	wrdreg s4  }
0x22: {  	[dreg:$0x4] =	wrdreg $0xC0  }
0x23: {  	_ =	task [dreg:s6], $0x5FFFF  }
0x24: {  	[dreg:$0x1] =	wrdreg $0xFFFFFFFF  }
0x25: {  	[dreg:$0x0] =	wrdreg $0x60  }
0x26: {  	[dreg:$0x2] =	wrdreg s25  }
0x27: {  	[dreg:$0x3] =	wrdreg $0x9  }
0x28: {  	_ =	task.clear_ibuf [dreg:s6], $0x4FFFF;
	_ =	strace $0x9000004C  }
0x29: {  	s29 =	simm.s32 $0x9;
	_ =	strace $0x8000004E  }
0x2a: {  	_ =	swait.ge [sflag:s29], $0x1  }
0x2b: {  	[sflag:s29] =	ssyncadd.s32 $0xFFFFFFFF  }
0x2c: {  	_ =	strace $0x9000004E  }
0x2d: {  	_ =	sfence  }
0x2e: {  	s30 =	sld [smem:$0x0];
	_ =	sdelay $0x2  }
0x2f: {  	s31 =	sshll.u32 s3, $0xD;
	s3 =	sshrl.u32 s3, $0x2  }
0x30: {  	s2 =	sand.u32 $0x4000, s31;
	s1 =	sadd.s32 s3, s30  }
0x31: {  	s0 =	sor.u32 s2, s0;
	s1 =	sshll.u32 s1, $0x11  }
0x32: {  	s0 =	sor.u32 s1, s0  }
0x33: {  	s0 =	sadd.s32 $0x8F2B, s0  }
0x34: {  	[sflag:s0] =	ssyncadd.remote.s32 $0x1  }
0x35: {  	_ =	sfence.sel $0xFFFF  }
0x36: {  	[dreg:$0x0] =	wrdreg $0xFFFFFFFF;
	(pc) =	sbr.abs _section_cstart, $3  }
0x37: {  	[dreg:$0x1] =	wrdreg $0xFFFFFFFF  }
0x38: {  	_ =	task.clear_ibuf [dreg:s6], $0x2FFFF;
	_ =	strace $0x9FFFFFFF  }
0x39: {  	(tm) =	ssettm $0x7FFFFFFF  }
tec
execute0_lowered:
.L_overlay_start_1:
0x0: {  	(tag) =	ssettag $0x1  }
0x1: {  	s2 =	rddreg [dreg:$0x0]  }
0x2: {  	s0 =	rddreg [dreg:$0x1]  }
0x3: {  	s1 =	srdreg.scid;
	_ =	strace $0x8000004D;
	s6 =	simm.s32 $0x2  }
0x4: {  	s15 =	simm.s32 $0x0;
	p0 =	por $0x0, $0x0;
	s14 =	simm.s32 $0x0  }
0x5: {  	s16 =	simm.s32 $0x0;
	s7 =	simm.s32 $0x0;
	s9 =	simm.s32 $0x0  }
.Ltmp0:
0x6: {  	s10 =	simm.s32 $0x0;
	s11 =	simm.s32 $0x0;
	(pc) =	sbr.rel .LBB1_1-.Ltmp0, $4  }
0x7: {  	s12 =	simm.s32 $0x0;
	s8 =	simm.s32 $0x0;
	s4 =	sshll.u32 s1, $0x4  }
0x8: {  	s1 =	stileid.u32;
	s5 =	sand.u32 $0x10, s4;
	s4 =	simm.s32 $0x1  }
0x9: {  	s3 =	sadd.s32 $0x347000, s2;
	s5 =	sor.u32 s1, s5;
	[sflag:s4] =	ssyncpa.u1 $0x0  }
0xa: {  	[sflag:s6] =	ssyncpa.u1 $0x0;
	s6 =	simm.s32 $0x4000;
	s13 =	smov.u32 s5  }
.LBB1_5:
0xb: {  	p1 =	slt.u32 s8, $0x2;
	s17 =	smov.u32 s16;
	s19 =	smov.u32 s15  }
0xc: {  	p2 =	sgt.s32 @!p1 s15, $0x28E;
	p3 =	sgt.s32 @!p1 s16, $0x7F;
	s18 =	sshra.s32 @!p1 s16, $0x1F  }
0xd: {  	p3 =	por !p3, p1;
	s16 =	sand.u32 @!p1 s18, s16;
	s18 =	sshra.s32 @!p1 s15, $0x1F  }
0xe: {  	p2 =	por !p2, p1;
	s17 =	simm.s32 @p3 $0x7F;
	s15 =	sand.u32 @!p1 s18, s15  }
0xf: {  	s19 =	simm.s32 @p2 $0x28E;
	s18 =	ssub.s32 @!p1 $0x0, s14;
	s16 =	ssub.s32 @!p1 s17, s16  }
0x10: {  	s15 =	ssub.s32 @!p1 s19, s15;
	s14 =	smin.u32 @!p1 s14, s18;
	s17 =	sadd.s32 @!p1 $0xFFFFFF81, s16  }
0x11: {  	s18 =	smov.u32 s12;
	s16 =	ssub.s32 @!p1 $0x80, s16;
	p2 =	sgt.s32 @!p1 s17, $0x0  }
0x12: {  	p3 =	sgt.s32 @!p1 s14, $0x7F;
	s14 =	ssub.s32 @!p1 $0x80, s14;
	p2 =	por !p2, p1  }
0x13: {  	s17 =	sadd.s32 @!p1 $0xFFFFFD72, s15;
	s16 =	simm.s32 @!p2 $0x0;
	p2 =	por !p3, p1  }
0x14: {  	s15 =	ssub.s32 @!p1 $0x30E, s15;
	p3 =	sgt.s32 @!p1 s17, $0x7F;
	s14 =	simm.s32 @!p2 $0x0  }
0x15: {  	s17 =	sadd.s32 $0x80, s11;
	p2 =	por !p3, p1;
	s14 =	smul.u32 @!p1 s16, s14  }
0x16: {  	s15 =	simm.s32 @!p2 $0x0;
	p2 =	sgt.s32 s17, $0x30D;
	s16 =	sadd.s32 $0x80, s12  }
0x17: {  	s19 =	smov.u32 s13;
	s18 =	smov.u32 @p2 s16  }
0x18: {  	s14 =	smul.u32 @!p1 s15, s14;
	p3 =	sgt.s32 s18, $0x7F;
	s15 =	sadd.s32 $0x20, s13  }
0x19: {  	s8 =	sadd.s32 $0x1, s8;
	p0 =	por !p0, !p0;
	s19 =	smov.u32 @p3 s15  }
0x1a: {  	s20 =	simm.s32 @!p1 $0x2;
	s17 =	simm.s32 @p2 $0x0;
	p2 =	sgt.s32 s19, $0x7F  }
0x1b: {  	s16 =	smov.u32 s10;
	s19 =	smov.u32 @p2 s5;
	p2 =	sne.s32 s8, $0x1E  }
.Ltmp1:
0x1c: {  	s10 =	smov.u32 s13;
	s18 =	simm.s32 @p3 $0x0;
	(pc) =	sbr.rel @!p2 .LBB1_6-.Ltmp1, $4  }
0x1d: {  	s15 =	smov.u32 s7;
	s7 =	smov.u32 s11;
	s14 =	sand.u32 @!p1 $0x3FFFFFFF, s14  }
0x1e: {  	s11 =	smov.u32 s17;
	_ =	swait.ge @!p1 [sflag:s20], s14;
	s21 =	ssub.s32 @!p1 $0x0, s14  }
0x1f: {  	s14 =	smov.u32 s9;
	s9 =	smov.u32 s12;
	[sflag:s20] =	ssyncset.done @!p1 $0x0  }
0x20: {  	s12 =	smov.u32 s18;
	s13 =	smov.u32 s19;
	[sflag:s20] =	ssyncadd.s32 @!p1 s21  }
.LBB1_1:
0x21: {  	p1 =	sgt.u32 s8, $0x1B  }
0x22: {  	s17 =	sshrl.u32 @!p1 s12, $0x3  }
0x23: {  	s18 =	sshll.u32 @!p1 s11, $0x3;
	s17 =	smul.u32 @!p1 $0x1C00, s17  }
0x24: {  	s19 =	sshll.u32 @!p1 s12, $0x7;
	s18 =	sand.u32 @!p1 $0xFFFFFC00, s18  }
0x25: {  	s17 =	sadd.s32 @!p1 s17, s18;
	s18 =	sand.u32 @!p1 $0x380, s19  }
0x26: {  	s17 =	sor.u32 @!p1 s18, s17  }
0x27: {  	s18 =	sshrl.u32 @!p1 s17, $0x7  }
0x28: {  	s18 =	smulhi.u32 @!p1 $0x24924925, s18;
	_ =	sdelay $0x1  }
0x29: {  	s20 =	sand.u32 @!p1 $0x7F, s11;
	s19 =	sxor.u32 @!p1 $0xFFFFFFFF, s8;
	s21 =	smul.u32 @!p1 $0x380, s18  }
0x2a: {  	s17 =	sor.u32 @!p1 s20, s17;
	s20 =	smul.u32 @!p1 $0x3800, s13;
	s18 =	sand.u32 @!p1 $0x7F, s18  }
0x2b: {  	s19 =	sshll.u32 @!p1 s19, $0xE;
	s18 =	smul.u32 @!p1 $0x70, s18;
	s17 =	ssub.s32 @!p1 s17, s21  }
0x2c: {  	s19 =	sand.u32 @!p1 $0x4000, s19;
	s20 =	sadd.s32 @!p1 s3, s20;
	s21 =	sand.u32 @!p1 $0x7, s17  }
0x2d: {  	s17 =	sshrl.u32 @!p1 s17, $0x3;
	s18 =	sadd.s32 @!p1 s18, s20;
	s20 =	sshll.u32 @!p1 s21, $0x12  }
0x2e: {  	s17 =	sadd.s32 @!p1 s17, s18;
	s18 =	sor.u32 @!p1 $0x400, s20;
	s20 =	simm.s32 @!p1 $0x1C00  }
0x2f: {  	[tilespmem:s19], [sflag:$0x1] =	stream.strided.gather @!p1 [hbm4b:s17+s18], $0x4000, s20, s18, $0x38;
	[tilespmem:$0x10100] =	vst v63  }
0x30: {  	p1 =	seq.s32 s8, $0x0  }
0x31: {  	p2 =	seq.s32 @!p1 s8, $0x1D  }
0x32: {  	p1 =	por p1, p2  }
.Ltmp2:
0x33: {  	_ = 	snop;
	(pc) =	sbr.rel @p1 .LBB1_5-.Ltmp2, $1  }
0x34: {  	_ =	sdelay $0x3  }
0x35: {  	s17 =	simm.s32 $0x1  }
0x36: {  	_ =	swait.ge [sflag:s4], $0x4000;
	s17 =	simm.s32 @!p0 $0x0  }
0x37: {  	[sflag:s4] =	ssyncset.done $0x0;
	s18 =	sshll.u32 s17, $0xE  }
0x38: {  	[sflag:s4] =	ssyncadd.s32 $0xFFFFC000;
	s18 =	sor.u32 $0x40, s18  }
0x39: {  	s17 =	smul.u32 $0x10200, s17;
	v0 =	vld [tilespmem:s18+$0x30]  }
0x3a: {  	v1 =	vld [tilespmem:s18+$0xFFFFFFD0]  }
0x3b: {  	s17 =	sshrl.u32 s17, $0x2;
	v5 =	vld [tilespmem:s18+$0xFFFFFFE0]  }
0x3c: {  	v6 =	vld [tilespmem:s18+$0xFFFFFFF0];
	s20 =	sor.u32 $0x8000, s17  }
0x3d: {  	s31 =	sand.u32 $0x1, s8;
	v4 =	vld [tilespmem:s18+$0x0];
	s19 =	sadd.s32 $0x0, s20  }
0x3e: {  	v3 =	vld [tilespmem:s18+$0x10];
	s17 =	smul.u32 $0x10200, s31;
	[tilespmem:s19+$0x3870 ss:$0x81] =	vst.msk $0xffff, v0  }
0x3f: {  	v2 =	vld [tilespmem:s18+$0x20];
	[tilespmem:s19+$0x810 ss:$0x81] =	vst.msk $0xffff, v1  }
0x40: {  	s17 =	sshrl.u32 s17, $0x2;
	v1 =	vld [tilespmem:s18+$0xFFFFFFC0];
	[tilespmem:s19+$0x1020 ss:$0x81] =	vst.msk $0xffff, v5;
	s18 =	sadd.s32 $0x80, s18  }
0x41: {  	s21 =	simm.s32 $0x4;
	s22 =	simm.s32 $0x8;
	s17 =	sor.u32 $0x8000, s17;
	[tilespmem:s19+$0x1830 ss:$0x81] =	vst.msk $0xffff, v6;
	v0 =	vld [tilespmem:s18+$0x30]  }
.LBB1_3:
0x42: {  	p1 =	sne.s32 s22, $0x1FC;
	v5 =	vld [tilespmem:s18+$0xFFFFFFD0];
	[tilespmem:s19+$0x2040 ss:$0x81] =	vst.msk $0xffff, v4  }
0x43: {  	v6 =	vld [tilespmem:s18+$0xFFFFFFE0];
	[tilespmem:s19+$0x2850 ss:$0x81] =	vst.msk $0xffff, v3  }
0x44: {  	s23 =	sshra.s32 s21, $0x2;
	s21 =	smov.u32 s22;
	v7 =	vld [tilespmem:s18+$0xFFFFFFF0];
	[tilespmem:s19+$0x3060 ss:$0x81] =	vst.msk $0xffff, v2  }
.Ltmp3:
0x45: {  	v4 =	vld [tilespmem:s18+$0x0];
	[tilespmem:s19+$0x0 ss:$0x81] =	vst.msk $0xffff, v1;
	s19 =	sadd.s32 s23, s20;
	(pc) =	sbr.rel @p1 .LBB1_3-.Ltmp3, $4  }
0x46: {  	v3 =	vld [tilespmem:s18+$0x10];
	[tilespmem:s19+$0x3870 ss:$0x81] =	vst.msk $0xffff, v0  }
0x47: {  	[tilespmem:s19+$0x810 ss:$0x81] =	vst.msk $0xffff, v5;
	v2 =	vld [tilespmem:s18+$0x20]  }
0x48: {  	v1 =	vld [tilespmem:s18+$0xFFFFFFC0];
	[tilespmem:s19+$0x1020 ss:$0x81] =	vst.msk $0xffff, v6;
	s18 =	sadd.s32 $0x80, s18  }
0x49: {  	s22 =	sadd.s32 $0x4, s22;
	v0 =	vld [tilespmem:s18+$0x30];
	[tilespmem:s19+$0x1830 ss:$0x81] =	vst.msk $0xffff, v7  }
0x4a: {  	s21 =	sshra.s32 s21, $0x2  }
0x4b: {  	s22 =	sshll.u32 s10, $0x7;
	s23 =	sshll.u32 s9, $0x3;
	p1 =	sgt.s32 s10, $0x7F  }
0x4c: {  	s24 =	smov.u32 s10;
	s25 =	sshra.s32 s10, $0x1F;
	s26 =	sshra.s32 s7, $0x1F  }
0x4d: {  	s29 =	ssub.s32 $0x0, s9;
	s20 =	sadd.s32 s21, s20;
	s30 =	sand.u32 $0x3C00, s22  }
0x4e: {  	s23 =	sand.u32 $0x3C00, s23;
	s24 =	simm.s32 @!p1 $0x7F;
	s31 =	sand.u32 s25, s10  }
0x4f: {  	v5 =	vld [tilespmem:s18+$0xFFFFFFD0];
	[tilespmem:s19+$0x2040 ss:$0x81] =	vst.msk $0xffff, v4;
	p1 =	sgt.s32 s7, $0x28E;
	s25 =	smov.u32 s7;
	s27 =	sand.u32 s26, s7  }
0x50: {  	v58 =	vld [tilespmem:s18+$0xFFFFFFE0];
	[tilespmem:s19+$0x2850 ss:$0x81] =	vst.msk $0xffff, v3;
	s21 =	sadd.s32 s30, s23;
	s23 =	ssub.s32 s24, s31;
	s25 =	simm.s32 @!p1 $0x28E  }
0x51: {  	v59 =	vld [tilespmem:s18+$0xFFFFFFF0];
	[tilespmem:s19+$0x3060 ss:$0x81] =	vst.msk $0xffff, v2;
	s30 =	sand.u32 $0x380, s22;
	s31 =	smin.u32 s9, s29;
	s29 =	sand.u32 $0x7, s9  }
0x52: {  	v60 =	vld [tilespmem:s18+$0x0];
	s28 =	sadd.s32 $0xFFFFFF81, s23;
	s24 =	ssub.s32 s25, s27;
	[tilespmem:s19+$0x0 ss:$0x81] =	vst.msk $0xffff, v1;
	s22 =	ssub.s32 $0x80, s23  }
0x53: {  	v61 =	vld [tilespmem:s18+$0x10];
	s23 =	ssub.s32 $0x80, s31;
	s19 =	sor.u32 s30, s21;
	p1 =	sgt.s32 s28, $0x0;
	[tilespmem:s20+$0x3870 ss:$0x81] =	vst.msk $0xffff, v0  }
0x54: {  	v62 =	vld [tilespmem:s18+$0x20];
	s27 =	sshll.u32 s7, $0xB;
	s22 =	simm.s32 @p1 $0x0;
	p1 =	sgt.s32 s31, $0x7F;
	[tilespmem:s20+$0x810 ss:$0x81] =	vst.msk $0xffff, v5  }
0x55: {  	v63 =	vld [tilespmem:s18+$0xFFFFFFC0];
	s25 =	sadd.s32 $0xFFFFFD72, s24;
	s18 =	ssub.s32 $0x30E, s24;
	[tilespmem:s20+$0x1020 ss:$0x81] =	vst.msk $0xffff, v58;
	s23 =	simm.s32 @p1 $0x0  }
0x56: {  	s19 =	sshrl.u32 s19, $0x3;
	[tilespmem:s20+$0x1830 ss:$0x81] =	vst.msk $0xffff, v59;
	p1 =	sgt.s32 s25, $0x7F;
	s26 =	smul.u32 s22, s23  }
.Ltmp4:
0x57: {  	s28 =	sshrl.u32 s9, $0x3;
	[tilespmem:s20+$0x2040 ss:$0x81] =	vst.msk $0xffff, v60;
	s18 =	simm.s32 @p1 $0x0;
	(pc) =	sbr.rel .LBB1_5-.Ltmp4, $4  }
0x58: {  	s21 =	sadd.s32 s2, s27;
	[tilespmem:s20+$0x2850 ss:$0x81] =	vst.msk $0xffff, v61;
	s22 =	sand.u32 $0xF, s28;
	s18 =	smul.u32 s18, s26  }
0x59: {  	s30 =	sshll.u32 s29, $0x12;
	[tilespmem:s20+$0x3060 ss:$0x81] =	vst.msk $0xffff, v62;
	s19 =	sand.u32 $0x7F0, s19;
	s21 =	sadd.s32 s22, s21  }
0x5a: {  	[tilespmem:s20+$0x0 ss:$0x81] =	vst.msk $0xffff, v63;
	s31 =	sor.u32 $0x80, s30;
	s19 =	sadd.s32 s19, s21;
	s18 =	sand.u32 $0x3FFFFFFF, s18  }
0x5b: {  	[hbm4b:s19+s31] =	stream.strided.scatter [tilespmem:s17], [sflag:$0x2], s18, s6, s31, $0x20;
	[tilespmem:$0x10100] =	vst v63  }
.LBB1_6:
0x5c: {  	_ =	sfence.sel $0x180000  }
0x5d: {  	s2 =	simm.s32 $0x1;
	[bflag:$0x0] =	sbarrier.arrive $0xFFFF  }
0x5e: {  	s31 =	simm.s32 $0x2;
	[sflag:s2] =	ssyncpa.u1 $0x1  }
0x5f: {  	[sflag:s31] =	ssyncpa.u1 $0x1  }
0x60: {  	p0 =	sne.s32 s1, $0x0;
	_ =	strace $0x9000004D  }
0x61: {  	s0 =	sadd.s32 @!p0 $0x100000, s0;
	[bflag:$0x2] =	sbarrier.arrive $0xFFFF  }
0x62: {  	[sflag:s0] =	ssyncadd.tile.s32 @!p0 $0x1;
	_ =	shalt  }
.Lfunc_end1:
_tile_overlayer_lowered:
.L_overlay_start_2:
0x63: {  	(tag) =	ssettag $0x2  }
0x64: {  	s0 =	rddreg [dreg:$0x0];
	s2 =	stileid.u32  }
0x65: {  	s1 =	rddreg [dreg:$0x1];
	p0 =	sne.s32 s2, $0x0  }
0x66: {  	s3 =	rddreg [dreg:$0x2];
	[bflag:$0x3] =	sbarrier.arrive $0xFFFF;
	s2 =	simm.s32 @!p0 $0x1C01  }
0x67: {  	[timem:s3], [sflag:s2] =	dma.local @!p0 [hbm:s0], s1  }
0x68: {  	s0 =	simm.s32 @!p0 $0x1  }
0x69: {  	_ =	swait.ge @!p0 [sflag:s0], s1  }
0x6a: {  	s1 =	ssub.s32 @!p0 $0x0, s1;
	[sflag:s0] =	ssyncset.done @!p0 $0x0  }
0x6b: {  	[sflag:s0] =	ssyncadd.s32 @!p0 s1  }
0x6c: {  	[bflag:$0x3] =	sbarrier.arrive $0xFFFF  }
0x6d: {  	_ =	shalt  }

// kernel: sparse-core-data-format-call.2.cloned.1.call-start
scs
called_computation.2_lowered:
.L_overlay_start_0:
0x0: {  	s1 =	sld [smem:$0x3FD9]  }
0x1: {  	s2 =	sld [smem:$0x3FFE];
	_ =	sdelay $0x1  }
0x2: {  	s3 =	srdreg.scid  }
0x3: {  	s0 =	sand.u32 $0x1, s3  }
0x4: {  	s17 =	sshll.u32 s0, $0xA;
	s1 =	sadd.s32 s2, s1  }
0x5: {  	s1 =	sadd.s32 s1, s17  }
0x6: {  	[smem:$0x3FC7] =	sst s1  }
0x7: {  	_ = 	snop  }
0x8: {  	(tm) =	ssettm $0x1  }
0x9: {  	s18 =	sld [smem:$0x3FFB];
	_ =	sdelay $0x3  }
0xa: {  	_ =	strace s18  }
0xb: {  	s1 =	sld [smem:$0x3FFC];
	_ =	sdelay $0x3  }
0xc: {  	_ =	strace s1  }
0xd: {  	s1 =	sld [smem:$0x3FFD];
	_ =	sdelay $0x3  }
0xe: {  	_ =	strace s1  }
0xf: {  	_ =	strace $0x8FFFFFFF  }
0x10: {  	s19 =	sld [smem:$0x3FDB];
	_ =	sdelay $0x1  }
0x11: {  	s20 =	simm.s32 $_scs_section_size  }
0x12: {  	s4 =	simm.s32 $_size__tile_overlayer_lowered;
	s5 =	simm.s32 $_tile_overlayer_lowered  }
0x13: {  	s23 =	simm.s32 $0x1BFF;
	s22 =	sshll.u32 s5, $0x1;
	s1 =	sadd.s32 s20, s19  }
0x14: {  	s6 =	simm.s32 $0x0;
	s21 =	sshll.u32 s4, $0x1;
	s4 =	sadd.s32 s22, s1  }
0x15: {  	[timem:s6], [sflag:s23] =	dma.local [hbm:s4], s21  }
0x16: {  	_ =	swait.ge [sflag:s23], s21  }
0x17: {  	s2 =	ssub.s32 $0x0, s21;
	[sflag:s23] =	ssyncset.done $0x0  }
0x18: {  	[sflag:s23] =	ssyncadd.s32 s2;
	_ =	sdelay $0x1  }
0x19: {  	s24 =	simm.s32 $0x1B8B  }
0x1a: {  	_ =	swait.ge [sflag:s24], $0x1  }
0x1b: {  	[sflag:s24] =	ssyncset.done $0x0  }
0x1c: {  	s26 =	simm.s32 $0x1B8E;
	s25 =	sld [smem:$0x3FFE];
	[sflag:s24] =	ssyncadd.s32 $0xFFFFFFFF  }
0x1d: {  	s27 =	simm.s32 $execute0_lowered;
	[smem:$0x3FD2] =	sst s26  }
0x1e: {  	s4 =	sshll.u32 s27, $0x1;
	_ =	strace $0x80000049;
	[dreg:$0x1] =	wrdreg $0xFFFFFFFF  }
0x1f: {  	s28 =	simm.s32 $_size_execute0_lowered;
	s1 =	sadd.s32 s1, s4;
	[dreg:$0x0] =	wrdreg $0x0  }
0x20: {  	s4 =	sshll.u32 s28, $0x1;
	[dreg:$0x2] =	wrdreg s1  }
0x21: {  	[dreg:$0x3] =	wrdreg s4  }
0x22: {  	[dreg:$0x4] =	wrdreg $0xC0  }
0x23: {  	_ =	task [dreg:s6], $0x5FFFF  }
0x24: {  	[dreg:$0x1] =	wrdreg $0xFFFFFFFF  }
0x25: {  	[dreg:$0x0] =	wrdreg $0x60  }
0x26: {  	[dreg:$0x2] =	wrdreg s25  }
0x27: {  	[dreg:$0x3] =	wrdreg $0x9  }
0x28: {  	_ =	task.clear_ibuf [dreg:s6], $0x4FFFF;
	_ =	strace $0x90000049  }
0x29: {  	s29 =	simm.s32 $0x9;
	_ =	strace $0x8000004B  }
0x2a: {  	_ =	swait.ge [sflag:s29], $0x1  }
0x2b: {  	[sflag:s29] =	ssyncadd.s32 $0xFFFFFFFF  }
0x2c: {  	_ =	strace $0x9000004B  }
0x2d: {  	_ =	sfence  }
0x2e: {  	s30 =	sld [smem:$0x0];
	_ =	sdelay $0x2  }
0x2f: {  	s31 =	sshll.u32 s3, $0xD;
	s3 =	sshrl.u32 s3, $0x2  }
0x30: {  	s2 =	sand.u32 $0x4000, s31;
	s1 =	sadd.s32 s3, s30  }
0x31: {  	s0 =	sor.u32 s2, s0;
	s1 =	sshll.u32 s1, $0x11  }
0x32: {  	s0 =	sor.u32 s1, s0  }
0x33: {  	s0 =	sadd.s32 $0x8F2B, s0  }
0x34: {  	[sflag:s0] =	ssyncadd.remote.s32 $0x1  }
0x35: {  	_ =	sfence.sel $0xFFFF  }
0x36: {  	[dreg:$0x0] =	wrdreg $0xFFFFFFFF;
	(pc) =	sbr.abs _section_cstart, $3  }
0x37: {  	[dreg:$0x1] =	wrdreg $0xFFFFFFFF  }
0x38: {  	_ =	task.clear_ibuf [dreg:s6], $0x2FFFF;
	_ =	strace $0x9FFFFFFF  }
0x39: {  	(tm) =	ssettm $0x7FFFFFFF  }
tec
execute0_lowered:
.L_overlay_start_1:
0x0: {  	(tag) =	ssettag $0x1  }
0x1: {  	s2 =	rddreg [dreg:$0x0]  }
0x2: {  	s0 =	rddreg [dreg:$0x1];
	_ =	strace $0x8000004A  }
0x3: {  	s3 =	srdreg.scid;
	s1 =	stileid.u32;
	s6 =	simm.s32 $0x2  }
.Ltmp0:
0x4: {  	s10 =	simm.s32 $0x0;
	p0 =	por $0x0, $0x0;
	(pc) =	sbr.rel .LBB1_1-.Ltmp0, $4  }
0x5: {  	s11 =	simm.s32 $0x0;
	s9 =	simm.s32 $0x0;
	s4 =	sshll.u32 s3, $0x4  }
0x6: {  	s7 =	simm.s32 $0x0;
	s3 =	simm.s32 $0x1;
	s5 =	sand.u32 $0x10, s4  }
0x7: {  	[sflag:s3] =	ssyncpa.u1 $0x0;
	s4 =	sadd.s32 $0x187000, s2;
	s5 =	sor.u32 s1, s5  }
0x8: {  	[sflag:s6] =	ssyncpa.u1 $0x0;
	s6 =	simm.s32 $0x1C00;
	s8 =	smov.u32 s5  }
.LBB1_5:
0x9: {  	s12 =	sadd.s32 $0x20, s8  }
0xa: {  	s10 =	sadd.s32 $0x80, s9;
	s14 =	smov.u32 s9;
	p2 =	sgt.s32 s12, $0x7F  }
0xb: {  	p1 =	slt.u32 s7, $0x2;
	s14 =	smov.u32 @p2 s10  }
0xc: {  	s7 =	sadd.s32 $0x1, s7;
	s12 =	smov.u32 @p2 s5;
	p2 =	sgt.s32 s14, $0x30D  }
0xd: {  	s14 =	simm.s32 @p2 $0x0;
	p2 =	sne.s32 s7, $0x1E  }
.Ltmp1:
0xe: {  	_ = 	snop;
	(pc) =	sbr.rel @!p2 .LBB1_6-.Ltmp1, $4  }
0xf: {  	s13 =	simm.s32 @!p1 $0x2  }
0x10: {  	s11 =	smov.u32 s9;
	_ =	swait.ge @!p1 [sflag:s13], $0x4000  }
0x11: {  	p0 =	por !p0, !p0;
	s10 =	smov.u32 s8;
	[sflag:s13] =	ssyncset.done @!p1 $0x0  }
0x12: {  	s8 =	smov.u32 s12;
	[sflag:s13] =	ssyncadd.s32 @!p1 $0xFFFFC000;
	s9 =	smov.u32 s14  }
.LBB1_1:
0x13: {  	p1 =	sgt.u32 s7, $0x1B  }
0x14: {  	p2 =	sgt.s32 @!p1 s9, $0x28E  }
0x15: {  	s12 =	smov.u32 s9;
	s14 =	smov.u32 s8;
	p2 =	por !p2, p1  }
0x16: {  	s13 =	sshra.s32 @!p1 s9, $0x1F;
	s12 =	simm.s32 @p2 $0x28E;
	p2 =	sgt.s32 @!p1 s8, $0x7F  }
0x17: {  	s15 =	sshra.s32 @!p1 s8, $0x1F;
	s13 =	sand.u32 @!p1 s13, s9;
	p2 =	por !p2, p1  }
0x18: {  	s12 =	ssub.s32 @!p1 s12, s13;
	s13 =	sand.u32 @!p1 s15, s8;
	s14 =	simm.s32 @p2 $0x7F  }
0x19: {  	s15 =	sshll.u32 @!p1 s8, $0x4;
	s12 =	sadd.s32 @!p1 $0xFFFFFD72, s12;
	s13 =	ssub.s32 @!p1 s14, s13  }
0x1a: {  	p2 =	sgt.s32 @!p1 s12, $0x7F;
	s12 =	sshll.u32 @!p1 s12, $0x7;
	s14 =	sadd.s32 @!p1 $0xFFFFFF81, s13  }
0x1b: {  	s13 =	ssub.s32 @!p1 $0x80, s13;
	s12 =	ssub.s32 @!p1 $0x4000, s12;
	p3 =	sgt.s32 @!p1 s14, $0x0  }
0x1c: {  	p2 =	por !p2, p1;
	s14 =	sxor.u32 @!p1 $0xFFFFFFFF, s7;
	p3 =	por !p3, p1  }
0x1d: {  	s12 =	simm.s32 @!p2 $0x0;
	s14 =	sshll.u32 @!p1 s14, $0xE;
	s13 =	simm.s32 @!p3 $0x0  }
0x1e: {  	s12 =	smul.u32 @!p1 s13, s12;
	s13 =	sand.u32 @!p1 $0x4000, s14;
	s14 =	sshll.u32 @!p1 s9, $0xB  }
0x1f: {  	s16 =	simm.s32 @!p1 $0x4000;
	s15 =	sand.u32 @!p1 $0x7F0, s15;
	s14 =	sadd.s32 @!p1 s2, s14  }
0x20: {  	s12 =	sand.u32 @!p1 $0x3FFFFF80, s12;
	s14 =	sadd.s32 @!p1 s15, s14;
	s15 =	simm.s32 @!p1 $0x80  }
0x21: {  	[tilespmem:s13], [sflag:$0x1] =	stream.strided.gather @!p1 [hbm4b:s14+s15], s12, s16, s15, $0x38;
	[tilespmem:$0x10100] =	vst v63  }
0x22: {  	p1 =	seq.s32 s7, $0x0  }
0x23: {  	p2 =	seq.s32 @!p1 s7, $0x1D  }
0x24: {  	p1 =	por p1, p2  }
.Ltmp2:
0x25: {  	_ = 	snop;
	(pc) =	sbr.rel @p1 .LBB1_5-.Ltmp2, $1  }
0x26: {  	_ =	sdelay $0x3  }
0x27: {  	p1 =	sgt.s32 s11, $0x28E;
	s12 =	smov.u32 s11  }
0x28: {  	s13 =	sshra.s32 s11, $0x1F;
	s14 =	smov.u32 s10;
	s15 =	sshra.s32 s10, $0x1F  }
0x29: {  	s12 =	simm.s32 @!p1 $0x28E;
	s13 =	sand.u32 s13, s11;
	p1 =	sgt.s32 s10, $0x7F  }
0x2a: {  	s27 =	sand.u32 s15, s10;
	s12 =	ssub.s32 s12, s13;
	s14 =	simm.s32 @!p1 $0x7F  }
0x2b: {  	s12 =	sadd.s32 $0xFFFFFD72, s12;
	s13 =	ssub.s32 s14, s27  }
0x2c: {  	p1 =	sgt.s32 s12, $0x7F;
	s14 =	sadd.s32 $0xFFFFFF81, s13;
	s12 =	sshll.u32 s12, $0x7  }
0x2d: {  	s13 =	ssub.s32 $0x80, s13;
	p2 =	sgt.s32 s14, $0x0;
	s12 =	ssub.s32 $0x4000, s12  }
0x2e: {  	s13 =	simm.s32 @p2 $0x0;
	s12 =	simm.s32 @p1 $0x0  }
0x2f: {  	s12 =	smul.u32 s13, s12;
	_ =	sdelay $0x1  }
0x30: {  	s13 =	simm.s32 $0x1;
	s12 =	sand.u32 $0x3FFFFF80, s12  }
0x31: {  	s13 =	simm.s32 @!p0 $0x0;
	_ =	swait.ge [sflag:s3], s12  }
0x32: {  	s28 =	sshll.u32 s13, $0xE;
	s12 =	ssub.s32 $0x0, s12;
	[sflag:s3] =	ssyncset.done $0x0  }
0x33: {  	s29 =	sor.u32 $0x40, s28;
	[sflag:s3] =	ssyncadd.s32 s12  }
0x34: {  	s30 =	smul.u32 $0x10200, s13;
	v0 =	vld [tilespmem:s29+$0x30]  }
0x35: {  	v1 =	vld [tilespmem:s29+$0xFFFFFFD0]  }
0x36: {  	s12 =	sshrl.u32 s30, $0x2;
	v5 =	vld [tilespmem:s29+$0xFFFFFFE0]  }
0x37: {  	s13 =	sor.u32 $0x8000, s12;
	v6 =	vld [tilespmem:s29+$0xFFFFFFF0]  }
0x38: {  	s31 =	sand.u32 $0x1, s7;
	v2 =	vld [tilespmem:s29+$0x0];
	s14 =	sadd.s32 $0x0, s13  }
0x39: {  	s12 =	smul.u32 $0x10200, s31;
	v4 =	vld [tilespmem:s29+$0x10];
	[tilespmem:s14+$0x3870 ss:$0x81] =	vst.msk $0xffff, v0  }
0x3a: {  	v3 =	vld [tilespmem:s29+$0x20];
	[tilespmem:s14+$0x810 ss:$0x81] =	vst.msk $0xffff, v1  }
0x3b: {  	s15 =	sadd.s32 $0x80, s29;
	s12 =	sshrl.u32 s12, $0x2;
	v0 =	vld [tilespmem:s29+$0xFFFFFFC0];
	[tilespmem:s14+$0x1020 ss:$0x81] =	vst.msk $0xffff, v5  }
0x3c: {  	s16 =	simm.s32 $0x4;
	s17 =	simm.s32 $0x8;
	s12 =	sor.u32 $0x8000, s12;
	v1 =	vld [tilespmem:s15+$0x30];
	[tilespmem:s14+$0x1830 ss:$0x81] =	vst.msk $0xffff, v6  }
.LBB1_3:
0x3d: {  	p1 =	sne.s32 s17, $0x1FC;
	v5 =	vld [tilespmem:s15+$0xFFFFFFD0];
	[tilespmem:s14+$0x2040 ss:$0x81] =	vst.msk $0xffff, v2  }
0x3e: {  	v6 =	vld [tilespmem:s15+$0xFFFFFFE0];
	[tilespmem:s14+$0x2850 ss:$0x81] =	vst.msk $0xffff, v4  }
0x3f: {  	s18 =	sshra.s32 s16, $0x2;
	s16 =	smov.u32 s17;
	v7 =	vld [tilespmem:s15+$0xFFFFFFF0];
	[tilespmem:s14+$0x3060 ss:$0x81] =	vst.msk $0xffff, v3  }
.Ltmp3:
0x40: {  	v2 =	vld [tilespmem:s15+$0x0];
	[tilespmem:s14+$0x0 ss:$0x81] =	vst.msk $0xffff, v0;
	s14 =	sadd.s32 s18, s13;
	(pc) =	sbr.rel @p1 .LBB1_3-.Ltmp3, $4  }
0x41: {  	v4 =	vld [tilespmem:s15+$0x10];
	[tilespmem:s14+$0x3870 ss:$0x81] =	vst.msk $0xffff, v1  }
0x42: {  	[tilespmem:s14+$0x810 ss:$0x81] =	vst.msk $0xffff, v5;
	v3 =	vld [tilespmem:s15+$0x20]  }
0x43: {  	v0 =	vld [tilespmem:s15+$0xFFFFFFC0];
	[tilespmem:s14+$0x1020 ss:$0x81] =	vst.msk $0xffff, v6;
	s15 =	sadd.s32 $0x80, s15  }
0x44: {  	s17 =	sadd.s32 $0x4, s17;
	v1 =	vld [tilespmem:s15+$0x30];
	[tilespmem:s14+$0x1830 ss:$0x81] =	vst.msk $0xffff, v7  }
0x45: {  	v5 =	vld [tilespmem:s15+$0xFFFFFFD0];
	[tilespmem:s14+$0x2040 ss:$0x81] =	vst.msk $0xffff, v2  }
0x46: {  	v58 =	vld [tilespmem:s15+$0xFFFFFFE0];
	s17 =	sshll.u32 s11, $0x3;
	[tilespmem:s14+$0x2850 ss:$0x81] =	vst.msk $0xffff, v4  }
0x47: {  	s16 =	sshra.s32 s16, $0x2;
	v59 =	vld [tilespmem:s15+$0xFFFFFFF0];
	s17 =	sand.u32 $0xFFFFFC00, s17;
	[tilespmem:s14+$0x3060 ss:$0x81] =	vst.msk $0xffff, v3  }
0x48: {  	v60 =	vld [tilespmem:s15+$0x0];
	s13 =	sadd.s32 s16, s13;
	s27 =	sshrl.u32 s17, $0x7;
	[tilespmem:s14+$0x0 ss:$0x81] =	vst.msk $0xffff, v0  }
0x49: {  	v61 =	vld [tilespmem:s15+$0x10];
	s14 =	smulhi.u32 $0x24924925, s27;
	[tilespmem:s13+$0x3870 ss:$0x81] =	vst.msk $0xffff, v1  }
0x4a: {  	v62 =	vld [tilespmem:s15+$0x20];
	s10 =	smul.u32 $0x3800, s10;
	[tilespmem:s13+$0x810 ss:$0x81] =	vst.msk $0xffff, v5  }
0x4b: {  	v63 =	vld [tilespmem:s15+$0xFFFFFFC0];
	s28 =	sand.u32 $0x7F, s11;
	[tilespmem:s13+$0x1020 ss:$0x81] =	vst.msk $0xffff, v58;
	s29 =	smul.u32 $0x380, s14;
	s14 =	sand.u32 $0x7F, s14  }
0x4c: {  	s11 =	sor.u32 s28, s17;
	[tilespmem:s13+$0x1830 ss:$0x81] =	vst.msk $0xffff, v59;
	s14 =	smul.u32 $0x70, s14  }
.Ltmp4:
0x4d: {  	[tilespmem:s13+$0x2040 ss:$0x81] =	vst.msk $0xffff, v60;
	s11 =	ssub.s32 s11, s29;
	(pc) =	sbr.rel .LBB1_5-.Ltmp4, $4  }
0x4e: {  	s10 =	sadd.s32 s4, s10;
	[tilespmem:s13+$0x2850 ss:$0x81] =	vst.msk $0xffff, v61;
	s15 =	sand.u32 $0x7, s11  }
0x4f: {  	[tilespmem:s13+$0x3060 ss:$0x81] =	vst.msk $0xffff, v62;
	s11 =	sshrl.u32 s11, $0x3;
	s10 =	sadd.s32 s14, s10;
	s30 =	sshll.u32 s15, $0x12  }
0x50: {  	[tilespmem:s13+$0x0 ss:$0x81] =	vst.msk $0xffff, v63;
	s10 =	sadd.s32 s11, s10;
	s31 =	sor.u32 $0x400, s30  }
0x51: {  	[hbm4b:s10+s31] =	stream.strided.scatter [tilespmem:s12], [sflag:$0x2], $0x4000, s6, s31, $0x20;
	[tilespmem:$0x10100] =	vst v63  }
.LBB1_6:
0x52: {  	_ =	sfence.sel $0x180000  }
0x53: {  	s2 =	simm.s32 $0x1;
	[bflag:$0x0] =	sbarrier.arrive $0xFFFF  }
0x54: {  	s31 =	simm.s32 $0x2;
	[sflag:s2] =	ssyncpa.u1 $0x1  }
0x55: {  	[sflag:s31] =	ssyncpa.u1 $0x1  }
0x56: {  	p0 =	sne.s32 s1, $0x0;
	_ =	strace $0x9000004A  }
0x57: {  	s0 =	sadd.s32 @!p0 $0x100000, s0;
	[bflag:$0x2] =	sbarrier.arrive $0xFFFF  }
0x58: {  	[sflag:s0] =	ssyncadd.tile.s32 @!p0 $0x1;
	_ =	shalt  }
.Lfunc_end1:
_tile_overlayer_lowered:
.L_overlay_start_2:
0x59: {  	(tag) =	ssettag $0x2  }
0x5a: {  	s0 =	rddreg [dreg:$0x0];
	s2 =	stileid.u32  }
0x5b: {  	s1 =	rddreg [dreg:$0x1];
	p0 =	sne.s32 s2, $0x0  }
0x5c: {  	s3 =	rddreg [dreg:$0x2];
	[bflag:$0x3] =	sbarrier.arrive $0xFFFF;
	s2 =	simm.s32 @!p0 $0x1C01  }
0x5d: {  	[timem:s3], [sflag:s2] =	dma.local @!p0 [hbm:s0], s1  }
0x5e: {  	s0 =	simm.s32 @!p0 $0x1  }
0x5f: {  	_ =	swait.ge @!p0 [sflag:s0], s1  }
0x60: {  	s1 =	ssub.s32 @!p0 $0x0, s1;
	[sflag:s0] =	ssyncset.done @!p0 $0x0  }
0x61: {  	[sflag:s0] =	ssyncadd.s32 @!p0 s1  }
0x62: {  	[bflag:$0x3] =	sbarrier.arrive $0xFFFF  }
0x63: {  	_ =	shalt  }

// kernel: sparse-core-data-format-call.3.cloned.1.call-start
scs
called_computation.3_lowered:
.L_overlay_start_0:
0x0: {  	s2 =	sld [smem:$0x3FD9]  }
0x1: {  	s3 =	sld [smem:$0x3FFE];
	_ =	sdelay $0x1  }
0x2: {  	s1 =	srdreg.scid  }
0x3: {  	s0 =	sand.u32 $0x1, s1  }
0x4: {  	s18 =	sshll.u32 s0, $0xA;
	s2 =	sadd.s32 s3, s2  }
0x5: {  	s2 =	sadd.s32 s2, s18  }
0x6: {  	[smem:$0x3FC7] =	sst s2  }
0x7: {  	_ = 	snop  }
0x8: {  	s2 =	sld [smem:$0x3FD0];
	(tm) =	ssettm $0x1  }
0x9: {  	s19 =	sld [smem:$0x3FFB];
	_ =	sdelay $0x3  }
0xa: {  	_ =	strace s19  }
0xb: {  	s3 =	sld [smem:$0x3FFC];
	_ =	sdelay $0x3  }
0xc: {  	_ =	strace s3  }
0xd: {  	s3 =	sld [smem:$0x3FFD];
	_ =	sdelay $0x3  }
0xe: {  	_ =	strace s3  }
0xf: {  	_ =	strace $0x8FFFFFFF  }
0x10: {  	s20 =	sld [smem:$0x3FDB];
	_ =	sdelay $0x1  }
0x11: {  	s4 =	simm.s32 $_scs_section_size  }
0x12: {  	s5 =	simm.s32 $_size__tile_overlayer_lowered;
	s6 =	simm.s32 $_tile_overlayer_lowered  }
0x13: {  	s23 =	simm.s32 $0x1BFF;
	s22 =	sshll.u32 s6, $0x1;
	s3 =	sadd.s32 s4, s20  }
0x14: {  	s7 =	simm.s32 $0x0;
	s21 =	sshll.u32 s5, $0x1;
	s5 =	sadd.s32 s22, s3  }
0x15: {  	[timem:s7], [sflag:s23] =	dma.local [hbm:s5], s21  }
0x16: {  	_ =	swait.ge [sflag:s23], s21  }
0x17: {  	s4 =	ssub.s32 $0x0, s21;
	[sflag:s23] =	ssyncset.done $0x0  }
0x18: {  	[sflag:s23] =	ssyncadd.s32 s4;
	_ =	sdelay $0x1  }
0x19: {  	s24 =	simm.s32 $0x1B8B  }
0x1a: {  	_ =	swait.ge [sflag:s24], $0x1  }
0x1b: {  	[sflag:s24] =	ssyncset.done $0x0  }
0x1c: {  	s26 =	simm.s32 $0x1B8E;
	s25 =	sld [smem:$0x3FFE];
	[sflag:s24] =	ssyncadd.s32 $0xFFFFFFFF  }
0x1d: {  	s27 =	simm.s32 $execute0_lowered;
	[smem:$0x3FD2] =	sst s26  }
0x1e: {  	s5 =	sshll.u32 s27, $0x1;
	_ =	strace $0x80000046;
	[dreg:$0x1] =	wrdreg $0xFFFFFFFF  }
0x1f: {  	s28 =	simm.s32 $_size_execute0_lowered;
	s3 =	sadd.s32 s3, s5;
	[dreg:$0x0] =	wrdreg $0x0  }
0x20: {  	s5 =	sshll.u32 s28, $0x1;
	[dreg:$0x2] =	wrdreg s3  }
0x21: {  	[dreg:$0x3] =	wrdreg s5  }
0x22: {  	[dreg:$0x4] =	wrdreg $0xC0  }
0x23: {  	_ =	task [dreg:s7], $0x5FFFF  }
0x24: {  	[dreg:$0x1] =	wrdreg $0xFFFFFFFF  }
0x25: {  	[dreg:$0x0] =	wrdreg $0x60  }
0x26: {  	[dreg:$0x2] =	wrdreg s25  }
0x27: {  	[dreg:$0x3] =	wrdreg s2  }
0x28: {  	[dreg:$0x4] =	wrdreg $0x9  }
0x29: {  	_ =	task.clear_ibuf [dreg:s7], $0x5FFFF;
	_ =	strace $0x90000046  }
0x2a: {  	s29 =	simm.s32 $0x9;
	_ =	strace $0x80000048  }
0x2b: {  	_ =	swait.ge [sflag:s29], $0x1  }
0x2c: {  	[sflag:s29] =	ssyncadd.s32 $0xFFFFFFFF  }
0x2d: {  	_ =	strace $0x90000048  }
0x2e: {  	_ =	sfence  }
0x2f: {  	s30 =	sld [smem:$0x0];
	_ =	sdelay $0x2  }
0x30: {  	s31 =	sshll.u32 s1, $0xD;
	s1 =	sshrl.u32 s1, $0x2  }
0x31: {  	s3 =	sand.u32 $0x4000, s31;
	s1 =	sadd.s32 s1, s30  }
0x32: {  	s0 =	sor.u32 s3, s0;
	s1 =	sshll.u32 s1, $0x11  }
0x33: {  	s0 =	sor.u32 s1, s0  }
0x34: {  	s0 =	sadd.s32 $0x8F2B, s0  }
0x35: {  	[sflag:s0] =	ssyncadd.remote.s32 $0x1  }
0x36: {  	_ =	sfence.sel $0xFFFF  }
0x37: {  	[dreg:$0x0] =	wrdreg $0xFFFFFFFF;
	(pc) =	sbr.abs _section_cstart, $3  }
0x38: {  	[dreg:$0x1] =	wrdreg $0xFFFFFFFF  }
0x39: {  	_ =	task.clear_ibuf [dreg:s7], $0x2FFFF;
	_ =	strace $0x9FFFFFFF  }
0x3a: {  	(tm) =	ssettm $0x7FFFFFFF  }
0x3b: {  	_ =	shalt  }
tec
execute0_lowered:
.L_overlay_start_1:
0x0: {  	(tag) =	ssettag $0x1  }
0x1: {  	s4 =	rddreg [dreg:$0x0]  }
0x2: {  	s0 =	srdreg.scid;
	s2 =	rddreg [dreg:$0x1]  }
0x3: {  	s1 =	stileid.u32;
	s5 =	simm.s32 $0x1;
	s7 =	simm.s32 $0x2  }
0x4: {  	s14 =	simm.s32 $0x0;
	p0 =	por $0x0, $0x0;
	s0 =	sshll.u32 s0, $0x4  }
0x5: {  	s13 =	simm.s32 $0x0;
	s8 =	simm.s32 $0x0;
	s3 =	sand.u32 $0x10, s0  }
.Ltmp0:
0x6: {  	s9 =	simm.s32 $0x0;
	s3 =	sor.u32 s1, s3;
	(pc) =	sbr.rel .LBB1_1-.Ltmp0, $4  }
0x7: {  	s11 =	simm.s32 $0x0;
	s12 =	simm.s32 $0x0;
	s3 =	sshll.u32 s3, $0x7  }
0x8: {  	s0 =	rddreg [dreg:$0x2];
	_ =	strace $0x80000047;
	s6 =	ssub.s32 $0x18680, s3  }
0x9: {  	s4 =	sadd.s32 $0x186A00, s4;
	[sflag:s5] =	ssyncpa.u1 $0x0;
	s6 =	sshrl.u32 s6, $0xC  }
0xa: {  	[sflag:s7] =	ssyncpa.u1 $0x0;
	s10 =	smov.u32 s3;
	s7 =	sadd.s32 $0x2, s6  }
.LBB1_5:
0xb: {  	p1 =	slt.u32 s12, $0x2  }
0xc: {  	p2 =	sgt.s32 @!p1 s14, $0x18620  }
0xd: {  	s15 =	smov.u32 s14;
	s16 =	sshra.s32 @!p1 s14, $0x1F;
	p2 =	por !p2, p1  }
0xe: {  	s14 =	sand.u32 @!p1 s16, s14;
	s15 =	simm.s32 @p2 $0x18620  }
0xf: {  	s14 =	ssub.s32 @!p1 s15, s14;
	s15 =	ssub.s32 @!p1 $0x0, s13  }
0x10: {  	s17 =	smov.u32 s11;
	s16 =	sadd.s32 @!p1 $0xFFFE79E0, s14;
	s13 =	smin.u32 @!p1 s13, s15  }
0x11: {  	s14 =	ssub.s32 @!p1 $0x186A0, s14;
	p2 =	sgt.s32 @!p1 s16, $0x7F;
	p3 =	sgt.s32 @!p1 s13, $0x7F  }
0x12: {  	s13 =	ssub.s32 @!p1 $0x80, s13;
	p2 =	por !p2, p1;
	p3 =	por !p3, p1  }
0x13: {  	s15 =	sadd.s32 $0x1000, s10;
	s14 =	simm.s32 @!p2 $0x0;
	s13 =	simm.s32 @!p3 $0x0  }
0x14: {  	p2 =	sgt.s32 s15, $0x1869F;
	s13 =	smul.u32 @!p1 s13, s14;
	s14 =	sadd.s32 $0x80, s11  }
0x15: {  	s17 =	smov.u32 @p2 s14  }
0x16: {  	s15 =	smov.u32 @p2 s3;
	p2 =	sgt.s32 s17, $0x7F  }
0x17: {  	s17 =	simm.s32 @p2 $0x0;
	p2 =	sne.s32 s12, s7  }
.Ltmp1:
0x18: {  	p0 =	por !p0, !p0;
	s16 =	simm.s32 @!p1 $0x2;
	(pc) =	sbr.rel @!p2 .LBB1_6-.Ltmp1, $4  }
0x19: {  	s14 =	smov.u32 s8;
	s8 =	smov.u32 s10;
	s13 =	sand.u32 @!p1 $0x3FFFFFFF, s13  }
0x1a: {  	s10 =	smov.u32 s15;
	_ =	swait.ge @!p1 [sflag:s16], s13;
	s18 =	ssub.s32 @!p1 $0x0, s13  }
0x1b: {  	s13 =	smov.u32 s9;
	s12 =	sadd.s32 $0x1, s12;
	[sflag:s16] =	ssyncset.done @!p1 $0x0  }
0x1c: {  	s9 =	smov.u32 s11;
	s11 =	smov.u32 s17;
	[sflag:s16] =	ssyncadd.s32 @!p1 s18  }
.LBB1_1:
0x1d: {  	p1 =	sgt.u32 s12, s6  }
0x1e: {  	s15 =	sshrl.u32 @!p1 s11, $0x3  }
0x1f: {  	s16 =	sshll.u32 @!p1 s10, $0x3;
	s15 =	smul.u32 @!p1 $0xC3800, s15  }
0x20: {  	s17 =	sshll.u32 @!p1 s11, $0x7;
	s16 =	sand.u32 @!p1 $0xFFFFFC00, s16  }
0x21: {  	s15 =	sadd.s32 @!p1 s15, s16;
	s16 =	sand.u32 @!p1 $0x380, s17  }
0x22: {  	s17 =	sand.u32 @!p1 $0x7F, s10;
	s15 =	sor.u32 @!p1 s16, s15  }
0x23: {  	s16 =	sor.u32 @!p1 s17, s15  }
0x24: {  	s17 =	smulhi.u32 @!p1 $0xA79C7B17, s16;
	_ =	sdelay $0x1  }
0x25: {  	s15 =	smulhi.u32 @!p1 $0xA79C7B17, s15;
	s17 =	sshrl.u32 @!p1 s17, $0x10  }
0x26: {  	s17 =	smul.u32 @!p1 $0x18700, s17  }
0x27: {  	s18 =	sxor.u32 @!p1 $0xFFFFFFFF, s12;
	s15 =	sshrl.u32 @!p1 s15, $0x10  }
0x28: {  	s18 =	sshll.u32 @!p1 s18, $0xE;
	s15 =	sand.u32 @!p1 $0x7F, s15;
	s16 =	ssub.s32 @!p1 s16, s17  }
0x29: {  	s15 =	smul.u32 @!p1 $0x30E0, s15;
	s17 =	sshrl.u32 @!p1 s16, $0x3;
	s16 =	sand.u32 @!p1 $0x7, s16  }
0x2a: {  	s18 =	sand.u32 @!p1 $0x4000, s18;
	s17 =	sadd.s32 @!p1 s4, s17;
	s16 =	sshll.u32 @!p1 s16, $0x12  }
0x2b: {  	s15 =	sadd.s32 @!p1 s15, s17;
	s16 =	sor.u32 @!p1 $0x400, s16;
	s17 =	simm.s32 @!p1 $0xC3800  }
0x2c: {  	[tilespmem:s18], [sflag:$0x1] =	stream.strided.gather @!p1 [hbm4b:s15+s16], $0x4000, s17, s16, $0x38;
	[tilespmem:$0x10100] =	vst v63  }
0x2d: {  	p1 =	seq.s32 s12, $0x0  }
0x2e: {  	p2 =	sge.u32 @!p1 s12, s7  }
0x2f: {  	p1 =	por p1, p2  }
.Ltmp2:
0x30: {  	_ = 	snop;
	(pc) =	sbr.rel @p1 .LBB1_5-.Ltmp2, $1  }
0x31: {  	_ =	sdelay $0x3  }
0x32: {  	s15 =	simm.s32 $0x1  }
0x33: {  	_ =	swait.ge [sflag:s5], $0x4000;
	s15 =	simm.s32 @!p0 $0x0  }
0x34: {  	[sflag:s5] =	ssyncset.done $0x0;
	s16 =	sshll.u32 s15, $0xE  }
0x35: {  	[sflag:s5] =	ssyncadd.s32 $0xFFFFC000;
	s16 =	sor.u32 $0x40, s16  }
0x36: {  	s15 =	smul.u32 $0x10200, s15;
	v0 =	vld [tilespmem:s16+$0x30]  }
0x37: {  	v1 =	vld [tilespmem:s16+$0xFFFFFFD0]  }
0x38: {  	s15 =	sshrl.u32 s15, $0x2;
	v5 =	vld [tilespmem:s16+$0xFFFFFFE0]  }
0x39: {  	v6 =	vld [tilespmem:s16+$0xFFFFFFF0];
	s18 =	sor.u32 $0x8000, s15  }
0x3a: {  	s31 =	sand.u32 $0x1, s12;
	v4 =	vld [tilespmem:s16+$0x0];
	s17 =	sadd.s32 $0x0, s18  }
0x3b: {  	v3 =	vld [tilespmem:s16+$0x10];
	s15 =	smul.u32 $0x10200, s31;
	[tilespmem:s17+$0x3870 ss:$0x81] =	vst.msk $0xffff, v0  }
0x3c: {  	v2 =	vld [tilespmem:s16+$0x20];
	[tilespmem:s17+$0x810 ss:$0x81] =	vst.msk $0xffff, v1  }
0x3d: {  	s15 =	sshrl.u32 s15, $0x2;
	v0 =	vld [tilespmem:s16+$0xFFFFFFC0];
	[tilespmem:s17+$0x1020 ss:$0x81] =	vst.msk $0xffff, v5;
	s16 =	sadd.s32 $0x80, s16  }
0x3e: {  	s19 =	simm.s32 $0x4;
	s20 =	simm.s32 $0x8;
	s15 =	sor.u32 $0x8000, s15;
	[tilespmem:s17+$0x1830 ss:$0x81] =	vst.msk $0xffff, v6;
	v1 =	vld [tilespmem:s16+$0x30]  }
.LBB1_3:
0x3f: {  	p1 =	sne.s32 s20, $0x1FC;
	v5 =	vld [tilespmem:s16+$0xFFFFFFD0];
	[tilespmem:s17+$0x2040 ss:$0x81] =	vst.msk $0xffff, v4  }
0x40: {  	v6 =	vld [tilespmem:s16+$0xFFFFFFE0];
	[tilespmem:s17+$0x2850 ss:$0x81] =	vst.msk $0xffff, v3  }
0x41: {  	s21 =	sshra.s32 s19, $0x2;
	s19 =	smov.u32 s20;
	v7 =	vld [tilespmem:s16+$0xFFFFFFF0];
	[tilespmem:s17+$0x3060 ss:$0x81] =	vst.msk $0xffff, v2  }
.Ltmp3:
0x42: {  	v4 =	vld [tilespmem:s16+$0x0];
	[tilespmem:s17+$0x0 ss:$0x81] =	vst.msk $0xffff, v0;
	s17 =	sadd.s32 s21, s18;
	(pc) =	sbr.rel @p1 .LBB1_3-.Ltmp3, $4  }
0x43: {  	v3 =	vld [tilespmem:s16+$0x10];
	[tilespmem:s17+$0x3870 ss:$0x81] =	vst.msk $0xffff, v1  }
0x44: {  	[tilespmem:s17+$0x810 ss:$0x81] =	vst.msk $0xffff, v5;
	v2 =	vld [tilespmem:s16+$0x20]  }
0x45: {  	v0 =	vld [tilespmem:s16+$0xFFFFFFC0];
	[tilespmem:s17+$0x1020 ss:$0x81] =	vst.msk $0xffff, v6;
	s16 =	sadd.s32 $0x80, s16  }
0x46: {  	s20 =	sadd.s32 $0x4, s20;
	v1 =	vld [tilespmem:s16+$0x30];
	[tilespmem:s17+$0x1830 ss:$0x81] =	vst.msk $0xffff, v7  }
0x47: {  	s20 =	sshll.u32 s8, $0x7;
	s21 =	sshll.u32 s9, $0x3;
	s19 =	sshra.s32 s19, $0x2  }
0x48: {  	v5 =	vld [tilespmem:s16+$0xFFFFFFD0];
	[tilespmem:s17+$0x2040 ss:$0x81] =	vst.msk $0xffff, v4;
	p1 =	sgt.s32 s8, $0x18620;
	s22 =	sand.u32 $0xFFFFFC00, s20;
	s21 =	sand.u32 $0xFFFFFC00, s21  }
0x49: {  	v58 =	vld [tilespmem:s16+$0xFFFFFFE0];
	s24 =	sshra.s32 s8, $0x1F;
	s20 =	sand.u32 $0x380, s20;
	[tilespmem:s17+$0x2850 ss:$0x81] =	vst.msk $0xffff, v3;
	s21 =	sadd.s32 s21, s22  }
0x4a: {  	v59 =	vld [tilespmem:s16+$0xFFFFFFF0];
	s26 =	ssub.s32 $0x0, s9;
	s18 =	sadd.s32 s19, s18;
	[tilespmem:s17+$0x3060 ss:$0x81] =	vst.msk $0xffff, v2;
	s23 =	sor.u32 s20, s21  }
0x4b: {  	v60 =	vld [tilespmem:s16+$0x0];
	s28 =	smin.u32 s9, s26;
	s20 =	smov.u32 s8;
	[tilespmem:s17+$0x0 ss:$0x81] =	vst.msk $0xffff, v0;
	s19 =	sshrl.u32 s23, $0x7  }
0x4c: {  	v61 =	vld [tilespmem:s16+$0x10];
	s21 =	sand.u32 s24, s8;
	s20 =	simm.s32 @!p1 $0x18620;
	[tilespmem:s18+$0x3870 ss:$0x81] =	vst.msk $0xffff, v1;
	s25 =	smulhi.u32 $0x14F8B59, s19  }
0x4d: {  	v62 =	vld [tilespmem:s16+$0x20];
	s29 =	sshrl.u32 s9, $0x3;
	p2 =	sgt.s32 s28, $0x7F;
	s20 =	ssub.s32 s20, s21;
	[tilespmem:s18+$0x810 ss:$0x81] =	vst.msk $0xffff, v5  }
0x4e: {  	v63 =	vld [tilespmem:s16+$0xFFFFFFC0];
	[tilespmem:s18+$0x1020 ss:$0x81] =	vst.msk $0xffff, v58;
	s21 =	sadd.s32 $0xFFFE79E0, s20;
	s20 =	ssub.s32 $0x186A0, s20;
	s17 =	sshrl.u32 s25, $0x9  }
0x4f: {  	[tilespmem:s18+$0x1830 ss:$0x81] =	vst.msk $0xffff, v59;
	p1 =	sgt.s32 s21, $0x7F;
	s27 =	smul.u32 $0x186A0, s17;
	s17 =	ssub.s32 $0x80, s28  }
.Ltmp4:
0x50: {  	[tilespmem:s18+$0x2040 ss:$0x81] =	vst.msk $0xffff, v60;
	s20 =	simm.s32 @p1 $0x0;
	s17 =	simm.s32 @p2 $0x0;
	(pc) =	sbr.rel .LBB1_5-.Ltmp4, $4  }
0x51: {  	s30 =	sand.u32 $0xF, s29;
	[tilespmem:s18+$0x2850 ss:$0x81] =	vst.msk $0xffff, v61;
	s16 =	ssub.s32 s19, s27;
	s17 =	smul.u32 s17, s20  }
0x52: {  	[tilespmem:s18+$0x3060 ss:$0x81] =	vst.msk $0xffff, v62;
	s19 =	sadd.s32 s2, s30;
	s16 =	sshll.u32 s16, $0x4  }
0x53: {  	s31 =	sand.u32 $0x7, s9;
	[tilespmem:s18+$0x0 ss:$0x81] =	vst.msk $0xffff, v63;
	s17 =	sand.u32 $0x3FFFFFFF, s17;
	s16 =	sadd.s32 s16, s19  }
0x54: {  	[hbm4b:s16+s31] =	stream.linear.scatter [tilespmem:s15], [sflag:$0x2], s17, $0x20;
	[tilespmem:$0x10100] =	vst v63  }
.LBB1_6:
0x55: {  	_ =	sfence.sel $0x180000  }
0x56: {  	s2 =	simm.s32 $0x1;
	[bflag:$0x0] =	sbarrier.arrive $0xFFFF  }
0x57: {  	s31 =	simm.s32 $0x2;
	[sflag:s2] =	ssyncpa.u1 $0x1  }
0x58: {  	[sflag:s31] =	ssyncpa.u1 $0x1  }
0x59: {  	p0 =	sne.s32 s1, $0x0;
	_ =	strace $0x90000047  }
0x5a: {  	s0 =	sadd.s32 @!p0 $0x100000, s0;
	[bflag:$0x2] =	sbarrier.arrive $0xFFFF  }
0x5b: {  	[sflag:s0] =	ssyncadd.tile.s32 @!p0 $0x1;
	_ =	shalt  }
.Lfunc_end1:
_tile_overlayer_lowered:
.L_overlay_start_2:
0x5c: {  	(tag) =	ssettag $0x2  }
0x5d: {  	s0 =	rddreg [dreg:$0x0];
	s2 =	stileid.u32  }
0x5e: {  	s1 =	rddreg [dreg:$0x1];
	p0 =	sne.s32 s2, $0x0  }
0x5f: {  	s3 =	rddreg [dreg:$0x2];
	[bflag:$0x3] =	sbarrier.arrive $0xFFFF;
	s2 =	simm.s32 @!p0 $0x1C01  }
0x60: {  	[timem:s3], [sflag:s2] =	dma.local @!p0 [hbm:s0], s1  }
0x61: {  	s0 =	simm.s32 @!p0 $0x1  }
0x62: {  	_ =	swait.ge @!p0 [sflag:s0], s1  }
0x63: {  	s1 =	ssub.s32 @!p0 $0x0, s1;
	[sflag:s0] =	ssyncset.done @!p0 $0x0  }
0x64: {  	[sflag:s0] =	ssyncadd.s32 @!p0 s1  }
0x65: {  	[bflag:$0x3] =	sbarrier.arrive $0xFFFF  }
0x66: {  	_ =	shalt  }

// kernel: sparse-core-data-format-call.cloned.1.call-start
scs
called_computation_lowered:
.L_overlay_start_0:
0x0: {  	s2 =	sld [smem:$0x3FD9]  }
0x1: {  	s3 =	sld [smem:$0x3FFE];
	_ =	sdelay $0x1  }
0x2: {  	s1 =	srdreg.scid  }
0x3: {  	s0 =	sand.u32 $0x1, s1  }
0x4: {  	s18 =	sshll.u32 s0, $0xA;
	s2 =	sadd.s32 s3, s2  }
0x5: {  	s2 =	sadd.s32 s2, s18  }
0x6: {  	[smem:$0x3FC7] =	sst s2  }
0x7: {  	_ = 	snop  }
0x8: {  	s2 =	sld [smem:$0x3FD0];
	(tm) =	ssettm $0x1  }
0x9: {  	s19 =	sld [smem:$0x3FFB];
	_ =	sdelay $0x3  }
0xa: {  	_ =	strace s19  }
0xb: {  	s3 =	sld [smem:$0x3FFC];
	_ =	sdelay $0x3  }
0xc: {  	_ =	strace s3  }
0xd: {  	s3 =	sld [smem:$0x3FFD];
	_ =	sdelay $0x3  }
0xe: {  	_ =	strace s3  }
0xf: {  	_ =	strace $0x8FFFFFFF  }
0x10: {  	s20 =	sld [smem:$0x3FDB];
	_ =	sdelay $0x1  }
0x11: {  	s4 =	simm.s32 $_scs_section_size  }
0x12: {  	s5 =	simm.s32 $_size__tile_overlayer_lowered;
	s6 =	simm.s32 $_tile_overlayer_lowered  }
0x13: {  	s23 =	simm.s32 $0x1BFF;
	s22 =	sshll.u32 s6, $0x1;
	s3 =	sadd.s32 s4, s20  }
0x14: {  	s7 =	simm.s32 $0x0;
	s21 =	sshll.u32 s5, $0x1;
	s5 =	sadd.s32 s22, s3  }
0x15: {  	[timem:s7], [sflag:s23] =	dma.local [hbm:s5], s21  }
0x16: {  	_ =	swait.ge [sflag:s23], s21  }
0x17: {  	s4 =	ssub.s32 $0x0, s21;
	[sflag:s23] =	ssyncset.done $0x0  }
0x18: {  	[sflag:s23] =	ssyncadd.s32 s4;
	_ =	sdelay $0x1  }
0x19: {  	s24 =	simm.s32 $0x1B8B  }
0x1a: {  	_ =	swait.ge [sflag:s24], $0x1  }
0x1b: {  	[sflag:s24] =	ssyncset.done $0x0  }
0x1c: {  	s26 =	simm.s32 $0x1B8E;
	s25 =	sld [smem:$0x3FFE];
	[sflag:s24] =	ssyncadd.s32 $0xFFFFFFFF  }
0x1d: {  	s27 =	simm.s32 $execute0_lowered;
	[smem:$0x3FD2] =	sst s26  }
0x1e: {  	s5 =	sshll.u32 s27, $0x1;
	_ =	strace $0x80000052;
	[dreg:$0x1] =	wrdreg $0xFFFFFFFF  }
0x1f: {  	s28 =	simm.s32 $_size_execute0_lowered;
	s3 =	sadd.s32 s3, s5;
	[dreg:$0x0] =	wrdreg $0x0  }
0x20: {  	s5 =	sshll.u32 s28, $0x1;
	[dreg:$0x2] =	wrdreg s3  }
0x21: {  	[dreg:$0x3] =	wrdreg s5  }
0x22: {  	[dreg:$0x4] =	wrdreg $0xC0  }
0x23: {  	_ =	task [dreg:s7], $0x5FFFF  }
0x24: {  	[dreg:$0x1] =	wrdreg $0xFFFFFFFF  }
0x25: {  	[dreg:$0x0] =	wrdreg $0x60  }
0x26: {  	[dreg:$0x2] =	wrdreg s25  }
0x27: {  	[dreg:$0x3] =	wrdreg s2  }
0x28: {  	[dreg:$0x4] =	wrdreg $0x9  }
0x29: {  	_ =	task.clear_ibuf [dreg:s7], $0x5FFFF;
	_ =	strace $0x90000052  }
0x2a: {  	s29 =	simm.s32 $0x9;
	_ =	strace $0x80000054  }
0x2b: {  	_ =	swait.ge [sflag:s29], $0x1  }
0x2c: {  	[sflag:s29] =	ssyncadd.s32 $0xFFFFFFFF  }
0x2d: {  	_ =	strace $0x90000054  }
0x2e: {  	_ =	sfence  }
0x2f: {  	s30 =	sld [smem:$0x0];
	_ =	sdelay $0x2  }
0x30: {  	s31 =	sshll.u32 s1, $0xD;
	s1 =	sshrl.u32 s1, $0x2  }
0x31: {  	s3 =	sand.u32 $0x4000, s31;
	s1 =	sadd.s32 s1, s30  }
0x32: {  	s0 =	sor.u32 s3, s0;
	s1 =	sshll.u32 s1, $0x11  }
0x33: {  	s0 =	sor.u32 s1, s0  }
0x34: {  	s0 =	sadd.s32 $0x8F2B, s0  }
0x35: {  	[sflag:s0] =	ssyncadd.remote.s32 $0x1  }
0x36: {  	_ =	sfence.sel $0xFFFF  }
0x37: {  	[dreg:$0x0] =	wrdreg $0xFFFFFFFF;
	(pc) =	sbr.abs _section_cstart, $3  }
0x38: {  	[dreg:$0x1] =	wrdreg $0xFFFFFFFF  }
0x39: {  	_ =	task.clear_ibuf [dreg:s7], $0x2FFFF;
	_ =	strace $0x9FFFFFFF  }
0x3a: {  	(tm) =	ssettm $0x7FFFFFFF  }
0x3b: {  	_ =	shalt  }
tec
execute0_lowered:
.L_overlay_start_1:
0x0: {  	(tag) =	ssettag $0x1  }
0x1: {  	s0 =	srdreg.scid;
	s2 =	rddreg [dreg:$0x0]  }
0x2: {  	s3 =	rddreg [dreg:$0x1];
	s5 =	simm.s32 $0x1;
	s7 =	simm.s32 $0x2  }
0x3: {  	s14 =	simm.s32 $0x0;
	p0 =	por $0x0, $0x0;
	s1 =	sshll.u32 s0, $0x4  }
0x4: {  	s13 =	simm.s32 $0x0;
	s0 =	stileid.u32;
	s1 =	sand.u32 $0x10, s1  }
.Ltmp0:
0x5: {  	s8 =	simm.s32 $0x0;
	s4 =	sor.u32 s0, s1;
	(pc) =	sbr.rel .LBB1_1-.Ltmp0, $4  }
0x6: {  	s9 =	simm.s32 $0x0;
	s11 =	simm.s32 $0x0;
	s4 =	sshll.u32 s4, $0x7  }
0x7: {  	s1 =	rddreg [dreg:$0x2];
	_ =	strace $0x80000053;
	s6 =	ssub.s32 $0x18680, s4  }
0x8: {  	s12 =	simm.s32 $0x0;
	[sflag:s5] =	ssyncpa.u1 $0x0;
	s6 =	sshrl.u32 s6, $0xC  }
0x9: {  	[sflag:s7] =	ssyncpa.u1 $0x0;
	s10 =	smov.u32 s4;
	s7 =	sadd.s32 $0x2, s6  }
.LBB1_5:
0xa: {  	p1 =	slt.u32 s12, $0x2  }
0xb: {  	p2 =	sgt.s32 @!p1 s14, $0x18620  }
0xc: {  	s15 =	smov.u32 s14;
	s16 =	sshra.s32 @!p1 s14, $0x1F;
	p2 =	por !p2, p1  }
0xd: {  	s14 =	sand.u32 @!p1 s16, s14;
	s15 =	simm.s32 @p2 $0x18620  }
0xe: {  	s14 =	ssub.s32 @!p1 s15, s14;
	s15 =	ssub.s32 @!p1 $0x0, s13  }
0xf: {  	s17 =	smov.u32 s11;
	s16 =	sadd.s32 @!p1 $0xFFFE79E0, s14;
	s13 =	smin.u32 @!p1 s13, s15  }
0x10: {  	s14 =	ssub.s32 @!p1 $0x186A0, s14;
	p2 =	sgt.s32 @!p1 s16, $0x7F;
	p3 =	sgt.s32 @!p1 s13, $0x7F  }
0x11: {  	s13 =	ssub.s32 @!p1 $0x80, s13;
	p2 =	por !p2, p1;
	p3 =	por !p3, p1  }
0x12: {  	s15 =	sadd.s32 $0x1000, s10;
	s14 =	simm.s32 @!p2 $0x0;
	s13 =	simm.s32 @!p3 $0x0  }
0x13: {  	p2 =	sgt.s32 s15, $0x1869F;
	s13 =	smul.u32 @!p1 s13, s14;
	s14 =	sadd.s32 $0x80, s11  }
0x14: {  	s17 =	smov.u32 @p2 s14  }
0x15: {  	s15 =	smov.u32 @p2 s4;
	p2 =	sgt.s32 s17, $0x7F  }
0x16: {  	s17 =	simm.s32 @p2 $0x0;
	p2 =	sne.s32 s12, s7  }
.Ltmp1:
0x17: {  	p0 =	por !p0, !p0;
	s16 =	simm.s32 @!p1 $0x2;
	(pc) =	sbr.rel @!p2 .LBB1_6-.Ltmp1, $4  }
0x18: {  	s14 =	smov.u32 s8;
	s8 =	smov.u32 s10;
	s13 =	sand.u32 @!p1 $0x3FFFFFFF, s13  }
0x19: {  	s10 =	smov.u32 s15;
	_ =	swait.ge @!p1 [sflag:s16], s13;
	s18 =	ssub.s32 @!p1 $0x0, s13  }
0x1a: {  	s13 =	smov.u32 s9;
	s12 =	sadd.s32 $0x1, s12;
	[sflag:s16] =	ssyncset.done @!p1 $0x0  }
0x1b: {  	s9 =	smov.u32 s11;
	s11 =	smov.u32 s17;
	[sflag:s16] =	ssyncadd.s32 @!p1 s18  }
.LBB1_1:
0x1c: {  	p1 =	sgt.u32 s12, s6  }
0x1d: {  	s15 =	sshrl.u32 @!p1 s11, $0x3  }
0x1e: {  	s16 =	sshll.u32 @!p1 s10, $0x3;
	s15 =	smul.u32 @!p1 $0xC3800, s15  }
0x1f: {  	s17 =	sshll.u32 @!p1 s11, $0x7;
	s16 =	sand.u32 @!p1 $0xFFFFFC00, s16  }
0x20: {  	s15 =	sadd.s32 @!p1 s15, s16;
	s16 =	sand.u32 @!p1 $0x380, s17  }
0x21: {  	s17 =	sand.u32 @!p1 $0x7F, s10;
	s15 =	sor.u32 @!p1 s16, s15  }
0x22: {  	s16 =	sor.u32 @!p1 s17, s15  }
0x23: {  	s17 =	smulhi.u32 @!p1 $0xA79C7B17, s16;
	_ =	sdelay $0x1  }
0x24: {  	s15 =	smulhi.u32 @!p1 $0xA79C7B17, s15;
	s17 =	sshrl.u32 @!p1 s17, $0x10  }
0x25: {  	s17 =	smul.u32 @!p1 $0x18700, s17  }
0x26: {  	s18 =	sxor.u32 @!p1 $0xFFFFFFFF, s12;
	s15 =	sshrl.u32 @!p1 s15, $0x10  }
0x27: {  	s18 =	sshll.u32 @!p1 s18, $0xE;
	s15 =	sand.u32 @!p1 $0x7F, s15;
	s16 =	ssub.s32 @!p1 s16, s17  }
0x28: {  	s15 =	smul.u32 @!p1 $0x30E0, s15;
	s17 =	sshrl.u32 @!p1 s16, $0x3;
	s16 =	sand.u32 @!p1 $0x7, s16  }
0x29: {  	s18 =	sand.u32 @!p1 $0x4000, s18;
	s17 =	sadd.s32 @!p1 s2, s17;
	s16 =	sshll.u32 @!p1 s16, $0x12  }
0x2a: {  	s15 =	sadd.s32 @!p1 s15, s17;
	s16 =	sor.u32 @!p1 $0x400, s16;
	s17 =	simm.s32 @!p1 $0xC3800  }
0x2b: {  	[tilespmem:s18], [sflag:$0x1] =	stream.strided.gather @!p1 [hbm4b:s15+s16], $0x4000, s17, s16, $0x38;
	[tilespmem:$0x10100] =	vst v63  }
0x2c: {  	p1 =	seq.s32 s12, $0x0  }
0x2d: {  	p2 =	sge.u32 @!p1 s12, s7  }
0x2e: {  	p1 =	por p1, p2  }
.Ltmp2:
0x2f: {  	_ = 	snop;
	(pc) =	sbr.rel @p1 .LBB1_5-.Ltmp2, $1  }
0x30: {  	_ =	sdelay $0x3  }
0x31: {  	s15 =	simm.s32 $0x1  }
0x32: {  	_ =	swait.ge [sflag:s5], $0x4000;
	s15 =	simm.s32 @!p0 $0x0  }
0x33: {  	[sflag:s5] =	ssyncset.done $0x0;
	s16 =	sshll.u32 s15, $0xE  }
0x34: {  	[sflag:s5] =	ssyncadd.s32 $0xFFFFC000;
	s16 =	sor.u32 $0x40, s16  }
0x35: {  	s15 =	smul.u32 $0x10200, s15;
	v0 =	vld [tilespmem:s16+$0x30]  }
0x36: {  	v1 =	vld [tilespmem:s16+$0xFFFFFFD0]  }
0x37: {  	s15 =	sshrl.u32 s15, $0x2;
	v5 =	vld [tilespmem:s16+$0xFFFFFFE0]  }
0x38: {  	v6 =	vld [tilespmem:s16+$0xFFFFFFF0];
	s18 =	sor.u32 $0x8000, s15  }
0x39: {  	s31 =	sand.u32 $0x1, s12;
	v4 =	vld [tilespmem:s16+$0x0];
	s17 =	sadd.s32 $0x0, s18  }
0x3a: {  	v3 =	vld [tilespmem:s16+$0x10];
	s15 =	smul.u32 $0x10200, s31;
	[tilespmem:s17+$0x3870 ss:$0x81] =	vst.msk $0xffff, v0  }
0x3b: {  	v2 =	vld [tilespmem:s16+$0x20];
	[tilespmem:s17+$0x810 ss:$0x81] =	vst.msk $0xffff, v1  }
0x3c: {  	s15 =	sshrl.u32 s15, $0x2;
	v0 =	vld [tilespmem:s16+$0xFFFFFFC0];
	[tilespmem:s17+$0x1020 ss:$0x81] =	vst.msk $0xffff, v5;
	s16 =	sadd.s32 $0x80, s16  }
0x3d: {  	s19 =	simm.s32 $0x4;
	s20 =	simm.s32 $0x8;
	s15 =	sor.u32 $0x8000, s15;
	[tilespmem:s17+$0x1830 ss:$0x81] =	vst.msk $0xffff, v6;
	v1 =	vld [tilespmem:s16+$0x30]  }
.LBB1_3:
0x3e: {  	p1 =	sne.s32 s20, $0x1FC;
	v5 =	vld [tilespmem:s16+$0xFFFFFFD0];
	[tilespmem:s17+$0x2040 ss:$0x81] =	vst.msk $0xffff, v4  }
0x3f: {  	v6 =	vld [tilespmem:s16+$0xFFFFFFE0];
	[tilespmem:s17+$0x2850 ss:$0x81] =	vst.msk $0xffff, v3  }
0x40: {  	s21 =	sshra.s32 s19, $0x2;
	s19 =	smov.u32 s20;
	v7 =	vld [tilespmem:s16+$0xFFFFFFF0];
	[tilespmem:s17+$0x3060 ss:$0x81] =	vst.msk $0xffff, v2  }
.Ltmp3:
0x41: {  	v4 =	vld [tilespmem:s16+$0x0];
	[tilespmem:s17+$0x0 ss:$0x81] =	vst.msk $0xffff, v0;
	s17 =	sadd.s32 s21, s18;
	(pc) =	sbr.rel @p1 .LBB1_3-.Ltmp3, $4  }
0x42: {  	v3 =	vld [tilespmem:s16+$0x10];
	[tilespmem:s17+$0x3870 ss:$0x81] =	vst.msk $0xffff, v1  }
0x43: {  	[tilespmem:s17+$0x810 ss:$0x81] =	vst.msk $0xffff, v5;
	v2 =	vld [tilespmem:s16+$0x20]  }
0x44: {  	v0 =	vld [tilespmem:s16+$0xFFFFFFC0];
	[tilespmem:s17+$0x1020 ss:$0x81] =	vst.msk $0xffff, v6;
	s16 =	sadd.s32 $0x80, s16  }
0x45: {  	s20 =	sadd.s32 $0x4, s20;
	v1 =	vld [tilespmem:s16+$0x30];
	[tilespmem:s17+$0x1830 ss:$0x81] =	vst.msk $0xffff, v7  }
0x46: {  	s20 =	sshll.u32 s8, $0x7;
	s21 =	sshll.u32 s9, $0x3;
	s19 =	sshra.s32 s19, $0x2  }
0x47: {  	v5 =	vld [tilespmem:s16+$0xFFFFFFD0];
	[tilespmem:s17+$0x2040 ss:$0x81] =	vst.msk $0xffff, v4;
	p1 =	sgt.s32 s8, $0x18620;
	s22 =	sand.u32 $0xFFFFFC00, s20;
	s21 =	sand.u32 $0xFFFFFC00, s21  }
0x48: {  	v58 =	vld [tilespmem:s16+$0xFFFFFFE0];
	s24 =	sshra.s32 s8, $0x1F;
	s20 =	sand.u32 $0x380, s20;
	[tilespmem:s17+$0x2850 ss:$0x81] =	vst.msk $0xffff, v3;
	s21 =	sadd.s32 s21, s22  }
0x49: {  	v59 =	vld [tilespmem:s16+$0xFFFFFFF0];
	s26 =	ssub.s32 $0x0, s9;
	s18 =	sadd.s32 s19, s18;
	[tilespmem:s17+$0x3060 ss:$0x81] =	vst.msk $0xffff, v2;
	s23 =	sor.u32 s20, s21  }
0x4a: {  	v60 =	vld [tilespmem:s16+$0x0];
	s28 =	smin.u32 s9, s26;
	s20 =	smov.u32 s8;
	[tilespmem:s17+$0x0 ss:$0x81] =	vst.msk $0xffff, v0;
	s19 =	sshrl.u32 s23, $0x7  }
0x4b: {  	v61 =	vld [tilespmem:s16+$0x10];
	s21 =	sand.u32 s24, s8;
	s20 =	simm.s32 @!p1 $0x18620;
	[tilespmem:s18+$0x3870 ss:$0x81] =	vst.msk $0xffff, v1;
	s25 =	smulhi.u32 $0x14F8B59, s19  }
0x4c: {  	v62 =	vld [tilespmem:s16+$0x20];
	s29 =	sshrl.u32 s9, $0x3;
	p2 =	sgt.s32 s28, $0x7F;
	s20 =	ssub.s32 s20, s21;
	[tilespmem:s18+$0x810 ss:$0x81] =	vst.msk $0xffff, v5  }
0x4d: {  	v63 =	vld [tilespmem:s16+$0xFFFFFFC0];
	[tilespmem:s18+$0x1020 ss:$0x81] =	vst.msk $0xffff, v58;
	s21 =	sadd.s32 $0xFFFE79E0, s20;
	s20 =	ssub.s32 $0x186A0, s20;
	s17 =	sshrl.u32 s25, $0x9  }
0x4e: {  	[tilespmem:s18+$0x1830 ss:$0x81] =	vst.msk $0xffff, v59;
	p1 =	sgt.s32 s21, $0x7F;
	s27 =	smul.u32 $0x186A0, s17;
	s17 =	ssub.s32 $0x80, s28  }
.Ltmp4:
0x4f: {  	[tilespmem:s18+$0x2040 ss:$0x81] =	vst.msk $0xffff, v60;
	s20 =	simm.s32 @p1 $0x0;
	s17 =	simm.s32 @p2 $0x0;
	(pc) =	sbr.rel .LBB1_5-.Ltmp4, $4  }
0x50: {  	s30 =	sand.u32 $0xF, s29;
	[tilespmem:s18+$0x2850 ss:$0x81] =	vst.msk $0xffff, v61;
	s16 =	ssub.s32 s19, s27;
	s17 =	smul.u32 s17, s20  }
0x51: {  	[tilespmem:s18+$0x3060 ss:$0x81] =	vst.msk $0xffff, v62;
	s19 =	sadd.s32 s3, s30;
	s16 =	sshll.u32 s16, $0x4  }
0x52: {  	s31 =	sand.u32 $0x7, s9;
	[tilespmem:s18+$0x0 ss:$0x81] =	vst.msk $0xffff, v63;
	s17 =	sand.u32 $0x3FFFFFFF, s17;
	s16 =	sadd.s32 s16, s19  }
0x53: {  	[hbm4b:s16+s31] =	stream.linear.scatter [tilespmem:s15], [sflag:$0x2], s17, $0x20;
	[tilespmem:$0x10100] =	vst v63  }
.LBB1_6:
0x54: {  	_ =	sfence.sel $0x180000  }
0x55: {  	s2 =	simm.s32 $0x1;
	[bflag:$0x0] =	sbarrier.arrive $0xFFFF  }
0x56: {  	s31 =	simm.s32 $0x2;
	[sflag:s2] =	ssyncpa.u1 $0x1  }
0x57: {  	[sflag:s31] =	ssyncpa.u1 $0x1  }
0x58: {  	p0 =	sne.s32 s0, $0x0;
	_ =	strace $0x90000053  }
0x59: {  	s0 =	sadd.s32 @!p0 $0x100000, s1;
	[bflag:$0x2] =	sbarrier.arrive $0xFFFF  }
0x5a: {  	[sflag:s0] =	ssyncadd.tile.s32 @!p0 $0x1;
	_ =	shalt  }
.Lfunc_end1:
_tile_overlayer_lowered:
.L_overlay_start_2:
0x5b: {  	(tag) =	ssettag $0x2  }
0x5c: {  	s0 =	rddreg [dreg:$0x0];
	s2 =	stileid.u32  }
0x5d: {  	s1 =	rddreg [dreg:$0x1];
	p0 =	sne.s32 s2, $0x0  }
0x5e: {  	s3 =	rddreg [dreg:$0x2];
	[bflag:$0x3] =	sbarrier.arrive $0xFFFF;
	s2 =	simm.s32 @!p0 $0x1C01  }
0x5f: {  	[timem:s3], [sflag:s2] =	dma.local @!p0 [hbm:s0], s1  }
0x60: {  	s0 =	simm.s32 @!p0 $0x1  }
0x61: {  	_ =	swait.ge @!p0 [sflag:s0], s1  }
0x62: {  	s1 =	ssub.s32 @!p0 $0x0, s1;
	[sflag:s0] =	ssyncset.done @!p0 $0x0  }
0x63: {  	[sflag:s0] =	ssyncadd.s32 @!p0 s1  }
0x64: {  	[bflag:$0x3] =	sbarrier.arrive $0xFFFF  }
0x65: {  	_ =	shalt  }

</sc_bundles>
